<compile_context>
chip_gen: v7x
topology: tpu7x:2x2x1
jax: 0.10.2.dev20260603
libtpu: 0.0.44.dev20260713+nightly
codegen_flags: <defaults>
</compile_context>

<pallas_src>
import functools

import jax
import jax.numpy as jnp
from jax import lax
from jax.experimental import pallas as pl
from jax.experimental.pallas import tpu as pltpu
from jax.experimental.pallas import tpu_sc as plsc

N = 50000
E = 800000
G = 1000
HID = 64
EMB = 32
W128 = 128

NC = 2
NS = 16

_MESH = dict(core_axis_name="c", subcore_axis_name="s", num_cores=NC,
             num_subcores=NS)
_SC_PARAMS = dict(
    mesh=plsc.VectorSubcoreMesh(**_MESH),
    compiler_params=pltpu.CompilerParams(use_tc_tiling_on_sc=False),
)


def _dot_t(a, w):
    return lax.dot_general(a, w, (((1,), (1,)), ((), ())),
                           preferred_element_type=jnp.float32)


_CP = 3128
_CPLAST = N - (NS - 1) * _CP


def _per_tile_rows(s, fn):

    @pl.when(s < NS - 1)
    def _():
        fn(s * _CP, _CP)

    @pl.when(s == NS - 1)
    def _():
        fn((NS - 1) * _CP, _CPLAST)


def _copy_zero_slice(zbuf, acc, base, total, chunk):
    nfull = total // chunk
    rem = total - nfull * chunk
    for k in range(nfull):
        pltpu.sync_copy(zbuf, acc.at[pl.ds(base + k * chunk, chunk)])
    if rem:
        pltpu.sync_copy(zbuf.at[pl.ds(0, rem)],
                        acc.at[pl.ds(base + nfull * chunk, rem)])


def _zero_rows16(rows, nrows):
    z16 = jnp.zeros((16,), jnp.float32)

    def zrow(i, _):
        rows[i, :] = z16
        return 0

    lax.fori_loop(0, nrows, zrow, 0, unroll=False)


def _sc_agg16(h0p, src, dst):
    C = 800
    NCHUNK = E // C
    NW = NC * NS
    JMAX = (NCHUNK + NW - 1) // NW

    @functools.partial(
        pl.kernel,
        out_type=jax.ShapeDtypeStruct((N, W128), jnp.float32),
        scratch_types=[
            pltpu.VMEM((C,), jnp.int32),
            pltpu.VMEM((C,), jnp.int32),
            pltpu.VMEM((C, 16), jnp.float32),
            pltpu.VMEM_SHARED((N, 16), jnp.float32),
            pltpu.VMEM_SHARED((N, 16), jnp.float32),
        ],
        **_SC_PARAMS,
    )
    def k(h_hbm, src_hbm, dst_hbm, out_hbm, sidx, didx, rows, tab, acc):
        c = lax.axis_index("c")
        s = lax.axis_index("s")
        w = s * NC + c
        _zero_rows16(rows, C)
        _per_tile_rows(s, lambda base, n: (
            pltpu.sync_copy(h_hbm.at[pl.ds(base, n), pl.ds(0, 16)],
                            tab.at[pl.ds(base, n)]),
            _copy_zero_slice(rows, acc, base, n, C)))
        plsc.subcore_barrier()

        def body(j, _):
            ch = w + NW * j

            @pl.when(ch < NCHUNK)
            def _():
                off = ch * C
                pltpu.sync_copy(src_hbm.at[pl.ds(off, C)], sidx)
                pltpu.sync_copy(dst_hbm.at[pl.ds(off, C)], didx)
                pltpu.sync_copy(tab.at[sidx], rows)
                pltpu.sync_copy(rows, acc.at[didx], add=True)

            return 0

        lax.fori_loop(0, JMAX, body, 0, unroll=False)
        plsc.subcore_barrier()
        _per_tile_rows(s, lambda base, n: pltpu.sync_copy(
            acc.at[pl.ds(base, n)],
            out_hbm.at[pl.ds(base, n), pl.ds(c * 16, 16)]))

    return k(h0p, src, dst)


def _sc_agg_split(h, src, dst):
    C = 400
    EPT = E // NS
    NIT = EPT // C
    NPAIR = NIT // 2

    @functools.partial(
        pl.kernel,
        out_type=jax.ShapeDtypeStruct((N, W128), jnp.float32),
        scratch_types=[
            pltpu.VMEM((C,), jnp.int32),
            pltpu.VMEM((C,), jnp.int32),
            pltpu.VMEM((C,), jnp.int32),
            pltpu.VMEM((C,), jnp.int32),
            pltpu.VMEM((C, 16), jnp.float32),
            pltpu.VMEM((C, 16), jnp.float32),
            pltpu.VMEM_SHARED((N, 16), jnp.float32),
            pltpu.VMEM_SHARED((N, 16), jnp.float32),
            pltpu.SemaphoreType.DMA,
            pltpu.SemaphoreType.DMA,
        ],
        **_SC_PARAMS,
    )
    def k(h_hbm, src_hbm, dst_hbm, out_hbm,
          s0, d0, s1, d1, r0, r1, tab, acc, sem_i, sem_s):
        c = lax.axis_index("c")
        s = lax.axis_index("s")
        base_e = s * EPT

        for p in range(2):
            pv = c * 2 + p
            _zero_rows16(r0, C)
            _per_tile_rows(s, lambda base, n, pv=pv: (
                pltpu.sync_copy(h_hbm.at[pl.ds(base, n),
                                         pl.ds(pv * 16, 16)],
                                tab.at[pl.ds(base, n)]),
                _copy_zero_slice(r0, acc, base, n, C)))
            plsc.subcore_barrier()

            def pair(jj, _):
                offa = base_e + jj * (2 * C)
                offb = offa + C
                pltpu.sync_copy(src_hbm.at[pl.ds(offa, C)], s0)
                pltpu.sync_copy(dst_hbm.at[pl.ds(offa, C)], d0)
                ib0 = pltpu.async_copy(src_hbm.at[pl.ds(offb, C)], s1, sem_i)
                ib1 = pltpu.async_copy(dst_hbm.at[pl.ds(offb, C)], d1, sem_i)
                pltpu.sync_copy(tab.at[s0], r0)
                sa = pltpu.async_copy(r0, acc.at[d0], sem_s, add=True)
                ib0.wait()
                ib1.wait()
                pltpu.sync_copy(tab.at[s1], r1)
                sa.wait()
                sb = pltpu.async_copy(r1, acc.at[d1], sem_s, add=True)
                sb.wait()
                return 0

            lax.fori_loop(0, NPAIR, pair, 0, unroll=False)
            offt = base_e + (NIT - 1) * C
            pltpu.sync_copy(src_hbm.at[pl.ds(offt, C)], s0)
            pltpu.sync_copy(dst_hbm.at[pl.ds(offt, C)], d0)
            pltpu.sync_copy(tab.at[s0], r0)
            pltpu.sync_copy(r0, acc.at[d0], add=True)

            plsc.subcore_barrier()
            _per_tile_rows(s, lambda base, n, pv=pv: pltpu.sync_copy(
                acc.at[pl.ds(base, n)],
                out_hbm.at[pl.ds(base, n), pl.ds(pv * 16, 16)]))
            if p == 0:
                plsc.subcore_barrier()

    return k(h, src, dst)


def _sc_pool(h3, batch):
    CH = 400
    NCHUNK = N // CH
    NW = NC * NS
    JMAX = (NCHUNK + NW - 1) // NW

    @functools.partial(
        pl.kernel,
        out_type=jax.ShapeDtypeStruct((NC, G, W128), jnp.float32),
        scratch_types=[
            pltpu.VMEM((CH,), jnp.int32),
            pltpu.VMEM((CH, HID), jnp.float32),
            pltpu.VMEM((CH, 16), jnp.float32),
            pltpu.VMEM((CH, 16), jnp.float32),
            pltpu.VMEM_SHARED((G, HID), jnp.float32),
            pltpu.VMEM_SHARED((G, 16), jnp.float32),
        ],
        **_SC_PARAMS,
    )
    def k(h_hbm, batch_hbm, out_hbm, bidx, rows, ones_v, zb16, accp, accc):
        c = lax.axis_index("c")
        s = lax.axis_index("s")
        w = s * NC + c

        def fill(i, _):
            rows[i, pl.ds(0, 16)] = jnp.zeros((16,), jnp.float32)
            rows[i, pl.ds(16, 16)] = jnp.zeros((16,), jnp.float32)
            rows[i, pl.ds(32, 16)] = jnp.zeros((16,), jnp.float32)
            rows[i, pl.ds(48, 16)] = jnp.zeros((16,), jnp.float32)
            ones_v[i, :] = jnp.ones((16,), jnp.float32)
            zb16[i, :] = jnp.zeros((16,), jnp.float32)
            return 0

        lax.fori_loop(0, CH, fill, 0, unroll=False)

        @pl.when(s == 0)
        def _():
            _copy_zero_slice(rows, accp, 0, G, CH)

        @pl.when(s == 1)
        def _():
            _copy_zero_slice(zb16, accc, 0, G, CH)

        plsc.subcore_barrier()

        def body(j, _):
            ch = w + NW * j

            @pl.when(ch < NCHUNK)
            def _():
                off = ch * CH
                pltpu.sync_copy(batch_hbm.at[pl.ds(off, CH)], bidx)
                pltpu.sync_copy(h_hbm.at[pl.ds(off, CH), pl.ds(0, HID)],
                                rows)
                pltpu.sync_copy(rows, accp.at[bidx], add=True)
                pltpu.sync_copy(ones_v, accc.at[bidx], add=True)

            return 0

        lax.fori_loop(0, JMAX, body, 0, unroll=False)
        plsc.subcore_barrier()

        @pl.when(s == 0)
        def _():
            pltpu.sync_copy(accp, out_hbm.at[c, pl.ds(0, G), pl.ds(0, HID)])

        @pl.when(s == 1)
        def _():
            pltpu.sync_copy(accc, out_hbm.at[c, pl.ds(0, G),
                                             pl.ds(HID, 16)])

    return k(h3, batch)


_BLK = 1000
_NB = N // _BLK


def _accum_stats(first, z, st_ref):
    st = jnp.concatenate([jnp.sum(z, axis=0)[None, :],
                          jnp.sum(z * z, axis=0)[None, :]], axis=0)

    @pl.when(first)
    def _():
        st_ref[...] = st

    @pl.when(jnp.logical_not(first))
    def _():
        st_ref[...] = st_ref[...] + st


def _tc_input_bn(x, g, b):

    def body(x_ref, g_ref, b_ref, o_ref, st, xbuf):
        ph = pl.program_id(0)
        i = pl.program_id(1)

        @pl.when(ph == 0)
        def _():
            xv = x_ref[...]
            xbuf[pl.ds(i * _BLK, _BLK), :] = xv
            _accum_stats(i == 0, xv, st)

        @pl.when(ph == 1)
        def _():
            xv = xbuf[pl.ds(i * _BLK, _BLK), :]
            m = st[0] / N
            v = st[1] / N - m * m
            h = (xv - m) * lax.rsqrt(v + 1e-5) * g_ref[...] + b_ref[...]
            o_ref[...] = jnp.concatenate(
                [h, jnp.ones((_BLK, 1), jnp.float32),
                 jnp.zeros((_BLK, W128 - 5), jnp.float32)], axis=1)

    return pl.pallas_call(
        body, grid=(2, _NB),
        in_specs=[
            pl.BlockSpec((_BLK, 4), lambda ph, i: (i * (1 - ph), 0)),
            pl.BlockSpec((4,), lambda ph, i: (0,)),
            pl.BlockSpec((4,), lambda ph, i: (0,)),
        ],
        out_specs=pl.BlockSpec((_BLK, W128), lambda ph, i: (i * ph, 0)),
        out_shape=jax.ShapeDtypeStruct((N, W128), jnp.float32),
        scratch_shapes=[pltpu.VMEM((2, 4), jnp.float32),
                        pltpu.VMEM((N, 4), jnp.float32)])(x, g, b)


def _tc_layer0(part0, h0p, Wn, Ws, bc, g, b):

    def body(p_ref, h_ref, wn_ref, ws_ref, bc_ref, g_ref, b_ref,
             dg_ref, o_ref, st, zbuf):
        ph = pl.program_id(0)
        i = pl.program_id(1)
        pv = p_ref[...]
        psum = pv[:, 0:16] + pv[:, 16:32]
        deginv = 1.0 / jnp.maximum(psum[:, 4], 1.0)
        dg_ref[...] = deginv[None, None, :]

        @pl.when(ph == 0)
        def _():
            agg = psum[:, :4] * deginv[:, None]
            h0 = h_ref[...][:, :4]
            z = (_dot_t(agg, wn_ref[...]) + _dot_t(h0, ws_ref[...])
                 + bc_ref[...])
            zbuf[pl.ds(i * _BLK, _BLK), :] = z
            _accum_stats(i == 0, z, st)

        @pl.when(ph == 1)
        def _():
            z = zbuf[pl.ds(i * _BLK, _BLK), :]
            m = st[0] / N
            v = st[1] / N - m * m
            y = (z - m) * lax.rsqrt(v + 1e-5) * g_ref[...] + b_ref[...]
            y = jnp.maximum(y, 0.0)
            o_ref[...] = jnp.concatenate(
                [y, jnp.zeros((_BLK, W128 - HID), jnp.float32)], axis=1)

    return pl.pallas_call(
        body, grid=(2, _NB),
        in_specs=[
            pl.BlockSpec((_BLK, W128), lambda ph, i: (i, 0)),
            pl.BlockSpec((_BLK, W128), lambda ph, i: (i * (1 - ph), 0)),
            pl.BlockSpec((HID, 4), lambda ph, i: (0, 0)),
            pl.BlockSpec((HID, 4), lambda ph, i: (0, 0)),
            pl.BlockSpec((HID,), lambda ph, i: (0,)),
            pl.BlockSpec((HID,), lambda ph, i: (0,)),
            pl.BlockSpec((HID,), lambda ph, i: (0,)),
        ],
        out_specs=[
            pl.BlockSpec((1, 1, _BLK), lambda ph, i: (i, 0, 0)),
            pl.BlockSpec((_BLK, W128), lambda ph, i: (i * ph, 0)),
        ],
        out_shape=[
            jax.ShapeDtypeStruct((_NB, 1, _BLK), jnp.float32),
            jax.ShapeDtypeStruct((N, W128), jnp.float32),
        ],
        scratch_shapes=[pltpu.VMEM((2, HID), jnp.float32),
                        pltpu.VMEM((N, HID), jnp.float32)],
    )(part0, h0p, Wn, Ws, bc, g, b)


def _tc_layer(sums, deginv, h, Wn, Ws, bc, g, b):

    def body(su_ref, dg_ref, h_ref, wn_ref, ws_ref, bc_ref, g_ref, b_ref,
             o_ref, st, zbuf):
        ph = pl.program_id(0)
        i = pl.program_id(1)

        @pl.when(ph == 0)
        def _():
            agg = su_ref[...][:, :HID] * dg_ref[0, 0][:, None]
            z = (_dot_t(agg, wn_ref[...]) + _dot_t(h_ref[...][:, :HID],
                                                   ws_ref[...]) + bc_ref[...])
            zbuf[pl.ds(i * _BLK, _BLK), :] = z
            _accum_stats(i == 0, z, st)

        @pl.when(ph == 1)
        def _():
            z = zbuf[pl.ds(i * _BLK, _BLK), :]
            m = st[0] / N
            v = st[1] / N - m * m
            y = (z - m) * lax.rsqrt(v + 1e-5) * g_ref[...] + b_ref[...]
            y = jnp.maximum(y, 0.0)
            o_ref[...] = jnp.concatenate(
                [y, jnp.zeros((_BLK, W128 - HID), jnp.float32)], axis=1)

    return pl.pallas_call(
        body, grid=(2, _NB),
        in_specs=[
            pl.BlockSpec((_BLK, W128), lambda ph, i: (i * (1 - ph), 0)),
            pl.BlockSpec((1, 1, _BLK), lambda ph, i: (i * (1 - ph), 0, 0)),
            pl.BlockSpec((_BLK, W128), lambda ph, i: (i * (1 - ph), 0)),
            pl.BlockSpec((HID, HID), lambda ph, i: (0, 0)),
            pl.BlockSpec((HID, HID), lambda ph, i: (0, 0)),
            pl.BlockSpec((HID,), lambda ph, i: (0,)),
            pl.BlockSpec((HID,), lambda ph, i: (0,)),
            pl.BlockSpec((HID,), lambda ph, i: (0,)),
        ],
        out_specs=pl.BlockSpec((_BLK, W128), lambda ph, i: (i * ph, 0)),
        out_shape=jax.ShapeDtypeStruct((N, W128), jnp.float32),
        scratch_shapes=[pltpu.VMEM((2, HID), jnp.float32),
                        pltpu.VMEM((N, HID), jnp.float32)],
    )(sums, deginv, h, Wn, Ws, bc, g, b)


def _tc_readout(pool, Wh0, bh0, Wh1, bh1):
    def body(p_ref, w0_ref, b0_ref, w1_ref, b1_ref, o_ref):
        pv = p_ref[0] + p_ref[1]
        pooled = pv[:, :HID]
        cnt = jnp.maximum(pv[:, HID], 1.0)
        mean = pooled / cnt[:, None]
        z = jnp.maximum(_dot_t(mean, w0_ref[...]) + b0_ref[...], 0.0)
        z2 = _dot_t(z, w1_ref[...]) + b1_ref[...]
        n = jnp.sqrt(jnp.sum(z2 * z2, axis=1, keepdims=True))
        o_ref[...] = z2 / jnp.maximum(n, 1e-12)

    return pl.pallas_call(
        body,
        out_shape=jax.ShapeDtypeStruct((G, EMB), jnp.float32))(
            pool, Wh0, bh0, Wh1, bh1)


def kernel(x, edge_index, batch, bn_in_g, bn_in_b,
           Wn0, Ws0, bc0, bn_g0, bn_b0,
           Wn1, Ws1, bc1, bn_g1, bn_b1,
           Wn2, Ws2, bc2, bn_g2, bn_b2,
           Wh0, bh0, Wh1, bh1):
    src = edge_index[0]
    dst = edge_index[1]

    h0p = _tc_input_bn(x, bn_in_g, bn_in_b)

    part0 = _sc_agg16(h0p, src, dst)
    deginv, h1 = _tc_layer0(part0, h0p, Wn0, Ws0, bc0, bn_g0, bn_b0)

    sum1 = _sc_agg_split(h1, src, dst)
    h2 = _tc_layer(sum1, deginv, h1, Wn1, Ws1, bc1, bn_g1, bn_b1)

    sum2 = _sc_agg_split(h2, src, dst)
    h3 = _tc_layer(sum2, deginv, h2, Wn2, Ws2, bc2, bn_g2, bn_b2)

    pool = _sc_pool(h3, batch)
    return _tc_readout(pool, Wh0, bh0, Wh1, bh1)

# --- scband reference (transcript-rebuilt; emitter-appended) ---
"""Pipeline reference for scband-segment-gnn-67877663146617 (READ-ONLY COPY).

The authoritative reference and input builder live on the scoring server;
editing this copy changes nothing except your own understanding.
"""

import jax, jax.numpy as jnp
import numpy as np

N_NODES = 50000
N_EDGES = 800000
N_GRAPHS = 1000
NODE_IN = 4
HID = 64
EMB = 32


def setup_inputs(seed: int = 0) -> dict:
    key = jax.random.key(seed)
    ks = jax.random.split(key, 24)
    inp = {}
    inp["x"] = jax.random.normal(ks[0], (N_NODES, NODE_IN), dtype=jnp.float32)
    inp["edge_index"] = jax.random.randint(ks[1], (2, N_EDGES), 0, N_NODES, dtype=jnp.int32)
    inp["batch"] = jnp.sort(jax.random.randint(ks[2], (N_NODES,), 0, N_GRAPHS, dtype=jnp.int32))
    inp["bn_in_g"] = jnp.ones((NODE_IN,), jnp.float32)
    inp["bn_in_b"] = jnp.zeros((NODE_IN,), jnp.float32)
    dims = [NODE_IN, HID, HID]
    k = 3
    for l in range(3):
        din = dims[l]
        inp[f"Wn{l}"] = jax.random.normal(ks[k], (HID, din), jnp.float32) * (1.0 / np.sqrt(din)); k += 1
        inp[f"Ws{l}"] = jax.random.normal(ks[k], (HID, din), jnp.float32) * (1.0 / np.sqrt(din)); k += 1
        inp[f"bc{l}"] = jnp.zeros((HID,), jnp.float32)
        inp[f"bn_g{l}"] = jnp.ones((HID,), jnp.float32)
        inp[f"bn_b{l}"] = jnp.zeros((HID,), jnp.float32)
    inp["Wh0"] = jax.random.normal(ks[k], (HID, HID), jnp.float32) * (1.0 / np.sqrt(HID)); k += 1
    inp["bh0"] = jnp.zeros((HID,), jnp.float32)
    inp["Wh1"] = jax.random.normal(ks[k], (EMB, HID), jnp.float32) * (1.0 / np.sqrt(HID)); k += 1
    inp["bh1"] = jnp.zeros((EMB,), jnp.float32)
    return inp


def _bn(x, g, b):
    m = jnp.mean(x, axis=0)
    v = jnp.var(x, axis=0)
    return (x - m) / jnp.sqrt(v + 1e-5) * g + b


def _sage(x, src, dst, Wn, Ws, b):
    msg = jnp.take(x, src, axis=0)
    s = jax.ops.segment_sum(msg, dst, num_segments=N_NODES)
    deg = jax.ops.segment_sum(jnp.ones((src.shape[0],), x.dtype), dst, num_segments=N_NODES)
    agg = s / jnp.maximum(deg, 1.0)[:, None]
    return agg @ Wn.T + x @ Ws.T + b


def reference(x, edge_index, batch, bn_in_g, bn_in_b, Wn0, Ws0, bc0, bn_g0, bn_b0, Wn1, Ws1, bc1, bn_g1, bn_b1, Wn2, Ws2, bc2, bn_g2, bn_b2, Wh0, bh0, Wh1, bh1):
    src, dst = edge_index[0], edge_index[1]
    h = _bn(x, bn_in_g, bn_in_b)
    layers = [(Wn0, Ws0, bc0, bn_g0, bn_b0), (Wn1, Ws1, bc1, bn_g1, bn_b1), (Wn2, Ws2, bc2, bn_g2, bn_b2)]
    for Wn, Ws, bc, g, b in layers:
        h = _sage(h, src, dst, Wn, Ws, bc)
        h = _bn(h, g, b)
        h = jax.nn.relu(h)
    sums = jax.ops.segment_sum(h, batch, num_segments=N_GRAPHS)
    cnt = jax.ops.segment_sum(jnp.ones((h.shape[0],), h.dtype), batch, num_segments=N_GRAPHS)
    pooled = sums / jnp.maximum(cnt, 1.0)[:, None]
    z = jax.nn.relu(pooled @ Wh0.T + bh0)
    z = z @ Wh1.T + bh1
    n = jnp.linalg.norm(z, axis=-1, keepdims=True)
    return z / jnp.maximum(n, 1e-12)

if __name__ == "__main__":
    import jax
    _d = setup_inputs()
    print(jax.jit(kernel)(*tuple(_d.values())))

</pallas_src>

<mosaic_0001>
#map = affine_map<(d0, d1) -> (0, 0)>
#map1 = affine_map<(d0, d1) -> (0)>
module attributes {stable_mosaic.version = 14 : i64} {
  func.func @k(%arg0: i32, %arg1: i32, %arg2: memref<50000x128xf32, #tpu.memory_space<hbm>>, %arg3: memref<800000xi32, #tpu.memory_space<hbm>>, %arg4: memref<800000xi32, #tpu.memory_space<hbm>>, %arg5: memref<50000x128xf32, #tpu.memory_space<hbm>>, %arg6: memref<400xi32, #tpu.memory_space<vmem>>, %arg7: memref<400xi32, #tpu.memory_space<vmem>>, %arg8: memref<400xi32, #tpu.memory_space<vmem>>, %arg9: memref<400xi32, #tpu.memory_space<vmem>>, %arg10: memref<400x16xf32, #tpu.memory_space<vmem>>, %arg11: memref<400x16xf32, #tpu.memory_space<vmem>>, %arg12: memref<50000x16xf32, #tpu.memory_space<vmem_shared>>, %arg13: memref<50000x16xf32, #tpu.memory_space<vmem_shared>>, %arg14: memref<!tpu.dma_semaphore, #tpu.memory_space<semaphore_mem>>, %arg15: memref<!tpu.dma_semaphore, #tpu.memory_space<semaphore_mem>>) attributes {dimension_semantics = [#tpu.dimension_semantics<core_parallel>, #tpu.dimension_semantics<subcore_parallel>], iteration_bounds = array<i64: 2, 16>, scalar_prefetch = 0 : i64, scratch_operands = 10 : i64, tpu.core_type = #tpu.core_type<sc_vector_subcore>, window_params = [{transform_indices = #map}, {transform_indices = #map1}, {transform_indices = #map1}, {transform_indices = #map}]} {
    %mul3A = arith.constant 50000 : i32
    %mul3A_0 = arith.muli %arg1, %mul3A : i32
    %mul3A_1 = arith.constant 2 : i32
    %mul3A_2 = arith.muli %arg0, %mul3A_1 : i32
    %add3A = arith.constant 0 : i32
    %add3A_3 = arith.addi %mul3A_2, %add3A : i32
    %broadcast_in_dim3A = arith.constant 0.000000e+00 : f32
    %broadcast_in_dim3A_4 = vector.broadcast %broadcast_in_dim3A : f32 to vector<16xf32>
    %scan3A = arith.constant 0 : i32
    %scan3A_5 = arith.constant 0 : i32
    %scan3A_6 = arith.constant 400 : i32
    %scan3A_7 = arith.addi %scan3A_5, %scan3A_6 : i32
    %scan3A_8 = arith.constant 1 : i32
    %scan3A_9 = scf.for %scan3A_82 = %scan3A_5 to %scan3A_7 step %scan3A_8 iter_args(%scan3A_83 = %scan3A) -> (i32)  : i32 {
      %swap3A = arith.index_cast %scan3A_82 : i32 to index
      %swap3A_84 = arith.constant 0 : index
      %swap3A_85 = tpu.vector_load %arg10[%swap3A, %swap3A_84] {strides = array<i32>} : memref<400x16xf32, #tpu.memory_space<vmem>>, vector<1x16xf32>,
      %swap3A_86 = vector.shape_cast %swap3A_85 : vector<1x16xf32> to vector<16xf32>
      %swap3A_87 = vector.shape_cast %broadcast_in_dim3A_4 : vector<16xf32> to vector<1x16xf32>
      tpu.vector_store %arg10[%swap3A, %swap3A_84], %swap3A_87 {strides = array<i32>} : memref<400x16xf32, #tpu.memory_space<vmem>>, vector<1x16xf32>,
      %scan3A_88 = arith.constant 0 : i32
      scf.yield %scan3A_88 : i32
    }
    %scan3A_10 = arith.constant 400 : i32
    %lt3A = arith.constant 15 : i32
    %lt3A_11 = arith.cmpi slt, %arg1, %lt3A : i32
    %convert_element_type3A = arith.extui %lt3A_11 : i1 to i32
    %cond3A = arith.constant 0 : i32
    %cond3A_12 = arith.cmpi ne, %convert_element_type3A, %cond3A : i32
    scf.if %cond3A_12 {
      %mul3A_82 = arith.constant 3128 : i32
      %mul3A_83 = arith.muli %arg1, %mul3A_82 : i32
      %mul3A_84 = arith.constant 16 : i32
      %mul3A_85 = arith.muli %add3A_3, %mul3A_84 : i32
      "tpu.region"() ({
        %run_scoped3A = tpu.sem_alloc : memref<!tpu.dma_semaphore, #tpu.memory_space<semaphore_mem>>
        %dma_start3A = arith.constant 0 : i32
        %dma_start3A_102 = tpu.memref_slice %arg12[%mul3A_83, %dma_start3A] : memref<50000x16xf32, #tpu.memory_space<vmem_shared>> -> memref<3128x16xf32, #tpu.memory_space<vmem_shared>>
        %dma_start3A_103 = tpu.memref_slice %arg2[%mul3A_83, %mul3A_85] : memref<50000x128xf32, #tpu.memory_space<hbm>> -> memref<3128x16xf32, #tpu.memory_space<hbm>>
        tpu.enqueue_dma source(%dma_start3A_103 : memref<3128x16xf32, #tpu.memory_space<hbm>>) target(%dma_start3A_102 : memref<3128x16xf32, #tpu.memory_space<vmem_shared>>) target_semaphore(%run_scoped3A : memref<!tpu.dma_semaphore, #tpu.memory_space<semaphore_mem>>)
        %dma_wait3A = arith.constant 0 : i32
        %dma_wait3A_104 = tpu.memref_slice %arg12[%mul3A_83, %dma_wait3A] : memref<50000x16xf32, #tpu.memory_space<vmem_shared>> -> memref<3128x16xf32, #tpu.memory_space<vmem_shared>>
        %dma_wait3A_105 = tpu.memref_slice %arg2[%mul3A_83, %mul3A_85] : memref<50000x128xf32, #tpu.memory_space<hbm>> -> memref<3128x16xf32, #tpu.memory_space<hbm>>
        tpu.wait_dma2 semaphore(%run_scoped3A : memref<!tpu.dma_semaphore, #tpu.memory_space<semaphore_mem>>) src(%dma_wait3A_105 : memref<3128x16xf32, #tpu.memory_space<hbm>>) dst(%dma_wait3A_104 : memref<3128x16xf32, #tpu.memory_space<vmem_shared>>)
        tpu.yield
      }) : () -> ()
      %add3A_86 = arith.constant 0 : i32
      %add3A_87 = arith.addi %mul3A_83, %add3A_86 : i32
      "tpu.region"() ({
        %run_scoped3A = tpu.sem_alloc : memref<!tpu.dma_semaphore, #tpu.memory_space<semaphore_mem>>
        %dma_start3A = arith.constant 0 : i32
        %dma_start3A_102 = tpu.memref_slice %arg13[%add3A_87, %dma_start3A] : memref<50000x16xf32, #tpu.memory_space<vmem_shared>> -> memref<400x16xf32, #tpu.memory_space<vmem_shared>>
        %dma_start3A_103 = arith.constant 0 : i32
        %dma_start3A_104 = tpu.memref_slice %arg13[%add3A_87, %dma_start3A_103] : memref<50000x16xf32, #tpu.memory_space<vmem_shared>> -> memref<400x16xf32, #tpu.memory_space<vmem_shared>>
        tpu.enqueue_dma source(%arg10 : memref<400x16xf32, #tpu.memory_space<vmem>>) target(%dma_start3A_104 : memref<400x16xf32, #tpu.memory_space<vmem_shared>>) target_semaphore(%run_scoped3A : memref<!tpu.dma_semaphore, #tpu.memory_space<semaphore_mem>>)
        %dma_wait3A = arith.constant 0 : i32
        %dma_wait3A_105 = tpu.memref_slice %arg13[%add3A_87, %dma_wait3A] : memref<50000x16xf32, #tpu.memory_space<vmem_shared>> -> memref<400x16xf32, #tpu.memory_space<vmem_shared>>
        %dma_wait3A_106 = arith.constant 0 : i32
        %dma_wait3A_107 = tpu.memref_slice %arg13[%add3A_87, %dma_wait3A_106] : memref<50000x16xf32, #tpu.memory_space<vmem_shared>> -> memref<400x16xf32, #tpu.memory_space<vmem_shared>>
        tpu.wait_dma2 semaphore(%run_scoped3A : memref<!tpu.dma_semaphore, #tpu.memory_space<semaphore_mem>>) src(%arg10 : memref<400x16xf32, #tpu.memory_space<vmem>>) dst(%dma_wait3A_107 : memref<400x16xf32, #tpu.memory_space<vmem_shared>>)
        tpu.yield
      }) : () -> ()
      %add3A_88 = arith.constant 400 : i32
      %add3A_89 = arith.addi %mul3A_83, %add3A_88 : i32
      "tpu.region"() ({
        %run_scoped3A = tpu.sem_alloc : memref<!tpu.dma_semaphore, #tpu.memory_space<semaphore_mem>>
        %dma_start3A = arith.constant 0 : i32
        %dma_start3A_102 = tpu.memref_slice %arg13[%add3A_89, %dma_start3A] : memref<50000x16xf32, #tpu.memory_space<vmem_shared>> -> memref<400x16xf32, #tpu.memory_space<vmem_shared>>
        %dma_start3A_103 = arith.constant 0 : i32
        %dma_start3A_104 = tpu.memref_slice %arg13[%add3A_89, %dma_start3A_103] : memref<50000x16xf32, #tpu.memory_space<vmem_shared>> -> memref<400x16xf32, #tpu.memory_space<vmem_shared>>
        tpu.enqueue_dma source(%arg10 : memref<400x16xf32, #tpu.memory_space<vmem>>) target(%dma_start3A_104 : memref<400x16xf32, #tpu.memory_space<vmem_shared>>) target_semaphore(%run_scoped3A : memref<!tpu.dma_semaphore, #tpu.memory_space<semaphore_mem>>)
        %dma_wait3A = arith.constant 0 : i32
        %dma_wait3A_105 = tpu.memref_slice %arg13[%add3A_89, %dma_wait3A] : memref<50000x16xf32, #tpu.memory_space<vmem_shared>> -> memref<400x16xf32, #tpu.memory_space<vmem_shared>>
        %dma_wait3A_106 = arith.constant 0 : i32
        %dma_wait3A_107 = tpu.memref_slice %arg13[%add3A_89, %dma_wait3A_106] : memref<50000x16xf32, #tpu.memory_space<vmem_shared>> -> memref<400x16xf32, #tpu.memory_space<vmem_shared>>
        tpu.wait_dma2 semaphore(%run_scoped3A : memref<!tpu.dma_semaphore, #tpu.memory_space<semaphore_mem>>) src(%arg10 : memref<400x16xf32, #tpu.memory_space<vmem>>) dst(%dma_wait3A_107 : memref<400x16xf32, #tpu.memory_space<vmem_shared>>)
        tpu.yield
      }) : () -> ()
      %add3A_90 = arith.constant 800 : i32
      %add3A_91 = arith.addi %mul3A_83, %add3A_90 : i32
      "tpu.region"() ({
        %run_scoped3A = tpu.sem_alloc : memref<!tpu.dma_semaphore, #tpu.memory_space<semaphore_mem>>
        %dma_start3A = arith.constant 0 : i32
        %dma_start3A_102 = tpu.memref_slice %arg13[%add3A_91, %dma_start3A] : memref<50000x16xf32, #tpu.memory_space<vmem_shared>> -> memref<400x16xf32, #tpu.memory_space<vmem_shared>>
        %dma_start3A_103 = arith.constant 0 : i32
        %dma_start3A_104 = tpu.memref_slice %arg13[%add3A_91, %dma_start3A_103] : memref<50000x16xf32, #tpu.memory_space<vmem_shared>> -> memref<400x16xf32, #tpu.memory_space<vmem_shared>>
        tpu.enqueue_dma source(%arg10 : memref<400x16xf32, #tpu.memory_space<vmem>>) target(%dma_start3A_104 : memref<400x16xf32, #tpu.memory_space<vmem_shared>>) target_semaphore(%run_scoped3A : memref<!tpu.dma_semaphore, #tpu.memory_space<semaphore_mem>>)
        %dma_wait3A = arith.constant 0 : i32
        %dma_wait3A_105 = tpu.memref_slice %arg13[%add3A_91, %dma_wait3A] : memref<50000x16xf32, #tpu.memory_space<vmem_shared>> -> memref<400x16xf32, #tpu.memory_space<vmem_shared>>
        %dma_wait3A_106 = arith.constant 0 : i32
        %dma_wait3A_107 = tpu.memref_slice %arg13[%add3A_91, %dma_wait3A_106] : memref<50000x16xf32, #tpu.memory_space<vmem_shared>> -> memref<400x16xf32, #tpu.memory_space<vmem_shared>>
        tpu.wait_dma2 semaphore(%run_scoped3A : memref<!tpu.dma_semaphore, #tpu.memory_space<semaphore_mem>>) src(%arg10 : memref<400x16xf32, #tpu.memory_space<vmem>>) dst(%dma_wait3A_107 : memref<400x16xf32, #tpu.memory_space<vmem_shared>>)
        tpu.yield
      }) : () -> ()
      %add3A_92 = arith.constant 1200 : i32
      %add3A_93 = arith.addi %mul3A_83, %add3A_92 : i32
      "tpu.region"() ({
        %run_scoped3A = tpu.sem_alloc : memref<!tpu.dma_semaphore, #tpu.memory_space<semaphore_mem>>
        %dma_start3A = arith.constant 0 : i32
        %dma_start3A_102 = tpu.memref_slice %arg13[%add3A_93, %dma_start3A] : memref<50000x16xf32, #tpu.memory_space<vmem_shared>> -> memref<400x16xf32, #tpu.memory_space<vmem_shared>>
        %dma_start3A_103 = arith.constant 0 : i32
        %dma_start3A_104 = tpu.memref_slice %arg13[%add3A_93, %dma_start3A_103] : memref<50000x16xf32, #tpu.memory_space<vmem_shared>> -> memref<400x16xf32, #tpu.memory_space<vmem_shared>>
        tpu.enqueue_dma source(%arg10 : memref<400x16xf32, #tpu.memory_space<vmem>>) target(%dma_start3A_104 : memref<400x16xf32, #tpu.memory_space<vmem_shared>>) target_semaphore(%run_scoped3A : memref<!tpu.dma_semaphore, #tpu.memory_space<semaphore_mem>>)
        %dma_wait3A = arith.constant 0 : i32
        %dma_wait3A_105 = tpu.memref_slice %arg13[%add3A_93, %dma_wait3A] : memref<50000x16xf32, #tpu.memory_space<vmem_shared>> -> memref<400x16xf32, #tpu.memory_space<vmem_shared>>
        %dma_wait3A_106 = arith.constant 0 : i32
        %dma_wait3A_107 = tpu.memref_slice %arg13[%add3A_93, %dma_wait3A_106] : memref<50000x16xf32, #tpu.memory_space<vmem_shared>> -> memref<400x16xf32, #tpu.memory_space<vmem_shared>>
        tpu.wait_dma2 semaphore(%run_scoped3A : memref<!tpu.dma_semaphore, #tpu.memory_space<semaphore_mem>>) src(%arg10 : memref<400x16xf32, #tpu.memory_space<vmem>>) dst(%dma_wait3A_107 : memref<400x16xf32, #tpu.memory_space<vmem_shared>>)
        tpu.yield
      }) : () -> ()
      %add3A_94 = arith.constant 1600 : i32
      %add3A_95 = arith.addi %mul3A_83, %add3A_94 : i32
      "tpu.region"() ({
        %run_scoped3A = tpu.sem_alloc : memref<!tpu.dma_semaphore, #tpu.memory_space<semaphore_mem>>
        %dma_start3A = arith.constant 0 : i32
        %dma_start3A_102 = tpu.memref_slice %arg13[%add3A_95, %dma_start3A] : memref<50000x16xf32, #tpu.memory_space<vmem_shared>> -> memref<400x16xf32, #tpu.memory_space<vmem_shared>>
        %dma_start3A_103 = arith.constant 0 : i32
        %dma_start3A_104 = tpu.memref_slice %arg13[%add3A_95, %dma_start3A_103] : memref<50000x16xf32, #tpu.memory_space<vmem_shared>> -> memref<400x16xf32, #tpu.memory_space<vmem_shared>>
        tpu.enqueue_dma source(%arg10 : memref<400x16xf32, #tpu.memory_space<vmem>>) target(%dma_start3A_104 : memref<400x16xf32, #tpu.memory_space<vmem_shared>>) target_semaphore(%run_scoped3A : memref<!tpu.dma_semaphore, #tpu.memory_space<semaphore_mem>>)
        %dma_wait3A = arith.constant 0 : i32
        %dma_wait3A_105 = tpu.memref_slice %arg13[%add3A_95, %dma_wait3A] : memref<50000x16xf32, #tpu.memory_space<vmem_shared>> -> memref<400x16xf32, #tpu.memory_space<vmem_shared>>
        %dma_wait3A_106 = arith.constant 0 : i32
        %dma_wait3A_107 = tpu.memref_slice %arg13[%add3A_95, %dma_wait3A_106] : memref<50000x16xf32, #tpu.memory_space<vmem_shared>> -> memref<400x16xf32, #tpu.memory_space<vmem_shared>>
        tpu.wait_dma2 semaphore(%run_scoped3A : memref<!tpu.dma_semaphore, #tpu.memory_space<semaphore_mem>>) src(%arg10 : memref<400x16xf32, #tpu.memory_space<vmem>>) dst(%dma_wait3A_107 : memref<400x16xf32, #tpu.memory_space<vmem_shared>>)
        tpu.yield
      }) : () -> ()
      %add3A_96 = arith.constant 2000 : i32
      %add3A_97 = arith.addi %mul3A_83, %add3A_96 : i32
      "tpu.region"() ({
        %run_scoped3A = tpu.sem_alloc : memref<!tpu.dma_semaphore, #tpu.memory_space<semaphore_mem>>
        %dma_start3A = arith.constant 0 : i32
        %dma_start3A_102 = tpu.memref_slice %arg13[%add3A_97, %dma_start3A] : memref<50000x16xf32, #tpu.memory_space<vmem_shared>> -> memref<400x16xf32, #tpu.memory_space<vmem_shared>>
        %dma_start3A_103 = arith.constant 0 : i32
        %dma_start3A_104 = tpu.memref_slice %arg13[%add3A_97, %dma_start3A_103] : memref<50000x16xf32, #tpu.memory_space<vmem_shared>> -> memref<400x16xf32, #tpu.memory_space<vmem_shared>>
        tpu.enqueue_dma source(%arg10 : memref<400x16xf32, #tpu.memory_space<vmem>>) target(%dma_start3A_104 : memref<400x16xf32, #tpu.memory_space<vmem_shared>>) target_semaphore(%run_scoped3A : memref<!tpu.dma_semaphore, #tpu.memory_space<semaphore_mem>>)
        %dma_wait3A = arith.constant 0 : i32
        %dma_wait3A_105 = tpu.memref_slice %arg13[%add3A_97, %dma_wait3A] : memref<50000x16xf32, #tpu.memory_space<vmem_shared>> -> memref<400x16xf32, #tpu.memory_space<vmem_shared>>
        %dma_wait3A_106 = arith.constant 0 : i32
        %dma_wait3A_107 = tpu.memref_slice %arg13[%add3A_97, %dma_wait3A_106] : memref<50000x16xf32, #tpu.memory_space<vmem_shared>> -> memref<400x16xf32, #tpu.memory_space<vmem_shared>>
        tpu.wait_dma2 semaphore(%run_scoped3A : memref<!tpu.dma_semaphore, #tpu.memory_space<semaphore_mem>>) src(%arg10 : memref<400x16xf32, #tpu.memory_space<vmem>>) dst(%dma_wait3A_107 : memref<400x16xf32, #tpu.memory_space<vmem_shared>>)
        tpu.yield
      }) : () -> ()
      %add3A_98 = arith.constant 2400 : i32
      %add3A_99 = arith.addi %mul3A_83, %add3A_98 : i32
      "tpu.region"() ({
        %run_scoped3A = tpu.sem_alloc : memref<!tpu.dma_semaphore, #tpu.memory_space<semaphore_mem>>
        %dma_start3A = arith.constant 0 : i32
        %dma_start3A_102 = tpu.memref_slice %arg13[%add3A_99, %dma_start3A] : memref<50000x16xf32, #tpu.memory_space<vmem_shared>> -> memref<400x16xf32, #tpu.memory_space<vmem_shared>>
        %dma_start3A_103 = arith.constant 0 : i32
        %dma_start3A_104 = tpu.memref_slice %arg13[%add3A_99, %dma_start3A_103] : memref<50000x16xf32, #tpu.memory_space<vmem_shared>> -> memref<400x16xf32, #tpu.memory_space<vmem_shared>>
        tpu.enqueue_dma source(%arg10 : memref<400x16xf32, #tpu.memory_space<vmem>>) target(%dma_start3A_104 : memref<400x16xf32, #tpu.memory_space<vmem_shared>>) target_semaphore(%run_scoped3A : memref<!tpu.dma_semaphore, #tpu.memory_space<semaphore_mem>>)
        %dma_wait3A = arith.constant 0 : i32
        %dma_wait3A_105 = tpu.memref_slice %arg13[%add3A_99, %dma_wait3A] : memref<50000x16xf32, #tpu.memory_space<vmem_shared>> -> memref<400x16xf32, #tpu.memory_space<vmem_shared>>
        %dma_wait3A_106 = arith.constant 0 : i32
        %dma_wait3A_107 = tpu.memref_slice %arg13[%add3A_99, %dma_wait3A_106] : memref<50000x16xf32, #tpu.memory_space<vmem_shared>> -> memref<400x16xf32, #tpu.memory_space<vmem_shared>>
        tpu.wait_dma2 semaphore(%run_scoped3A : memref<!tpu.dma_semaphore, #tpu.memory_space<semaphore_mem>>) src(%arg10 : memref<400x16xf32, #tpu.memory_space<vmem>>) dst(%dma_wait3A_107 : memref<400x16xf32, #tpu.memory_space<vmem_shared>>)
        tpu.yield
      }) : () -> ()
      %add3A_100 = arith.constant 2800 : i32
      %add3A_101 = arith.addi %mul3A_83, %add3A_100 : i32
      "tpu.region"() ({
        %run_scoped3A = tpu.sem_alloc : memref<!tpu.dma_semaphore, #tpu.memory_space<semaphore_mem>>
        %dma_start3A = arith.constant 0 : i32
        %dma_start3A_102 = arith.constant 0 : i32
        %dma_start3A_103 = tpu.memref_slice %arg10[%dma_start3A, %dma_start3A_102] : memref<400x16xf32, #tpu.memory_space<vmem>> -> memref<328x16xf32, #tpu.memory_space<vmem>>
        %dma_start3A_104 = arith.constant 0 : i32
        %dma_start3A_105 = tpu.memref_slice %arg13[%add3A_101, %dma_start3A_104] : memref<50000x16xf32, #tpu.memory_space<vmem_shared>> -> memref<328x16xf32, #tpu.memory_space<vmem_shared>>
        %dma_start3A_106 = arith.constant 0 : i32
        %dma_start3A_107 = tpu.memref_slice %arg13[%add3A_101, %dma_start3A_106] : memref<50000x16xf32, #tpu.memory_space<vmem_shared>> -> memref<328x16xf32, #tpu.memory_space<vmem_shared>>
        %dma_start3A_108 = arith.constant 0 : i32
        %dma_start3A_109 = arith.constant 0 : i32
        %dma_start3A_110 = tpu.memref_slice %arg10[%dma_start3A_108, %dma_start3A_109] : memref<400x16xf32, #tpu.memory_space<vmem>> -> memref<328x16xf32, #tpu.memory_space<vmem>>
        tpu.enqueue_dma source(%dma_start3A_110 : memref<328x16xf32, #tpu.memory_space<vmem>>) target(%dma_start3A_107 : memref<328x16xf32, #tpu.memory_space<vmem_shared>>) target_semaphore(%run_scoped3A : memref<!tpu.dma_semaphore, #tpu.memory_space<semaphore_mem>>)
        %dma_wait3A = arith.constant 0 : i32
        %dma_wait3A_111 = arith.constant 0 : i32
        %dma_wait3A_112 = tpu.memref_slice %arg10[%dma_wait3A, %dma_wait3A_111] : memref<400x16xf32, #tpu.memory_space<vmem>> -> memref<328x16xf32, #tpu.memory_space<vmem>>
        %dma_wait3A_113 = arith.constant 0 : i32
        %dma_wait3A_114 = tpu.memref_slice %arg13[%add3A_101, %dma_wait3A_113] : memref<50000x16xf32, #tpu.memory_space<vmem_shared>> -> memref<328x16xf32, #tpu.memory_space<vmem_shared>>
        %dma_wait3A_115 = arith.constant 0 : i32
        %dma_wait3A_116 = tpu.memref_slice %arg13[%add3A_101, %dma_wait3A_115] : memref<50000x16xf32, #tpu.memory_space<vmem_shared>> -> memref<328x16xf32, #tpu.memory_space<vmem_shared>>
        %dma_wait3A_117 = arith.constant 0 : i32
        %dma_wait3A_118 = arith.constant 0 : i32
        %dma_wait3A_119 = tpu.memref_slice %arg10[%dma_wait3A_117, %dma_wait3A_118] : memref<400x16xf32, #tpu.memory_space<vmem>> -> memref<328x16xf32, #tpu.memory_space<vmem>>
        tpu.wait_dma2 semaphore(%run_scoped3A : memref<!tpu.dma_semaphore, #tpu.memory_space<semaphore_mem>>) src(%dma_wait3A_119 : memref<328x16xf32, #tpu.memory_space<vmem>>) dst(%dma_wait3A_116 : memref<328x16xf32, #tpu.memory_space<vmem_shared>>)
        tpu.yield
      }) : () -> ()
    } else {
    }
    %eq3A = arith.constant 15 : i32
    %eq3A_13 = arith.cmpi eq, %arg1, %eq3A : i32
    %convert_element_type3A_14 = arith.extui %eq3A_13 : i1 to i32
    %cond3A_15 = arith.constant 0 : i32
    %cond3A_16 = arith.cmpi ne, %convert_element_type3A_14, %cond3A_15 : i32
    scf.if %cond3A_16 {
      %mul3A_82 = arith.constant 16 : i32
      %mul3A_83 = arith.muli %add3A_3, %mul3A_82 : i32
      "tpu.region"() ({
        %run_scoped3A = tpu.sem_alloc : memref<!tpu.dma_semaphore, #tpu.memory_space<semaphore_mem>>
        %dma_start3A = arith.constant 46920 : i32
        %dma_start3A_84 = arith.constant 0 : i32
        %dma_start3A_85 = tpu.memref_slice %arg12[%dma_start3A, %dma_start3A_84] : memref<50000x16xf32, #tpu.memory_space<vmem_shared>> -> memref<3080x16xf32, #tpu.memory_space<vmem_shared>>
        %dma_start3A_86 = arith.constant 46920 : i32
        %dma_start3A_87 = tpu.memref_slice %arg2[%dma_start3A_86, %mul3A_83] : memref<50000x128xf32, #tpu.memory_space<hbm>> -> memref<3080x16xf32, #tpu.memory_space<hbm>>
        tpu.enqueue_dma source(%dma_start3A_87 : memref<3080x16xf32, #tpu.memory_space<hbm>>) target(%dma_start3A_85 : memref<3080x16xf32, #tpu.memory_space<vmem_shared>>) target_semaphore(%run_scoped3A : memref<!tpu.dma_semaphore, #tpu.memory_space<semaphore_mem>>)
        %dma_wait3A = arith.constant 46920 : i32
        %dma_wait3A_88 = arith.constant 0 : i32
        %dma_wait3A_89 = tpu.memref_slice %arg12[%dma_wait3A, %dma_wait3A_88] : memref<50000x16xf32, #tpu.memory_space<vmem_shared>> -> memref<3080x16xf32, #tpu.memory_space<vmem_shared>>
        %dma_wait3A_90 = arith.constant 46920 : i32
        %dma_wait3A_91 = tpu.memref_slice %arg2[%dma_wait3A_90, %mul3A_83] : memref<50000x128xf32, #tpu.memory_space<hbm>> -> memref<3080x16xf32, #tpu.memory_space<hbm>>
        tpu.wait_dma2 semaphore(%run_scoped3A : memref<!tpu.dma_semaphore, #tpu.memory_space<semaphore_mem>>) src(%dma_wait3A_91 : memref<3080x16xf32, #tpu.memory_space<hbm>>) dst(%dma_wait3A_89 : memref<3080x16xf32, #tpu.memory_space<vmem_shared>>)
        tpu.yield
      }) : () -> ()
      "tpu.region"() ({
        %run_scoped3A = tpu.sem_alloc : memref<!tpu.dma_semaphore, #tpu.memory_space<semaphore_mem>>
        %dma_start3A = arith.constant 46920 : i32
        %dma_start3A_84 = arith.constant 0 : i32
        %dma_start3A_85 = tpu.memref_slice %arg13[%dma_start3A, %dma_start3A_84] : memref<50000x16xf32, #tpu.memory_space<vmem_shared>> -> memref<400x16xf32, #tpu.memory_space<vmem_shared>>
        %dma_start3A_86 = arith.constant 46920 : i32
        %dma_start3A_87 = arith.constant 0 : i32
        %dma_start3A_88 = tpu.memref_slice %arg13[%dma_start3A_86, %dma_start3A_87] : memref<50000x16xf32, #tpu.memory_space<vmem_shared>> -> memref<400x16xf32, #tpu.memory_space<vmem_shared>>
        tpu.enqueue_dma source(%arg10 : memref<400x16xf32, #tpu.memory_space<vmem>>) target(%dma_start3A_88 : memref<400x16xf32, #tpu.memory_space<vmem_shared>>) target_semaphore(%run_scoped3A : memref<!tpu.dma_semaphore, #tpu.memory_space<semaphore_mem>>)
        %dma_wait3A = arith.constant 46920 : i32
        %dma_wait3A_89 = arith.constant 0 : i32
        %dma_wait3A_90 = tpu.memref_slice %arg13[%dma_wait3A, %dma_wait3A_89] : memref<50000x16xf32, #tpu.memory_space<vmem_shared>> -> memref<400x16xf32, #tpu.memory_space<vmem_shared>>
        %dma_wait3A_91 = arith.constant 46920 : i32
        %dma_wait3A_92 = arith.constant 0 : i32
        %dma_wait3A_93 = tpu.memref_slice %arg13[%dma_wait3A_91, %dma_wait3A_92] : memref<50000x16xf32, #tpu.memory_space<vmem_shared>> -> memref<400x16xf32, #tpu.memory_space<vmem_shared>>
        tpu.wait_dma2 semaphore(%run_scoped3A : memref<!tpu.dma_semaphore, #tpu.memory_space<semaphore_mem>>) src(%arg10 : memref<400x16xf32, #tpu.memory_space<vmem>>) dst(%dma_wait3A_93 : memref<400x16xf32, #tpu.memory_space<vmem_shared>>)
        tpu.yield
      }) : () -> ()
      "tpu.region"() ({
        %run_scoped3A = tpu.sem_alloc : memref<!tpu.dma_semaphore, #tpu.memory_space<semaphore_mem>>
        %dma_start3A = arith.constant 47320 : i32
        %dma_start3A_84 = arith.constant 0 : i32
        %dma_start3A_85 = tpu.memref_slice %arg13[%dma_start3A, %dma_start3A_84] : memref<50000x16xf32, #tpu.memory_space<vmem_shared>> -> memref<400x16xf32, #tpu.memory_space<vmem_shared>>
        %dma_start3A_86 = arith.constant 47320 : i32
        %dma_start3A_87 = arith.constant 0 : i32
        %dma_start3A_88 = tpu.memref_slice %arg13[%dma_start3A_86, %dma_start3A_87] : memref<50000x16xf32, #tpu.memory_space<vmem_shared>> -> memref<400x16xf32, #tpu.memory_space<vmem_shared>>
        tpu.enqueue_dma source(%arg10 : memref<400x16xf32, #tpu.memory_space<vmem>>) target(%dma_start3A_88 : memref<400x16xf32, #tpu.memory_space<vmem_shared>>) target_semaphore(%run_scoped3A : memref<!tpu.dma_semaphore, #tpu.memory_space<semaphore_mem>>)
        %dma_wait3A = arith.constant 47320 : i32
        %dma_wait3A_89 = arith.constant 0 : i32
        %dma_wait3A_90 = tpu.memref_slice %arg13[%dma_wait3A, %dma_wait3A_89] : memref<50000x16xf32, #tpu.memory_space<vmem_shared>> -> memref<400x16xf32, #tpu.memory_space<vmem_shared>>
        %dma_wait3A_91 = arith.constant 47320 : i32
        %dma_wait3A_92 = arith.constant 0 : i32
        %dma_wait3A_93 = tpu.memref_slice %arg13[%dma_wait3A_91, %dma_wait3A_92] : memref<50000x16xf32, #tpu.memory_space<vmem_shared>> -> memref<400x16xf32, #tpu.memory_space<vmem_shared>>
        tpu.wait_dma2 semaphore(%run_scoped3A : memref<!tpu.dma_semaphore, #tpu.memory_space<semaphore_mem>>) src(%arg10 : memref<400x16xf32, #tpu.memory_space<vmem>>) dst(%dma_wait3A_93 : memref<400x16xf32, #tpu.memory_space<vmem_shared>>)
        tpu.yield
      }) : () -> ()
      "tpu.region"() ({
        %run_scoped3A = tpu.sem_alloc : memref<!tpu.dma_semaphore, #tpu.memory_space<semaphore_mem>>
        %dma_start3A = arith.constant 47720 : i32
        %dma_start3A_84 = arith.constant 0 : i32
        %dma_start3A_85 = tpu.memref_slice %arg13[%dma_start3A, %dma_start3A_84] : memref<50000x16xf32, #tpu.memory_space<vmem_shared>> -> memref<400x16xf32, #tpu.memory_space<vmem_shared>>
        %dma_start3A_86 = arith.constant 47720 : i32
        %dma_start3A_87 = arith.constant 0 : i32
        %dma_start3A_88 = tpu.memref_slice %arg13[%dma_start3A_86, %dma_start3A_87] : memref<50000x16xf32, #tpu.memory_space<vmem_shared>> -> memref<400x16xf32, #tpu.memory_space<vmem_shared>>
        tpu.enqueue_dma source(%arg10 : memref<400x16xf32, #tpu.memory_space<vmem>>) target(%dma_start3A_88 : memref<400x16xf32, #tpu.memory_space<vmem_shared>>) target_semaphore(%run_scoped3A : memref<!tpu.dma_semaphore, #tpu.memory_space<semaphore_mem>>)
        %dma_wait3A = arith.constant 47720 : i32
        %dma_wait3A_89 = arith.constant 0 : i32
        %dma_wait3A_90 = tpu.memref_slice %arg13[%dma_wait3A, %dma_wait3A_89] : memref<50000x16xf32, #tpu.memory_space<vmem_shared>> -> memref<400x16xf32, #tpu.memory_space<vmem_shared>>
        %dma_wait3A_91 = arith.constant 47720 : i32
        %dma_wait3A_92 = arith.constant 0 : i32
        %dma_wait3A_93 = tpu.memref_slice %arg13[%dma_wait3A_91, %dma_wait3A_92] : memref<50000x16xf32, #tpu.memory_space<vmem_shared>> -> memref<400x16xf32, #tpu.memory_space<vmem_shared>>
        tpu.wait_dma2 semaphore(%run_scoped3A : memref<!tpu.dma_semaphore, #tpu.memory_space<semaphore_mem>>) src(%arg10 : memref<400x16xf32, #tpu.memory_space<vmem>>) dst(%dma_wait3A_93 : memref<400x16xf32, #tpu.memory_space<vmem_shared>>)
        tpu.yield
      }) : () -> ()
      "tpu.region"() ({
        %run_scoped3A = tpu.sem_alloc : memref<!tpu.dma_semaphore, #tpu.memory_space<semaphore_mem>>
        %dma_start3A = arith.constant 48120 : i32
        %dma_start3A_84 = arith.constant 0 : i32
        %dma_start3A_85 = tpu.memref_slice %arg13[%dma_start3A, %dma_start3A_84] : memref<50000x16xf32, #tpu.memory_space<vmem_shared>> -> memref<400x16xf32, #tpu.memory_space<vmem_shared>>
        %dma_start3A_86 = arith.constant 48120 : i32
        %dma_start3A_87 = arith.constant 0 : i32
        %dma_start3A_88 = tpu.memref_slice %arg13[%dma_start3A_86, %dma_start3A_87] : memref<50000x16xf32, #tpu.memory_space<vmem_shared>> -> memref<400x16xf32, #tpu.memory_space<vmem_shared>>
        tpu.enqueue_dma source(%arg10 : memref<400x16xf32, #tpu.memory_space<vmem>>) target(%dma_start3A_88 : memref<400x16xf32, #tpu.memory_space<vmem_shared>>) target_semaphore(%run_scoped3A : memref<!tpu.dma_semaphore, #tpu.memory_space<semaphore_mem>>)
        %dma_wait3A = arith.constant 48120 : i32
        %dma_wait3A_89 = arith.constant 0 : i32
        %dma_wait3A_90 = tpu.memref_slice %arg13[%dma_wait3A, %dma_wait3A_89] : memref<50000x16xf32, #tpu.memory_space<vmem_shared>> -> memref<400x16xf32, #tpu.memory_space<vmem_shared>>
        %dma_wait3A_91 = arith.constant 48120 : i32
        %dma_wait3A_92 = arith.constant 0 : i32
        %dma_wait3A_93 = tpu.memref_slice %arg13[%dma_wait3A_91, %dma_wait3A_92] : memref<50000x16xf32, #tpu.memory_space<vmem_shared>> -> memref<400x16xf32, #tpu.memory_space<vmem_shared>>
        tpu.wait_dma2 semaphore(%run_scoped3A : memref<!tpu.dma_semaphore, #tpu.memory_space<semaphore_mem>>) src(%arg10 : memref<400x16xf32, #tpu.memory_space<vmem>>) dst(%dma_wait3A_93 : memref<400x16xf32, #tpu.memory_space<vmem_shared>>)
        tpu.yield
      }) : () -> ()
      "tpu.region"() ({
        %run_scoped3A = tpu.sem_alloc : memref<!tpu.dma_semaphore, #tpu.memory_space<semaphore_mem>>
        %dma_start3A = arith.constant 48520 : i32
        %dma_start3A_84 = arith.constant 0 : i32
        %dma_start3A_85 = tpu.memref_slice %arg13[%dma_start3A, %dma_start3A_84] : memref<50000x16xf32, #tpu.memory_space<vmem_shared>> -> memref<400x16xf32, #tpu.memory_space<vmem_shared>>
        %dma_start3A_86 = arith.constant 48520 : i32
        %dma_start3A_87 = arith.constant 0 : i32
        %dma_start3A_88 = tpu.memref_slice %arg13[%dma_start3A_86, %dma_start3A_87] : memref<50000x16xf32, #tpu.memory_space<vmem_shared>> -> memref<400x16xf32, #tpu.memory_space<vmem_shared>>
        tpu.enqueue_dma source(%arg10 : memref<400x16xf32, #tpu.memory_space<vmem>>) target(%dma_start3A_88 : memref<400x16xf32, #tpu.memory_space<vmem_shared>>) target_semaphore(%run_scoped3A : memref<!tpu.dma_semaphore, #tpu.memory_space<semaphore_mem>>)
        %dma_wait3A = arith.constant 48520 : i32
        %dma_wait3A_89 = arith.constant 0 : i32
        %dma_wait3A_90 = tpu.memref_slice %arg13[%dma_wait3A, %dma_wait3A_89] : memref<50000x16xf32, #tpu.memory_space<vmem_shared>> -> memref<400x16xf32, #tpu.memory_space<vmem_shared>>
        %dma_wait3A_91 = arith.constant 48520 : i32
        %dma_wait3A_92 = arith.constant 0 : i32
        %dma_wait3A_93 = tpu.memref_slice %arg13[%dma_wait3A_91, %dma_wait3A_92] : memref<50000x16xf32, #tpu.memory_space<vmem_shared>> -> memref<400x16xf32, #tpu.memory_space<vmem_shared>>
        tpu.wait_dma2 semaphore(%run_scoped3A : memref<!tpu.dma_semaphore, #tpu.memory_space<semaphore_mem>>) src(%arg10 : memref<400x16xf32, #tpu.memory_space<vmem>>) dst(%dma_wait3A_93 : memref<400x16xf32, #tpu.memory_space<vmem_shared>>)
        tpu.yield
      }) : () -> ()
      "tpu.region"() ({
        %run_scoped3A = tpu.sem_alloc : memref<!tpu.dma_semaphore, #tpu.memory_space<semaphore_mem>>
        %dma_start3A = arith.constant 48920 : i32
        %dma_start3A_84 = arith.constant 0 : i32
        %dma_start3A_85 = tpu.memref_slice %arg13[%dma_start3A, %dma_start3A_84] : memref<50000x16xf32, #tpu.memory_space<vmem_shared>> -> memref<400x16xf32, #tpu.memory_space<vmem_shared>>
        %dma_start3A_86 = arith.constant 48920 : i32
        %dma_start3A_87 = arith.constant 0 : i32
        %dma_start3A_88 = tpu.memref_slice %arg13[%dma_start3A_86, %dma_start3A_87] : memref<50000x16xf32, #tpu.memory_space<vmem_shared>> -> memref<400x16xf32, #tpu.memory_space<vmem_shared>>
        tpu.enqueue_dma source(%arg10 : memref<400x16xf32, #tpu.memory_space<vmem>>) target(%dma_start3A_88 : memref<400x16xf32, #tpu.memory_space<vmem_shared>>) target_semaphore(%run_scoped3A : memref<!tpu.dma_semaphore, #tpu.memory_space<semaphore_mem>>)
        %dma_wait3A = arith.constant 48920 : i32
        %dma_wait3A_89 = arith.constant 0 : i32
        %dma_wait3A_90 = tpu.memref_slice %arg13[%dma_wait3A, %dma_wait3A_89] : memref<50000x16xf32, #tpu.memory_space<vmem_shared>> -> memref<400x16xf32, #tpu.memory_space<vmem_shared>>
        %dma_wait3A_91 = arith.constant 48920 : i32
        %dma_wait3A_92 = arith.constant 0 : i32
        %dma_wait3A_93 = tpu.memref_slice %arg13[%dma_wait3A_91, %dma_wait3A_92] : memref<50000x16xf32, #tpu.memory_space<vmem_shared>> -> memref<400x16xf32, #tpu.memory_space<vmem_shared>>
        tpu.wait_dma2 semaphore(%run_scoped3A : memref<!tpu.dma_semaphore, #tpu.memory_space<semaphore_mem>>) src(%arg10 : memref<400x16xf32, #tpu.memory_space<vmem>>) dst(%dma_wait3A_93 : memref<400x16xf32, #tpu.memory_space<vmem_shared>>)
        tpu.yield
      }) : () -> ()
      "tpu.region"() ({
        %run_scoped3A = tpu.sem_alloc : memref<!tpu.dma_semaphore, #tpu.memory_space<semaphore_mem>>
        %dma_start3A = arith.constant 49320 : i32
        %dma_start3A_84 = arith.constant 0 : i32
        %dma_start3A_85 = tpu.memref_slice %arg13[%dma_start3A, %dma_start3A_84] : memref<50000x16xf32, #tpu.memory_space<vmem_shared>> -> memref<400x16xf32, #tpu.memory_space<vmem_shared>>
        %dma_start3A_86 = arith.constant 49320 : i32
        %dma_start3A_87 = arith.constant 0 : i32
        %dma_start3A_88 = tpu.memref_slice %arg13[%dma_start3A_86, %dma_start3A_87] : memref<50000x16xf32, #tpu.memory_space<vmem_shared>> -> memref<400x16xf32, #tpu.memory_space<vmem_shared>>
        tpu.enqueue_dma source(%arg10 : memref<400x16xf32, #tpu.memory_space<vmem>>) target(%dma_start3A_88 : memref<400x16xf32, #tpu.memory_space<vmem_shared>>) target_semaphore(%run_scoped3A : memref<!tpu.dma_semaphore, #tpu.memory_space<semaphore_mem>>)
        %dma_wait3A = arith.constant 49320 : i32
        %dma_wait3A_89 = arith.constant 0 : i32
        %dma_wait3A_90 = tpu.memref_slice %arg13[%dma_wait3A, %dma_wait3A_89] : memref<50000x16xf32, #tpu.memory_space<vmem_shared>> -> memref<400x16xf32, #tpu.memory_space<vmem_shared>>
        %dma_wait3A_91 = arith.constant 49320 : i32
        %dma_wait3A_92 = arith.constant 0 : i32
        %dma_wait3A_93 = tpu.memref_slice %arg13[%dma_wait3A_91, %dma_wait3A_92] : memref<50000x16xf32, #tpu.memory_space<vmem_shared>> -> memref<400x16xf32, #tpu.memory_space<vmem_shared>>
        tpu.wait_dma2 semaphore(%run_scoped3A : memref<!tpu.dma_semaphore, #tpu.memory_space<semaphore_mem>>) src(%arg10 : memref<400x16xf32, #tpu.memory_space<vmem>>) dst(%dma_wait3A_93 : memref<400x16xf32, #tpu.memory_space<vmem_shared>>)
        tpu.yield
      }) : () -> ()
      "tpu.region"() ({
        %run_scoped3A = tpu.sem_alloc : memref<!tpu.dma_semaphore, #tpu.memory_space<semaphore_mem>>
        %dma_start3A = arith.constant 0 : i32
        %dma_start3A_84 = arith.constant 0 : i32
        %dma_start3A_85 = tpu.memref_slice %arg10[%dma_start3A, %dma_start3A_84] : memref<400x16xf32, #tpu.memory_space<vmem>> -> memref<280x16xf32, #tpu.memory_space<vmem>>
        %dma_start3A_86 = arith.constant 49720 : i32
        %dma_start3A_87 = arith.constant 0 : i32
        %dma_start3A_88 = tpu.memref_slice %arg13[%dma_start3A_86, %dma_start3A_87] : memref<50000x16xf32, #tpu.memory_space<vmem_shared>> -> memref<280x16xf32, #tpu.memory_space<vmem_shared>>
        %dma_start3A_89 = arith.constant 49720 : i32
        %dma_start3A_90 = arith.constant 0 : i32
        %dma_start3A_91 = tpu.memref_slice %arg13[%dma_start3A_89, %dma_start3A_90] : memref<50000x16xf32, #tpu.memory_space<vmem_shared>> -> memref<280x16xf32, #tpu.memory_space<vmem_shared>>
        %dma_start3A_92 = arith.constant 0 : i32
        %dma_start3A_93 = arith.constant 0 : i32
        %dma_start3A_94 = tpu.memref_slice %arg10[%dma_start3A_92, %dma_start3A_93] : memref<400x16xf32, #tpu.memory_space<vmem>> -> memref<280x16xf32, #tpu.memory_space<vmem>>
        tpu.enqueue_dma source(%dma_start3A_94 : memref<280x16xf32, #tpu.memory_space<vmem>>) target(%dma_start3A_91 : memref<280x16xf32, #tpu.memory_space<vmem_shared>>) target_semaphore(%run_scoped3A : memref<!tpu.dma_semaphore, #tpu.memory_space<semaphore_mem>>)
        %dma_wait3A = arith.constant 0 : i32
        %dma_wait3A_95 = arith.constant 0 : i32
        %dma_wait3A_96 = tpu.memref_slice %arg10[%dma_wait3A, %dma_wait3A_95] : memref<400x16xf32, #tpu.memory_space<vmem>> -> memref<280x16xf32, #tpu.memory_space<vmem>>
        %dma_wait3A_97 = arith.constant 49720 : i32
        %dma_wait3A_98 = arith.constant 0 : i32
        %dma_wait3A_99 = tpu.memref_slice %arg13[%dma_wait3A_97, %dma_wait3A_98] : memref<50000x16xf32, #tpu.memory_space<vmem_shared>> -> memref<280x16xf32, #tpu.memory_space<vmem_shared>>
        %dma_wait3A_100 = arith.constant 49720 : i32
        %dma_wait3A_101 = arith.constant 0 : i32
        %dma_wait3A_102 = tpu.memref_slice %arg13[%dma_wait3A_100, %dma_wait3A_101] : memref<50000x16xf32, #tpu.memory_space<vmem_shared>> -> memref<280x16xf32, #tpu.memory_space<vmem_shared>>
        %dma_wait3A_103 = arith.constant 0 : i32
        %dma_wait3A_104 = arith.constant 0 : i32
        %dma_wait3A_105 = tpu.memref_slice %arg10[%dma_wait3A_103, %dma_wait3A_104] : memref<400x16xf32, #tpu.memory_space<vmem>> -> memref<280x16xf32, #tpu.memory_space<vmem>>
        tpu.wait_dma2 semaphore(%run_scoped3A : memref<!tpu.dma_semaphore, #tpu.memory_space<semaphore_mem>>) src(%dma_wait3A_105 : memref<280x16xf32, #tpu.memory_space<vmem>>) dst(%dma_wait3A_102 : memref<280x16xf32, #tpu.memory_space<vmem_shared>>)
        tpu.yield
      }) : () -> ()
    } else {
    }
    %barrier3A = arith.constant 0 : index
    tpu.barrier barrier_id(%barrier3A)
    %scan3A_17 = arith.constant 0 : i32
    %scan3A_18 = arith.constant 0 : i32
    %scan3A_19 = arith.constant 62 : i32
    %scan3A_20 = arith.addi %scan3A_18, %scan3A_19 : i32
    %scan3A_21 = arith.constant 1 : i32
    %scan3A_22 = scf.for %scan3A_82 = %scan3A_18 to %scan3A_20 step %scan3A_21 iter_args(%scan3A_83 = %scan3A_17) -> (i32)  : i32 {
      %mul3A_84 = arith.constant 800 : i32
      %mul3A_85 = arith.muli %scan3A_82, %mul3A_84 : i32
      %add3A_86 = arith.addi %mul3A_0, %mul3A_85 : i32
      %add3A_87 = arith.constant 400 : i32
      %add3A_88 = arith.addi %add3A_86, %add3A_87 : i32
      "tpu.region"() ({
        %run_scoped3A = tpu.sem_alloc : memref<!tpu.dma_semaphore, #tpu.memory_space<semaphore_mem>>
        %dma_start3A_108 = tpu.memref_slice %arg3[%add3A_86] : memref<800000xi32, #tpu.memory_space<hbm>> -> memref<400xi32, #tpu.memory_space<hbm>>
        %dma_start3A_109 = tpu.memref_slice %arg3[%add3A_86] : memref<800000xi32, #tpu.memory_space<hbm>> -> memref<400xi32, #tpu.memory_space<hbm>>
        tpu.enqueue_dma source(%dma_start3A_109 : memref<400xi32, #tpu.memory_space<hbm>>) target(%arg6 : memref<400xi32, #tpu.memory_space<vmem>>) target_semaphore(%run_scoped3A : memref<!tpu.dma_semaphore, #tpu.memory_space<semaphore_mem>>)
        %dma_wait3A_110 = tpu.memref_slice %arg3[%add3A_86] : memref<800000xi32, #tpu.memory_space<hbm>> -> memref<400xi32, #tpu.memory_space<hbm>>
        %dma_wait3A_111 = tpu.memref_slice %arg3[%add3A_86] : memref<800000xi32, #tpu.memory_space<hbm>> -> memref<400xi32, #tpu.memory_space<hbm>>
        tpu.wait_dma2 semaphore(%run_scoped3A : memref<!tpu.dma_semaphore, #tpu.memory_space<semaphore_mem>>) src(%dma_wait3A_111 : memref<400xi32, #tpu.memory_space<hbm>>) dst(%arg6 : memref<400xi32, #tpu.memory_space<vmem>>)
        tpu.yield
      }) : () -> ()
      "tpu.region"() ({
        %run_scoped3A = tpu.sem_alloc : memref<!tpu.dma_semaphore, #tpu.memory_space<semaphore_mem>>
        %dma_start3A_108 = tpu.memref_slice %arg4[%add3A_86] : memref<800000xi32, #tpu.memory_space<hbm>> -> memref<400xi32, #tpu.memory_space<hbm>>
        %dma_start3A_109 = tpu.memref_slice %arg4[%add3A_86] : memref<800000xi32, #tpu.memory_space<hbm>> -> memref<400xi32, #tpu.memory_space<hbm>>
        tpu.enqueue_dma source(%dma_start3A_109 : memref<400xi32, #tpu.memory_space<hbm>>) target(%arg7 : memref<400xi32, #tpu.memory_space<vmem>>) target_semaphore(%run_scoped3A : memref<!tpu.dma_semaphore, #tpu.memory_space<semaphore_mem>>)
        %dma_wait3A_110 = tpu.memref_slice %arg4[%add3A_86] : memref<800000xi32, #tpu.memory_space<hbm>> -> memref<400xi32, #tpu.memory_space<hbm>>
        %dma_wait3A_111 = tpu.memref_slice %arg4[%add3A_86] : memref<800000xi32, #tpu.memory_space<hbm>> -> memref<400xi32, #tpu.memory_space<hbm>>
        tpu.wait_dma2 semaphore(%run_scoped3A : memref<!tpu.dma_semaphore, #tpu.memory_space<semaphore_mem>>) src(%dma_wait3A_111 : memref<400xi32, #tpu.memory_space<hbm>>) dst(%arg7 : memref<400xi32, #tpu.memory_space<vmem>>)
        tpu.yield
      }) : () -> ()
      %dma_start3A = tpu.memref_slice %arg3[%add3A_88] : memref<800000xi32, #tpu.memory_space<hbm>> -> memref<400xi32, #tpu.memory_space<hbm>>
      %dma_start3A_89 = tpu.memref_slice %arg3[%add3A_88] : memref<800000xi32, #tpu.memory_space<hbm>> -> memref<400xi32, #tpu.memory_space<hbm>>
      tpu.enqueue_dma source(%dma_start3A_89 : memref<400xi32, #tpu.memory_space<hbm>>) target(%arg8 : memref<400xi32, #tpu.memory_space<vmem>>) target_semaphore(%arg14 : memref<!tpu.dma_semaphore, #tpu.memory_space<semaphore_mem>>)
      %dma_start3A_90 = tpu.memref_slice %arg4[%add3A_88] : memref<800000xi32, #tpu.memory_space<hbm>> -> memref<400xi32, #tpu.memory_space<hbm>>
      %dma_start3A_91 = tpu.memref_slice %arg4[%add3A_88] : memref<800000xi32, #tpu.memory_space<hbm>> -> memref<400xi32, #tpu.memory_space<hbm>>
      tpu.enqueue_dma source(%dma_start3A_91 : memref<400xi32, #tpu.memory_space<hbm>>) target(%arg9 : memref<400xi32, #tpu.memory_space<vmem>>) target_semaphore(%arg14 : memref<!tpu.dma_semaphore, #tpu.memory_space<semaphore_mem>>)
      "tpu.region"() ({
        %run_scoped3A = tpu.sem_alloc : memref<!tpu.dma_semaphore, #tpu.memory_space<semaphore_mem>>
        %dma_start3A_108 = arith.constant 0 : i32
        %dma_start3A_109 = arith.constant 0 : i32
        %dma_start3A_110 = tpu.memref_slice %arg12[%dma_start3A_108, %dma_start3A_109] : memref<50000x16xf32, #tpu.memory_space<vmem_shared>> -> memref<50000x16xf32, #tpu.memory_space<vmem_shared>>
        tpu.enqueue_indirect_dma source(%dma_start3A_110 : memref<50000x16xf32, #tpu.memory_space<vmem_shared>>) target(%arg10 : memref<400x16xf32, #tpu.memory_space<vmem>>) offsets(%arg6 : memref<400xi32, #tpu.memory_space<vmem>>) semaphore(%run_scoped3A : memref<!tpu.dma_semaphore, #tpu.memory_space<semaphore_mem>>)
        %dma_wait3A_111 = arith.constant 0 : i32
        %dma_wait3A_112 = arith.constant 0 : i32
        %dma_wait3A_113 = tpu.memref_slice %arg12[%dma_wait3A_111, %dma_wait3A_112] : memref<50000x16xf32, #tpu.memory_space<vmem_shared>> -> memref<50000x16xf32, #tpu.memory_space<vmem_shared>>
        tpu.wait_indirect_dma semaphore(%run_scoped3A : memref<!tpu.dma_semaphore, #tpu.memory_space<semaphore_mem>>) src(%dma_wait3A_113 : memref<50000x16xf32, #tpu.memory_space<vmem_shared>>) dst(%arg10 : memref<400x16xf32, #tpu.memory_space<vmem>>)
        tpu.yield
      }) : () -> ()
      %dma_start3A_92 = arith.constant 0 : i32
      %dma_start3A_93 = arith.constant 0 : i32
      %dma_start3A_94 = tpu.memref_slice %arg13[%dma_start3A_92, %dma_start3A_93] : memref<50000x16xf32, #tpu.memory_space<vmem_shared>> -> memref<50000x16xf32, #tpu.memory_space<vmem_shared>>
      tpu.enqueue_indirect_dma source(%arg10 : memref<400x16xf32, #tpu.memory_space<vmem>>) target(%dma_start3A_94 : memref<50000x16xf32, #tpu.memory_space<vmem_shared>>) offsets(%arg7 : memref<400xi32, #tpu.memory_space<vmem>>) semaphore(%arg15 : memref<!tpu.dma_semaphore, #tpu.memory_space<semaphore_mem>>) {add = true}
      %dma_wait3A = tpu.memref_slice %arg3[%add3A_88] : memref<800000xi32, #tpu.memory_space<hbm>> -> memref<400xi32, #tpu.memory_space<hbm>>
      %dma_wait3A_95 = tpu.memref_slice %arg3[%add3A_88] : memref<800000xi32, #tpu.memory_space<hbm>> -> memref<400xi32, #tpu.memory_space<hbm>>
      tpu.wait_dma2 semaphore(%arg14 : memref<!tpu.dma_semaphore, #tpu.memory_space<semaphore_mem>>) src(%dma_wait3A_95 : memref<400xi32, #tpu.memory_space<hbm>>) dst(%arg8 : memref<400xi32, #tpu.memory_space<vmem>>)
      %dma_wait3A_96 = tpu.memref_slice %arg4[%add3A_88] : memref<800000xi32, #tpu.memory_space<hbm>> -> memref<400xi32, #tpu.memory_space<hbm>>
      %dma_wait3A_97 = tpu.memref_slice %arg4[%add3A_88] : memref<800000xi32, #tpu.memory_space<hbm>> -> memref<400xi32, #tpu.memory_space<hbm>>
      tpu.wait_dma2 semaphore(%arg14 : memref<!tpu.dma_semaphore, #tpu.memory_space<semaphore_mem>>) src(%dma_wait3A_97 : memref<400xi32, #tpu.memory_space<hbm>>) dst(%arg9 : memref<400xi32, #tpu.memory_space<vmem>>)
      "tpu.region"() ({
        %run_scoped3A = tpu.sem_alloc : memref<!tpu.dma_semaphore, #tpu.memory_space<semaphore_mem>>
        %dma_start3A_108 = arith.constant 0 : i32
        %dma_start3A_109 = arith.constant 0 : i32
        %dma_start3A_110 = tpu.memref_slice %arg12[%dma_start3A_108, %dma_start3A_109] : memref<50000x16xf32, #tpu.memory_space<vmem_shared>> -> memref<50000x16xf32, #tpu.memory_space<vmem_shared>>
        tpu.enqueue_indirect_dma source(%dma_start3A_110 : memref<50000x16xf32, #tpu.memory_space<vmem_shared>>) target(%arg11 : memref<400x16xf32, #tpu.memory_space<vmem>>) offsets(%arg8 : memref<400xi32, #tpu.memory_space<vmem>>) semaphore(%run_scoped3A : memref<!tpu.dma_semaphore, #tpu.memory_space<semaphore_mem>>)
        %dma_wait3A_111 = arith.constant 0 : i32
        %dma_wait3A_112 = arith.constant 0 : i32
        %dma_wait3A_113 = tpu.memref_slice %arg12[%dma_wait3A_111, %dma_wait3A_112] : memref<50000x16xf32, #tpu.memory_space<vmem_shared>> -> memref<50000x16xf32, #tpu.memory_space<vmem_shared>>
        tpu.wait_indirect_dma semaphore(%run_scoped3A : memref<!tpu.dma_semaphore, #tpu.memory_space<semaphore_mem>>) src(%dma_wait3A_113 : memref<50000x16xf32, #tpu.memory_space<vmem_shared>>) dst(%arg11 : memref<400x16xf32, #tpu.memory_space<vmem>>)
        tpu.yield
      }) : () -> ()
      %dma_wait3A_98 = arith.constant 0 : i32
      %dma_wait3A_99 = arith.constant 0 : i32
      %dma_wait3A_100 = tpu.memref_slice %arg13[%dma_wait3A_98, %dma_wait3A_99] : memref<50000x16xf32, #tpu.memory_space<vmem_shared>> -> memref<50000x16xf32, #tpu.memory_space<vmem_shared>>
      tpu.wait_indirect_dma semaphore(%arg15 : memref<!tpu.dma_semaphore, #tpu.memory_space<semaphore_mem>>) src(%arg10 : memref<400x16xf32, #tpu.memory_space<vmem>>) dst(%dma_wait3A_100 : memref<50000x16xf32, #tpu.memory_space<vmem_shared>>)
      %dma_start3A_101 = arith.constant 0 : i32
      %dma_start3A_102 = arith.constant 0 : i32
      %dma_start3A_103 = tpu.memref_slice %arg13[%dma_start3A_101, %dma_start3A_102] : memref<50000x16xf32, #tpu.memory_space<vmem_shared>> -> memref<50000x16xf32, #tpu.memory_space<vmem_shared>>
      tpu.enqueue_indirect_dma source(%arg11 : memref<400x16xf32, #tpu.memory_space<vmem>>) target(%dma_start3A_103 : memref<50000x16xf32, #tpu.memory_space<vmem_shared>>) offsets(%arg9 : memref<400xi32, #tpu.memory_space<vmem>>) semaphore(%arg15 : memref<!tpu.dma_semaphore, #tpu.memory_space<semaphore_mem>>) {add = true}
      %dma_wait3A_104 = arith.constant 0 : i32
      %dma_wait3A_105 = arith.constant 0 : i32
      %dma_wait3A_106 = tpu.memref_slice %arg13[%dma_wait3A_104, %dma_wait3A_105] : memref<50000x16xf32, #tpu.memory_space<vmem_shared>> -> memref<50000x16xf32, #tpu.memory_space<vmem_shared>>
      tpu.wait_indirect_dma semaphore(%arg15 : memref<!tpu.dma_semaphore, #tpu.memory_space<semaphore_mem>>) src(%arg11 : memref<400x16xf32, #tpu.memory_space<vmem>>) dst(%dma_wait3A_106 : memref<50000x16xf32, #tpu.memory_space<vmem_shared>>)
      %scan3A_107 = arith.constant 0 : i32
      scf.yield %scan3A_107 : i32
    }
    %scan3A_23 = arith.constant 62 : i32
    %add3A_24 = arith.constant 49600 : i32
    %add3A_25 = arith.addi %mul3A_0, %add3A_24 : i32
    "tpu.region"() ({
      %run_scoped3A = tpu.sem_alloc : memref<!tpu.dma_semaphore, #tpu.memory_space<semaphore_mem>>
      %dma_start3A = tpu.memref_slice %arg3[%add3A_25] : memref<800000xi32, #tpu.memory_space<hbm>> -> memref<400xi32, #tpu.memory_space<hbm>>
      %dma_start3A_82 = tpu.memref_slice %arg3[%add3A_25] : memref<800000xi32, #tpu.memory_space<hbm>> -> memref<400xi32, #tpu.memory_space<hbm>>
      tpu.enqueue_dma source(%dma_start3A_82 : memref<400xi32, #tpu.memory_space<hbm>>) target(%arg6 : memref<400xi32, #tpu.memory_space<vmem>>) target_semaphore(%run_scoped3A : memref<!tpu.dma_semaphore, #tpu.memory_space<semaphore_mem>>)
      %dma_wait3A = tpu.memref_slice %arg3[%add3A_25] : memref<800000xi32, #tpu.memory_space<hbm>> -> memref<400xi32, #tpu.memory_space<hbm>>
      %dma_wait3A_83 = tpu.memref_slice %arg3[%add3A_25] : memref<800000xi32, #tpu.memory_space<hbm>> -> memref<400xi32, #tpu.memory_space<hbm>>
      tpu.wait_dma2 semaphore(%run_scoped3A : memref<!tpu.dma_semaphore, #tpu.memory_space<semaphore_mem>>) src(%dma_wait3A_83 : memref<400xi32, #tpu.memory_space<hbm>>) dst(%arg6 : memref<400xi32, #tpu.memory_space<vmem>>)
      tpu.yield
    }) : () -> ()
    "tpu.region"() ({
      %run_scoped3A = tpu.sem_alloc : memref<!tpu.dma_semaphore, #tpu.memory_space<semaphore_mem>>
      %dma_start3A = tpu.memref_slice %arg4[%add3A_25] : memref<800000xi32, #tpu.memory_space<hbm>> -> memref<400xi32, #tpu.memory_space<hbm>>
      %dma_start3A_82 = tpu.memref_slice %arg4[%add3A_25] : memref<800000xi32, #tpu.memory_space<hbm>> -> memref<400xi32, #tpu.memory_space<hbm>>
      tpu.enqueue_dma source(%dma_start3A_82 : memref<400xi32, #tpu.memory_space<hbm>>) target(%arg7 : memref<400xi32, #tpu.memory_space<vmem>>) target_semaphore(%run_scoped3A : memref<!tpu.dma_semaphore, #tpu.memory_space<semaphore_mem>>)
      %dma_wait3A = tpu.memref_slice %arg4[%add3A_25] : memref<800000xi32, #tpu.memory_space<hbm>> -> memref<400xi32, #tpu.memory_space<hbm>>
      %dma_wait3A_83 = tpu.memref_slice %arg4[%add3A_25] : memref<800000xi32, #tpu.memory_space<hbm>> -> memref<400xi32, #tpu.memory_space<hbm>>
      tpu.wait_dma2 semaphore(%run_scoped3A : memref<!tpu.dma_semaphore, #tpu.memory_space<semaphore_mem>>) src(%dma_wait3A_83 : memref<400xi32, #tpu.memory_space<hbm>>) dst(%arg7 : memref<400xi32, #tpu.memory_space<vmem>>)
      tpu.yield
    }) : () -> ()
    "tpu.region"() ({
      %run_scoped3A = tpu.sem_alloc : memref<!tpu.dma_semaphore, #tpu.memory_space<semaphore_mem>>
      %dma_start3A = arith.constant 0 : i32
      %dma_start3A_82 = arith.constant 0 : i32
      %dma_start3A_83 = tpu.memref_slice %arg12[%dma_start3A, %dma_start3A_82] : memref<50000x16xf32, #tpu.memory_space<vmem_shared>> -> memref<50000x16xf32, #tpu.memory_space<vmem_shared>>
      tpu.enqueue_indirect_dma source(%dma_start3A_83 : memref<50000x16xf32, #tpu.memory_space<vmem_shared>>) target(%arg10 : memref<400x16xf32, #tpu.memory_space<vmem>>) offsets(%arg6 : memref<400xi32, #tpu.memory_space<vmem>>) semaphore(%run_scoped3A : memref<!tpu.dma_semaphore, #tpu.memory_space<semaphore_mem>>)
      %dma_wait3A = arith.constant 0 : i32
      %dma_wait3A_84 = arith.constant 0 : i32
      %dma_wait3A_85 = tpu.memref_slice %arg12[%dma_wait3A, %dma_wait3A_84] : memref<50000x16xf32, #tpu.memory_space<vmem_shared>> -> memref<50000x16xf32, #tpu.memory_space<vmem_shared>>
      tpu.wait_indirect_dma semaphore(%run_scoped3A : memref<!tpu.dma_semaphore, #tpu.memory_space<semaphore_mem>>) src(%dma_wait3A_85 : memref<50000x16xf32, #tpu.memory_space<vmem_shared>>) dst(%arg10 : memref<400x16xf32, #tpu.memory_space<vmem>>)
      tpu.yield
    }) : () -> ()
    "tpu.region"() ({
      %run_scoped3A = tpu.sem_alloc : memref<!tpu.dma_semaphore, #tpu.memory_space<semaphore_mem>>
      %dma_start3A = arith.constant 0 : i32
      %dma_start3A_82 = arith.constant 0 : i32
      %dma_start3A_83 = tpu.memref_slice %arg13[%dma_start3A, %dma_start3A_82] : memref<50000x16xf32, #tpu.memory_space<vmem_shared>> -> memref<50000x16xf32, #tpu.memory_space<vmem_shared>>
      tpu.enqueue_indirect_dma source(%arg10 : memref<400x16xf32, #tpu.memory_space<vmem>>) target(%dma_start3A_83 : memref<50000x16xf32, #tpu.memory_space<vmem_shared>>) offsets(%arg7 : memref<400xi32, #tpu.memory_space<vmem>>) semaphore(%run_scoped3A : memref<!tpu.dma_semaphore, #tpu.memory_space<semaphore_mem>>) {add = true}
      %dma_wait3A = arith.constant 0 : i32
      %dma_wait3A_84 = arith.constant 0 : i32
      %dma_wait3A_85 = tpu.memref_slice %arg13[%dma_wait3A, %dma_wait3A_84] : memref<50000x16xf32, #tpu.memory_space<vmem_shared>> -> memref<50000x16xf32, #tpu.memory_space<vmem_shared>>
      tpu.wait_indirect_dma semaphore(%run_scoped3A : memref<!tpu.dma_semaphore, #tpu.memory_space<semaphore_mem>>) src(%arg10 : memref<400x16xf32, #tpu.memory_space<vmem>>) dst(%dma_wait3A_85 : memref<50000x16xf32, #tpu.memory_space<vmem_shared>>)
      tpu.yield
    }) : () -> ()
    %barrier3A_26 = arith.constant 0 : index
    tpu.barrier barrier_id(%barrier3A_26)
    %lt3A_27 = arith.constant 15 : i32
    %lt3A_28 = arith.cmpi slt, %arg1, %lt3A_27 : i32
    %convert_element_type3A_29 = arith.extui %lt3A_28 : i1 to i32
    %cond3A_30 = arith.constant 0 : i32
    %cond3A_31 = arith.cmpi ne, %convert_element_type3A_29, %cond3A_30 : i32
    scf.if %cond3A_31 {
      %mul3A_82 = arith.constant 3128 : i32
      %mul3A_83 = arith.muli %arg1, %mul3A_82 : i32
      %mul3A_84 = arith.constant 16 : i32
      %mul3A_85 = arith.muli %add3A_3, %mul3A_84 : i32
      "tpu.region"() ({
        %run_scoped3A = tpu.sem_alloc : memref<!tpu.dma_semaphore, #tpu.memory_space<semaphore_mem>>
        %dma_start3A = tpu.memref_slice %arg5[%mul3A_83, %mul3A_85] : memref<50000x128xf32, #tpu.memory_space<hbm>> -> memref<3128x16xf32, #tpu.memory_space<hbm>>
        %dma_start3A_86 = arith.constant 0 : i32
        %dma_start3A_87 = tpu.memref_slice %arg13[%mul3A_83, %dma_start3A_86] : memref<50000x16xf32, #tpu.memory_space<vmem_shared>> -> memref<3128x16xf32, #tpu.memory_space<vmem_shared>>
        tpu.enqueue_dma source(%dma_start3A_87 : memref<3128x16xf32, #tpu.memory_space<vmem_shared>>) target(%dma_start3A : memref<3128x16xf32, #tpu.memory_space<hbm>>) target_semaphore(%run_scoped3A : memref<!tpu.dma_semaphore, #tpu.memory_space<semaphore_mem>>)
        %dma_wait3A = tpu.memref_slice %arg5[%mul3A_83, %mul3A_85] : memref<50000x128xf32, #tpu.memory_space<hbm>> -> memref<3128x16xf32, #tpu.memory_space<hbm>>
        %dma_wait3A_88 = arith.constant 0 : i32
        %dma_wait3A_89 = tpu.memref_slice %arg13[%mul3A_83, %dma_wait3A_88] : memref<50000x16xf32, #tpu.memory_space<vmem_shared>> -> memref<3128x16xf32, #tpu.memory_space<vmem_shared>>
        tpu.wait_dma2 semaphore(%run_scoped3A : memref<!tpu.dma_semaphore, #tpu.memory_space<semaphore_mem>>) src(%dma_wait3A_89 : memref<3128x16xf32, #tpu.memory_space<vmem_shared>>) dst(%dma_wait3A : memref<3128x16xf32, #tpu.memory_space<hbm>>)
        tpu.yield
      }) : () -> ()
    } else {
    }
    %eq3A_32 = arith.constant 15 : i32
    %eq3A_33 = arith.cmpi eq, %arg1, %eq3A_32 : i32
    %convert_element_type3A_34 = arith.extui %eq3A_33 : i1 to i32
    %cond3A_35 = arith.constant 0 : i32
    %cond3A_36 = arith.cmpi ne, %convert_element_type3A_34, %cond3A_35 : i32
    scf.if %cond3A_36 {
      %mul3A_82 = arith.constant 16 : i32
      %mul3A_83 = arith.muli %add3A_3, %mul3A_82 : i32
      "tpu.region"() ({
        %run_scoped3A = tpu.sem_alloc : memref<!tpu.dma_semaphore, #tpu.memory_space<semaphore_mem>>
        %dma_start3A = arith.constant 46920 : i32
        %dma_start3A_84 = tpu.memref_slice %arg5[%dma_start3A, %mul3A_83] : memref<50000x128xf32, #tpu.memory_space<hbm>> -> memref<3080x16xf32, #tpu.memory_space<hbm>>
        %dma_start3A_85 = arith.constant 46920 : i32
        %dma_start3A_86 = arith.constant 0 : i32
        %dma_start3A_87 = tpu.memref_slice %arg13[%dma_start3A_85, %dma_start3A_86] : memref<50000x16xf32, #tpu.memory_space<vmem_shared>> -> memref<3080x16xf32, #tpu.memory_space<vmem_shared>>
        tpu.enqueue_dma source(%dma_start3A_87 : memref<3080x16xf32, #tpu.memory_space<vmem_shared>>) target(%dma_start3A_84 : memref<3080x16xf32, #tpu.memory_space<hbm>>) target_semaphore(%run_scoped3A : memref<!tpu.dma_semaphore, #tpu.memory_space<semaphore_mem>>)
        %dma_wait3A = arith.constant 46920 : i32
        %dma_wait3A_88 = tpu.memref_slice %arg5[%dma_wait3A, %mul3A_83] : memref<50000x128xf32, #tpu.memory_space<hbm>> -> memref<3080x16xf32, #tpu.memory_space<hbm>>
        %dma_wait3A_89 = arith.constant 46920 : i32
        %dma_wait3A_90 = arith.constant 0 : i32
        %dma_wait3A_91 = tpu.memref_slice %arg13[%dma_wait3A_89, %dma_wait3A_90] : memref<50000x16xf32, #tpu.memory_space<vmem_shared>> -> memref<3080x16xf32, #tpu.memory_space<vmem_shared>>
        tpu.wait_dma2 semaphore(%run_scoped3A : memref<!tpu.dma_semaphore, #tpu.memory_space<semaphore_mem>>) src(%dma_wait3A_91 : memref<3080x16xf32, #tpu.memory_space<vmem_shared>>) dst(%dma_wait3A_88 : memref<3080x16xf32, #tpu.memory_space<hbm>>)
        tpu.yield
      }) : () -> ()
    } else {
    }
    %barrier3A_37 = arith.constant 0 : index
    tpu.barrier barrier_id(%barrier3A_37)
    %mul3A_38 = arith.constant 2 : i32
    %mul3A_39 = arith.muli %arg0, %mul3A_38 : i32
    %add3A_40 = arith.constant 1 : i32
    %add3A_41 = arith.addi %mul3A_39, %add3A_40 : i32
    %broadcast_in_dim3A_42 = arith.constant 0.000000e+00 : f32
    %broadcast_in_dim3A_43 = vector.broadcast %broadcast_in_dim3A_42 : f32 to vector<16xf32>
    %scan3A_44 = arith.constant 0 : i32
    %scan3A_45 = arith.constant 0 : i32
    %scan3A_46 = arith.constant 400 : i32
    %scan3A_47 = arith.addi %scan3A_45, %scan3A_46 : i32
    %scan3A_48 = arith.constant 1 : i32
    %scan3A_49 = scf.for %scan3A_82 = %scan3A_45 to %scan3A_47 step %scan3A_48 iter_args(%scan3A_83 = %scan3A_44) -> (i32)  : i32 {
      %swap3A = arith.index_cast %scan3A_82 : i32 to index
      %swap3A_84 = arith.constant 0 : index
      %swap3A_85 = tpu.vector_load %arg10[%swap3A, %swap3A_84] {strides = array<i32>} : memref<400x16xf32, #tpu.memory_space<vmem>>, vector<1x16xf32>,
      %swap3A_86 = vector.shape_cast %swap3A_85 : vector<1x16xf32> to vector<16xf32>
      %swap3A_87 = vector.shape_cast %broadcast_in_dim3A_43 : vector<16xf32> to vector<1x16xf32>
      tpu.vector_store %arg10[%swap3A, %swap3A_84], %swap3A_87 {strides = array<i32>} : memref<400x16xf32, #tpu.memory_space<vmem>>, vector<1x16xf32>,
      %scan3A_88 = arith.constant 0 : i32
      scf.yield %scan3A_88 : i32
    }
    %scan3A_50 = arith.constant 400 : i32
    %lt3A_51 = arith.constant 15 : i32
    %lt3A_52 = arith.cmpi slt, %arg1, %lt3A_51 : i32
    %convert_element_type3A_53 = arith.extui %lt3A_52 : i1 to i32
    %cond3A_54 = arith.constant 0 : i32
    %cond3A_55 = arith.cmpi ne, %convert_element_type3A_53, %cond3A_54 : i32
    scf.if %cond3A_55 {
      %mul3A_82 = arith.constant 3128 : i32
      %mul3A_83 = arith.muli %arg1, %mul3A_82 : i32
      %mul3A_84 = arith.constant 16 : i32
      %mul3A_85 = arith.muli %add3A_41, %mul3A_84 : i32
      "tpu.region"() ({
        %run_scoped3A = tpu.sem_alloc : memref<!tpu.dma_semaphore, #tpu.memory_space<semaphore_mem>>
        %dma_start3A = arith.constant 0 : i32
        %dma_start3A_102 = tpu.memref_slice %arg12[%mul3A_83, %dma_start3A] : memref<50000x16xf32, #tpu.memory_space<vmem_shared>> -> memref<3128x16xf32, #tpu.memory_space<vmem_shared>>
        %dma_start3A_103 = tpu.memref_slice %arg2[%mul3A_83, %mul3A_85] : memref<50000x128xf32, #tpu.memory_space<hbm>> -> memref<3128x16xf32, #tpu.memory_space<hbm>>
        tpu.enqueue_dma source(%dma_start3A_103 : memref<3128x16xf32, #tpu.memory_space<hbm>>) target(%dma_start3A_102 : memref<3128x16xf32, #tpu.memory_space<vmem_shared>>) target_semaphore(%run_scoped3A : memref<!tpu.dma_semaphore, #tpu.memory_space<semaphore_mem>>)
        %dma_wait3A = arith.constant 0 : i32
        %dma_wait3A_104 = tpu.memref_slice %arg12[%mul3A_83, %dma_wait3A] : memref<50000x16xf32, #tpu.memory_space<vmem_shared>> -> memref<3128x16xf32, #tpu.memory_space<vmem_shared>>
        %dma_wait3A_105 = tpu.memref_slice %arg2[%mul3A_83, %mul3A_85] : memref<50000x128xf32, #tpu.memory_space<hbm>> -> memref<3128x16xf32, #tpu.memory_space<hbm>>
        tpu.wait_dma2 semaphore(%run_scoped3A : memref<!tpu.dma_semaphore, #tpu.memory_space<semaphore_mem>>) src(%dma_wait3A_105 : memref<3128x16xf32, #tpu.memory_space<hbm>>) dst(%dma_wait3A_104 : memref<3128x16xf32, #tpu.memory_space<vmem_shared>>)
        tpu.yield
      }) : () -> ()
      %add3A_86 = arith.constant 0 : i32
      %add3A_87 = arith.addi %mul3A_83, %add3A_86 : i32
      "tpu.region"() ({
        %run_scoped3A = tpu.sem_alloc : memref<!tpu.dma_semaphore, #tpu.memory_space<semaphore_mem>>
        %dma_start3A = arith.constant 0 : i32
        %dma_start3A_102 = tpu.memref_slice %arg13[%add3A_87, %dma_start3A] : memref<50000x16xf32, #tpu.memory_space<vmem_shared>> -> memref<400x16xf32, #tpu.memory_space<vmem_shared>>
        %dma_start3A_103 = arith.constant 0 : i32
        %dma_start3A_104 = tpu.memref_slice %arg13[%add3A_87, %dma_start3A_103] : memref<50000x16xf32, #tpu.memory_space<vmem_shared>> -> memref<400x16xf32, #tpu.memory_space<vmem_shared>>
        tpu.enqueue_dma source(%arg10 : memref<400x16xf32, #tpu.memory_space<vmem>>) target(%dma_start3A_104 : memref<400x16xf32, #tpu.memory_space<vmem_shared>>) target_semaphore(%run_scoped3A : memref<!tpu.dma_semaphore, #tpu.memory_space<semaphore_mem>>)
        %dma_wait3A = arith.constant 0 : i32
        %dma_wait3A_105 = tpu.memref_slice %arg13[%add3A_87, %dma_wait3A] : memref<50000x16xf32, #tpu.memory_space<vmem_shared>> -> memref<400x16xf32, #tpu.memory_space<vmem_shared>>
        %dma_wait3A_106 = arith.constant 0 : i32
        %dma_wait3A_107 = tpu.memref_slice %arg13[%add3A_87, %dma_wait3A_106] : memref<50000x16xf32, #tpu.memory_space<vmem_shared>> -> memref<400x16xf32, #tpu.memory_space<vmem_shared>>
        tpu.wait_dma2 semaphore(%run_scoped3A : memref<!tpu.dma_semaphore, #tpu.memory_space<semaphore_mem>>) src(%arg10 : memref<400x16xf32, #tpu.memory_space<vmem>>) dst(%dma_wait3A_107 : memref<400x16xf32, #tpu.memory_space<vmem_shared>>)
        tpu.yield
      }) : () -> ()
      %add3A_88 = arith.constant 400 : i32
      %add3A_89 = arith.addi %mul3A_83, %add3A_88 : i32
      "tpu.region"() ({
        %run_scoped3A = tpu.sem_alloc : memref<!tpu.dma_semaphore, #tpu.memory_space<semaphore_mem>>
        %dma_start3A = arith.constant 0 : i32
        %dma_start3A_102 = tpu.memref_slice %arg13[%add3A_89, %dma_start3A] : memref<50000x16xf32, #tpu.memory_space<vmem_shared>> -> memref<400x16xf32, #tpu.memory_space<vmem_shared>>
        %dma_start3A_103 = arith.constant 0 : i32
        %dma_start3A_104 = tpu.memref_slice %arg13[%add3A_89, %dma_start3A_103] : memref<50000x16xf32, #tpu.memory_space<vmem_shared>> -> memref<400x16xf32, #tpu.memory_space<vmem_shared>>
        tpu.enqueue_dma source(%arg10 : memref<400x16xf32, #tpu.memory_space<vmem>>) target(%dma_start3A_104 : memref<400x16xf32, #tpu.memory_space<vmem_shared>>) target_semaphore(%run_scoped3A : memref<!tpu.dma_semaphore, #tpu.memory_space<semaphore_mem>>)
        %dma_wait3A = arith.constant 0 : i32
        %dma_wait3A_105 = tpu.memref_slice %arg13[%add3A_89, %dma_wait3A] : memref<50000x16xf32, #tpu.memory_space<vmem_shared>> -> memref<400x16xf32, #tpu.memory_space<vmem_shared>>
        %dma_wait3A_106 = arith.constant 0 : i32
        %dma_wait3A_107 = tpu.memref_slice %arg13[%add3A_89, %dma_wait3A_106] : memref<50000x16xf32, #tpu.memory_space<vmem_shared>> -> memref<400x16xf32, #tpu.memory_space<vmem_shared>>
        tpu.wait_dma2 semaphore(%run_scoped3A : memref<!tpu.dma_semaphore, #tpu.memory_space<semaphore_mem>>) src(%arg10 : memref<400x16xf32, #tpu.memory_space<vmem>>) dst(%dma_wait3A_107 : memref<400x16xf32, #tpu.memory_space<vmem_shared>>)
        tpu.yield
      }) : () -> ()
      %add3A_90 = arith.constant 800 : i32
      %add3A_91 = arith.addi %mul3A_83, %add3A_90 : i32
      "tpu.region"() ({
        %run_scoped3A = tpu.sem_alloc : memref<!tpu.dma_semaphore, #tpu.memory_space<semaphore_mem>>
        %dma_start3A = arith.constant 0 : i32
        %dma_start3A_102 = tpu.memref_slice %arg13[%add3A_91, %dma_start3A] : memref<50000x16xf32, #tpu.memory_space<vmem_shared>> -> memref<400x16xf32, #tpu.memory_space<vmem_shared>>
        %dma_start3A_103 = arith.constant 0 : i32
        %dma_start3A_104 = tpu.memref_slice %arg13[%add3A_91, %dma_start3A_103] : memref<50000x16xf32, #tpu.memory_space<vmem_shared>> -> memref<400x16xf32, #tpu.memory_space<vmem_shared>>
        tpu.enqueue_dma source(%arg10 : memref<400x16xf32, #tpu.memory_space<vmem>>) target(%dma_start3A_104 : memref<400x16xf32, #tpu.memory_space<vmem_shared>>) target_semaphore(%run_scoped3A : memref<!tpu.dma_semaphore, #tpu.memory_space<semaphore_mem>>)
        %dma_wait3A = arith.constant 0 : i32
        %dma_wait3A_105 = tpu.memref_slice %arg13[%add3A_91, %dma_wait3A] : memref<50000x16xf32, #tpu.memory_space<vmem_shared>> -> memref<400x16xf32, #tpu.memory_space<vmem_shared>>
        %dma_wait3A_106 = arith.constant 0 : i32
        %dma_wait3A_107 = tpu.memref_slice %arg13[%add3A_91, %dma_wait3A_106] : memref<50000x16xf32, #tpu.memory_space<vmem_shared>> -> memref<400x16xf32, #tpu.memory_space<vmem_shared>>
        tpu.wait_dma2 semaphore(%run_scoped3A : memref<!tpu.dma_semaphore, #tpu.memory_space<semaphore_mem>>) src(%arg10 : memref<400x16xf32, #tpu.memory_space<vmem>>) dst(%dma_wait3A_107 : memref<400x16xf32, #tpu.memory_space<vmem_shared>>)
        tpu.yield
      }) : () -> ()
      %add3A_92 = arith.constant 1200 : i32
      %add3A_93 = arith.addi %mul3A_83, %add3A_92 : i32
      "tpu.region"() ({
        %run_scoped3A = tpu.sem_alloc : memref<!tpu.dma_semaphore, #tpu.memory_space<semaphore_mem>>
        %dma_start3A = arith.constant 0 : i32
        %dma_start3A_102 = tpu.memref_slice %arg13[%add3A_93, %dma_start3A] : memref<50000x16xf32, #tpu.memory_space<vmem_shared>> -> memref<400x16xf32, #tpu.memory_space<vmem_shared>>
        %dma_start3A_103 = arith.constant 0 : i32
        %dma_start3A_104 = tpu.memref_slice %arg13[%add3A_93, %dma_start3A_103] : memref<50000x16xf32, #tpu.memory_space<vmem_shared>> -> memref<400x16xf32, #tpu.memory_space<vmem_shared>>
        tpu.enqueue_dma source(%arg10 : memref<400x16xf32, #tpu.memory_space<vmem>>) target(%dma_start3A_104 : memref<400x16xf32, #tpu.memory_space<vmem_shared>>) target_semaphore(%run_scoped3A : memref<!tpu.dma_semaphore, #tpu.memory_space<semaphore_mem>>)
        %dma_wait3A = arith.constant 0 : i32
        %dma_wait3A_105 = tpu.memref_slice %arg13[%add3A_93, %dma_wait3A] : memref<50000x16xf32, #tpu.memory_space<vmem_shared>> -> memref<400x16xf32, #tpu.memory_space<vmem_shared>>
        %dma_wait3A_106 = arith.constant 0 : i32
        %dma_wait3A_107 = tpu.memref_slice %arg13[%add3A_93, %dma_wait3A_106] : memref<50000x16xf32, #tpu.memory_space<vmem_shared>> -> memref<400x16xf32, #tpu.memory_space<vmem_shared>>
        tpu.wait_dma2 semaphore(%run_scoped3A : memref<!tpu.dma_semaphore, #tpu.memory_space<semaphore_mem>>) src(%arg10 : memref<400x16xf32, #tpu.memory_space<vmem>>) dst(%dma_wait3A_107 : memref<400x16xf32, #tpu.memory_space<vmem_shared>>)
        tpu.yield
      }) : () -> ()
      %add3A_94 = arith.constant 1600 : i32
      %add3A_95 = arith.addi %mul3A_83, %add3A_94 : i32
      "tpu.region"() ({
        %run_scoped3A = tpu.sem_alloc : memref<!tpu.dma_semaphore, #tpu.memory_space<semaphore_mem>>
        %dma_start3A = arith.constant 0 : i32
        %dma_start3A_102 = tpu.memref_slice %arg13[%add3A_95, %dma_start3A] : memref<50000x16xf32, #tpu.memory_space<vmem_shared>> -> memref<400x16xf32, #tpu.memory_space<vmem_shared>>
        %dma_start3A_103 = arith.constant 0 : i32
        %dma_start3A_104 = tpu.memref_slice %arg13[%add3A_95, %dma_start3A_103] : memref<50000x16xf32, #tpu.memory_space<vmem_shared>> -> memref<400x16xf32, #tpu.memory_space<vmem_shared>>
        tpu.enqueue_dma source(%arg10 : memref<400x16xf32, #tpu.memory_space<vmem>>) target(%dma_start3A_104 : memref<400x16xf32, #tpu.memory_space<vmem_shared>>) target_semaphore(%run_scoped3A : memref<!tpu.dma_semaphore, #tpu.memory_space<semaphore_mem>>)
        %dma_wait3A = arith.constant 0 : i32
        %dma_wait3A_105 = tpu.memref_slice %arg13[%add3A_95, %dma_wait3A] : memref<50000x16xf32, #tpu.memory_space<vmem_shared>> -> memref<400x16xf32, #tpu.memory_space<vmem_shared>>
        %dma_wait3A_106 = arith.constant 0 : i32
        %dma_wait3A_107 = tpu.memref_slice %arg13[%add3A_95, %dma_wait3A_106] : memref<50000x16xf32, #tpu.memory_space<vmem_shared>> -> memref<400x16xf32, #tpu.memory_space<vmem_shared>>
        tpu.wait_dma2 semaphore(%run_scoped3A : memref<!tpu.dma_semaphore, #tpu.memory_space<semaphore_mem>>) src(%arg10 : memref<400x16xf32, #tpu.memory_space<vmem>>) dst(%dma_wait3A_107 : memref<400x16xf32, #tpu.memory_space<vmem_shared>>)
        tpu.yield
      }) : () -> ()
      %add3A_96 = arith.constant 2000 : i32
      %add3A_97 = arith.addi %mul3A_83, %add3A_96 : i32
      "tpu.region"() ({
        %run_scoped3A = tpu.sem_alloc : memref<!tpu.dma_semaphore, #tpu.memory_space<semaphore_mem>>
        %dma_start3A = arith.constant 0 : i32
        %dma_start3A_102 = tpu.memref_slice %arg13[%add3A_97, %dma_start3A] : memref<50000x16xf32, #tpu.memory_space<vmem_shared>> -> memref<400x16xf32, #tpu.memory_space<vmem_shared>>
        %dma_start3A_103 = arith.constant 0 : i32
        %dma_start3A_104 = tpu.memref_slice %arg13[%add3A_97, %dma_start3A_103] : memref<50000x16xf32, #tpu.memory_space<vmem_shared>> -> memref<400x16xf32, #tpu.memory_space<vmem_shared>>
        tpu.enqueue_dma source(%arg10 : memref<400x16xf32, #tpu.memory_space<vmem>>) target(%dma_start3A_104 : memref<400x16xf32, #tpu.memory_space<vmem_shared>>) target_semaphore(%run_scoped3A : memref<!tpu.dma_semaphore, #tpu.memory_space<semaphore_mem>>)
        %dma_wait3A = arith.constant 0 : i32
        %dma_wait3A_105 = tpu.memref_slice %arg13[%add3A_97, %dma_wait3A] : memref<50000x16xf32, #tpu.memory_space<vmem_shared>> -> memref<400x16xf32, #tpu.memory_space<vmem_shared>>
        %dma_wait3A_106 = arith.constant 0 : i32
        %dma_wait3A_107 = tpu.memref_slice %arg13[%add3A_97, %dma_wait3A_106] : memref<50000x16xf32, #tpu.memory_space<vmem_shared>> -> memref<400x16xf32, #tpu.memory_space<vmem_shared>>
        tpu.wait_dma2 semaphore(%run_scoped3A : memref<!tpu.dma_semaphore, #tpu.memory_space<semaphore_mem>>) src(%arg10 : memref<400x16xf32, #tpu.memory_space<vmem>>) dst(%dma_wait3A_107 : memref<400x16xf32, #tpu.memory_space<vmem_shared>>)
        tpu.yield
      }) : () -> ()
      %add3A_98 = arith.constant 2400 : i32
      %add3A_99 = arith.addi %mul3A_83, %add3A_98 : i32
      "tpu.region"() ({
        %run_scoped3A = tpu.sem_alloc : memref<!tpu.dma_semaphore, #tpu.memory_space<semaphore_mem>>
        %dma_start3A = arith.constant 0 : i32
        %dma_start3A_102 = tpu.memref_slice %arg13[%add3A_99, %dma_start3A] : memref<50000x16xf32, #tpu.memory_space<vmem_shared>> -> memref<400x16xf32, #tpu.memory_space<vmem_shared>>
        %dma_start3A_103 = arith.constant 0 : i32
        %dma_start3A_104 = tpu.memref_slice %arg13[%add3A_99, %dma_start3A_103] : memref<50000x16xf32, #tpu.memory_space<vmem_shared>> -> memref<400x16xf32, #tpu.memory_space<vmem_shared>>
        tpu.enqueue_dma source(%arg10 : memref<400x16xf32, #tpu.memory_space<vmem>>) target(%dma_start3A_104 : memref<400x16xf32, #tpu.memory_space<vmem_shared>>) target_semaphore(%run_scoped3A : memref<!tpu.dma_semaphore, #tpu.memory_space<semaphore_mem>>)
        %dma_wait3A = arith.constant 0 : i32
        %dma_wait3A_105 = tpu.memref_slice %arg13[%add3A_99, %dma_wait3A] : memref<50000x16xf32, #tpu.memory_space<vmem_shared>> -> memref<400x16xf32, #tpu.memory_space<vmem_shared>>
        %dma_wait3A_106 = arith.constant 0 : i32
        %dma_wait3A_107 = tpu.memref_slice %arg13[%add3A_99, %dma_wait3A_106] : memref<50000x16xf32, #tpu.memory_space<vmem_shared>> -> memref<400x16xf32, #tpu.memory_space<vmem_shared>>
        tpu.wait_dma2 semaphore(%run_scoped3A : memref<!tpu.dma_semaphore, #tpu.memory_space<semaphore_mem>>) src(%arg10 : memref<400x16xf32, #tpu.memory_space<vmem>>) dst(%dma_wait3A_107 : memref<400x16xf32, #tpu.memory_space<vmem_shared>>)
        tpu.yield
      }) : () -> ()
      %add3A_100 = arith.constant 2800 : i32
      %add3A_101 = arith.addi %mul3A_83, %add3A_100 : i32
      "tpu.region"() ({
        %run_scoped3A = tpu.sem_alloc : memref<!tpu.dma_semaphore, #tpu.memory_space<semaphore_mem>>
        %dma_start3A = arith.constant 0 : i32
        %dma_start3A_102 = arith.constant 0 : i32
        %dma_start3A_103 = tpu.memref_slice %arg10[%dma_start3A, %dma_start3A_102] : memref<400x16xf32, #tpu.memory_space<vmem>> -> memref<328x16xf32, #tpu.memory_space<vmem>>
        %dma_start3A_104 = arith.constant 0 : i32
        %dma_start3A_105 = tpu.memref_slice %arg13[%add3A_101, %dma_start3A_104] : memref<50000x16xf32, #tpu.memory_space<vmem_shared>> -> memref<328x16xf32, #tpu.memory_space<vmem_shared>>
        %dma_start3A_106 = arith.constant 0 : i32
        %dma_start3A_107 = tpu.memref_slice %arg13[%add3A_101, %dma_start3A_106] : memref<50000x16xf32, #tpu.memory_space<vmem_shared>> -> memref<328x16xf32, #tpu.memory_space<vmem_shared>>
        %dma_start3A_108 = arith.constant 0 : i32
        %dma_start3A_109 = arith.constant 0 : i32
        %dma_start3A_110 = tpu.memref_slice %arg10[%dma_start3A_108, %dma_start3A_109] : memref<400x16xf32, #tpu.memory_space<vmem>> -> memref<328x16xf32, #tpu.memory_space<vmem>>
        tpu.enqueue_dma source(%dma_start3A_110 : memref<328x16xf32, #tpu.memory_space<vmem>>) target(%dma_start3A_107 : memref<328x16xf32, #tpu.memory_space<vmem_shared>>) target_semaphore(%run_scoped3A : memref<!tpu.dma_semaphore, #tpu.memory_space<semaphore_mem>>)
        %dma_wait3A = arith.constant 0 : i32
        %dma_wait3A_111 = arith.constant 0 : i32
        %dma_wait3A_112 = tpu.memref_slice %arg10[%dma_wait3A, %dma_wait3A_111] : memref<400x16xf32, #tpu.memory_space<vmem>> -> memref<328x16xf32, #tpu.memory_space<vmem>>
        %dma_wait3A_113 = arith.constant 0 : i32
        %dma_wait3A_114 = tpu.memref_slice %arg13[%add3A_101, %dma_wait3A_113] : memref<50000x16xf32, #tpu.memory_space<vmem_shared>> -> memref<328x16xf32, #tpu.memory_space<vmem_shared>>
        %dma_wait3A_115 = arith.constant 0 : i32
        %dma_wait3A_116 = tpu.memref_slice %arg13[%add3A_101, %dma_wait3A_115] : memref<50000x16xf32, #tpu.memory_space<vmem_shared>> -> memref<328x16xf32, #tpu.memory_space<vmem_shared>>
        %dma_wait3A_117 = arith.constant 0 : i32
        %dma_wait3A_118 = arith.constant 0 : i32
        %dma_wait3A_119 = tpu.memref_slice %arg10[%dma_wait3A_117, %dma_wait3A_118] : memref<400x16xf32, #tpu.memory_space<vmem>> -> memref<328x16xf32, #tpu.memory_space<vmem>>
        tpu.wait_dma2 semaphore(%run_scoped3A : memref<!tpu.dma_semaphore, #tpu.memory_space<semaphore_mem>>) src(%dma_wait3A_119 : memref<328x16xf32, #tpu.memory_space<vmem>>) dst(%dma_wait3A_116 : memref<328x16xf32, #tpu.memory_space<vmem_shared>>)
        tpu.yield
      }) : () -> ()
    } else {
    }
    %eq3A_56 = arith.constant 15 : i32
    %eq3A_57 = arith.cmpi eq, %arg1, %eq3A_56 : i32
    %convert_element_type3A_58 = arith.extui %eq3A_57 : i1 to i32
    %cond3A_59 = arith.constant 0 : i32
    %cond3A_60 = arith.cmpi ne, %convert_element_type3A_58, %cond3A_59 : i32
    scf.if %cond3A_60 {
      %mul3A_82 = arith.constant 16 : i32
      %mul3A_83 = arith.muli %add3A_41, %mul3A_82 : i32
      "tpu.region"() ({
        %run_scoped3A = tpu.sem_alloc : memref<!tpu.dma_semaphore, #tpu.memory_space<semaphore_mem>>
        %dma_start3A = arith.constant 46920 : i32
        %dma_start3A_84 = arith.constant 0 : i32
        %dma_start3A_85 = tpu.memref_slice %arg12[%dma_start3A, %dma_start3A_84] : memref<50000x16xf32, #tpu.memory_space<vmem_shared>> -> memref<3080x16xf32, #tpu.memory_space<vmem_shared>>
        %dma_start3A_86 = arith.constant 46920 : i32
        %dma_start3A_87 = tpu.memref_slice %arg2[%dma_start3A_86, %mul3A_83] : memref<50000x128xf32, #tpu.memory_space<hbm>> -> memref<3080x16xf32, #tpu.memory_space<hbm>>
        tpu.enqueue_dma source(%dma_start3A_87 : memref<3080x16xf32, #tpu.memory_space<hbm>>) target(%dma_start3A_85 : memref<3080x16xf32, #tpu.memory_space<vmem_shared>>) target_semaphore(%run_scoped3A : memref<!tpu.dma_semaphore, #tpu.memory_space<semaphore_mem>>)
        %dma_wait3A = arith.constant 46920 : i32
        %dma_wait3A_88 = arith.constant 0 : i32
        %dma_wait3A_89 = tpu.memref_slice %arg12[%dma_wait3A, %dma_wait3A_88] : memref<50000x16xf32, #tpu.memory_space<vmem_shared>> -> memref<3080x16xf32, #tpu.memory_space<vmem_shared>>
        %dma_wait3A_90 = arith.constant 46920 : i32
        %dma_wait3A_91 = tpu.memref_slice %arg2[%dma_wait3A_90, %mul3A_83] : memref<50000x128xf32, #tpu.memory_space<hbm>> -> memref<3080x16xf32, #tpu.memory_space<hbm>>
        tpu.wait_dma2 semaphore(%run_scoped3A : memref<!tpu.dma_semaphore, #tpu.memory_space<semaphore_mem>>) src(%dma_wait3A_91 : memref<3080x16xf32, #tpu.memory_space<hbm>>) dst(%dma_wait3A_89 : memref<3080x16xf32, #tpu.memory_space<vmem_shared>>)
        tpu.yield
      }) : () -> ()
      "tpu.region"() ({
        %run_scoped3A = tpu.sem_alloc : memref<!tpu.dma_semaphore, #tpu.memory_space<semaphore_mem>>
        %dma_start3A = arith.constant 46920 : i32
        %dma_start3A_84 = arith.constant 0 : i32
        %dma_start3A_85 = tpu.memref_slice %arg13[%dma_start3A, %dma_start3A_84] : memref<50000x16xf32, #tpu.memory_space<vmem_shared>> -> memref<400x16xf32, #tpu.memory_space<vmem_shared>>
        %dma_start3A_86 = arith.constant 46920 : i32
        %dma_start3A_87 = arith.constant 0 : i32
        %dma_start3A_88 = tpu.memref_slice %arg13[%dma_start3A_86, %dma_start3A_87] : memref<50000x16xf32, #tpu.memory_space<vmem_shared>> -> memref<400x16xf32, #tpu.memory_space<vmem_shared>>
        tpu.enqueue_dma source(%arg10 : memref<400x16xf32, #tpu.memory_space<vmem>>) target(%dma_start3A_88 : memref<400x16xf32, #tpu.memory_space<vmem_shared>>) target_semaphore(%run_scoped3A : memref<!tpu.dma_semaphore, #tpu.memory_space<semaphore_mem>>)
        %dma_wait3A = arith.constant 46920 : i32
        %dma_wait3A_89 = arith.constant 0 : i32
        %dma_wait3A_90 = tpu.memref_slice %arg13[%dma_wait3A, %dma_wait3A_89] : memref<50000x16xf32, #tpu.memory_space<vmem_shared>> -> memref<400x16xf32, #tpu.memory_space<vmem_shared>>
        %dma_wait3A_91 = arith.constant 46920 : i32
        %dma_wait3A_92 = arith.constant 0 : i32
        %dma_wait3A_93 = tpu.memref_slice %arg13[%dma_wait3A_91, %dma_wait3A_92] : memref<50000x16xf32, #tpu.memory_space<vmem_shared>> -> memref<400x16xf32, #tpu.memory_space<vmem_shared>>
        tpu.wait_dma2 semaphore(%run_scoped3A : memref<!tpu.dma_semaphore, #tpu.memory_space<semaphore_mem>>) src(%arg10 : memref<400x16xf32, #tpu.memory_space<vmem>>) dst(%dma_wait3A_93 : memref<400x16xf32, #tpu.memory_space<vmem_shared>>)
        tpu.yield
      }) : () -> ()
      "tpu.region"() ({
        %run_scoped3A = tpu.sem_alloc : memref<!tpu.dma_semaphore, #tpu.memory_space<semaphore_mem>>
        %dma_start3A = arith.constant 47320 : i32
        %dma_start3A_84 = arith.constant 0 : i32
        %dma_start3A_85 = tpu.memref_slice %arg13[%dma_start3A, %dma_start3A_84] : memref<50000x16xf32, #tpu.memory_space<vmem_shared>> -> memref<400x16xf32, #tpu.memory_space<vmem_shared>>
        %dma_start3A_86 = arith.constant 47320 : i32
        %dma_start3A_87 = arith.constant 0 : i32
        %dma_start3A_88 = tpu.memref_slice %arg13[%dma_start3A_86, %dma_start3A_87] : memref<50000x16xf32, #tpu.memory_space<vmem_shared>> -> memref<400x16xf32, #tpu.memory_space<vmem_shared>>
        tpu.enqueue_dma source(%arg10 : memref<400x16xf32, #tpu.memory_space<vmem>>) target(%dma_start3A_88 : memref<400x16xf32, #tpu.memory_space<vmem_shared>>) target_semaphore(%run_scoped3A : memref<!tpu.dma_semaphore, #tpu.memory_space<semaphore_mem>>)
        %dma_wait3A = arith.constant 47320 : i32
        %dma_wait3A_89 = arith.constant 0 : i32
        %dma_wait3A_90 = tpu.memref_slice %arg13[%dma_wait3A, %dma_wait3A_89] : memref<50000x16xf32, #tpu.memory_space<vmem_shared>> -> memref<400x16xf32, #tpu.memory_space<vmem_shared>>
        %dma_wait3A_91 = arith.constant 47320 : i32
        %dma_wait3A_92 = arith.constant 0 : i32
        %dma_wait3A_93 = tpu.memref_slice %arg13[%dma_wait3A_91, %dma_wait3A_92] : memref<50000x16xf32, #tpu.memory_space<vmem_shared>> -> memref<400x16xf32, #tpu.memory_space<vmem_shared>>
        tpu.wait_dma2 semaphore(%run_scoped3A : memref<!tpu.dma_semaphore, #tpu.memory_space<semaphore_mem>>) src(%arg10 : memref<400x16xf32, #tpu.memory_space<vmem>>) dst(%dma_wait3A_93 : memref<400x16xf32, #tpu.memory_space<vmem_shared>>)
        tpu.yield
      }) : () -> ()
      "tpu.region"() ({
        %run_scoped3A = tpu.sem_alloc : memref<!tpu.dma_semaphore, #tpu.memory_space<semaphore_mem>>
        %dma_start3A = arith.constant 47720 : i32
        %dma_start3A_84 = arith.constant 0 : i32
        %dma_start3A_85 = tpu.memref_slice %arg13[%dma_start3A, %dma_start3A_84] : memref<50000x16xf32, #tpu.memory_space<vmem_shared>> -> memref<400x16xf32, #tpu.memory_space<vmem_shared>>
        %dma_start3A_86 = arith.constant 47720 : i32
        %dma_start3A_87 = arith.constant 0 : i32
        %dma_start3A_88 = tpu.memref_slice %arg13[%dma_start3A_86, %dma_start3A_87] : memref<50000x16xf32, #tpu.memory_space<vmem_shared>> -> memref<400x16xf32, #tpu.memory_space<vmem_shared>>
        tpu.enqueue_dma source(%arg10 : memref<400x16xf32, #tpu.memory_space<vmem>>) target(%dma_start3A_88 : memref<400x16xf32, #tpu.memory_space<vmem_shared>>) target_semaphore(%run_scoped3A : memref<!tpu.dma_semaphore, #tpu.memory_space<semaphore_mem>>)
        %dma_wait3A = arith.constant 47720 : i32
        %dma_wait3A_89 = arith.constant 0 : i32
        %dma_wait3A_90 = tpu.memref_slice %arg13[%dma_wait3A, %dma_wait3A_89] : memref<50000x16xf32, #tpu.memory_space<vmem_shared>> -> memref<400x16xf32, #tpu.memory_space<vmem_shared>>
        %dma_wait3A_91 = arith.constant 47720 : i32
        %dma_wait3A_92 = arith.constant 0 : i32
        %dma_wait3A_93 = tpu.memref_slice %arg13[%dma_wait3A_91, %dma_wait3A_92] : memref<50000x16xf32, #tpu.memory_space<vmem_shared>> -> memref<400x16xf32, #tpu.memory_space<vmem_shared>>
        tpu.wait_dma2 semaphore(%run_scoped3A : memref<!tpu.dma_semaphore, #tpu.memory_space<semaphore_mem>>) src(%arg10 : memref<400x16xf32, #tpu.memory_space<vmem>>) dst(%dma_wait3A_93 : memref<400x16xf32, #tpu.memory_space<vmem_shared>>)
        tpu.yield
      }) : () -> ()
      "tpu.region"() ({
        %run_scoped3A = tpu.sem_alloc : memref<!tpu.dma_semaphore, #tpu.memory_space<semaphore_mem>>
        %dma_start3A = arith.constant 48120 : i32
        %dma_start3A_84 = arith.constant 0 : i32
        %dma_start3A_85 = tpu.memref_slice %arg13[%dma_start3A, %dma_start3A_84] : memref<50000x16xf32, #tpu.memory_space<vmem_shared>> -> memref<400x16xf32, #tpu.memory_space<vmem_shared>>
        %dma_start3A_86 = arith.constant 48120 : i32
        %dma_start3A_87 = arith.constant 0 : i32
        %dma_start3A_88 = tpu.memref_slice %arg13[%dma_start3A_86, %dma_start3A_87] : memref<50000x16xf32, #tpu.memory_space<vmem_shared>> -> memref<400x16xf32, #tpu.memory_space<vmem_shared>>
        tpu.enqueue_dma source(%arg10 : memref<400x16xf32, #tpu.memory_space<vmem>>) target(%dma_start3A_88 : memref<400x16xf32, #tpu.memory_space<vmem_shared>>) target_semaphore(%run_scoped3A : memref<!tpu.dma_semaphore, #tpu.memory_space<semaphore_mem>>)
        %dma_wait3A = arith.constant 48120 : i32
        %dma_wait3A_89 = arith.constant 0 : i32
        %dma_wait3A_90 = tpu.memref_slice %arg13[%dma_wait3A, %dma_wait3A_89] : memref<50000x16xf32, #tpu.memory_space<vmem_shared>> -> memref<400x16xf32, #tpu.memory_space<vmem_shared>>
        %dma_wait3A_91 = arith.constant 48120 : i32
        %dma_wait3A_92 = arith.constant 0 : i32
        %dma_wait3A_93 = tpu.memref_slice %arg13[%dma_wait3A_91, %dma_wait3A_92] : memref<50000x16xf32, #tpu.memory_space<vmem_shared>> -> memref<400x16xf32, #tpu.memory_space<vmem_shared>>
        tpu.wait_dma2 semaphore(%run_scoped3A : memref<!tpu.dma_semaphore, #tpu.memory_space<semaphore_mem>>) src(%arg10 : memref<400x16xf32, #tpu.memory_space<vmem>>) dst(%dma_wait3A_93 : memref<400x16xf32, #tpu.memory_space<vmem_shared>>)
        tpu.yield
      }) : () -> ()
      "tpu.region"() ({
        %run_scoped3A = tpu.sem_alloc : memref<!tpu.dma_semaphore, #tpu.memory_space<semaphore_mem>>
        %dma_start3A = arith.constant 48520 : i32
        %dma_start3A_84 = arith.constant 0 : i32
        %dma_start3A_85 = tpu.memref_slice %arg13[%dma_start3A, %dma_start3A_84] : memref<50000x16xf32, #tpu.memory_space<vmem_shared>> -> memref<400x16xf32, #tpu.memory_space<vmem_shared>>
        %dma_start3A_86 = arith.constant 48520 : i32
        %dma_start3A_87 = arith.constant 0 : i32
        %dma_start3A_88 = tpu.memref_slice %arg13[%dma_start3A_86, %dma_start3A_87] : memref<50000x16xf32, #tpu.memory_space<vmem_shared>> -> memref<400x16xf32, #tpu.memory_space<vmem_shared>>
        tpu.enqueue_dma source(%arg10 : memref<400x16xf32, #tpu.memory_space<vmem>>) target(%dma_start3A_88 : memref<400x16xf32, #tpu.memory_space<vmem_shared>>) target_semaphore(%run_scoped3A : memref<!tpu.dma_semaphore, #tpu.memory_space<semaphore_mem>>)
        %dma_wait3A = arith.constant 48520 : i32
        %dma_wait3A_89 = arith.constant 0 : i32
        %dma_wait3A_90 = tpu.memref_slice %arg13[%dma_wait3A, %dma_wait3A_89] : memref<50000x16xf32, #tpu.memory_space<vmem_shared>> -> memref<400x16xf32, #tpu.memory_space<vmem_shared>>
        %dma_wait3A_91 = arith.constant 48520 : i32
        %dma_wait3A_92 = arith.constant 0 : i32
        %dma_wait3A_93 = tpu.memref_slice %arg13[%dma_wait3A_91, %dma_wait3A_92] : memref<50000x16xf32, #tpu.memory_space<vmem_shared>> -> memref<400x16xf32, #tpu.memory_space<vmem_shared>>
        tpu.wait_dma2 semaphore(%run_scoped3A : memref<!tpu.dma_semaphore, #tpu.memory_space<semaphore_mem>>) src(%arg10 : memref<400x16xf32, #tpu.memory_space<vmem>>) dst(%dma_wait3A_93 : memref<400x16xf32, #tpu.memory_space<vmem_shared>>)
        tpu.yield
      }) : () -> ()
      "tpu.region"() ({
        %run_scoped3A = tpu.sem_alloc : memref<!tpu.dma_semaphore, #tpu.memory_space<semaphore_mem>>
        %dma_start3A = arith.constant 48920 : i32
        %dma_start3A_84 = arith.constant 0 : i32
        %dma_start3A_85 = tpu.memref_slice %arg13[%dma_start3A, %dma_start3A_84] : memref<50000x16xf32, #tpu.memory_space<vmem_shared>> -> memref<400x16xf32, #tpu.memory_space<vmem_shared>>
        %dma_start3A_86 = arith.constant 48920 : i32
        %dma_start3A_87 = arith.constant 0 : i32
        %dma_start3A_88 = tpu.memref_slice %arg13[%dma_start3A_86, %dma_start3A_87] : memref<50000x16xf32, #tpu.memory_space<vmem_shared>> -> memref<400x16xf32, #tpu.memory_space<vmem_shared>>
        tpu.enqueue_dma source(%arg10 : memref<400x16xf32, #tpu.memory_space<vmem>>) target(%dma_start3A_88 : memref<400x16xf32, #tpu.memory_space<vmem_shared>>) target_semaphore(%run_scoped3A : memref<!tpu.dma_semaphore, #tpu.memory_space<semaphore_mem>>)
        %dma_wait3A = arith.constant 48920 : i32
        %dma_wait3A_89 = arith.constant 0 : i32
        %dma_wait3A_90 = tpu.memref_slice %arg13[%dma_wait3A, %dma_wait3A_89] : memref<50000x16xf32, #tpu.memory_space<vmem_shared>> -> memref<400x16xf32, #tpu.memory_space<vmem_shared>>
        %dma_wait3A_91 = arith.constant 48920 : i32
        %dma_wait3A_92 = arith.constant 0 : i32
        %dma_wait3A_93 = tpu.memref_slice %arg13[%dma_wait3A_91, %dma_wait3A_92] : memref<50000x16xf32, #tpu.memory_space<vmem_shared>> -> memref<400x16xf32, #tpu.memory_space<vmem_shared>>
        tpu.wait_dma2 semaphore(%run_scoped3A : memref<!tpu.dma_semaphore, #tpu.memory_space<semaphore_mem>>) src(%arg10 : memref<400x16xf32, #tpu.memory_space<vmem>>) dst(%dma_wait3A_93 : memref<400x16xf32, #tpu.memory_space<vmem_shared>>)
        tpu.yield
      }) : () -> ()
      "tpu.region"() ({
        %run_scoped3A = tpu.sem_alloc : memref<!tpu.dma_semaphore, #tpu.memory_space<semaphore_mem>>
        %dma_start3A = arith.constant 49320 : i32
        %dma_start3A_84 = arith.constant 0 : i32
        %dma_start3A_85 = tpu.memref_slice %arg13[%dma_start3A, %dma_start3A_84] : memref<50000x16xf32, #tpu.memory_space<vmem_shared>> -> memref<400x16xf32, #tpu.memory_space<vmem_shared>>
        %dma_start3A_86 = arith.constant 49320 : i32
        %dma_start3A_87 = arith.constant 0 : i32
        %dma_start3A_88 = tpu.memref_slice %arg13[%dma_start3A_86, %dma_start3A_87] : memref<50000x16xf32, #tpu.memory_space<vmem_shared>> -> memref<400x16xf32, #tpu.memory_space<vmem_shared>>
        tpu.enqueue_dma source(%arg10 : memref<400x16xf32, #tpu.memory_space<vmem>>) target(%dma_start3A_88 : memref<400x16xf32, #tpu.memory_space<vmem_shared>>) target_semaphore(%run_scoped3A : memref<!tpu.dma_semaphore, #tpu.memory_space<semaphore_mem>>)
        %dma_wait3A = arith.constant 49320 : i32
        %dma_wait3A_89 = arith.constant 0 : i32
        %dma_wait3A_90 = tpu.memref_slice %arg13[%dma_wait3A, %dma_wait3A_89] : memref<50000x16xf32, #tpu.memory_space<vmem_shared>> -> memref<400x16xf32, #tpu.memory_space<vmem_shared>>
        %dma_wait3A_91 = arith.constant 49320 : i32
        %dma_wait3A_92 = arith.constant 0 : i32
        %dma_wait3A_93 = tpu.memref_slice %arg13[%dma_wait3A_91, %dma_wait3A_92] : memref<50000x16xf32, #tpu.memory_space<vmem_shared>> -> memref<400x16xf32, #tpu.memory_space<vmem_shared>>
        tpu.wait_dma2 semaphore(%run_scoped3A : memref<!tpu.dma_semaphore, #tpu.memory_space<semaphore_mem>>) src(%arg10 : memref<400x16xf32, #tpu.memory_space<vmem>>) dst(%dma_wait3A_93 : memref<400x16xf32, #tpu.memory_space<vmem_shared>>)
        tpu.yield
      }) : () -> ()
      "tpu.region"() ({
        %run_scoped3A = tpu.sem_alloc : memref<!tpu.dma_semaphore, #tpu.memory_space<semaphore_mem>>
        %dma_start3A = arith.constant 0 : i32
        %dma_start3A_84 = arith.constant 0 : i32
        %dma_start3A_85 = tpu.memref_slice %arg10[%dma_start3A, %dma_start3A_84] : memref<400x16xf32, #tpu.memory_space<vmem>> -> memref<280x16xf32, #tpu.memory_space<vmem>>
        %dma_start3A_86 = arith.constant 49720 : i32
        %dma_start3A_87 = arith.constant 0 : i32
        %dma_start3A_88 = tpu.memref_slice %arg13[%dma_start3A_86, %dma_start3A_87] : memref<50000x16xf32, #tpu.memory_space<vmem_shared>> -> memref<280x16xf32, #tpu.memory_space<vmem_shared>>
        %dma_start3A_89 = arith.constant 49720 : i32
        %dma_start3A_90 = arith.constant 0 : i32
        %dma_start3A_91 = tpu.memref_slice %arg13[%dma_start3A_89, %dma_start3A_90] : memref<50000x16xf32, #tpu.memory_space<vmem_shared>> -> memref<280x16xf32, #tpu.memory_space<vmem_shared>>
        %dma_start3A_92 = arith.constant 0 : i32
        %dma_start3A_93 = arith.constant 0 : i32
        %dma_start3A_94 = tpu.memref_slice %arg10[%dma_start3A_92, %dma_start3A_93] : memref<400x16xf32, #tpu.memory_space<vmem>> -> memref<280x16xf32, #tpu.memory_space<vmem>>
        tpu.enqueue_dma source(%dma_start3A_94 : memref<280x16xf32, #tpu.memory_space<vmem>>) target(%dma_start3A_91 : memref<280x16xf32, #tpu.memory_space<vmem_shared>>) target_semaphore(%run_scoped3A : memref<!tpu.dma_semaphore, #tpu.memory_space<semaphore_mem>>)
        %dma_wait3A = arith.constant 0 : i32
        %dma_wait3A_95 = arith.constant 0 : i32
        %dma_wait3A_96 = tpu.memref_slice %arg10[%dma_wait3A, %dma_wait3A_95] : memref<400x16xf32, #tpu.memory_space<vmem>> -> memref<280x16xf32, #tpu.memory_space<vmem>>
        %dma_wait3A_97 = arith.constant 49720 : i32
        %dma_wait3A_98 = arith.constant 0 : i32
        %dma_wait3A_99 = tpu.memref_slice %arg13[%dma_wait3A_97, %dma_wait3A_98] : memref<50000x16xf32, #tpu.memory_space<vmem_shared>> -> memref<280x16xf32, #tpu.memory_space<vmem_shared>>
        %dma_wait3A_100 = arith.constant 49720 : i32
        %dma_wait3A_101 = arith.constant 0 : i32
        %dma_wait3A_102 = tpu.memref_slice %arg13[%dma_wait3A_100, %dma_wait3A_101] : memref<50000x16xf32, #tpu.memory_space<vmem_shared>> -> memref<280x16xf32, #tpu.memory_space<vmem_shared>>
        %dma_wait3A_103 = arith.constant 0 : i32
        %dma_wait3A_104 = arith.constant 0 : i32
        %dma_wait3A_105 = tpu.memref_slice %arg10[%dma_wait3A_103, %dma_wait3A_104] : memref<400x16xf32, #tpu.memory_space<vmem>> -> memref<280x16xf32, #tpu.memory_space<vmem>>
        tpu.wait_dma2 semaphore(%run_scoped3A : memref<!tpu.dma_semaphore, #tpu.memory_space<semaphore_mem>>) src(%dma_wait3A_105 : memref<280x16xf32, #tpu.memory_space<vmem>>) dst(%dma_wait3A_102 : memref<280x16xf32, #tpu.memory_space<vmem_shared>>)
        tpu.yield
      }) : () -> ()
    } else {
    }
    %barrier3A_61 = arith.constant 0 : index
    tpu.barrier barrier_id(%barrier3A_61)
    %scan3A_62 = arith.constant 0 : i32
    %scan3A_63 = arith.constant 0 : i32
    %scan3A_64 = arith.constant 62 : i32
    %scan3A_65 = arith.addi %scan3A_63, %scan3A_64 : i32
    %scan3A_66 = arith.constant 1 : i32
    %scan3A_67 = scf.for %scan3A_82 = %scan3A_63 to %scan3A_65 step %scan3A_66 iter_args(%scan3A_83 = %scan3A_62) -> (i32)  : i32 {
      %mul3A_84 = arith.constant 800 : i32
      %mul3A_85 = arith.muli %scan3A_82, %mul3A_84 : i32
      %add3A_86 = arith.addi %mul3A_0, %mul3A_85 : i32
      %add3A_87 = arith.constant 400 : i32
      %add3A_88 = arith.addi %add3A_86, %add3A_87 : i32
      "tpu.region"() ({
        %run_scoped3A = tpu.sem_alloc : memref<!tpu.dma_semaphore, #tpu.memory_space<semaphore_mem>>
        %dma_start3A_108 = tpu.memref_slice %arg3[%add3A_86] : memref<800000xi32, #tpu.memory_space<hbm>> -> memref<400xi32, #tpu.memory_space<hbm>>
        %dma_start3A_109 = tpu.memref_slice %arg3[%add3A_86] : memref<800000xi32, #tpu.memory_space<hbm>> -> memref<400xi32, #tpu.memory_space<hbm>>
        tpu.enqueue_dma source(%dma_start3A_109 : memref<400xi32, #tpu.memory_space<hbm>>) target(%arg6 : memref<400xi32, #tpu.memory_space<vmem>>) target_semaphore(%run_scoped3A : memref<!tpu.dma_semaphore, #tpu.memory_space<semaphore_mem>>)
        %dma_wait3A_110 = tpu.memref_slice %arg3[%add3A_86] : memref<800000xi32, #tpu.memory_space<hbm>> -> memref<400xi32, #tpu.memory_space<hbm>>
        %dma_wait3A_111 = tpu.memref_slice %arg3[%add3A_86] : memref<800000xi32, #tpu.memory_space<hbm>> -> memref<400xi32, #tpu.memory_space<hbm>>
        tpu.wait_dma2 semaphore(%run_scoped3A : memref<!tpu.dma_semaphore, #tpu.memory_space<semaphore_mem>>) src(%dma_wait3A_111 : memref<400xi32, #tpu.memory_space<hbm>>) dst(%arg6 : memref<400xi32, #tpu.memory_space<vmem>>)
        tpu.yield
      }) : () -> ()
      "tpu.region"() ({
        %run_scoped3A = tpu.sem_alloc : memref<!tpu.dma_semaphore, #tpu.memory_space<semaphore_mem>>
        %dma_start3A_108 = tpu.memref_slice %arg4[%add3A_86] : memref<800000xi32, #tpu.memory_space<hbm>> -> memref<400xi32, #tpu.memory_space<hbm>>
        %dma_start3A_109 = tpu.memref_slice %arg4[%add3A_86] : memref<800000xi32, #tpu.memory_space<hbm>> -> memref<400xi32, #tpu.memory_space<hbm>>
        tpu.enqueue_dma source(%dma_start3A_109 : memref<400xi32, #tpu.memory_space<hbm>>) target(%arg7 : memref<400xi32, #tpu.memory_space<vmem>>) target_semaphore(%run_scoped3A : memref<!tpu.dma_semaphore, #tpu.memory_space<semaphore_mem>>)
        %dma_wait3A_110 = tpu.memref_slice %arg4[%add3A_86] : memref<800000xi32, #tpu.memory_space<hbm>> -> memref<400xi32, #tpu.memory_space<hbm>>
        %dma_wait3A_111 = tpu.memref_slice %arg4[%add3A_86] : memref<800000xi32, #tpu.memory_space<hbm>> -> memref<400xi32, #tpu.memory_space<hbm>>
        tpu.wait_dma2 semaphore(%run_scoped3A : memref<!tpu.dma_semaphore, #tpu.memory_space<semaphore_mem>>) src(%dma_wait3A_111 : memref<400xi32, #tpu.memory_space<hbm>>) dst(%arg7 : memref<400xi32, #tpu.memory_space<vmem>>)
        tpu.yield
      }) : () -> ()
      %dma_start3A = tpu.memref_slice %arg3[%add3A_88] : memref<800000xi32, #tpu.memory_space<hbm>> -> memref<400xi32, #tpu.memory_space<hbm>>
      %dma_start3A_89 = tpu.memref_slice %arg3[%add3A_88] : memref<800000xi32, #tpu.memory_space<hbm>> -> memref<400xi32, #tpu.memory_space<hbm>>
      tpu.enqueue_dma source(%dma_start3A_89 : memref<400xi32, #tpu.memory_space<hbm>>) target(%arg8 : memref<400xi32, #tpu.memory_space<vmem>>) target_semaphore(%arg14 : memref<!tpu.dma_semaphore, #tpu.memory_space<semaphore_mem>>)
      %dma_start3A_90 = tpu.memref_slice %arg4[%add3A_88] : memref<800000xi32, #tpu.memory_space<hbm>> -> memref<400xi32, #tpu.memory_space<hbm>>
      %dma_start3A_91 = tpu.memref_slice %arg4[%add3A_88] : memref<800000xi32, #tpu.memory_space<hbm>> -> memref<400xi32, #tpu.memory_space<hbm>>
      tpu.enqueue_dma source(%dma_start3A_91 : memref<400xi32, #tpu.memory_space<hbm>>) target(%arg9 : memref<400xi32, #tpu.memory_space<vmem>>) target_semaphore(%arg14 : memref<!tpu.dma_semaphore, #tpu.memory_space<semaphore_mem>>)
      "tpu.region"() ({
        %run_scoped3A = tpu.sem_alloc : memref<!tpu.dma_semaphore, #tpu.memory_space<semaphore_mem>>
        %dma_start3A_108 = arith.constant 0 : i32
        %dma_start3A_109 = arith.constant 0 : i32
        %dma_start3A_110 = tpu.memref_slice %arg12[%dma_start3A_108, %dma_start3A_109] : memref<50000x16xf32, #tpu.memory_space<vmem_shared>> -> memref<50000x16xf32, #tpu.memory_space<vmem_shared>>
        tpu.enqueue_indirect_dma source(%dma_start3A_110 : memref<50000x16xf32, #tpu.memory_space<vmem_shared>>) target(%arg10 : memref<400x16xf32, #tpu.memory_space<vmem>>) offsets(%arg6 : memref<400xi32, #tpu.memory_space<vmem>>) semaphore(%run_scoped3A : memref<!tpu.dma_semaphore, #tpu.memory_space<semaphore_mem>>)
        %dma_wait3A_111 = arith.constant 0 : i32
        %dma_wait3A_112 = arith.constant 0 : i32
        %dma_wait3A_113 = tpu.memref_slice %arg12[%dma_wait3A_111, %dma_wait3A_112] : memref<50000x16xf32, #tpu.memory_space<vmem_shared>> -> memref<50000x16xf32, #tpu.memory_space<vmem_shared>>
        tpu.wait_indirect_dma semaphore(%run_scoped3A : memref<!tpu.dma_semaphore, #tpu.memory_space<semaphore_mem>>) src(%dma_wait3A_113 : memref<50000x16xf32, #tpu.memory_space<vmem_shared>>) dst(%arg10 : memref<400x16xf32, #tpu.memory_space<vmem>>)
        tpu.yield
      }) : () -> ()
      %dma_start3A_92 = arith.constant 0 : i32
      %dma_start3A_93 = arith.constant 0 : i32
      %dma_start3A_94 = tpu.memref_slice %arg13[%dma_start3A_92, %dma_start3A_93] : memref<50000x16xf32, #tpu.memory_space<vmem_shared>> -> memref<50000x16xf32, #tpu.memory_space<vmem_shared>>
      tpu.enqueue_indirect_dma source(%arg10 : memref<400x16xf32, #tpu.memory_space<vmem>>) target(%dma_start3A_94 : memref<50000x16xf32, #tpu.memory_space<vmem_shared>>) offsets(%arg7 : memref<400xi32, #tpu.memory_space<vmem>>) semaphore(%arg15 : memref<!tpu.dma_semaphore, #tpu.memory_space<semaphore_mem>>) {add = true}
      %dma_wait3A = tpu.memref_slice %arg3[%add3A_88] : memref<800000xi32, #tpu.memory_space<hbm>> -> memref<400xi32, #tpu.memory_space<hbm>>
      %dma_wait3A_95 = tpu.memref_slice %arg3[%add3A_88] : memref<800000xi32, #tpu.memory_space<hbm>> -> memref<400xi32, #tpu.memory_space<hbm>>
      tpu.wait_dma2 semaphore(%arg14 : memref<!tpu.dma_semaphore, #tpu.memory_space<semaphore_mem>>) src(%dma_wait3A_95 : memref<400xi32, #tpu.memory_space<hbm>>) dst(%arg8 : memref<400xi32, #tpu.memory_space<vmem>>)
      %dma_wait3A_96 = tpu.memref_slice %arg4[%add3A_88] : memref<800000xi32, #tpu.memory_space<hbm>> -> memref<400xi32, #tpu.memory_space<hbm>>
      %dma_wait3A_97 = tpu.memref_slice %arg4[%add3A_88] : memref<800000xi32, #tpu.memory_space<hbm>> -> memref<400xi32, #tpu.memory_space<hbm>>
      tpu.wait_dma2 semaphore(%arg14 : memref<!tpu.dma_semaphore, #tpu.memory_space<semaphore_mem>>) src(%dma_wait3A_97 : memref<400xi32, #tpu.memory_space<hbm>>) dst(%arg9 : memref<400xi32, #tpu.memory_space<vmem>>)
      "tpu.region"() ({
        %run_scoped3A = tpu.sem_alloc : memref<!tpu.dma_semaphore, #tpu.memory_space<semaphore_mem>>
        %dma_start3A_108 = arith.constant 0 : i32
        %dma_start3A_109 = arith.constant 0 : i32
        %dma_start3A_110 = tpu.memref_slice %arg12[%dma_start3A_108, %dma_start3A_109] : memref<50000x16xf32, #tpu.memory_space<vmem_shared>> -> memref<50000x16xf32, #tpu.memory_space<vmem_shared>>
        tpu.enqueue_indirect_dma source(%dma_start3A_110 : memref<50000x16xf32, #tpu.memory_space<vmem_shared>>) target(%arg11 : memref<400x16xf32, #tpu.memory_space<vmem>>) offsets(%arg8 : memref<400xi32, #tpu.memory_space<vmem>>) semaphore(%run_scoped3A : memref<!tpu.dma_semaphore, #tpu.memory_space<semaphore_mem>>)
        %dma_wait3A_111 = arith.constant 0 : i32
        %dma_wait3A_112 = arith.constant 0 : i32
        %dma_wait3A_113 = tpu.memref_slice %arg12[%dma_wait3A_111, %dma_wait3A_112] : memref<50000x16xf32, #tpu.memory_space<vmem_shared>> -> memref<50000x16xf32, #tpu.memory_space<vmem_shared>>
        tpu.wait_indirect_dma semaphore(%run_scoped3A : memref<!tpu.dma_semaphore, #tpu.memory_space<semaphore_mem>>) src(%dma_wait3A_113 : memref<50000x16xf32, #tpu.memory_space<vmem_shared>>) dst(%arg11 : memref<400x16xf32, #tpu.memory_space<vmem>>)
        tpu.yield
      }) : () -> ()
      %dma_wait3A_98 = arith.constant 0 : i32
      %dma_wait3A_99 = arith.constant 0 : i32
      %dma_wait3A_100 = tpu.memref_slice %arg13[%dma_wait3A_98, %dma_wait3A_99] : memref<50000x16xf32, #tpu.memory_space<vmem_shared>> -> memref<50000x16xf32, #tpu.memory_space<vmem_shared>>
      tpu.wait_indirect_dma semaphore(%arg15 : memref<!tpu.dma_semaphore, #tpu.memory_space<semaphore_mem>>) src(%arg10 : memref<400x16xf32, #tpu.memory_space<vmem>>) dst(%dma_wait3A_100 : memref<50000x16xf32, #tpu.memory_space<vmem_shared>>)
      %dma_start3A_101 = arith.constant 0 : i32
      %dma_start3A_102 = arith.constant 0 : i32
      %dma_start3A_103 = tpu.memref_slice %arg13[%dma_start3A_101, %dma_start3A_102] : memref<50000x16xf32, #tpu.memory_space<vmem_shared>> -> memref<50000x16xf32, #tpu.memory_space<vmem_shared>>
      tpu.enqueue_indirect_dma source(%arg11 : memref<400x16xf32, #tpu.memory_space<vmem>>) target(%dma_start3A_103 : memref<50000x16xf32, #tpu.memory_space<vmem_shared>>) offsets(%arg9 : memref<400xi32, #tpu.memory_space<vmem>>) semaphore(%arg15 : memref<!tpu.dma_semaphore, #tpu.memory_space<semaphore_mem>>) {add = true}
      %dma_wait3A_104 = arith.constant 0 : i32
      %dma_wait3A_105 = arith.constant 0 : i32
      %dma_wait3A_106 = tpu.memref_slice %arg13[%dma_wait3A_104, %dma_wait3A_105] : memref<50000x16xf32, #tpu.memory_space<vmem_shared>> -> memref<50000x16xf32, #tpu.memory_space<vmem_shared>>
      tpu.wait_indirect_dma semaphore(%arg15 : memref<!tpu.dma_semaphore, #tpu.memory_space<semaphore_mem>>) src(%arg11 : memref<400x16xf32, #tpu.memory_space<vmem>>) dst(%dma_wait3A_106 : memref<50000x16xf32, #tpu.memory_space<vmem_shared>>)
      %scan3A_107 = arith.constant 0 : i32
      scf.yield %scan3A_107 : i32
    }
    %scan3A_68 = arith.constant 62 : i32
    %add3A_69 = arith.constant 49600 : i32
    %add3A_70 = arith.addi %mul3A_0, %add3A_69 : i32
    "tpu.region"() ({
      %run_scoped3A = tpu.sem_alloc : memref<!tpu.dma_semaphore, #tpu.memory_space<semaphore_mem>>
      %dma_start3A = tpu.memref_slice %arg3[%add3A_70] : memref<800000xi32, #tpu.memory_space<hbm>> -> memref<400xi32, #tpu.memory_space<hbm>>
      %dma_start3A_82 = tpu.memref_slice %arg3[%add3A_70] : memref<800000xi32, #tpu.memory_space<hbm>> -> memref<400xi32, #tpu.memory_space<hbm>>
      tpu.enqueue_dma source(%dma_start3A_82 : memref<400xi32, #tpu.memory_space<hbm>>) target(%arg6 : memref<400xi32, #tpu.memory_space<vmem>>) target_semaphore(%run_scoped3A : memref<!tpu.dma_semaphore, #tpu.memory_space<semaphore_mem>>)
      %dma_wait3A = tpu.memref_slice %arg3[%add3A_70] : memref<800000xi32, #tpu.memory_space<hbm>> -> memref<400xi32, #tpu.memory_space<hbm>>
      %dma_wait3A_83 = tpu.memref_slice %arg3[%add3A_70] : memref<800000xi32, #tpu.memory_space<hbm>> -> memref<400xi32, #tpu.memory_space<hbm>>
      tpu.wait_dma2 semaphore(%run_scoped3A : memref<!tpu.dma_semaphore, #tpu.memory_space<semaphore_mem>>) src(%dma_wait3A_83 : memref<400xi32, #tpu.memory_space<hbm>>) dst(%arg6 : memref<400xi32, #tpu.memory_space<vmem>>)
      tpu.yield
    }) : () -> ()
    "tpu.region"() ({
      %run_scoped3A = tpu.sem_alloc : memref<!tpu.dma_semaphore, #tpu.memory_space<semaphore_mem>>
      %dma_start3A = tpu.memref_slice %arg4[%add3A_70] : memref<800000xi32, #tpu.memory_space<hbm>> -> memref<400xi32, #tpu.memory_space<hbm>>
      %dma_start3A_82 = tpu.memref_slice %arg4[%add3A_70] : memref<800000xi32, #tpu.memory_space<hbm>> -> memref<400xi32, #tpu.memory_space<hbm>>
      tpu.enqueue_dma source(%dma_start3A_82 : memref<400xi32, #tpu.memory_space<hbm>>) target(%arg7 : memref<400xi32, #tpu.memory_space<vmem>>) target_semaphore(%run_scoped3A : memref<!tpu.dma_semaphore, #tpu.memory_space<semaphore_mem>>)
      %dma_wait3A = tpu.memref_slice %arg4[%add3A_70] : memref<800000xi32, #tpu.memory_space<hbm>> -> memref<400xi32, #tpu.memory_space<hbm>>
      %dma_wait3A_83 = tpu.memref_slice %arg4[%add3A_70] : memref<800000xi32, #tpu.memory_space<hbm>> -> memref<400xi32, #tpu.memory_space<hbm>>
      tpu.wait_dma2 semaphore(%run_scoped3A : memref<!tpu.dma_semaphore, #tpu.memory_space<semaphore_mem>>) src(%dma_wait3A_83 : memref<400xi32, #tpu.memory_space<hbm>>) dst(%arg7 : memref<400xi32, #tpu.memory_space<vmem>>)
      tpu.yield
    }) : () -> ()
    "tpu.region"() ({
      %run_scoped3A = tpu.sem_alloc : memref<!tpu.dma_semaphore, #tpu.memory_space<semaphore_mem>>
      %dma_start3A = arith.constant 0 : i32
      %dma_start3A_82 = arith.constant 0 : i32
      %dma_start3A_83 = tpu.memref_slice %arg12[%dma_start3A, %dma_start3A_82] : memref<50000x16xf32, #tpu.memory_space<vmem_shared>> -> memref<50000x16xf32, #tpu.memory_space<vmem_shared>>
      tpu.enqueue_indirect_dma source(%dma_start3A_83 : memref<50000x16xf32, #tpu.memory_space<vmem_shared>>) target(%arg10 : memref<400x16xf32, #tpu.memory_space<vmem>>) offsets(%arg6 : memref<400xi32, #tpu.memory_space<vmem>>) semaphore(%run_scoped3A : memref<!tpu.dma_semaphore, #tpu.memory_space<semaphore_mem>>)
      %dma_wait3A = arith.constant 0 : i32
      %dma_wait3A_84 = arith.constant 0 : i32
      %dma_wait3A_85 = tpu.memref_slice %arg12[%dma_wait3A, %dma_wait3A_84] : memref<50000x16xf32, #tpu.memory_space<vmem_shared>> -> memref<50000x16xf32, #tpu.memory_space<vmem_shared>>
      tpu.wait_indirect_dma semaphore(%run_scoped3A : memref<!tpu.dma_semaphore, #tpu.memory_space<semaphore_mem>>) src(%dma_wait3A_85 : memref<50000x16xf32, #tpu.memory_space<vmem_shared>>) dst(%arg10 : memref<400x16xf32, #tpu.memory_space<vmem>>)
      tpu.yield
    }) : () -> ()
    "tpu.region"() ({
      %run_scoped3A = tpu.sem_alloc : memref<!tpu.dma_semaphore, #tpu.memory_space<semaphore_mem>>
      %dma_start3A = arith.constant 0 : i32
      %dma_start3A_82 = arith.constant 0 : i32
      %dma_start3A_83 = tpu.memref_slice %arg13[%dma_start3A, %dma_start3A_82] : memref<50000x16xf32, #tpu.memory_space<vmem_shared>> -> memref<50000x16xf32, #tpu.memory_space<vmem_shared>>
      tpu.enqueue_indirect_dma source(%arg10 : memref<400x16xf32, #tpu.memory_space<vmem>>) target(%dma_start3A_83 : memref<50000x16xf32, #tpu.memory_space<vmem_shared>>) offsets(%arg7 : memref<400xi32, #tpu.memory_space<vmem>>) semaphore(%run_scoped3A : memref<!tpu.dma_semaphore, #tpu.memory_space<semaphore_mem>>) {add = true}
      %dma_wait3A = arith.constant 0 : i32
      %dma_wait3A_84 = arith.constant 0 : i32
      %dma_wait3A_85 = tpu.memref_slice %arg13[%dma_wait3A, %dma_wait3A_84] : memref<50000x16xf32, #tpu.memory_space<vmem_shared>> -> memref<50000x16xf32, #tpu.memory_space<vmem_shared>>
      tpu.wait_indirect_dma semaphore(%run_scoped3A : memref<!tpu.dma_semaphore, #tpu.memory_space<semaphore_mem>>) src(%arg10 : memref<400x16xf32, #tpu.memory_space<vmem>>) dst(%dma_wait3A_85 : memref<50000x16xf32, #tpu.memory_space<vmem_shared>>)
      tpu.yield
    }) : () -> ()
    %barrier3A_71 = arith.constant 0 : index
    tpu.barrier barrier_id(%barrier3A_71)
    %lt3A_72 = arith.constant 15 : i32
    %lt3A_73 = arith.cmpi slt, %arg1, %lt3A_72 : i32
    %convert_element_type3A_74 = arith.extui %lt3A_73 : i1 to i32
    %cond3A_75 = arith.constant 0 : i32
    %cond3A_76 = arith.cmpi ne, %convert_element_type3A_74, %cond3A_75 : i32
    scf.if %cond3A_76 {
      %mul3A_82 = arith.constant 3128 : i32
      %mul3A_83 = arith.muli %arg1, %mul3A_82 : i32
      %mul3A_84 = arith.constant 16 : i32
      %mul3A_85 = arith.muli %add3A_41, %mul3A_84 : i32
      "tpu.region"() ({
        %run_scoped3A = tpu.sem_alloc : memref<!tpu.dma_semaphore, #tpu.memory_space<semaphore_mem>>
        %dma_start3A = tpu.memref_slice %arg5[%mul3A_83, %mul3A_85] : memref<50000x128xf32, #tpu.memory_space<hbm>> -> memref<3128x16xf32, #tpu.memory_space<hbm>>
        %dma_start3A_86 = arith.constant 0 : i32
        %dma_start3A_87 = tpu.memref_slice %arg13[%mul3A_83, %dma_start3A_86] : memref<50000x16xf32, #tpu.memory_space<vmem_shared>> -> memref<3128x16xf32, #tpu.memory_space<vmem_shared>>
        tpu.enqueue_dma source(%dma_start3A_87 : memref<3128x16xf32, #tpu.memory_space<vmem_shared>>) target(%dma_start3A : memref<3128x16xf32, #tpu.memory_space<hbm>>) target_semaphore(%run_scoped3A : memref<!tpu.dma_semaphore, #tpu.memory_space<semaphore_mem>>)
        %dma_wait3A = tpu.memref_slice %arg5[%mul3A_83, %mul3A_85] : memref<50000x128xf32, #tpu.memory_space<hbm>> -> memref<3128x16xf32, #tpu.memory_space<hbm>>
        %dma_wait3A_88 = arith.constant 0 : i32
        %dma_wait3A_89 = tpu.memref_slice %arg13[%mul3A_83, %dma_wait3A_88] : memref<50000x16xf32, #tpu.memory_space<vmem_shared>> -> memref<3128x16xf32, #tpu.memory_space<vmem_shared>>
        tpu.wait_dma2 semaphore(%run_scoped3A : memref<!tpu.dma_semaphore, #tpu.memory_space<semaphore_mem>>) src(%dma_wait3A_89 : memref<3128x16xf32, #tpu.memory_space<vmem_shared>>) dst(%dma_wait3A : memref<3128x16xf32, #tpu.memory_space<hbm>>)
        tpu.yield
      }) : () -> ()
    } else {
    }
    %eq3A_77 = arith.constant 15 : i32
    %eq3A_78 = arith.cmpi eq, %arg1, %eq3A_77 : i32
    %convert_element_type3A_79 = arith.extui %eq3A_78 : i1 to i32
    %cond3A_80 = arith.constant 0 : i32
    %cond3A_81 = arith.cmpi ne, %convert_element_type3A_79, %cond3A_80 : i32
    scf.if %cond3A_81 {
      %mul3A_82 = arith.constant 16 : i32
      %mul3A_83 = arith.muli %add3A_41, %mul3A_82 : i32
      "tpu.region"() ({
        %run_scoped3A = tpu.sem_alloc : memref<!tpu.dma_semaphore, #tpu.memory_space<semaphore_mem>>
        %dma_start3A = arith.constant 46920 : i32
        %dma_start3A_84 = tpu.memref_slice %arg5[%dma_start3A, %mul3A_83] : memref<50000x128xf32, #tpu.memory_space<hbm>> -> memref<3080x16xf32, #tpu.memory_space<hbm>>
        %dma_start3A_85 = arith.constant 46920 : i32
        %dma_start3A_86 = arith.constant 0 : i32
        %dma_start3A_87 = tpu.memref_slice %arg13[%dma_start3A_85, %dma_start3A_86] : memref<50000x16xf32, #tpu.memory_space<vmem_shared>> -> memref<3080x16xf32, #tpu.memory_space<vmem_shared>>
        tpu.enqueue_dma source(%dma_start3A_87 : memref<3080x16xf32, #tpu.memory_space<vmem_shared>>) target(%dma_start3A_84 : memref<3080x16xf32, #tpu.memory_space<hbm>>) target_semaphore(%run_scoped3A : memref<!tpu.dma_semaphore, #tpu.memory_space<semaphore_mem>>)
        %dma_wait3A = arith.constant 46920 : i32
        %dma_wait3A_88 = tpu.memref_slice %arg5[%dma_wait3A, %mul3A_83] : memref<50000x128xf32, #tpu.memory_space<hbm>> -> memref<3080x16xf32, #tpu.memory_space<hbm>>
        %dma_wait3A_89 = arith.constant 46920 : i32
        %dma_wait3A_90 = arith.constant 0 : i32
        %dma_wait3A_91 = tpu.memref_slice %arg13[%dma_wait3A_89, %dma_wait3A_90] : memref<50000x16xf32, #tpu.memory_space<vmem_shared>> -> memref<3080x16xf32, #tpu.memory_space<vmem_shared>>
        tpu.wait_dma2 semaphore(%run_scoped3A : memref<!tpu.dma_semaphore, #tpu.memory_space<semaphore_mem>>) src(%dma_wait3A_91 : memref<3080x16xf32, #tpu.memory_space<vmem_shared>>) dst(%dma_wait3A_88 : memref<3080x16xf32, #tpu.memory_space<hbm>>)
        tpu.yield
      }) : () -> ()
    } else {
    }
    return
  }
}

#map = affine_map<(d0, d1) -> (0, 0)>
#map1 = affine_map<(d0, d1) -> (0)>
module attributes {stable_mosaic.version = 14 : i64} {
  func.func @k(%arg0: i32, %arg1: i32, %arg2: memref<50000x128xf32, #tpu.memory_space<hbm>>, %arg3: memref<800000xi32, #tpu.memory_space<hbm>>, %arg4: memref<800000xi32, #tpu.memory_space<hbm>>, %arg5: memref<50000x128xf32, #tpu.memory_space<hbm>>, %arg6: memref<800xi32, #tpu.memory_space<vmem>>, %arg7: memref<800xi32, #tpu.memory_space<vmem>>, %arg8: memref<800x16xf32, #tpu.memory_space<vmem>>, %arg9: memref<50000x16xf32, #tpu.memory_space<vmem_shared>>, %arg10: memref<50000x16xf32, #tpu.memory_space<vmem_shared>>) attributes {dimension_semantics = [#tpu.dimension_semantics<core_parallel>, #tpu.dimension_semantics<subcore_parallel>], iteration_bounds = array<i64: 2, 16>, scalar_prefetch = 0 : i64, scratch_operands = 5 : i64, tpu.core_type = #tpu.core_type<sc_vector_subcore>, window_params = [{transform_indices = #map}, {transform_indices = #map1}, {transform_indices = #map1}, {transform_indices = #map}]} {
    %mul3A = arith.constant 2 : i32
    %mul3A_0 = arith.muli %arg1, %mul3A : i32
    %add3A = arith.addi %mul3A_0, %arg0 : i32
    %broadcast_in_dim3A = arith.constant 0.000000e+00 : f32
    %broadcast_in_dim3A_1 = vector.broadcast %broadcast_in_dim3A : f32 to vector<16xf32>
    %scan3A = arith.constant 0 : i32
    %scan3A_2 = arith.constant 0 : i32
    %scan3A_3 = arith.constant 800 : i32
    %scan3A_4 = arith.addi %scan3A_2, %scan3A_3 : i32
    %scan3A_5 = arith.constant 1 : i32
    %scan3A_6 = scf.for %scan3A_32 = %scan3A_2 to %scan3A_4 step %scan3A_5 iter_args(%scan3A_33 = %scan3A) -> (i32)  : i32 {
      %swap3A = arith.index_cast %scan3A_32 : i32 to index
      %swap3A_34 = arith.constant 0 : index
      %swap3A_35 = tpu.vector_load %arg8[%swap3A, %swap3A_34] {strides = array<i32>} : memref<800x16xf32, #tpu.memory_space<vmem>>, vector<1x16xf32>,
      %swap3A_36 = vector.shape_cast %swap3A_35 : vector<1x16xf32> to vector<16xf32>
      %swap3A_37 = vector.shape_cast %broadcast_in_dim3A_1 : vector<16xf32> to vector<1x16xf32>
      tpu.vector_store %arg8[%swap3A, %swap3A_34], %swap3A_37 {strides = array<i32>} : memref<800x16xf32, #tpu.memory_space<vmem>>, vector<1x16xf32>,
      %scan3A_38 = arith.constant 0 : i32
      scf.yield %scan3A_38 : i32
    }
    %scan3A_7 = arith.constant 800 : i32
    %lt3A = arith.constant 15 : i32
    %lt3A_8 = arith.cmpi slt, %arg1, %lt3A : i32
    %convert_element_type3A = arith.extui %lt3A_8 : i1 to i32
    %cond3A = arith.constant 0 : i32
    %cond3A_9 = arith.cmpi ne, %convert_element_type3A, %cond3A : i32
    scf.if %cond3A_9 {
      %mul3A_32 = arith.constant 3128 : i32
      %mul3A_33 = arith.muli %arg1, %mul3A_32 : i32
      "tpu.region"() ({
        %run_scoped3A = tpu.sem_alloc : memref<!tpu.dma_semaphore, #tpu.memory_space<semaphore_mem>>
        %dma_start3A = arith.constant 0 : i32
        %dma_start3A_42 = tpu.memref_slice %arg9[%mul3A_33, %dma_start3A] : memref<50000x16xf32, #tpu.memory_space<vmem_shared>> -> memref<3128x16xf32, #tpu.memory_space<vmem_shared>>
        %dma_start3A_43 = arith.constant 0 : i32
        %dma_start3A_44 = tpu.memref_slice %arg2[%mul3A_33, %dma_start3A_43] : memref<50000x128xf32, #tpu.memory_space<hbm>> -> memref<3128x16xf32, #tpu.memory_space<hbm>>
        tpu.enqueue_dma source(%dma_start3A_44 : memref<3128x16xf32, #tpu.memory_space<hbm>>) target(%dma_start3A_42 : memref<3128x16xf32, #tpu.memory_space<vmem_shared>>) target_semaphore(%run_scoped3A : memref<!tpu.dma_semaphore, #tpu.memory_space<semaphore_mem>>)
        %dma_wait3A = arith.constant 0 : i32
        %dma_wait3A_45 = tpu.memref_slice %arg9[%mul3A_33, %dma_wait3A] : memref<50000x16xf32, #tpu.memory_space<vmem_shared>> -> memref<3128x16xf32, #tpu.memory_space<vmem_shared>>
        %dma_wait3A_46 = arith.constant 0 : i32
        %dma_wait3A_47 = tpu.memref_slice %arg2[%mul3A_33, %dma_wait3A_46] : memref<50000x128xf32, #tpu.memory_space<hbm>> -> memref<3128x16xf32, #tpu.memory_space<hbm>>
        tpu.wait_dma2 semaphore(%run_scoped3A : memref<!tpu.dma_semaphore, #tpu.memory_space<semaphore_mem>>) src(%dma_wait3A_47 : memref<3128x16xf32, #tpu.memory_space<hbm>>) dst(%dma_wait3A_45 : memref<3128x16xf32, #tpu.memory_space<vmem_shared>>)
        tpu.yield
      }) : () -> ()
      %add3A_34 = arith.constant 0 : i32
      %add3A_35 = arith.addi %mul3A_33, %add3A_34 : i32
      "tpu.region"() ({
        %run_scoped3A = tpu.sem_alloc : memref<!tpu.dma_semaphore, #tpu.memory_space<semaphore_mem>>
        %dma_start3A = arith.constant 0 : i32
        %dma_start3A_42 = tpu.memref_slice %arg10[%add3A_35, %dma_start3A] : memref<50000x16xf32, #tpu.memory_space<vmem_shared>> -> memref<800x16xf32, #tpu.memory_space<vmem_shared>>
        %dma_start3A_43 = arith.constant 0 : i32
        %dma_start3A_44 = tpu.memref_slice %arg10[%add3A_35, %dma_start3A_43] : memref<50000x16xf32, #tpu.memory_space<vmem_shared>> -> memref<800x16xf32, #tpu.memory_space<vmem_shared>>
        tpu.enqueue_dma source(%arg8 : memref<800x16xf32, #tpu.memory_space<vmem>>) target(%dma_start3A_44 : memref<800x16xf32, #tpu.memory_space<vmem_shared>>) target_semaphore(%run_scoped3A : memref<!tpu.dma_semaphore, #tpu.memory_space<semaphore_mem>>)
        %dma_wait3A = arith.constant 0 : i32
        %dma_wait3A_45 = tpu.memref_slice %arg10[%add3A_35, %dma_wait3A] : memref<50000x16xf32, #tpu.memory_space<vmem_shared>> -> memref<800x16xf32, #tpu.memory_space<vmem_shared>>
        %dma_wait3A_46 = arith.constant 0 : i32
        %dma_wait3A_47 = tpu.memref_slice %arg10[%add3A_35, %dma_wait3A_46] : memref<50000x16xf32, #tpu.memory_space<vmem_shared>> -> memref<800x16xf32, #tpu.memory_space<vmem_shared>>
        tpu.wait_dma2 semaphore(%run_scoped3A : memref<!tpu.dma_semaphore, #tpu.memory_space<semaphore_mem>>) src(%arg8 : memref<800x16xf32, #tpu.memory_space<vmem>>) dst(%dma_wait3A_47 : memref<800x16xf32, #tpu.memory_space<vmem_shared>>)
        tpu.yield
      }) : () -> ()
      %add3A_36 = arith.constant 800 : i32
      %add3A_37 = arith.addi %mul3A_33, %add3A_36 : i32
      "tpu.region"() ({
        %run_scoped3A = tpu.sem_alloc : memref<!tpu.dma_semaphore, #tpu.memory_space<semaphore_mem>>
        %dma_start3A = arith.constant 0 : i32
        %dma_start3A_42 = tpu.memref_slice %arg10[%add3A_37, %dma_start3A] : memref<50000x16xf32, #tpu.memory_space<vmem_shared>> -> memref<800x16xf32, #tpu.memory_space<vmem_shared>>
        %dma_start3A_43 = arith.constant 0 : i32
        %dma_start3A_44 = tpu.memref_slice %arg10[%add3A_37, %dma_start3A_43] : memref<50000x16xf32, #tpu.memory_space<vmem_shared>> -> memref<800x16xf32, #tpu.memory_space<vmem_shared>>
        tpu.enqueue_dma source(%arg8 : memref<800x16xf32, #tpu.memory_space<vmem>>) target(%dma_start3A_44 : memref<800x16xf32, #tpu.memory_space<vmem_shared>>) target_semaphore(%run_scoped3A : memref<!tpu.dma_semaphore, #tpu.memory_space<semaphore_mem>>)
        %dma_wait3A = arith.constant 0 : i32
        %dma_wait3A_45 = tpu.memref_slice %arg10[%add3A_37, %dma_wait3A] : memref<50000x16xf32, #tpu.memory_space<vmem_shared>> -> memref<800x16xf32, #tpu.memory_space<vmem_shared>>
        %dma_wait3A_46 = arith.constant 0 : i32
        %dma_wait3A_47 = tpu.memref_slice %arg10[%add3A_37, %dma_wait3A_46] : memref<50000x16xf32, #tpu.memory_space<vmem_shared>> -> memref<800x16xf32, #tpu.memory_space<vmem_shared>>
        tpu.wait_dma2 semaphore(%run_scoped3A : memref<!tpu.dma_semaphore, #tpu.memory_space<semaphore_mem>>) src(%arg8 : memref<800x16xf32, #tpu.memory_space<vmem>>) dst(%dma_wait3A_47 : memref<800x16xf32, #tpu.memory_space<vmem_shared>>)
        tpu.yield
      }) : () -> ()
      %add3A_38 = arith.constant 1600 : i32
      %add3A_39 = arith.addi %mul3A_33, %add3A_38 : i32
      "tpu.region"() ({
        %run_scoped3A = tpu.sem_alloc : memref<!tpu.dma_semaphore, #tpu.memory_space<semaphore_mem>>
        %dma_start3A = arith.constant 0 : i32
        %dma_start3A_42 = tpu.memref_slice %arg10[%add3A_39, %dma_start3A] : memref<50000x16xf32, #tpu.memory_space<vmem_shared>> -> memref<800x16xf32, #tpu.memory_space<vmem_shared>>
        %dma_start3A_43 = arith.constant 0 : i32
        %dma_start3A_44 = tpu.memref_slice %arg10[%add3A_39, %dma_start3A_43] : memref<50000x16xf32, #tpu.memory_space<vmem_shared>> -> memref<800x16xf32, #tpu.memory_space<vmem_shared>>
        tpu.enqueue_dma source(%arg8 : memref<800x16xf32, #tpu.memory_space<vmem>>) target(%dma_start3A_44 : memref<800x16xf32, #tpu.memory_space<vmem_shared>>) target_semaphore(%run_scoped3A : memref<!tpu.dma_semaphore, #tpu.memory_space<semaphore_mem>>)
        %dma_wait3A = arith.constant 0 : i32
        %dma_wait3A_45 = tpu.memref_slice %arg10[%add3A_39, %dma_wait3A] : memref<50000x16xf32, #tpu.memory_space<vmem_shared>> -> memref<800x16xf32, #tpu.memory_space<vmem_shared>>
        %dma_wait3A_46 = arith.constant 0 : i32
        %dma_wait3A_47 = tpu.memref_slice %arg10[%add3A_39, %dma_wait3A_46] : memref<50000x16xf32, #tpu.memory_space<vmem_shared>> -> memref<800x16xf32, #tpu.memory_space<vmem_shared>>
        tpu.wait_dma2 semaphore(%run_scoped3A : memref<!tpu.dma_semaphore, #tpu.memory_space<semaphore_mem>>) src(%arg8 : memref<800x16xf32, #tpu.memory_space<vmem>>) dst(%dma_wait3A_47 : memref<800x16xf32, #tpu.memory_space<vmem_shared>>)
        tpu.yield
      }) : () -> ()
      %add3A_40 = arith.constant 2400 : i32
      %add3A_41 = arith.addi %mul3A_33, %add3A_40 : i32
      "tpu.region"() ({
        %run_scoped3A = tpu.sem_alloc : memref<!tpu.dma_semaphore, #tpu.memory_space<semaphore_mem>>
        %dma_start3A = arith.constant 0 : i32
        %dma_start3A_42 = arith.constant 0 : i32
        %dma_start3A_43 = tpu.memref_slice %arg8[%dma_start3A, %dma_start3A_42] : memref<800x16xf32, #tpu.memory_space<vmem>> -> memref<728x16xf32, #tpu.memory_space<vmem>>
        %dma_start3A_44 = arith.constant 0 : i32
        %dma_start3A_45 = tpu.memref_slice %arg10[%add3A_41, %dma_start3A_44] : memref<50000x16xf32, #tpu.memory_space<vmem_shared>> -> memref<728x16xf32, #tpu.memory_space<vmem_shared>>
        %dma_start3A_46 = arith.constant 0 : i32
        %dma_start3A_47 = tpu.memref_slice %arg10[%add3A_41, %dma_start3A_46] : memref<50000x16xf32, #tpu.memory_space<vmem_shared>> -> memref<728x16xf32, #tpu.memory_space<vmem_shared>>
        %dma_start3A_48 = arith.constant 0 : i32
        %dma_start3A_49 = arith.constant 0 : i32
        %dma_start3A_50 = tpu.memref_slice %arg8[%dma_start3A_48, %dma_start3A_49] : memref<800x16xf32, #tpu.memory_space<vmem>> -> memref<728x16xf32, #tpu.memory_space<vmem>>
        tpu.enqueue_dma source(%dma_start3A_50 : memref<728x16xf32, #tpu.memory_space<vmem>>) target(%dma_start3A_47 : memref<728x16xf32, #tpu.memory_space<vmem_shared>>) target_semaphore(%run_scoped3A : memref<!tpu.dma_semaphore, #tpu.memory_space<semaphore_mem>>)
        %dma_wait3A = arith.constant 0 : i32
        %dma_wait3A_51 = arith.constant 0 : i32
        %dma_wait3A_52 = tpu.memref_slice %arg8[%dma_wait3A, %dma_wait3A_51] : memref<800x16xf32, #tpu.memory_space<vmem>> -> memref<728x16xf32, #tpu.memory_space<vmem>>
        %dma_wait3A_53 = arith.constant 0 : i32
        %dma_wait3A_54 = tpu.memref_slice %arg10[%add3A_41, %dma_wait3A_53] : memref<50000x16xf32, #tpu.memory_space<vmem_shared>> -> memref<728x16xf32, #tpu.memory_space<vmem_shared>>
        %dma_wait3A_55 = arith.constant 0 : i32
        %dma_wait3A_56 = tpu.memref_slice %arg10[%add3A_41, %dma_wait3A_55] : memref<50000x16xf32, #tpu.memory_space<vmem_shared>> -> memref<728x16xf32, #tpu.memory_space<vmem_shared>>
        %dma_wait3A_57 = arith.constant 0 : i32
        %dma_wait3A_58 = arith.constant 0 : i32
        %dma_wait3A_59 = tpu.memref_slice %arg8[%dma_wait3A_57, %dma_wait3A_58] : memref<800x16xf32, #tpu.memory_space<vmem>> -> memref<728x16xf32, #tpu.memory_space<vmem>>
        tpu.wait_dma2 semaphore(%run_scoped3A : memref<!tpu.dma_semaphore, #tpu.memory_space<semaphore_mem>>) src(%dma_wait3A_59 : memref<728x16xf32, #tpu.memory_space<vmem>>) dst(%dma_wait3A_56 : memref<728x16xf32, #tpu.memory_space<vmem_shared>>)
        tpu.yield
      }) : () -> ()
    } else {
    }
    %eq3A = arith.constant 15 : i32
    %eq3A_10 = arith.cmpi eq, %arg1, %eq3A : i32
    %convert_element_type3A_11 = arith.extui %eq3A_10 : i1 to i32
    %cond3A_12 = arith.constant 0 : i32
    %cond3A_13 = arith.cmpi ne, %convert_element_type3A_11, %cond3A_12 : i32
    scf.if %cond3A_13 {
      "tpu.region"() ({
        %run_scoped3A = tpu.sem_alloc : memref<!tpu.dma_semaphore, #tpu.memory_space<semaphore_mem>>
        %dma_start3A = arith.constant 46920 : i32
        %dma_start3A_32 = arith.constant 0 : i32
        %dma_start3A_33 = tpu.memref_slice %arg9[%dma_start3A, %dma_start3A_32] : memref<50000x16xf32, #tpu.memory_space<vmem_shared>> -> memref<3080x16xf32, #tpu.memory_space<vmem_shared>>
        %dma_start3A_34 = arith.constant 46920 : i32
        %dma_start3A_35 = arith.constant 0 : i32
        %dma_start3A_36 = tpu.memref_slice %arg2[%dma_start3A_34, %dma_start3A_35] : memref<50000x128xf32, #tpu.memory_space<hbm>> -> memref<3080x16xf32, #tpu.memory_space<hbm>>
        tpu.enqueue_dma source(%dma_start3A_36 : memref<3080x16xf32, #tpu.memory_space<hbm>>) target(%dma_start3A_33 : memref<3080x16xf32, #tpu.memory_space<vmem_shared>>) target_semaphore(%run_scoped3A : memref<!tpu.dma_semaphore, #tpu.memory_space<semaphore_mem>>)
        %dma_wait3A = arith.constant 46920 : i32
        %dma_wait3A_37 = arith.constant 0 : i32
        %dma_wait3A_38 = tpu.memref_slice %arg9[%dma_wait3A, %dma_wait3A_37] : memref<50000x16xf32, #tpu.memory_space<vmem_shared>> -> memref<3080x16xf32, #tpu.memory_space<vmem_shared>>
        %dma_wait3A_39 = arith.constant 46920 : i32
        %dma_wait3A_40 = arith.constant 0 : i32
        %dma_wait3A_41 = tpu.memref_slice %arg2[%dma_wait3A_39, %dma_wait3A_40] : memref<50000x128xf32, #tpu.memory_space<hbm>> -> memref<3080x16xf32, #tpu.memory_space<hbm>>
        tpu.wait_dma2 semaphore(%run_scoped3A : memref<!tpu.dma_semaphore, #tpu.memory_space<semaphore_mem>>) src(%dma_wait3A_41 : memref<3080x16xf32, #tpu.memory_space<hbm>>) dst(%dma_wait3A_38 : memref<3080x16xf32, #tpu.memory_space<vmem_shared>>)
        tpu.yield
      }) : () -> ()
      "tpu.region"() ({
        %run_scoped3A = tpu.sem_alloc : memref<!tpu.dma_semaphore, #tpu.memory_space<semaphore_mem>>
        %dma_start3A = arith.constant 46920 : i32
        %dma_start3A_32 = arith.constant 0 : i32
        %dma_start3A_33 = tpu.memref_slice %arg10[%dma_start3A, %dma_start3A_32] : memref<50000x16xf32, #tpu.memory_space<vmem_shared>> -> memref<800x16xf32, #tpu.memory_space<vmem_shared>>
        %dma_start3A_34 = arith.constant 46920 : i32
        %dma_start3A_35 = arith.constant 0 : i32
        %dma_start3A_36 = tpu.memref_slice %arg10[%dma_start3A_34, %dma_start3A_35] : memref<50000x16xf32, #tpu.memory_space<vmem_shared>> -> memref<800x16xf32, #tpu.memory_space<vmem_shared>>
        tpu.enqueue_dma source(%arg8 : memref<800x16xf32, #tpu.memory_space<vmem>>) target(%dma_start3A_36 : memref<800x16xf32, #tpu.memory_space<vmem_shared>>) target_semaphore(%run_scoped3A : memref<!tpu.dma_semaphore, #tpu.memory_space<semaphore_mem>>)
        %dma_wait3A = arith.constant 46920 : i32
        %dma_wait3A_37 = arith.constant 0 : i32
        %dma_wait3A_38 = tpu.memref_slice %arg10[%dma_wait3A, %dma_wait3A_37] : memref<50000x16xf32, #tpu.memory_space<vmem_shared>> -> memref<800x16xf32, #tpu.memory_space<vmem_shared>>
        %dma_wait3A_39 = arith.constant 46920 : i32
        %dma_wait3A_40 = arith.constant 0 : i32
        %dma_wait3A_41 = tpu.memref_slice %arg10[%dma_wait3A_39, %dma_wait3A_40] : memref<50000x16xf32, #tpu.memory_space<vmem_shared>> -> memref<800x16xf32, #tpu.memory_space<vmem_shared>>
        tpu.wait_dma2 semaphore(%run_scoped3A : memref<!tpu.dma_semaphore, #tpu.memory_space<semaphore_mem>>) src(%arg8 : memref<800x16xf32, #tpu.memory_space<vmem>>) dst(%dma_wait3A_41 : memref<800x16xf32, #tpu.memory_space<vmem_shared>>)
        tpu.yield
      }) : () -> ()
      "tpu.region"() ({
        %run_scoped3A = tpu.sem_alloc : memref<!tpu.dma_semaphore, #tpu.memory_space<semaphore_mem>>
        %dma_start3A = arith.constant 47720 : i32
        %dma_start3A_32 = arith.constant 0 : i32
        %dma_start3A_33 = tpu.memref_slice %arg10[%dma_start3A, %dma_start3A_32] : memref<50000x16xf32, #tpu.memory_space<vmem_shared>> -> memref<800x16xf32, #tpu.memory_space<vmem_shared>>
        %dma_start3A_34 = arith.constant 47720 : i32
        %dma_start3A_35 = arith.constant 0 : i32
        %dma_start3A_36 = tpu.memref_slice %arg10[%dma_start3A_34, %dma_start3A_35] : memref<50000x16xf32, #tpu.memory_space<vmem_shared>> -> memref<800x16xf32, #tpu.memory_space<vmem_shared>>
        tpu.enqueue_dma source(%arg8 : memref<800x16xf32, #tpu.memory_space<vmem>>) target(%dma_start3A_36 : memref<800x16xf32, #tpu.memory_space<vmem_shared>>) target_semaphore(%run_scoped3A : memref<!tpu.dma_semaphore, #tpu.memory_space<semaphore_mem>>)
        %dma_wait3A = arith.constant 47720 : i32
        %dma_wait3A_37 = arith.constant 0 : i32
        %dma_wait3A_38 = tpu.memref_slice %arg10[%dma_wait3A, %dma_wait3A_37] : memref<50000x16xf32, #tpu.memory_space<vmem_shared>> -> memref<800x16xf32, #tpu.memory_space<vmem_shared>>
        %dma_wait3A_39 = arith.constant 47720 : i32
        %dma_wait3A_40 = arith.constant 0 : i32
        %dma_wait3A_41 = tpu.memref_slice %arg10[%dma_wait3A_39, %dma_wait3A_40] : memref<50000x16xf32, #tpu.memory_space<vmem_shared>> -> memref<800x16xf32, #tpu.memory_space<vmem_shared>>
        tpu.wait_dma2 semaphore(%run_scoped3A : memref<!tpu.dma_semaphore, #tpu.memory_space<semaphore_mem>>) src(%arg8 : memref<800x16xf32, #tpu.memory_space<vmem>>) dst(%dma_wait3A_41 : memref<800x16xf32, #tpu.memory_space<vmem_shared>>)
        tpu.yield
      }) : () -> ()
      "tpu.region"() ({
        %run_scoped3A = tpu.sem_alloc : memref<!tpu.dma_semaphore, #tpu.memory_space<semaphore_mem>>
        %dma_start3A = arith.constant 48520 : i32
        %dma_start3A_32 = arith.constant 0 : i32
        %dma_start3A_33 = tpu.memref_slice %arg10[%dma_start3A, %dma_start3A_32] : memref<50000x16xf32, #tpu.memory_space<vmem_shared>> -> memref<800x16xf32, #tpu.memory_space<vmem_shared>>
        %dma_start3A_34 = arith.constant 48520 : i32
        %dma_start3A_35 = arith.constant 0 : i32
        %dma_start3A_36 = tpu.memref_slice %arg10[%dma_start3A_34, %dma_start3A_35] : memref<50000x16xf32, #tpu.memory_space<vmem_shared>> -> memref<800x16xf32, #tpu.memory_space<vmem_shared>>
        tpu.enqueue_dma source(%arg8 : memref<800x16xf32, #tpu.memory_space<vmem>>) target(%dma_start3A_36 : memref<800x16xf32, #tpu.memory_space<vmem_shared>>) target_semaphore(%run_scoped3A : memref<!tpu.dma_semaphore, #tpu.memory_space<semaphore_mem>>)
        %dma_wait3A = arith.constant 48520 : i32
        %dma_wait3A_37 = arith.constant 0 : i32
        %dma_wait3A_38 = tpu.memref_slice %arg10[%dma_wait3A, %dma_wait3A_37] : memref<50000x16xf32, #tpu.memory_space<vmem_shared>> -> memref<800x16xf32, #tpu.memory_space<vmem_shared>>
        %dma_wait3A_39 = arith.constant 48520 : i32
        %dma_wait3A_40 = arith.constant 0 : i32
        %dma_wait3A_41 = tpu.memref_slice %arg10[%dma_wait3A_39, %dma_wait3A_40] : memref<50000x16xf32, #tpu.memory_space<vmem_shared>> -> memref<800x16xf32, #tpu.memory_space<vmem_shared>>
        tpu.wait_dma2 semaphore(%run_scoped3A : memref<!tpu.dma_semaphore, #tpu.memory_space<semaphore_mem>>) src(%arg8 : memref<800x16xf32, #tpu.memory_space<vmem>>) dst(%dma_wait3A_41 : memref<800x16xf32, #tpu.memory_space<vmem_shared>>)
        tpu.yield
      }) : () -> ()
      "tpu.region"() ({
        %run_scoped3A = tpu.sem_alloc : memref<!tpu.dma_semaphore, #tpu.memory_space<semaphore_mem>>
        %dma_start3A = arith.constant 0 : i32
        %dma_start3A_32 = arith.constant 0 : i32
        %dma_start3A_33 = tpu.memref_slice %arg8[%dma_start3A, %dma_start3A_32] : memref<800x16xf32, #tpu.memory_space<vmem>> -> memref<680x16xf32, #tpu.memory_space<vmem>>
        %dma_start3A_34 = arith.constant 49320 : i32
        %dma_start3A_35 = arith.constant 0 : i32
        %dma_start3A_36 = tpu.memref_slice %arg10[%dma_start3A_34, %dma_start3A_35] : memref<50000x16xf32, #tpu.memory_space<vmem_shared>> -> memref<680x16xf32, #tpu.memory_space<vmem_shared>>
        %dma_start3A_37 = arith.constant 49320 : i32
        %dma_start3A_38 = arith.constant 0 : i32
        %dma_start3A_39 = tpu.memref_slice %arg10[%dma_start3A_37, %dma_start3A_38] : memref<50000x16xf32, #tpu.memory_space<vmem_shared>> -> memref<680x16xf32, #tpu.memory_space<vmem_shared>>
        %dma_start3A_40 = arith.constant 0 : i32
        %dma_start3A_41 = arith.constant 0 : i32
        %dma_start3A_42 = tpu.memref_slice %arg8[%dma_start3A_40, %dma_start3A_41] : memref<800x16xf32, #tpu.memory_space<vmem>> -> memref<680x16xf32, #tpu.memory_space<vmem>>
        tpu.enqueue_dma source(%dma_start3A_42 : memref<680x16xf32, #tpu.memory_space<vmem>>) target(%dma_start3A_39 : memref<680x16xf32, #tpu.memory_space<vmem_shared>>) target_semaphore(%run_scoped3A : memref<!tpu.dma_semaphore, #tpu.memory_space<semaphore_mem>>)
        %dma_wait3A = arith.constant 0 : i32
        %dma_wait3A_43 = arith.constant 0 : i32
        %dma_wait3A_44 = tpu.memref_slice %arg8[%dma_wait3A, %dma_wait3A_43] : memref<800x16xf32, #tpu.memory_space<vmem>> -> memref<680x16xf32, #tpu.memory_space<vmem>>
        %dma_wait3A_45 = arith.constant 49320 : i32
        %dma_wait3A_46 = arith.constant 0 : i32
        %dma_wait3A_47 = tpu.memref_slice %arg10[%dma_wait3A_45, %dma_wait3A_46] : memref<50000x16xf32, #tpu.memory_space<vmem_shared>> -> memref<680x16xf32, #tpu.memory_space<vmem_shared>>
        %dma_wait3A_48 = arith.constant 49320 : i32
        %dma_wait3A_49 = arith.constant 0 : i32
        %dma_wait3A_50 = tpu.memref_slice %arg10[%dma_wait3A_48, %dma_wait3A_49] : memref<50000x16xf32, #tpu.memory_space<vmem_shared>> -> memref<680x16xf32, #tpu.memory_space<vmem_shared>>
        %dma_wait3A_51 = arith.constant 0 : i32
        %dma_wait3A_52 = arith.constant 0 : i32
        %dma_wait3A_53 = tpu.memref_slice %arg8[%dma_wait3A_51, %dma_wait3A_52] : memref<800x16xf32, #tpu.memory_space<vmem>> -> memref<680x16xf32, #tpu.memory_space<vmem>>
        tpu.wait_dma2 semaphore(%run_scoped3A : memref<!tpu.dma_semaphore, #tpu.memory_space<semaphore_mem>>) src(%dma_wait3A_53 : memref<680x16xf32, #tpu.memory_space<vmem>>) dst(%dma_wait3A_50 : memref<680x16xf32, #tpu.memory_space<vmem_shared>>)
        tpu.yield
      }) : () -> ()
    } else {
    }
    %barrier3A = arith.constant 0 : index
    tpu.barrier barrier_id(%barrier3A)
    %scan3A_14 = arith.constant 0 : i32
    %scan3A_15 = arith.constant 0 : i32
    %scan3A_16 = arith.constant 32 : i32
    %scan3A_17 = arith.addi %scan3A_15, %scan3A_16 : i32
    %scan3A_18 = arith.constant 1 : i32
    %scan3A_19 = scf.for %scan3A_32 = %scan3A_15 to %scan3A_17 step %scan3A_18 iter_args(%scan3A_33 = %scan3A_14) -> (i32)  : i32 {
      %mul3A_34 = arith.constant 32 : i32
      %mul3A_35 = arith.muli %mul3A_34, %scan3A_32 : i32
      %add3A_36 = arith.addi %add3A, %mul3A_35 : i32
      %lt3A_37 = arith.constant 1000 : i32
      %lt3A_38 = arith.cmpi slt, %add3A_36, %lt3A_37 : i32
      %convert_element_type3A_39 = arith.extui %lt3A_38 : i1 to i32
      %cond3A_40 = arith.constant 0 : i32
      %cond3A_41 = arith.cmpi ne, %convert_element_type3A_39, %cond3A_40 : i32
      scf.if %cond3A_41 {
        %mul3A_43 = arith.constant 800 : i32
        %mul3A_44 = arith.muli %add3A_36, %mul3A_43 : i32
        "tpu.region"() ({
          %run_scoped3A = tpu.sem_alloc : memref<!tpu.dma_semaphore, #tpu.memory_space<semaphore_mem>>
          %dma_start3A = tpu.memref_slice %arg3[%mul3A_44] : memref<800000xi32, #tpu.memory_space<hbm>> -> memref<800xi32, #tpu.memory_space<hbm>>
          %dma_start3A_45 = tpu.memref_slice %arg3[%mul3A_44] : memref<800000xi32, #tpu.memory_space<hbm>> -> memref<800xi32, #tpu.memory_space<hbm>>
          tpu.enqueue_dma source(%dma_start3A_45 : memref<800xi32, #tpu.memory_space<hbm>>) target(%arg6 : memref<800xi32, #tpu.memory_space<vmem>>) target_semaphore(%run_scoped3A : memref<!tpu.dma_semaphore, #tpu.memory_space<semaphore_mem>>)
          %dma_wait3A = tpu.memref_slice %arg3[%mul3A_44] : memref<800000xi32, #tpu.memory_space<hbm>> -> memref<800xi32, #tpu.memory_space<hbm>>
          %dma_wait3A_46 = tpu.memref_slice %arg3[%mul3A_44] : memref<800000xi32, #tpu.memory_space<hbm>> -> memref<800xi32, #tpu.memory_space<hbm>>
          tpu.wait_dma2 semaphore(%run_scoped3A : memref<!tpu.dma_semaphore, #tpu.memory_space<semaphore_mem>>) src(%dma_wait3A_46 : memref<800xi32, #tpu.memory_space<hbm>>) dst(%arg6 : memref<800xi32, #tpu.memory_space<vmem>>)
          tpu.yield
        }) : () -> ()
        "tpu.region"() ({
          %run_scoped3A = tpu.sem_alloc : memref<!tpu.dma_semaphore, #tpu.memory_space<semaphore_mem>>
          %dma_start3A = tpu.memref_slice %arg4[%mul3A_44] : memref<800000xi32, #tpu.memory_space<hbm>> -> memref<800xi32, #tpu.memory_space<hbm>>
          %dma_start3A_45 = tpu.memref_slice %arg4[%mul3A_44] : memref<800000xi32, #tpu.memory_space<hbm>> -> memref<800xi32, #tpu.memory_space<hbm>>
          tpu.enqueue_dma source(%dma_start3A_45 : memref<800xi32, #tpu.memory_space<hbm>>) target(%arg7 : memref<800xi32, #tpu.memory_space<vmem>>) target_semaphore(%run_scoped3A : memref<!tpu.dma_semaphore, #tpu.memory_space<semaphore_mem>>)
          %dma_wait3A = tpu.memref_slice %arg4[%mul3A_44] : memref<800000xi32, #tpu.memory_space<hbm>> -> memref<800xi32, #tpu.memory_space<hbm>>
          %dma_wait3A_46 = tpu.memref_slice %arg4[%mul3A_44] : memref<800000xi32, #tpu.memory_space<hbm>> -> memref<800xi32, #tpu.memory_space<hbm>>
          tpu.wait_dma2 semaphore(%run_scoped3A : memref<!tpu.dma_semaphore, #tpu.memory_space<semaphore_mem>>) src(%dma_wait3A_46 : memref<800xi32, #tpu.memory_space<hbm>>) dst(%arg7 : memref<800xi32, #tpu.memory_space<vmem>>)
          tpu.yield
        }) : () -> ()
        "tpu.region"() ({
          %run_scoped3A = tpu.sem_alloc : memref<!tpu.dma_semaphore, #tpu.memory_space<semaphore_mem>>
          %dma_start3A = arith.constant 0 : i32
          %dma_start3A_45 = arith.constant 0 : i32
          %dma_start3A_46 = tpu.memref_slice %arg9[%dma_start3A, %dma_start3A_45] : memref<50000x16xf32, #tpu.memory_space<vmem_shared>> -> memref<50000x16xf32, #tpu.memory_space<vmem_shared>>
          tpu.enqueue_indirect_dma source(%dma_start3A_46 : memref<50000x16xf32, #tpu.memory_space<vmem_shared>>) target(%arg8 : memref<800x16xf32, #tpu.memory_space<vmem>>) offsets(%arg6 : memref<800xi32, #tpu.memory_space<vmem>>) semaphore(%run_scoped3A : memref<!tpu.dma_semaphore, #tpu.memory_space<semaphore_mem>>)
          %dma_wait3A = arith.constant 0 : i32
          %dma_wait3A_47 = arith.constant 0 : i32
          %dma_wait3A_48 = tpu.memref_slice %arg9[%dma_wait3A, %dma_wait3A_47] : memref<50000x16xf32, #tpu.memory_space<vmem_shared>> -> memref<50000x16xf32, #tpu.memory_space<vmem_shared>>
          tpu.wait_indirect_dma semaphore(%run_scoped3A : memref<!tpu.dma_semaphore, #tpu.memory_space<semaphore_mem>>) src(%dma_wait3A_48 : memref<50000x16xf32, #tpu.memory_space<vmem_shared>>) dst(%arg8 : memref<800x16xf32, #tpu.memory_space<vmem>>)
          tpu.yield
        }) : () -> ()
        "tpu.region"() ({
          %run_scoped3A = tpu.sem_alloc : memref<!tpu.dma_semaphore, #tpu.memory_space<semaphore_mem>>
          %dma_start3A = arith.constant 0 : i32
          %dma_start3A_45 = arith.constant 0 : i32
          %dma_start3A_46 = tpu.memref_slice %arg10[%dma_start3A, %dma_start3A_45] : memref<50000x16xf32, #tpu.memory_space<vmem_shared>> -> memref<50000x16xf32, #tpu.memory_space<vmem_shared>>
          tpu.enqueue_indirect_dma source(%arg8 : memref<800x16xf32, #tpu.memory_space<vmem>>) target(%dma_start3A_46 : memref<50000x16xf32, #tpu.memory_space<vmem_shared>>) offsets(%arg7 : memref<800xi32, #tpu.memory_space<vmem>>) semaphore(%run_scoped3A : memref<!tpu.dma_semaphore, #tpu.memory_space<semaphore_mem>>) {add = true}
          %dma_wait3A = arith.constant 0 : i32
          %dma_wait3A_47 = arith.constant 0 : i32
          %dma_wait3A_48 = tpu.memref_slice %arg10[%dma_wait3A, %dma_wait3A_47] : memref<50000x16xf32, #tpu.memory_space<vmem_shared>> -> memref<50000x16xf32, #tpu.memory_space<vmem_shared>>
          tpu.wait_indirect_dma semaphore(%run_scoped3A : memref<!tpu.dma_semaphore, #tpu.memory_space<semaphore_mem>>) src(%arg8 : memref<800x16xf32, #tpu.memory_space<vmem>>) dst(%dma_wait3A_48 : memref<50000x16xf32, #tpu.memory_space<vmem_shared>>)
          tpu.yield
        }) : () -> ()
      } else {
      }
      %scan3A_42 = arith.constant 0 : i32
      scf.yield %scan3A_42 : i32
    }
    %scan3A_20 = arith.constant 32 : i32
    %barrier3A_21 = arith.constant 0 : index
    tpu.barrier barrier_id(%barrier3A_21)
    %lt3A_22 = arith.constant 15 : i32
    %lt3A_23 = arith.cmpi slt, %arg1, %lt3A_22 : i32
    %convert_element_type3A_24 = arith.extui %lt3A_23 : i1 to i32
    %cond3A_25 = arith.constant 0 : i32
    %cond3A_26 = arith.cmpi ne, %convert_element_type3A_24, %cond3A_25 : i32
    scf.if %cond3A_26 {
      %mul3A_32 = arith.constant 3128 : i32
      %mul3A_33 = arith.muli %arg1, %mul3A_32 : i32
      %mul3A_34 = arith.constant 16 : i32
      %mul3A_35 = arith.muli %arg0, %mul3A_34 : i32
      "tpu.region"() ({
        %run_scoped3A = tpu.sem_alloc : memref<!tpu.dma_semaphore, #tpu.memory_space<semaphore_mem>>
        %dma_start3A = tpu.memref_slice %arg5[%mul3A_33, %mul3A_35] : memref<50000x128xf32, #tpu.memory_space<hbm>> -> memref<3128x16xf32, #tpu.memory_space<hbm>>
        %dma_start3A_36 = arith.constant 0 : i32
        %dma_start3A_37 = tpu.memref_slice %arg10[%mul3A_33, %dma_start3A_36] : memref<50000x16xf32, #tpu.memory_space<vmem_shared>> -> memref<3128x16xf32, #tpu.memory_space<vmem_shared>>
        tpu.enqueue_dma source(%dma_start3A_37 : memref<3128x16xf32, #tpu.memory_space<vmem_shared>>) target(%dma_start3A : memref<3128x16xf32, #tpu.memory_space<hbm>>) target_semaphore(%run_scoped3A : memref<!tpu.dma_semaphore, #tpu.memory_space<semaphore_mem>>)
        %dma_wait3A = tpu.memref_slice %arg5[%mul3A_33, %mul3A_35] : memref<50000x128xf32, #tpu.memory_space<hbm>> -> memref<3128x16xf32, #tpu.memory_space<hbm>>
        %dma_wait3A_38 = arith.constant 0 : i32
        %dma_wait3A_39 = tpu.memref_slice %arg10[%mul3A_33, %dma_wait3A_38] : memref<50000x16xf32, #tpu.memory_space<vmem_shared>> -> memref<3128x16xf32, #tpu.memory_space<vmem_shared>>
        tpu.wait_dma2 semaphore(%run_scoped3A : memref<!tpu.dma_semaphore, #tpu.memory_space<semaphore_mem>>) src(%dma_wait3A_39 : memref<3128x16xf32, #tpu.memory_space<vmem_shared>>) dst(%dma_wait3A : memref<3128x16xf32, #tpu.memory_space<hbm>>)
        tpu.yield
      }) : () -> ()
    } else {
    }
    %eq3A_27 = arith.constant 15 : i32
    %eq3A_28 = arith.cmpi eq, %arg1, %eq3A_27 : i32
    %convert_element_type3A_29 = arith.extui %eq3A_28 : i1 to i32
    %cond3A_30 = arith.constant 0 : i32
    %cond3A_31 = arith.cmpi ne, %convert_element_type3A_29, %cond3A_30 : i32
    scf.if %cond3A_31 {
      %mul3A_32 = arith.constant 16 : i32
      %mul3A_33 = arith.muli %arg0, %mul3A_32 : i32
      "tpu.region"() ({
        %run_scoped3A = tpu.sem_alloc : memref<!tpu.dma_semaphore, #tpu.memory_space<semaphore_mem>>
        %dma_start3A = arith.constant 46920 : i32
        %dma_start3A_34 = tpu.memref_slice %arg5[%dma_start3A, %mul3A_33] : memref<50000x128xf32, #tpu.memory_space<hbm>> -> memref<3080x16xf32, #tpu.memory_space<hbm>>
        %dma_start3A_35 = arith.constant 46920 : i32
        %dma_start3A_36 = arith.constant 0 : i32
        %dma_start3A_37 = tpu.memref_slice %arg10[%dma_start3A_35, %dma_start3A_36] : memref<50000x16xf32, #tpu.memory_space<vmem_shared>> -> memref<3080x16xf32, #tpu.memory_space<vmem_shared>>
        tpu.enqueue_dma source(%dma_start3A_37 : memref<3080x16xf32, #tpu.memory_space<vmem_shared>>) target(%dma_start3A_34 : memref<3080x16xf32, #tpu.memory_space<hbm>>) target_semaphore(%run_scoped3A : memref<!tpu.dma_semaphore, #tpu.memory_space<semaphore_mem>>)
        %dma_wait3A = arith.constant 46920 : i32
        %dma_wait3A_38 = tpu.memref_slice %arg5[%dma_wait3A, %mul3A_33] : memref<50000x128xf32, #tpu.memory_space<hbm>> -> memref<3080x16xf32, #tpu.memory_space<hbm>>
        %dma_wait3A_39 = arith.constant 46920 : i32
        %dma_wait3A_40 = arith.constant 0 : i32
        %dma_wait3A_41 = tpu.memref_slice %arg10[%dma_wait3A_39, %dma_wait3A_40] : memref<50000x16xf32, #tpu.memory_space<vmem_shared>> -> memref<3080x16xf32, #tpu.memory_space<vmem_shared>>
        tpu.wait_dma2 semaphore(%run_scoped3A : memref<!tpu.dma_semaphore, #tpu.memory_space<semaphore_mem>>) src(%dma_wait3A_41 : memref<3080x16xf32, #tpu.memory_space<vmem_shared>>) dst(%dma_wait3A_38 : memref<3080x16xf32, #tpu.memory_space<hbm>>)
        tpu.yield
      }) : () -> ()
    } else {
    }
    return
  }
}

#map = affine_map<(d0, d1) -> (0, 0)>
#map1 = affine_map<(d0, d1) -> (0)>
module attributes {stable_mosaic.version = 14 : i64} {
  func.func @k(%arg0: i32, %arg1: i32, %arg2: memref<50000x128xf32, #tpu.memory_space<hbm>>, %arg3: memref<800000xi32, #tpu.memory_space<hbm>>, %arg4: memref<800000xi32, #tpu.memory_space<hbm>>, %arg5: memref<50000x128xf32, #tpu.memory_space<hbm>>, %arg6: memref<400xi32, #tpu.memory_space<vmem>>, %arg7: memref<400xi32, #tpu.memory_space<vmem>>, %arg8: memref<400xi32, #tpu.memory_space<vmem>>, %arg9: memref<400xi32, #tpu.memory_space<vmem>>, %arg10: memref<400x16xf32, #tpu.memory_space<vmem>>, %arg11: memref<400x16xf32, #tpu.memory_space<vmem>>, %arg12: memref<50000x16xf32, #tpu.memory_space<vmem_shared>>, %arg13: memref<50000x16xf32, #tpu.memory_space<vmem_shared>>, %arg14: memref<!tpu.dma_semaphore, #tpu.memory_space<semaphore_mem>>, %arg15: memref<!tpu.dma_semaphore, #tpu.memory_space<semaphore_mem>>) attributes {dimension_semantics = [#tpu.dimension_semantics<core_parallel>, #tpu.dimension_semantics<subcore_parallel>], iteration_bounds = array<i64: 2, 16>, scalar_prefetch = 0 : i64, scratch_operands = 10 : i64, tpu.core_type = #tpu.core_type<sc_vector_subcore>, window_params = [{transform_indices = #map}, {transform_indices = #map1}, {transform_indices = #map1}, {transform_indices = #map}]} {
    %mul3A = arith.constant 50000 : i32
    %mul3A_0 = arith.muli %arg1, %mul3A : i32
    %mul3A_1 = arith.constant 2 : i32
    %mul3A_2 = arith.muli %arg0, %mul3A_1 : i32
    %add3A = arith.constant 0 : i32
    %add3A_3 = arith.addi %mul3A_2, %add3A : i32
    %broadcast_in_dim3A = arith.constant 0.000000e+00 : f32
    %broadcast_in_dim3A_4 = vector.broadcast %broadcast_in_dim3A : f32 to vector<16xf32>
    %scan3A = arith.constant 0 : i32
    %scan3A_5 = arith.constant 0 : i32
    %scan3A_6 = arith.constant 400 : i32
    %scan3A_7 = arith.addi %scan3A_5, %scan3A_6 : i32
    %scan3A_8 = arith.constant 1 : i32
    %scan3A_9 = scf.for %scan3A_82 = %scan3A_5 to %scan3A_7 step %scan3A_8 iter_args(%scan3A_83 = %scan3A) -> (i32)  : i32 {
      %swap3A = arith.index_cast %scan3A_82 : i32 to index
      %swap3A_84 = arith.constant 0 : index
      %swap3A_85 = tpu.vector_load %arg10[%swap3A, %swap3A_84] {strides = array<i32>} : memref<400x16xf32, #tpu.memory_space<vmem>>, vector<1x16xf32>,
      %swap3A_86 = vector.shape_cast %swap3A_85 : vector<1x16xf32> to vector<16xf32>
      %swap3A_87 = vector.shape_cast %broadcast_in_dim3A_4 : vector<16xf32> to vector<1x16xf32>
      tpu.vector_store %arg10[%swap3A, %swap3A_84], %swap3A_87 {strides = array<i32>} : memref<400x16xf32, #tpu.memory_space<vmem>>, vector<1x16xf32>,
      %scan3A_88 = arith.constant 0 : i32
      scf.yield %scan3A_88 : i32
    }
    %scan3A_10 = arith.constant 400 : i32
    %lt3A = arith.constant 15 : i32
    %lt3A_11 = arith.cmpi slt, %arg1, %lt3A : i32
    %convert_element_type3A = arith.extui %lt3A_11 : i1 to i32
    %cond3A = arith.constant 0 : i32
    %cond3A_12 = arith.cmpi ne, %convert_element_type3A, %cond3A : i32
    scf.if %cond3A_12 {
      %mul3A_82 = arith.constant 3128 : i32
      %mul3A_83 = arith.muli %arg1, %mul3A_82 : i32
      %mul3A_84 = arith.constant 16 : i32
      %mul3A_85 = arith.muli %add3A_3, %mul3A_84 : i32
      "tpu.region"() ({
        %run_scoped3A = tpu.sem_alloc : memref<!tpu.dma_semaphore, #tpu.memory_space<semaphore_mem>>
        %dma_start3A = arith.constant 0 : i32
        %dma_start3A_102 = tpu.memref_slice %arg12[%mul3A_83, %dma_start3A] : memref<50000x16xf32, #tpu.memory_space<vmem_shared>> -> memref<3128x16xf32, #tpu.memory_space<vmem_shared>>
        %dma_start3A_103 = tpu.memref_slice %arg2[%mul3A_83, %mul3A_85] : memref<50000x128xf32, #tpu.memory_space<hbm>> -> memref<3128x16xf32, #tpu.memory_space<hbm>>
        tpu.enqueue_dma source(%dma_start3A_103 : memref<3128x16xf32, #tpu.memory_space<hbm>>) target(%dma_start3A_102 : memref<3128x16xf32, #tpu.memory_space<vmem_shared>>) target_semaphore(%run_scoped3A : memref<!tpu.dma_semaphore, #tpu.memory_space<semaphore_mem>>)
        %dma_wait3A = arith.constant 0 : i32
        %dma_wait3A_104 = tpu.memref_slice %arg12[%mul3A_83, %dma_wait3A] : memref<50000x16xf32, #tpu.memory_space<vmem_shared>> -> memref<3128x16xf32, #tpu.memory_space<vmem_shared>>
        %dma_wait3A_105 = tpu.memref_slice %arg2[%mul3A_83, %mul3A_85] : memref<50000x128xf32, #tpu.memory_space<hbm>> -> memref<3128x16xf32, #tpu.memory_space<hbm>>
        tpu.wait_dma2 semaphore(%run_scoped3A : memref<!tpu.dma_semaphore, #tpu.memory_space<semaphore_mem>>) src(%dma_wait3A_105 : memref<3128x16xf32, #tpu.memory_space<hbm>>) dst(%dma_wait3A_104 : memref<3128x16xf32, #tpu.memory_space<vmem_shared>>)
        tpu.yield
      }) : () -> ()
      %add3A_86 = arith.constant 0 : i32
      %add3A_87 = arith.addi %mul3A_83, %add3A_86 : i32
      "tpu.region"() ({
        %run_scoped3A = tpu.sem_alloc : memref<!tpu.dma_semaphore, #tpu.memory_space<semaphore_mem>>
        %dma_start3A = arith.constant 0 : i32
        %dma_start3A_102 = tpu.memref_slice %arg13[%add3A_87, %dma_start3A] : memref<50000x16xf32, #tpu.memory_space<vmem_shared>> -> memref<400x16xf32, #tpu.memory_space<vmem_shared>>
        %dma_start3A_103 = arith.constant 0 : i32
        %dma_start3A_104 = tpu.memref_slice %arg13[%add3A_87, %dma_start3A_103] : memref<50000x16xf32, #tpu.memory_space<vmem_shared>> -> memref<400x16xf32, #tpu.memory_space<vmem_shared>>
        tpu.enqueue_dma source(%arg10 : memref<400x16xf32, #tpu.memory_space<vmem>>) target(%dma_start3A_104 : memref<400x16xf32, #tpu.memory_space<vmem_shared>>) target_semaphore(%run_scoped3A : memref<!tpu.dma_semaphore, #tpu.memory_space<semaphore_mem>>)
        %dma_wait3A = arith.constant 0 : i32
        %dma_wait3A_105 = tpu.memref_slice %arg13[%add3A_87, %dma_wait3A] : memref<50000x16xf32, #tpu.memory_space<vmem_shared>> -> memref<400x16xf32, #tpu.memory_space<vmem_shared>>
        %dma_wait3A_106 = arith.constant 0 : i32
        %dma_wait3A_107 = tpu.memref_slice %arg13[%add3A_87, %dma_wait3A_106] : memref<50000x16xf32, #tpu.memory_space<vmem_shared>> -> memref<400x16xf32, #tpu.memory_space<vmem_shared>>
        tpu.wait_dma2 semaphore(%run_scoped3A : memref<!tpu.dma_semaphore, #tpu.memory_space<semaphore_mem>>) src(%arg10 : memref<400x16xf32, #tpu.memory_space<vmem>>) dst(%dma_wait3A_107 : memref<400x16xf32, #tpu.memory_space<vmem_shared>>)
        tpu.yield
      }) : () -> ()
      %add3A_88 = arith.constant 400 : i32
      %add3A_89 = arith.addi %mul3A_83, %add3A_88 : i32
      "tpu.region"() ({
        %run_scoped3A = tpu.sem_alloc : memref<!tpu.dma_semaphore, #tpu.memory_space<semaphore_mem>>
        %dma_start3A = arith.constant 0 : i32
        %dma_start3A_102 = tpu.memref_slice %arg13[%add3A_89, %dma_start3A] : memref<50000x16xf32, #tpu.memory_space<vmem_shared>> -> memref<400x16xf32, #tpu.memory_space<vmem_shared>>
        %dma_start3A_103 = arith.constant 0 : i32
        %dma_start3A_104 = tpu.memref_slice %arg13[%add3A_89, %dma_start3A_103] : memref<50000x16xf32, #tpu.memory_space<vmem_shared>> -> memref<400x16xf32, #tpu.memory_space<vmem_shared>>
        tpu.enqueue_dma source(%arg10 : memref<400x16xf32, #tpu.memory_space<vmem>>) target(%dma_start3A_104 : memref<400x16xf32, #tpu.memory_space<vmem_shared>>) target_semaphore(%run_scoped3A : memref<!tpu.dma_semaphore, #tpu.memory_space<semaphore_mem>>)
        %dma_wait3A = arith.constant 0 : i32
        %dma_wait3A_105 = tpu.memref_slice %arg13[%add3A_89, %dma_wait3A] : memref<50000x16xf32, #tpu.memory_space<vmem_shared>> -> memref<400x16xf32, #tpu.memory_space<vmem_shared>>
        %dma_wait3A_106 = arith.constant 0 : i32
        %dma_wait3A_107 = tpu.memref_slice %arg13[%add3A_89, %dma_wait3A_106] : memref<50000x16xf32, #tpu.memory_space<vmem_shared>> -> memref<400x16xf32, #tpu.memory_space<vmem_shared>>
        tpu.wait_dma2 semaphore(%run_scoped3A : memref<!tpu.dma_semaphore, #tpu.memory_space<semaphore_mem>>) src(%arg10 : memref<400x16xf32, #tpu.memory_space<vmem>>) dst(%dma_wait3A_107 : memref<400x16xf32, #tpu.memory_space<vmem_shared>>)
        tpu.yield
      }) : () -> ()
      %add3A_90 = arith.constant 800 : i32
      %add3A_91 = arith.addi %mul3A_83, %add3A_90 : i32
      "tpu.region"() ({
        %run_scoped3A = tpu.sem_alloc : memref<!tpu.dma_semaphore, #tpu.memory_space<semaphore_mem>>
        %dma_start3A = arith.constant 0 : i32
        %dma_start3A_102 = tpu.memref_slice %arg13[%add3A_91, %dma_start3A] : memref<50000x16xf32, #tpu.memory_space<vmem_shared>> -> memref<400x16xf32, #tpu.memory_space<vmem_shared>>
        %dma_start3A_103 = arith.constant 0 : i32
        %dma_start3A_104 = tpu.memref_slice %arg13[%add3A_91, %dma_start3A_103] : memref<50000x16xf32, #tpu.memory_space<vmem_shared>> -> memref<400x16xf32, #tpu.memory_space<vmem_shared>>
        tpu.enqueue_dma source(%arg10 : memref<400x16xf32, #tpu.memory_space<vmem>>) target(%dma_start3A_104 : memref<400x16xf32, #tpu.memory_space<vmem_shared>>) target_semaphore(%run_scoped3A : memref<!tpu.dma_semaphore, #tpu.memory_space<semaphore_mem>>)
        %dma_wait3A = arith.constant 0 : i32
        %dma_wait3A_105 = tpu.memref_slice %arg13[%add3A_91, %dma_wait3A] : memref<50000x16xf32, #tpu.memory_space<vmem_shared>> -> memref<400x16xf32, #tpu.memory_space<vmem_shared>>
        %dma_wait3A_106 = arith.constant 0 : i32
        %dma_wait3A_107 = tpu.memref_slice %arg13[%add3A_91, %dma_wait3A_106] : memref<50000x16xf32, #tpu.memory_space<vmem_shared>> -> memref<400x16xf32, #tpu.memory_space<vmem_shared>>
        tpu.wait_dma2 semaphore(%run_scoped3A : memref<!tpu.dma_semaphore, #tpu.memory_space<semaphore_mem>>) src(%arg10 : memref<400x16xf32, #tpu.memory_space<vmem>>) dst(%dma_wait3A_107 : memref<400x16xf32, #tpu.memory_space<vmem_shared>>)
        tpu.yield
      }) : () -> ()
      %add3A_92 = arith.constant 1200 : i32
      %add3A_93 = arith.addi %mul3A_83, %add3A_92 : i32
      "tpu.region"() ({
        %run_scoped3A = tpu.sem_alloc : memref<!tpu.dma_semaphore, #tpu.memory_space<semaphore_mem>>
        %dma_start3A = arith.constant 0 : i32
        %dma_start3A_102 = tpu.memref_slice %arg13[%add3A_93, %dma_start3A] : memref<50000x16xf32, #tpu.memory_space<vmem_shared>> -> memref<400x16xf32, #tpu.memory_space<vmem_shared>>
        %dma_start3A_103 = arith.constant 0 : i32
        %dma_start3A_104 = tpu.memref_slice %arg13[%add3A_93, %dma_start3A_103] : memref<50000x16xf32, #tpu.memory_space<vmem_shared>> -> memref<400x16xf32, #tpu.memory_space<vmem_shared>>
        tpu.enqueue_dma source(%arg10 : memref<400x16xf32, #tpu.memory_space<vmem>>) target(%dma_start3A_104 : memref<400x16xf32, #tpu.memory_space<vmem_shared>>) target_semaphore(%run_scoped3A : memref<!tpu.dma_semaphore, #tpu.memory_space<semaphore_mem>>)
        %dma_wait3A = arith.constant 0 : i32
        %dma_wait3A_105 = tpu.memref_slice %arg13[%add3A_93, %dma_wait3A] : memref<50000x16xf32, #tpu.memory_space<vmem_shared>> -> memref<400x16xf32, #tpu.memory_space<vmem_shared>>
        %dma_wait3A_106 = arith.constant 0 : i32
        %dma_wait3A_107 = tpu.memref_slice %arg13[%add3A_93, %dma_wait3A_106] : memref<50000x16xf32, #tpu.memory_space<vmem_shared>> -> memref<400x16xf32, #tpu.memory_space<vmem_shared>>
        tpu.wait_dma2 semaphore(%run_scoped3A : memref<!tpu.dma_semaphore, #tpu.memory_space<semaphore_mem>>) src(%arg10 : memref<400x16xf32, #tpu.memory_space<vmem>>) dst(%dma_wait3A_107 : memref<400x16xf32, #tpu.memory_space<vmem_shared>>)
        tpu.yield
      }) : () -> ()
      %add3A_94 = arith.constant 1600 : i32
      %add3A_95 = arith.addi %mul3A_83, %add3A_94 : i32
      "tpu.region"() ({
        %run_scoped3A = tpu.sem_alloc : memref<!tpu.dma_semaphore, #tpu.memory_space<semaphore_mem>>
        %dma_start3A = arith.constant 0 : i32
        %dma_start3A_102 = tpu.memref_slice %arg13[%add3A_95, %dma_start3A] : memref<50000x16xf32, #tpu.memory_space<vmem_shared>> -> memref<400x16xf32, #tpu.memory_space<vmem_shared>>
        %dma_start3A_103 = arith.constant 0 : i32
        %dma_start3A_104 = tpu.memref_slice %arg13[%add3A_95, %dma_start3A_103] : memref<50000x16xf32, #tpu.memory_space<vmem_shared>> -> memref<400x16xf32, #tpu.memory_space<vmem_shared>>
        tpu.enqueue_dma source(%arg10 : memref<400x16xf32, #tpu.memory_space<vmem>>) target(%dma_start3A_104 : memref<400x16xf32, #tpu.memory_space<vmem_shared>>) target_semaphore(%run_scoped3A : memref<!tpu.dma_semaphore, #tpu.memory_space<semaphore_mem>>)
        %dma_wait3A = arith.constant 0 : i32
        %dma_wait3A_105 = tpu.memref_slice %arg13[%add3A_95, %dma_wait3A] : memref<50000x16xf32, #tpu.memory_space<vmem_shared>> -> memref<400x16xf32, #tpu.memory_space<vmem_shared>>
        %dma_wait3A_106 = arith.constant 0 : i32
        %dma_wait3A_107 = tpu.memref_slice %arg13[%add3A_95, %dma_wait3A_106] : memref<50000x16xf32, #tpu.memory_space<vmem_shared>> -> memref<400x16xf32, #tpu.memory_space<vmem_shared>>
        tpu.wait_dma2 semaphore(%run_scoped3A : memref<!tpu.dma_semaphore, #tpu.memory_space<semaphore_mem>>) src(%arg10 : memref<400x16xf32, #tpu.memory_space<vmem>>) dst(%dma_wait3A_107 : memref<400x16xf32, #tpu.memory_space<vmem_shared>>)
        tpu.yield
      }) : () -> ()
      %add3A_96 = arith.constant 2000 : i32
      %add3A_97 = arith.addi %mul3A_83, %add3A_96 : i32
      "tpu.region"() ({
        %run_scoped3A = tpu.sem_alloc : memref<!tpu.dma_semaphore, #tpu.memory_space<semaphore_mem>>
        %dma_start3A = arith.constant 0 : i32
        %dma_start3A_102 = tpu.memref_slice %arg13[%add3A_97, %dma_start3A] : memref<50000x16xf32, #tpu.memory_space<vmem_shared>> -> memref<400x16xf32, #tpu.memory_space<vmem_shared>>
        %dma_start3A_103 = arith.constant 0 : i32
        %dma_start3A_104 = tpu.memref_slice %arg13[%add3A_97, %dma_start3A_103] : memref<50000x16xf32, #tpu.memory_space<vmem_shared>> -> memref<400x16xf32, #tpu.memory_space<vmem_shared>>
        tpu.enqueue_dma source(%arg10 : memref<400x16xf32, #tpu.memory_space<vmem>>) target(%dma_start3A_104 : memref<400x16xf32, #tpu.memory_space<vmem_shared>>) target_semaphore(%run_scoped3A : memref<!tpu.dma_semaphore, #tpu.memory_space<semaphore_mem>>)
        %dma_wait3A = arith.constant 0 : i32
        %dma_wait3A_105 = tpu.memref_slice %arg13[%add3A_97, %dma_wait3A] : memref<50000x16xf32, #tpu.memory_space<vmem_shared>> -> memref<400x16xf32, #tpu.memory_space<vmem_shared>>
        %dma_wait3A_106 = arith.constant 0 : i32
        %dma_wait3A_107 = tpu.memref_slice %arg13[%add3A_97, %dma_wait3A_106] : memref<50000x16xf32, #tpu.memory_space<vmem_shared>> -> memref<400x16xf32, #tpu.memory_space<vmem_shared>>
        tpu.wait_dma2 semaphore(%run_scoped3A : memref<!tpu.dma_semaphore, #tpu.memory_space<semaphore_mem>>) src(%arg10 : memref<400x16xf32, #tpu.memory_space<vmem>>) dst(%dma_wait3A_107 : memref<400x16xf32, #tpu.memory_space<vmem_shared>>)
        tpu.yield
      }) : () -> ()
      %add3A_98 = arith.constant 2400 : i32
      %add3A_99 = arith.addi %mul3A_83, %add3A_98 : i32
      "tpu.region"() ({
        %run_scoped3A = tpu.sem_alloc : memref<!tpu.dma_semaphore, #tpu.memory_space<semaphore_mem>>
        %dma_start3A = arith.constant 0 : i32
        %dma_start3A_102 = tpu.memref_slice %arg13[%add3A_99, %dma_start3A] : memref<50000x16xf32, #tpu.memory_space<vmem_shared>> -> memref<400x16xf32, #tpu.memory_space<vmem_shared>>
        %dma_start3A_103 = arith.constant 0 : i32
        %dma_start3A_104 = tpu.memref_slice %arg13[%add3A_99, %dma_start3A_103] : memref<50000x16xf32, #tpu.memory_space<vmem_shared>> -> memref<400x16xf32, #tpu.memory_space<vmem_shared>>
        tpu.enqueue_dma source(%arg10 : memref<400x16xf32, #tpu.memory_space<vmem>>) target(%dma_start3A_104 : memref<400x16xf32, #tpu.memory_space<vmem_shared>>) target_semaphore(%run_scoped3A : memref<!tpu.dma_semaphore, #tpu.memory_space<semaphore_mem>>)
        %dma_wait3A = arith.constant 0 : i32
        %dma_wait3A_105 = tpu.memref_slice %arg13[%add3A_99, %dma_wait3A] : memref<50000x16xf32, #tpu.memory_space<vmem_shared>> -> memref<400x16xf32, #tpu.memory_space<vmem_shared>>
        %dma_wait3A_106 = arith.constant 0 : i32
        %dma_wait3A_107 = tpu.memref_slice %arg13[%add3A_99, %dma_wait3A_106] : memref<50000x16xf32, #tpu.memory_space<vmem_shared>> -> memref<400x16xf32, #tpu.memory_space<vmem_shared>>
        tpu.wait_dma2 semaphore(%run_scoped3A : memref<!tpu.dma_semaphore, #tpu.memory_space<semaphore_mem>>) src(%arg10 : memref<400x16xf32, #tpu.memory_space<vmem>>) dst(%dma_wait3A_107 : memref<400x16xf32, #tpu.memory_space<vmem_shared>>)
        tpu.yield
      }) : () -> ()
      %add3A_100 = arith.constant 2800 : i32
      %add3A_101 = arith.addi %mul3A_83, %add3A_100 : i32
      "tpu.region"() ({
        %run_scoped3A = tpu.sem_alloc : memref<!tpu.dma_semaphore, #tpu.memory_space<semaphore_mem>>
        %dma_start3A = arith.constant 0 : i32
        %dma_start3A_102 = arith.constant 0 : i32
        %dma_start3A_103 = tpu.memref_slice %arg10[%dma_start3A, %dma_start3A_102] : memref<400x16xf32, #tpu.memory_space<vmem>> -> memref<328x16xf32, #tpu.memory_space<vmem>>
        %dma_start3A_104 = arith.constant 0 : i32
        %dma_start3A_105 = tpu.memref_slice %arg13[%add3A_101, %dma_start3A_104] : memref<50000x16xf32, #tpu.memory_space<vmem_shared>> -> memref<328x16xf32, #tpu.memory_space<vmem_shared>>
        %dma_start3A_106 = arith.constant 0 : i32
        %dma_start3A_107 = tpu.memref_slice %arg13[%add3A_101, %dma_start3A_106] : memref<50000x16xf32, #tpu.memory_space<vmem_shared>> -> memref<328x16xf32, #tpu.memory_space<vmem_shared>>
        %dma_start3A_108 = arith.constant 0 : i32
        %dma_start3A_109 = arith.constant 0 : i32
        %dma_start3A_110 = tpu.memref_slice %arg10[%dma_start3A_108, %dma_start3A_109] : memref<400x16xf32, #tpu.memory_space<vmem>> -> memref<328x16xf32, #tpu.memory_space<vmem>>
        tpu.enqueue_dma source(%dma_start3A_110 : memref<328x16xf32, #tpu.memory_space<vmem>>) target(%dma_start3A_107 : memref<328x16xf32, #tpu.memory_space<vmem_shared>>) target_semaphore(%run_scoped3A : memref<!tpu.dma_semaphore, #tpu.memory_space<semaphore_mem>>)
        %dma_wait3A = arith.constant 0 : i32
        %dma_wait3A_111 = arith.constant 0 : i32
        %dma_wait3A_112 = tpu.memref_slice %arg10[%dma_wait3A, %dma_wait3A_111] : memref<400x16xf32, #tpu.memory_space<vmem>> -> memref<328x16xf32, #tpu.memory_space<vmem>>
        %dma_wait3A_113 = arith.constant 0 : i32
        %dma_wait3A_114 = tpu.memref_slice %arg13[%add3A_101, %dma_wait3A_113] : memref<50000x16xf32, #tpu.memory_space<vmem_shared>> -> memref<328x16xf32, #tpu.memory_space<vmem_shared>>
        %dma_wait3A_115 = arith.constant 0 : i32
        %dma_wait3A_116 = tpu.memref_slice %arg13[%add3A_101, %dma_wait3A_115] : memref<50000x16xf32, #tpu.memory_space<vmem_shared>> -> memref<328x16xf32, #tpu.memory_space<vmem_shared>>
        %dma_wait3A_117 = arith.constant 0 : i32
        %dma_wait3A_118 = arith.constant 0 : i32
        %dma_wait3A_119 = tpu.memref_slice %arg10[%dma_wait3A_117, %dma_wait3A_118] : memref<400x16xf32, #tpu.memory_space<vmem>> -> memref<328x16xf32, #tpu.memory_space<vmem>>
        tpu.wait_dma2 semaphore(%run_scoped3A : memref<!tpu.dma_semaphore, #tpu.memory_space<semaphore_mem>>) src(%dma_wait3A_119 : memref<328x16xf32, #tpu.memory_space<vmem>>) dst(%dma_wait3A_116 : memref<328x16xf32, #tpu.memory_space<vmem_shared>>)
        tpu.yield
      }) : () -> ()
    } else {
    }
    %eq3A = arith.constant 15 : i32
    %eq3A_13 = arith.cmpi eq, %arg1, %eq3A : i32
    %convert_element_type3A_14 = arith.extui %eq3A_13 : i1 to i32
    %cond3A_15 = arith.constant 0 : i32
    %cond3A_16 = arith.cmpi ne, %convert_element_type3A_14, %cond3A_15 : i32
    scf.if %cond3A_16 {
      %mul3A_82 = arith.constant 16 : i32
      %mul3A_83 = arith.muli %add3A_3, %mul3A_82 : i32
      "tpu.region"() ({
        %run_scoped3A = tpu.sem_alloc : memref<!tpu.dma_semaphore, #tpu.memory_space<semaphore_mem>>
        %dma_start3A = arith.constant 46920 : i32
        %dma_start3A_84 = arith.constant 0 : i32
        %dma_start3A_85 = tpu.memref_slice %arg12[%dma_start3A, %dma_start3A_84] : memref<50000x16xf32, #tpu.memory_space<vmem_shared>> -> memref<3080x16xf32, #tpu.memory_space<vmem_shared>>
        %dma_start3A_86 = arith.constant 46920 : i32
        %dma_start3A_87 = tpu.memref_slice %arg2[%dma_start3A_86, %mul3A_83] : memref<50000x128xf32, #tpu.memory_space<hbm>> -> memref<3080x16xf32, #tpu.memory_space<hbm>>
        tpu.enqueue_dma source(%dma_start3A_87 : memref<3080x16xf32, #tpu.memory_space<hbm>>) target(%dma_start3A_85 : memref<3080x16xf32, #tpu.memory_space<vmem_shared>>) target_semaphore(%run_scoped3A : memref<!tpu.dma_semaphore, #tpu.memory_space<semaphore_mem>>)
        %dma_wait3A = arith.constant 46920 : i32
        %dma_wait3A_88 = arith.constant 0 : i32
        %dma_wait3A_89 = tpu.memref_slice %arg12[%dma_wait3A, %dma_wait3A_88] : memref<50000x16xf32, #tpu.memory_space<vmem_shared>> -> memref<3080x16xf32, #tpu.memory_space<vmem_shared>>
        %dma_wait3A_90 = arith.constant 46920 : i32
        %dma_wait3A_91 = tpu.memref_slice %arg2[%dma_wait3A_90, %mul3A_83] : memref<50000x128xf32, #tpu.memory_space<hbm>> -> memref<3080x16xf32, #tpu.memory_space<hbm>>
        tpu.wait_dma2 semaphore(%run_scoped3A : memref<!tpu.dma_semaphore, #tpu.memory_space<semaphore_mem>>) src(%dma_wait3A_91 : memref<3080x16xf32, #tpu.memory_space<hbm>>) dst(%dma_wait3A_89 : memref<3080x16xf32, #tpu.memory_space<vmem_shared>>)
        tpu.yield
      }) : () -> ()
      "tpu.region"() ({
        %run_scoped3A = tpu.sem_alloc : memref<!tpu.dma_semaphore, #tpu.memory_space<semaphore_mem>>
        %dma_start3A = arith.constant 46920 : i32
        %dma_start3A_84 = arith.constant 0 : i32
        %dma_start3A_85 = tpu.memref_slice %arg13[%dma_start3A, %dma_start3A_84] : memref<50000x16xf32, #tpu.memory_space<vmem_shared>> -> memref<400x16xf32, #tpu.memory_space<vmem_shared>>
        %dma_start3A_86 = arith.constant 46920 : i32
        %dma_start3A_87 = arith.constant 0 : i32
        %dma_start3A_88 = tpu.memref_slice %arg13[%dma_start3A_86, %dma_start3A_87] : memref<50000x16xf32, #tpu.memory_space<vmem_shared>> -> memref<400x16xf32, #tpu.memory_space<vmem_shared>>
        tpu.enqueue_dma source(%arg10 : memref<400x16xf32, #tpu.memory_space<vmem>>) target(%dma_start3A_88 : memref<400x16xf32, #tpu.memory_space<vmem_shared>>) target_semaphore(%run_scoped3A : memref<!tpu.dma_semaphore, #tpu.memory_space<semaphore_mem>>)
        %dma_wait3A = arith.constant 46920 : i32
        %dma_wait3A_89 = arith.constant 0 : i32
        %dma_wait3A_90 = tpu.memref_slice %arg13[%dma_wait3A, %dma_wait3A_89] : memref<50000x16xf32, #tpu.memory_space<vmem_shared>> -> memref<400x16xf32, #tpu.memory_space<vmem_shared>>
        %dma_wait3A_91 = arith.constant 46920 : i32
        %dma_wait3A_92 = arith.constant 0 : i32
        %dma_wait3A_93 = tpu.memref_slice %arg13[%dma_wait3A_91, %dma_wait3A_92] : memref<50000x16xf32, #tpu.memory_space<vmem_shared>> -> memref<400x16xf32, #tpu.memory_space<vmem_shared>>
        tpu.wait_dma2 semaphore(%run_scoped3A : memref<!tpu.dma_semaphore, #tpu.memory_space<semaphore_mem>>) src(%arg10 : memref<400x16xf32, #tpu.memory_space<vmem>>) dst(%dma_wait3A_93 : memref<400x16xf32, #tpu.memory_space<vmem_shared>>)
        tpu.yield
      }) : () -> ()
      "tpu.region"() ({
        %run_scoped3A = tpu.sem_alloc : memref<!tpu.dma_semaphore, #tpu.memory_space<semaphore_mem>>
        %dma_start3A = arith.constant 47320 : i32
        %dma_start3A_84 = arith.constant 0 : i32
        %dma_start3A_85 = tpu.memref_slice %arg13[%dma_start3A, %dma_start3A_84] : memref<50000x16xf32, #tpu.memory_space<vmem_shared>> -> memref<400x16xf32, #tpu.memory_space<vmem_shared>>
        %dma_start3A_86 = arith.constant 47320 : i32
        %dma_start3A_87 = arith.constant 0 : i32
        %dma_start3A_88 = tpu.memref_slice %arg13[%dma_start3A_86, %dma_start3A_87] : memref<50000x16xf32, #tpu.memory_space<vmem_shared>> -> memref<400x16xf32, #tpu.memory_space<vmem_shared>>
        tpu.enqueue_dma source(%arg10 : memref<400x16xf32, #tpu.memory_space<vmem>>) target(%dma_start3A_88 : memref<400x16xf32, #tpu.memory_space<vmem_shared>>) target_semaphore(%run_scoped3A : memref<!tpu.dma_semaphore, #tpu.memory_space<semaphore_mem>>)
        %dma_wait3A = arith.constant 47320 : i32
        %dma_wait3A_89 = arith.constant 0 : i32
        %dma_wait3A_90 = tpu.memref_slice %arg13[%dma_wait3A, %dma_wait3A_89] : memref<50000x16xf32, #tpu.memory_space<vmem_shared>> -> memref<400x16xf32, #tpu.memory_space<vmem_shared>>
        %dma_wait3A_91 = arith.constant 47320 : i32
        %dma_wait3A_92 = arith.constant 0 : i32
        %dma_wait3A_93 = tpu.memref_slice %arg13[%dma_wait3A_91, %dma_wait3A_92] : memref<50000x16xf32, #tpu.memory_space<vmem_shared>> -> memref<400x16xf32, #tpu.memory_space<vmem_shared>>
        tpu.wait_dma2 semaphore(%run_scoped3A : memref<!tpu.dma_semaphore, #tpu.memory_space<semaphore_mem>>) src(%arg10 : memref<400x16xf32, #tpu.memory_space<vmem>>) dst(%dma_wait3A_93 : memref<400x16xf32, #tpu.memory_space<vmem_shared>>)
        tpu.yield
      }) : () -> ()
      "tpu.region"() ({
        %run_scoped3A = tpu.sem_alloc : memref<!tpu.dma_semaphore, #tpu.memory_space<semaphore_mem>>
        %dma_start3A = arith.constant 47720 : i32
        %dma_start3A_84 = arith.constant 0 : i32
        %dma_start3A_85 = tpu.memref_slice %arg13[%dma_start3A, %dma_start3A_84] : memref<50000x16xf32, #tpu.memory_space<vmem_shared>> -> memref<400x16xf32, #tpu.memory_space<vmem_shared>>
        %dma_start3A_86 = arith.constant 47720 : i32
        %dma_start3A_87 = arith.constant 0 : i32
        %dma_start3A_88 = tpu.memref_slice %arg13[%dma_start3A_86, %dma_start3A_87] : memref<50000x16xf32, #tpu.memory_space<vmem_shared>> -> memref<400x16xf32, #tpu.memory_space<vmem_shared>>
        tpu.enqueue_dma source(%arg10 : memref<400x16xf32, #tpu.memory_space<vmem>>) target(%dma_start3A_88 : memref<400x16xf32, #tpu.memory_space<vmem_shared>>) target_semaphore(%run_scoped3A : memref<!tpu.dma_semaphore, #tpu.memory_space<semaphore_mem>>)
        %dma_wait3A = arith.constant 47720 : i32
        %dma_wait3A_89 = arith.constant 0 : i32
        %dma_wait3A_90 = tpu.memref_slice %arg13[%dma_wait3A, %dma_wait3A_89] : memref<50000x16xf32, #tpu.memory_space<vmem_shared>> -> memref<400x16xf32, #tpu.memory_space<vmem_shared>>
        %dma_wait3A_91 = arith.constant 47720 : i32
        %dma_wait3A_92 = arith.constant 0 : i32
        %dma_wait3A_93 = tpu.memref_slice %arg13[%dma_wait3A_91, %dma_wait3A_92] : memref<50000x16xf32, #tpu.memory_space<vmem_shared>> -> memref<400x16xf32, #tpu.memory_space<vmem_shared>>
        tpu.wait_dma2 semaphore(%run_scoped3A : memref<!tpu.dma_semaphore, #tpu.memory_space<semaphore_mem>>) src(%arg10 : memref<400x16xf32, #tpu.memory_space<vmem>>) dst(%dma_wait3A_93 : memref<400x16xf32, #tpu.memory_space<vmem_shared>>)
        tpu.yield
      }) : () -> ()
      "tpu.region"() ({
        %run_scoped3A = tpu.sem_alloc : memref<!tpu.dma_semaphore, #tpu.memory_space<semaphore_mem>>
        %dma_start3A = arith.constant 48120 : i32
        %dma_start3A_84 = arith.constant 0 : i32
        %dma_start3A_85 = tpu.memref_slice %arg13[%dma_start3A, %dma_start3A_84] : memref<50000x16xf32, #tpu.memory_space<vmem_shared>> -> memref<400x16xf32, #tpu.memory_space<vmem_shared>>
        %dma_start3A_86 = arith.constant 48120 : i32
        %dma_start3A_87 = arith.constant 0 : i32
        %dma_start3A_88 = tpu.memref_slice %arg13[%dma_start3A_86, %dma_start3A_87] : memref<50000x16xf32, #tpu.memory_space<vmem_shared>> -> memref<400x16xf32, #tpu.memory_space<vmem_shared>>
        tpu.enqueue_dma source(%arg10 : memref<400x16xf32, #tpu.memory_space<vmem>>) target(%dma_start3A_88 : memref<400x16xf32, #tpu.memory_space<vmem_shared>>) target_semaphore(%run_scoped3A : memref<!tpu.dma_semaphore, #tpu.memory_space<semaphore_mem>>)
        %dma_wait3A = arith.constant 48120 : i32
        %dma_wait3A_89 = arith.constant 0 : i32
        %dma_wait3A_90 = tpu.memref_slice %arg13[%dma_wait3A, %dma_wait3A_89] : memref<50000x16xf32, #tpu.memory_space<vmem_shared>> -> memref<400x16xf32, #tpu.memory_space<vmem_shared>>
        %dma_wait3A_91 = arith.constant 48120 : i32
        %dma_wait3A_92 = arith.constant 0 : i32
        %dma_wait3A_93 = tpu.memref_slice %arg13[%dma_wait3A_91, %dma_wait3A_92] : memref<50000x16xf32, #tpu.memory_space<vmem_shared>> -> memref<400x16xf32, #tpu.memory_space<vmem_shared>>
        tpu.wait_dma2 semaphore(%run_scoped3A : memref<!tpu.dma_semaphore, #tpu.memory_space<semaphore_mem>>) src(%arg10 : memref<400x16xf32, #tpu.memory_space<vmem>>) dst(%dma_wait3A_93 : memref<400x16xf32, #tpu.memory_space<vmem_shared>>)
        tpu.yield
      }) : () -> ()
      "tpu.region"() ({
        %run_scoped3A = tpu.sem_alloc : memref<!tpu.dma_semaphore, #tpu.memory_space<semaphore_mem>>
        %dma_start3A = arith.constant 48520 : i32
        %dma_start3A_84 = arith.constant 0 : i32
        %dma_start3A_85 = tpu.memref_slice %arg13[%dma_start3A, %dma_start3A_84] : memref<50000x16xf32, #tpu.memory_space<vmem_shared>> -> memref<400x16xf32, #tpu.memory_space<vmem_shared>>
        %dma_start3A_86 = arith.constant 48520 : i32
        %dma_start3A_87 = arith.constant 0 : i32
        %dma_start3A_88 = tpu.memref_slice %arg13[%dma_start3A_86, %dma_start3A_87] : memref<50000x16xf32, #tpu.memory_space<vmem_shared>> -> memref<400x16xf32, #tpu.memory_space<vmem_shared>>
        tpu.enqueue_dma source(%arg10 : memref<400x16xf32, #tpu.memory_space<vmem>>) target(%dma_start3A_88 : memref<400x16xf32, #tpu.memory_space<vmem_shared>>) target_semaphore(%run_scoped3A : memref<!tpu.dma_semaphore, #tpu.memory_space<semaphore_mem>>)
        %dma_wait3A = arith.constant 48520 : i32
        %dma_wait3A_89 = arith.constant 0 : i32
        %dma_wait3A_90 = tpu.memref_slice %arg13[%dma_wait3A, %dma_wait3A_89] : memref<50000x16xf32, #tpu.memory_space<vmem_shared>> -> memref<400x16xf32, #tpu.memory_space<vmem_shared>>
        %dma_wait3A_91 = arith.constant 48520 : i32
        %dma_wait3A_92 = arith.constant 0 : i32
        %dma_wait3A_93 = tpu.memref_slice %arg13[%dma_wait3A_91, %dma_wait3A_92] : memref<50000x16xf32, #tpu.memory_space<vmem_shared>> -> memref<400x16xf32, #tpu.memory_space<vmem_shared>>
        tpu.wait_dma2 semaphore(%run_scoped3A : memref<!tpu.dma_semaphore, #tpu.memory_space<semaphore_mem>>) src(%arg10 : memref<400x16xf32, #tpu.memory_space<vmem>>) dst(%dma_wait3A_93 : memref<400x16xf32, #tpu.memory_space<vmem_shared>>)
        tpu.yield
      }) : () -> ()
      "tpu.region"() ({
        %run_scoped3A = tpu.sem_alloc : memref<!tpu.dma_semaphore, #tpu.memory_space<semaphore_mem>>
        %dma_start3A = arith.constant 48920 : i32
        %dma_start3A_84 = arith.constant 0 : i32
        %dma_start3A_85 = tpu.memref_slice %arg13[%dma_start3A, %dma_start3A_84] : memref<50000x16xf32, #tpu.memory_space<vmem_shared>> -> memref<400x16xf32, #tpu.memory_space<vmem_shared>>
        %dma_start3A_86 = arith.constant 48920 : i32
        %dma_start3A_87 = arith.constant 0 : i32
        %dma_start3A_88 = tpu.memref_slice %arg13[%dma_start3A_86, %dma_start3A_87] : memref<50000x16xf32, #tpu.memory_space<vmem_shared>> -> memref<400x16xf32, #tpu.memory_space<vmem_shared>>
        tpu.enqueue_dma source(%arg10 : memref<400x16xf32, #tpu.memory_space<vmem>>) target(%dma_start3A_88 : memref<400x16xf32, #tpu.memory_space<vmem_shared>>) target_semaphore(%run_scoped3A : memref<!tpu.dma_semaphore, #tpu.memory_space<semaphore_mem>>)
        %dma_wait3A = arith.constant 48920 : i32
        %dma_wait3A_89 = arith.constant 0 : i32
        %dma_wait3A_90 = tpu.memref_slice %arg13[%dma_wait3A, %dma_wait3A_89] : memref<50000x16xf32, #tpu.memory_space<vmem_shared>> -> memref<400x16xf32, #tpu.memory_space<vmem_shared>>
        %dma_wait3A_91 = arith.constant 48920 : i32
        %dma_wait3A_92 = arith.constant 0 : i32
        %dma_wait3A_93 = tpu.memref_slice %arg13[%dma_wait3A_91, %dma_wait3A_92] : memref<50000x16xf32, #tpu.memory_space<vmem_shared>> -> memref<400x16xf32, #tpu.memory_space<vmem_shared>>
        tpu.wait_dma2 semaphore(%run_scoped3A : memref<!tpu.dma_semaphore, #tpu.memory_space<semaphore_mem>>) src(%arg10 : memref<400x16xf32, #tpu.memory_space<vmem>>) dst(%dma_wait3A_93 : memref<400x16xf32, #tpu.memory_space<vmem_shared>>)
        tpu.yield
      }) : () -> ()
      "tpu.region"() ({
        %run_scoped3A = tpu.sem_alloc : memref<!tpu.dma_semaphore, #tpu.memory_space<semaphore_mem>>
        %dma_start3A = arith.constant 49320 : i32
        %dma_start3A_84 = arith.constant 0 : i32
        %dma_start3A_85 = tpu.memref_slice %arg13[%dma_start3A, %dma_start3A_84] : memref<50000x16xf32, #tpu.memory_space<vmem_shared>> -> memref<400x16xf32, #tpu.memory_space<vmem_shared>>
        %dma_start3A_86 = arith.constant 49320 : i32
        %dma_start3A_87 = arith.constant 0 : i32
        %dma_start3A_88 = tpu.memref_slice %arg13[%dma_start3A_86, %dma_start3A_87] : memref<50000x16xf32, #tpu.memory_space<vmem_shared>> -> memref<400x16xf32, #tpu.memory_space<vmem_shared>>
        tpu.enqueue_dma source(%arg10 : memref<400x16xf32, #tpu.memory_space<vmem>>) target(%dma_start3A_88 : memref<400x16xf32, #tpu.memory_space<vmem_shared>>) target_semaphore(%run_scoped3A : memref<!tpu.dma_semaphore, #tpu.memory_space<semaphore_mem>>)
        %dma_wait3A = arith.constant 49320 : i32
        %dma_wait3A_89 = arith.constant 0 : i32
        %dma_wait3A_90 = tpu.memref_slice %arg13[%dma_wait3A, %dma_wait3A_89] : memref<50000x16xf32, #tpu.memory_space<vmem_shared>> -> memref<400x16xf32, #tpu.memory_space<vmem_shared>>
        %dma_wait3A_91 = arith.constant 49320 : i32
        %dma_wait3A_92 = arith.constant 0 : i32
        %dma_wait3A_93 = tpu.memref_slice %arg13[%dma_wait3A_91, %dma_wait3A_92] : memref<50000x16xf32, #tpu.memory_space<vmem_shared>> -> memref<400x16xf32, #tpu.memory_space<vmem_shared>>
        tpu.wait_dma2 semaphore(%run_scoped3A : memref<!tpu.dma_semaphore, #tpu.memory_space<semaphore_mem>>) src(%arg10 : memref<400x16xf32, #tpu.memory_space<vmem>>) dst(%dma_wait3A_93 : memref<400x16xf32, #tpu.memory_space<vmem_shared>>)
        tpu.yield
      }) : () -> ()
      "tpu.region"() ({
        %run_scoped3A = tpu.sem_alloc : memref<!tpu.dma_semaphore, #tpu.memory_space<semaphore_mem>>
        %dma_start3A = arith.constant 0 : i32
        %dma_start3A_84 = arith.constant 0 : i32
        %dma_start3A_85 = tpu.memref_slice %arg10[%dma_start3A, %dma_start3A_84] : memref<400x16xf32, #tpu.memory_space<vmem>> -> memref<280x16xf32, #tpu.memory_space<vmem>>
        %dma_start3A_86 = arith.constant 49720 : i32
        %dma_start3A_87 = arith.constant 0 : i32
        %dma_start3A_88 = tpu.memref_slice %arg13[%dma_start3A_86, %dma_start3A_87] : memref<50000x16xf32, #tpu.memory_space<vmem_shared>> -> memref<280x16xf32, #tpu.memory_space<vmem_shared>>
        %dma_start3A_89 = arith.constant 49720 : i32
        %dma_start3A_90 = arith.constant 0 : i32
        %dma_start3A_91 = tpu.memref_slice %arg13[%dma_start3A_89, %dma_start3A_90] : memref<50000x16xf32, #tpu.memory_space<vmem_shared>> -> memref<280x16xf32, #tpu.memory_space<vmem_shared>>
        %dma_start3A_92 = arith.constant 0 : i32
        %dma_start3A_93 = arith.constant 0 : i32
        %dma_start3A_94 = tpu.memref_slice %arg10[%dma_start3A_92, %dma_start3A_93] : memref<400x16xf32, #tpu.memory_space<vmem>> -> memref<280x16xf32, #tpu.memory_space<vmem>>
        tpu.enqueue_dma source(%dma_start3A_94 : memref<280x16xf32, #tpu.memory_space<vmem>>) target(%dma_start3A_91 : memref<280x16xf32, #tpu.memory_space<vmem_shared>>) target_semaphore(%run_scoped3A : memref<!tpu.dma_semaphore, #tpu.memory_space<semaphore_mem>>)
        %dma_wait3A = arith.constant 0 : i32
        %dma_wait3A_95 = arith.constant 0 : i32
        %dma_wait3A_96 = tpu.memref_slice %arg10[%dma_wait3A, %dma_wait3A_95] : memref<400x16xf32, #tpu.memory_space<vmem>> -> memref<280x16xf32, #tpu.memory_space<vmem>>
        %dma_wait3A_97 = arith.constant 49720 : i32
        %dma_wait3A_98 = arith.constant 0 : i32
        %dma_wait3A_99 = tpu.memref_slice %arg13[%dma_wait3A_97, %dma_wait3A_98] : memref<50000x16xf32, #tpu.memory_space<vmem_shared>> -> memref<280x16xf32, #tpu.memory_space<vmem_shared>>
        %dma_wait3A_100 = arith.constant 49720 : i32
        %dma_wait3A_101 = arith.constant 0 : i32
        %dma_wait3A_102 = tpu.memref_slice %arg13[%dma_wait3A_100, %dma_wait3A_101] : memref<50000x16xf32, #tpu.memory_space<vmem_shared>> -> memref<280x16xf32, #tpu.memory_space<vmem_shared>>
        %dma_wait3A_103 = arith.constant 0 : i32
        %dma_wait3A_104 = arith.constant 0 : i32
        %dma_wait3A_105 = tpu.memref_slice %arg10[%dma_wait3A_103, %dma_wait3A_104] : memref<400x16xf32, #tpu.memory_space<vmem>> -> memref<280x16xf32, #tpu.memory_space<vmem>>
        tpu.wait_dma2 semaphore(%run_scoped3A : memref<!tpu.dma_semaphore, #tpu.memory_space<semaphore_mem>>) src(%dma_wait3A_105 : memref<280x16xf32, #tpu.memory_space<vmem>>) dst(%dma_wait3A_102 : memref<280x16xf32, #tpu.memory_space<vmem_shared>>)
        tpu.yield
      }) : () -> ()
    } else {
    }
    %barrier3A = arith.constant 0 : index
    tpu.barrier barrier_id(%barrier3A)
    %scan3A_17 = arith.constant 0 : i32
    %scan3A_18 = arith.constant 0 : i32
    %scan3A_19 = arith.constant 62 : i32
    %scan3A_20 = arith.addi %scan3A_18, %scan3A_19 : i32
    %scan3A_21 = arith.constant 1 : i32
    %scan3A_22 = scf.for %scan3A_82 = %scan3A_18 to %scan3A_20 step %scan3A_21 iter_args(%scan3A_83 = %scan3A_17) -> (i32)  : i32 {
      %mul3A_84 = arith.constant 800 : i32
      %mul3A_85 = arith.muli %scan3A_82, %mul3A_84 : i32
      %add3A_86 = arith.addi %mul3A_0, %mul3A_85 : i32
      %add3A_87 = arith.constant 400 : i32
      %add3A_88 = arith.addi %add3A_86, %add3A_87 : i32
      "tpu.region"() ({
        %run_scoped3A = tpu.sem_alloc : memref<!tpu.dma_semaphore, #tpu.memory_space<semaphore_mem>>
        %dma_start3A_108 = tpu.memref_slice %arg3[%add3A_86] : memref<800000xi32, #tpu.memory_space<hbm>> -> memref<400xi32, #tpu.memory_space<hbm>>
        %dma_start3A_109 = tpu.memref_slice %arg3[%add3A_86] : memref<800000xi32, #tpu.memory_space<hbm>> -> memref<400xi32, #tpu.memory_space<hbm>>
        tpu.enqueue_dma source(%dma_start3A_109 : memref<400xi32, #tpu.memory_space<hbm>>) target(%arg6 : memref<400xi32, #tpu.memory_space<vmem>>) target_semaphore(%run_scoped3A : memref<!tpu.dma_semaphore, #tpu.memory_space<semaphore_mem>>)
        %dma_wait3A_110 = tpu.memref_slice %arg3[%add3A_86] : memref<800000xi32, #tpu.memory_space<hbm>> -> memref<400xi32, #tpu.memory_space<hbm>>
        %dma_wait3A_111 = tpu.memref_slice %arg3[%add3A_86] : memref<800000xi32, #tpu.memory_space<hbm>> -> memref<400xi32, #tpu.memory_space<hbm>>
        tpu.wait_dma2 semaphore(%run_scoped3A : memref<!tpu.dma_semaphore, #tpu.memory_space<semaphore_mem>>) src(%dma_wait3A_111 : memref<400xi32, #tpu.memory_space<hbm>>) dst(%arg6 : memref<400xi32, #tpu.memory_space<vmem>>)
        tpu.yield
      }) : () -> ()
      "tpu.region"() ({
        %run_scoped3A = tpu.sem_alloc : memref<!tpu.dma_semaphore, #tpu.memory_space<semaphore_mem>>
        %dma_start3A_108 = tpu.memref_slice %arg4[%add3A_86] : memref<800000xi32, #tpu.memory_space<hbm>> -> memref<400xi32, #tpu.memory_space<hbm>>
        %dma_start3A_109 = tpu.memref_slice %arg4[%add3A_86] : memref<800000xi32, #tpu.memory_space<hbm>> -> memref<400xi32, #tpu.memory_space<hbm>>
        tpu.enqueue_dma source(%dma_start3A_109 : memref<400xi32, #tpu.memory_space<hbm>>) target(%arg7 : memref<400xi32, #tpu.memory_space<vmem>>) target_semaphore(%run_scoped3A : memref<!tpu.dma_semaphore, #tpu.memory_space<semaphore_mem>>)
        %dma_wait3A_110 = tpu.memref_slice %arg4[%add3A_86] : memref<800000xi32, #tpu.memory_space<hbm>> -> memref<400xi32, #tpu.memory_space<hbm>>
        %dma_wait3A_111 = tpu.memref_slice %arg4[%add3A_86] : memref<800000xi32, #tpu.memory_space<hbm>> -> memref<400xi32, #tpu.memory_space<hbm>>
        tpu.wait_dma2 semaphore(%run_scoped3A : memref<!tpu.dma_semaphore, #tpu.memory_space<semaphore_mem>>) src(%dma_wait3A_111 : memref<400xi32, #tpu.memory_space<hbm>>) dst(%arg7 : memref<400xi32, #tpu.memory_space<vmem>>)
        tpu.yield
      }) : () -> ()
      %dma_start3A = tpu.memref_slice %arg3[%add3A_88] : memref<800000xi32, #tpu.memory_space<hbm>> -> memref<400xi32, #tpu.memory_space<hbm>>
      %dma_start3A_89 = tpu.memref_slice %arg3[%add3A_88] : memref<800000xi32, #tpu.memory_space<hbm>> -> memref<400xi32, #tpu.memory_space<hbm>>
      tpu.enqueue_dma source(%dma_start3A_89 : memref<400xi32, #tpu.memory_space<hbm>>) target(%arg8 : memref<400xi32, #tpu.memory_space<vmem>>) target_semaphore(%arg14 : memref<!tpu.dma_semaphore, #tpu.memory_space<semaphore_mem>>)
      %dma_start3A_90 = tpu.memref_slice %arg4[%add3A_88] : memref<800000xi32, #tpu.memory_space<hbm>> -> memref<400xi32, #tpu.memory_space<hbm>>
      %dma_start3A_91 = tpu.memref_slice %arg4[%add3A_88] : memref<800000xi32, #tpu.memory_space<hbm>> -> memref<400xi32, #tpu.memory_space<hbm>>
      tpu.enqueue_dma source(%dma_start3A_91 : memref<400xi32, #tpu.memory_space<hbm>>) target(%arg9 : memref<400xi32, #tpu.memory_space<vmem>>) target_semaphore(%arg14 : memref<!tpu.dma_semaphore, #tpu.memory_space<semaphore_mem>>)
      "tpu.region"() ({
        %run_scoped3A = tpu.sem_alloc : memref<!tpu.dma_semaphore, #tpu.memory_space<semaphore_mem>>
        %dma_start3A_108 = arith.constant 0 : i32
        %dma_start3A_109 = arith.constant 0 : i32
        %dma_start3A_110 = tpu.memref_slice %arg12[%dma_start3A_108, %dma_start3A_109] : memref<50000x16xf32, #tpu.memory_space<vmem_shared>> -> memref<50000x16xf32, #tpu.memory_space<vmem_shared>>
        tpu.enqueue_indirect_dma source(%dma_start3A_110 : memref<50000x16xf32, #tpu.memory_space<vmem_shared>>) target(%arg10 : memref<400x16xf32, #tpu.memory_space<vmem>>) offsets(%arg6 : memref<400xi32, #tpu.memory_space<vmem>>) semaphore(%run_scoped3A : memref<!tpu.dma_semaphore, #tpu.memory_space<semaphore_mem>>)
        %dma_wait3A_111 = arith.constant 0 : i32
        %dma_wait3A_112 = arith.constant 0 : i32
        %dma_wait3A_113 = tpu.memref_slice %arg12[%dma_wait3A_111, %dma_wait3A_112] : memref<50000x16xf32, #tpu.memory_space<vmem_shared>> -> memref<50000x16xf32, #tpu.memory_space<vmem_shared>>
        tpu.wait_indirect_dma semaphore(%run_scoped3A : memref<!tpu.dma_semaphore, #tpu.memory_space<semaphore_mem>>) src(%dma_wait3A_113 : memref<50000x16xf32, #tpu.memory_space<vmem_shared>>) dst(%arg10 : memref<400x16xf32, #tpu.memory_space<vmem>>)
        tpu.yield
      }) : () -> ()
      %dma_start3A_92 = arith.constant 0 : i32
      %dma_start3A_93 = arith.constant 0 : i32
      %dma_start3A_94 = tpu.memref_slice %arg13[%dma_start3A_92, %dma_start3A_93] : memref<50000x16xf32, #tpu.memory_space<vmem_shared>> -> memref<50000x16xf32, #tpu.memory_space<vmem_shared>>
      tpu.enqueue_indirect_dma source(%arg10 : memref<400x16xf32, #tpu.memory_space<vmem>>) target(%dma_start3A_94 : memref<50000x16xf32, #tpu.memory_space<vmem_shared>>) offsets(%arg7 : memref<400xi32, #tpu.memory_space<vmem>>) semaphore(%arg15 : memref<!tpu.dma_semaphore, #tpu.memory_space<semaphore_mem>>) {add = true}
      %dma_wait3A = tpu.memref_slice %arg3[%add3A_88] : memref<800000xi32, #tpu.memory_space<hbm>> -> memref<400xi32, #tpu.memory_space<hbm>>
      %dma_wait3A_95 = tpu.memref_slice %arg3[%add3A_88] : memref<800000xi32, #tpu.memory_space<hbm>> -> memref<400xi32, #tpu.memory_space<hbm>>
      tpu.wait_dma2 semaphore(%arg14 : memref<!tpu.dma_semaphore, #tpu.memory_space<semaphore_mem>>) src(%dma_wait3A_95 : memref<400xi32, #tpu.memory_space<hbm>>) dst(%arg8 : memref<400xi32, #tpu.memory_space<vmem>>)
      %dma_wait3A_96 = tpu.memref_slice %arg4[%add3A_88] : memref<800000xi32, #tpu.memory_space<hbm>> -> memref<400xi32, #tpu.memory_space<hbm>>
      %dma_wait3A_97 = tpu.memref_slice %arg4[%add3A_88] : memref<800000xi32, #tpu.memory_space<hbm>> -> memref<400xi32, #tpu.memory_space<hbm>>
      tpu.wait_dma2 semaphore(%arg14 : memref<!tpu.dma_semaphore, #tpu.memory_space<semaphore_mem>>) src(%dma_wait3A_97 : memref<400xi32, #tpu.memory_space<hbm>>) dst(%arg9 : memref<400xi32, #tpu.memory_space<vmem>>)
      "tpu.region"() ({
        %run_scoped3A = tpu.sem_alloc : memref<!tpu.dma_semaphore, #tpu.memory_space<semaphore_mem>>
        %dma_start3A_108 = arith.constant 0 : i32
        %dma_start3A_109 = arith.constant 0 : i32
        %dma_start3A_110 = tpu.memref_slice %arg12[%dma_start3A_108, %dma_start3A_109] : memref<50000x16xf32, #tpu.memory_space<vmem_shared>> -> memref<50000x16xf32, #tpu.memory_space<vmem_shared>>
        tpu.enqueue_indirect_dma source(%dma_start3A_110 : memref<50000x16xf32, #tpu.memory_space<vmem_shared>>) target(%arg11 : memref<400x16xf32, #tpu.memory_space<vmem>>) offsets(%arg8 : memref<400xi32, #tpu.memory_space<vmem>>) semaphore(%run_scoped3A : memref<!tpu.dma_semaphore, #tpu.memory_space<semaphore_mem>>)
        %dma_wait3A_111 = arith.constant 0 : i32
        %dma_wait3A_112 = arith.constant 0 : i32
        %dma_wait3A_113 = tpu.memref_slice %arg12[%dma_wait3A_111, %dma_wait3A_112] : memref<50000x16xf32, #tpu.memory_space<vmem_shared>> -> memref<50000x16xf32, #tpu.memory_space<vmem_shared>>
        tpu.wait_indirect_dma semaphore(%run_scoped3A : memref<!tpu.dma_semaphore, #tpu.memory_space<semaphore_mem>>) src(%dma_wait3A_113 : memref<50000x16xf32, #tpu.memory_space<vmem_shared>>) dst(%arg11 : memref<400x16xf32, #tpu.memory_space<vmem>>)
        tpu.yield
      }) : () -> ()
      %dma_wait3A_98 = arith.constant 0 : i32
      %dma_wait3A_99 = arith.constant 0 : i32
      %dma_wait3A_100 = tpu.memref_slice %arg13[%dma_wait3A_98, %dma_wait3A_99] : memref<50000x16xf32, #tpu.memory_space<vmem_shared>> -> memref<50000x16xf32, #tpu.memory_space<vmem_shared>>
      tpu.wait_indirect_dma semaphore(%arg15 : memref<!tpu.dma_semaphore, #tpu.memory_space<semaphore_mem>>) src(%arg10 : memref<400x16xf32, #tpu.memory_space<vmem>>) dst(%dma_wait3A_100 : memref<50000x16xf32, #tpu.memory_space<vmem_shared>>)
      %dma_start3A_101 = arith.constant 0 : i32
      %dma_start3A_102 = arith.constant 0 : i32
      %dma_start3A_103 = tpu.memref_slice %arg13[%dma_start3A_101, %dma_start3A_102] : memref<50000x16xf32, #tpu.memory_space<vmem_shared>> -> memref<50000x16xf32, #tpu.memory_space<vmem_shared>>
      tpu.enqueue_indirect_dma source(%arg11 : memref<400x16xf32, #tpu.memory_space<vmem>>) target(%dma_start3A_103 : memref<50000x16xf32, #tpu.memory_space<vmem_shared>>) offsets(%arg9 : memref<400xi32, #tpu.memory_space<vmem>>) semaphore(%arg15 : memref<!tpu.dma_semaphore, #tpu.memory_space<semaphore_mem>>) {add = true}
      %dma_wait3A_104 = arith.constant 0 : i32
      %dma_wait3A_105 = arith.constant 0 : i32
      %dma_wait3A_106 = tpu.memref_slice %arg13[%dma_wait3A_104, %dma_wait3A_105] : memref<50000x16xf32, #tpu.memory_space<vmem_shared>> -> memref<50000x16xf32, #tpu.memory_space<vmem_shared>>
      tpu.wait_indirect_dma semaphore(%arg15 : memref<!tpu.dma_semaphore, #tpu.memory_space<semaphore_mem>>) src(%arg11 : memref<400x16xf32, #tpu.memory_space<vmem>>) dst(%dma_wait3A_106 : memref<50000x16xf32, #tpu.memory_space<vmem_shared>>)
      %scan3A_107 = arith.constant 0 : i32
      scf.yield %scan3A_107 : i32
    }
    %scan3A_23 = arith.constant 62 : i32
    %add3A_24 = arith.constant 49600 : i32
    %add3A_25 = arith.addi %mul3A_0, %add3A_24 : i32
    "tpu.region"() ({
      %run_scoped3A = tpu.sem_alloc : memref<!tpu.dma_semaphore, #tpu.memory_space<semaphore_mem>>
      %dma_start3A = tpu.memref_slice %arg3[%add3A_25] : memref<800000xi32, #tpu.memory_space<hbm>> -> memref<400xi32, #tpu.memory_space<hbm>>
      %dma_start3A_82 = tpu.memref_slice %arg3[%add3A_25] : memref<800000xi32, #tpu.memory_space<hbm>> -> memref<400xi32, #tpu.memory_space<hbm>>
      tpu.enqueue_dma source(%dma_start3A_82 : memref<400xi32, #tpu.memory_space<hbm>>) target(%arg6 : memref<400xi32, #tpu.memory_space<vmem>>) target_semaphore(%run_scoped3A : memref<!tpu.dma_semaphore, #tpu.memory_space<semaphore_mem>>)
      %dma_wait3A = tpu.memref_slice %arg3[%add3A_25] : memref<800000xi32, #tpu.memory_space<hbm>> -> memref<400xi32, #tpu.memory_space<hbm>>
      %dma_wait3A_83 = tpu.memref_slice %arg3[%add3A_25] : memref<800000xi32, #tpu.memory_space<hbm>> -> memref<400xi32, #tpu.memory_space<hbm>>
      tpu.wait_dma2 semaphore(%run_scoped3A : memref<!tpu.dma_semaphore, #tpu.memory_space<semaphore_mem>>) src(%dma_wait3A_83 : memref<400xi32, #tpu.memory_space<hbm>>) dst(%arg6 : memref<400xi32, #tpu.memory_space<vmem>>)
      tpu.yield
    }) : () -> ()
    "tpu.region"() ({
      %run_scoped3A = tpu.sem_alloc : memref<!tpu.dma_semaphore, #tpu.memory_space<semaphore_mem>>
      %dma_start3A = tpu.memref_slice %arg4[%add3A_25] : memref<800000xi32, #tpu.memory_space<hbm>> -> memref<400xi32, #tpu.memory_space<hbm>>
      %dma_start3A_82 = tpu.memref_slice %arg4[%add3A_25] : memref<800000xi32, #tpu.memory_space<hbm>> -> memref<400xi32, #tpu.memory_space<hbm>>
      tpu.enqueue_dma source(%dma_start3A_82 : memref<400xi32, #tpu.memory_space<hbm>>) target(%arg7 : memref<400xi32, #tpu.memory_space<vmem>>) target_semaphore(%run_scoped3A : memref<!tpu.dma_semaphore, #tpu.memory_space<semaphore_mem>>)
      %dma_wait3A = tpu.memref_slice %arg4[%add3A_25] : memref<800000xi32, #tpu.memory_space<hbm>> -> memref<400xi32, #tpu.memory_space<hbm>>
      %dma_wait3A_83 = tpu.memref_slice %arg4[%add3A_25] : memref<800000xi32, #tpu.memory_space<hbm>> -> memref<400xi32, #tpu.memory_space<hbm>>
      tpu.wait_dma2 semaphore(%run_scoped3A : memref<!tpu.dma_semaphore, #tpu.memory_space<semaphore_mem>>) src(%dma_wait3A_83 : memref<400xi32, #tpu.memory_space<hbm>>) dst(%arg7 : memref<400xi32, #tpu.memory_space<vmem>>)
      tpu.yield
    }) : () -> ()
    "tpu.region"() ({
      %run_scoped3A = tpu.sem_alloc : memref<!tpu.dma_semaphore, #tpu.memory_space<semaphore_mem>>
      %dma_start3A = arith.constant 0 : i32
      %dma_start3A_82 = arith.constant 0 : i32
      %dma_start3A_83 = tpu.memref_slice %arg12[%dma_start3A, %dma_start3A_82] : memref<50000x16xf32, #tpu.memory_space<vmem_shared>> -> memref<50000x16xf32, #tpu.memory_space<vmem_shared>>
      tpu.enqueue_indirect_dma source(%dma_start3A_83 : memref<50000x16xf32, #tpu.memory_space<vmem_shared>>) target(%arg10 : memref<400x16xf32, #tpu.memory_space<vmem>>) offsets(%arg6 : memref<400xi32, #tpu.memory_space<vmem>>) semaphore(%run_scoped3A : memref<!tpu.dma_semaphore, #tpu.memory_space<semaphore_mem>>)
      %dma_wait3A = arith.constant 0 : i32
      %dma_wait3A_84 = arith.constant 0 : i32
      %dma_wait3A_85 = tpu.memref_slice %arg12[%dma_wait3A, %dma_wait3A_84] : memref<50000x16xf32, #tpu.memory_space<vmem_shared>> -> memref<50000x16xf32, #tpu.memory_space<vmem_shared>>
      tpu.wait_indirect_dma semaphore(%run_scoped3A : memref<!tpu.dma_semaphore, #tpu.memory_space<semaphore_mem>>) src(%dma_wait3A_85 : memref<50000x16xf32, #tpu.memory_space<vmem_shared>>) dst(%arg10 : memref<400x16xf32, #tpu.memory_space<vmem>>)
      tpu.yield
    }) : () -> ()
    "tpu.region"() ({
      %run_scoped3A = tpu.sem_alloc : memref<!tpu.dma_semaphore, #tpu.memory_space<semaphore_mem>>
      %dma_start3A = arith.constant 0 : i32
      %dma_start3A_82 = arith.constant 0 : i32
      %dma_start3A_83 = tpu.memref_slice %arg13[%dma_start3A, %dma_start3A_82] : memref<50000x16xf32, #tpu.memory_space<vmem_shared>> -> memref<50000x16xf32, #tpu.memory_space<vmem_shared>>
      tpu.enqueue_indirect_dma source(%arg10 : memref<400x16xf32, #tpu.memory_space<vmem>>) target(%dma_start3A_83 : memref<50000x16xf32, #tpu.memory_space<vmem_shared>>) offsets(%arg7 : memref<400xi32, #tpu.memory_space<vmem>>) semaphore(%run_scoped3A : memref<!tpu.dma_semaphore, #tpu.memory_space<semaphore_mem>>) {add = true}
      %dma_wait3A = arith.constant 0 : i32
      %dma_wait3A_84 = arith.constant 0 : i32
      %dma_wait3A_85 = tpu.memref_slice %arg13[%dma_wait3A, %dma_wait3A_84] : memref<50000x16xf32, #tpu.memory_space<vmem_shared>> -> memref<50000x16xf32, #tpu.memory_space<vmem_shared>>
      tpu.wait_indirect_dma semaphore(%run_scoped3A : memref<!tpu.dma_semaphore, #tpu.memory_space<semaphore_mem>>) src(%arg10 : memref<400x16xf32, #tpu.memory_space<vmem>>) dst(%dma_wait3A_85 : memref<50000x16xf32, #tpu.memory_space<vmem_shared>>)
      tpu.yield
    }) : () -> ()
    %barrier3A_26 = arith.constant 0 : index
    tpu.barrier barrier_id(%barrier3A_26)
    %lt3A_27 = arith.constant 15 : i32
    %lt3A_28 = arith.cmpi slt, %arg1, %lt3A_27 : i32
    %convert_element_type3A_29 = arith.extui %lt3A_28 : i1 to i32
    %cond3A_30 = arith.constant 0 : i32
    %cond3A_31 = arith.cmpi ne, %convert_element_type3A_29, %cond3A_30 : i32
    scf.if %cond3A_31 {
      %mul3A_82 = arith.constant 3128 : i32
      %mul3A_83 = arith.muli %arg1, %mul3A_82 : i32
      %mul3A_84 = arith.constant 16 : i32
      %mul3A_85 = arith.muli %add3A_3, %mul3A_84 : i32
      "tpu.region"() ({
        %run_scoped3A = tpu.sem_alloc : memref<!tpu.dma_semaphore, #tpu.memory_space<semaphore_mem>>
        %dma_start3A = tpu.memref_slice %arg5[%mul3A_83, %mul3A_85] : memref<50000x128xf32, #tpu.memory_space<hbm>> -> memref<3128x16xf32, #tpu.memory_space<hbm>>
        %dma_start3A_86 = arith.constant 0 : i32
        %dma_start3A_87 = tpu.memref_slice %arg13[%mul3A_83, %dma_start3A_86] : memref<50000x16xf32, #tpu.memory_space<vmem_shared>> -> memref<3128x16xf32, #tpu.memory_space<vmem_shared>>
        tpu.enqueue_dma source(%dma_start3A_87 : memref<3128x16xf32, #tpu.memory_space<vmem_shared>>) target(%dma_start3A : memref<3128x16xf32, #tpu.memory_space<hbm>>) target_semaphore(%run_scoped3A : memref<!tpu.dma_semaphore, #tpu.memory_space<semaphore_mem>>)
        %dma_wait3A = tpu.memref_slice %arg5[%mul3A_83, %mul3A_85] : memref<50000x128xf32, #tpu.memory_space<hbm>> -> memref<3128x16xf32, #tpu.memory_space<hbm>>
        %dma_wait3A_88 = arith.constant 0 : i32
        %dma_wait3A_89 = tpu.memref_slice %arg13[%mul3A_83, %dma_wait3A_88] : memref<50000x16xf32, #tpu.memory_space<vmem_shared>> -> memref<3128x16xf32, #tpu.memory_space<vmem_shared>>
        tpu.wait_dma2 semaphore(%run_scoped3A : memref<!tpu.dma_semaphore, #tpu.memory_space<semaphore_mem>>) src(%dma_wait3A_89 : memref<3128x16xf32, #tpu.memory_space<vmem_shared>>) dst(%dma_wait3A : memref<3128x16xf32, #tpu.memory_space<hbm>>)
        tpu.yield
      }) : () -> ()
    } else {
    }
    %eq3A_32 = arith.constant 15 : i32
    %eq3A_33 = arith.cmpi eq, %arg1, %eq3A_32 : i32
    %convert_element_type3A_34 = arith.extui %eq3A_33 : i1 to i32
    %cond3A_35 = arith.constant 0 : i32
    %cond3A_36 = arith.cmpi ne, %convert_element_type3A_34, %cond3A_35 : i32
    scf.if %cond3A_36 {
      %mul3A_82 = arith.constant 16 : i32
      %mul3A_83 = arith.muli %add3A_3, %mul3A_82 : i32
      "tpu.region"() ({
        %run_scoped3A = tpu.sem_alloc : memref<!tpu.dma_semaphore, #tpu.memory_space<semaphore_mem>>
        %dma_start3A = arith.constant 46920 : i32
        %dma_start3A_84 = tpu.memref_slice %arg5[%dma_start3A, %mul3A_83] : memref<50000x128xf32, #tpu.memory_space<hbm>> -> memref<3080x16xf32, #tpu.memory_space<hbm>>
        %dma_start3A_85 = arith.constant 46920 : i32
        %dma_start3A_86 = arith.constant 0 : i32
        %dma_start3A_87 = tpu.memref_slice %arg13[%dma_start3A_85, %dma_start3A_86] : memref<50000x16xf32, #tpu.memory_space<vmem_shared>> -> memref<3080x16xf32, #tpu.memory_space<vmem_shared>>
        tpu.enqueue_dma source(%dma_start3A_87 : memref<3080x16xf32, #tpu.memory_space<vmem_shared>>) target(%dma_start3A_84 : memref<3080x16xf32, #tpu.memory_space<hbm>>) target_semaphore(%run_scoped3A : memref<!tpu.dma_semaphore, #tpu.memory_space<semaphore_mem>>)
        %dma_wait3A = arith.constant 46920 : i32
        %dma_wait3A_88 = tpu.memref_slice %arg5[%dma_wait3A, %mul3A_83] : memref<50000x128xf32, #tpu.memory_space<hbm>> -> memref<3080x16xf32, #tpu.memory_space<hbm>>
        %dma_wait3A_89 = arith.constant 46920 : i32
        %dma_wait3A_90 = arith.constant 0 : i32
        %dma_wait3A_91 = tpu.memref_slice %arg13[%dma_wait3A_89, %dma_wait3A_90] : memref<50000x16xf32, #tpu.memory_space<vmem_shared>> -> memref<3080x16xf32, #tpu.memory_space<vmem_shared>>
        tpu.wait_dma2 semaphore(%run_scoped3A : memref<!tpu.dma_semaphore, #tpu.memory_space<semaphore_mem>>) src(%dma_wait3A_91 : memref<3080x16xf32, #tpu.memory_space<vmem_shared>>) dst(%dma_wait3A_88 : memref<3080x16xf32, #tpu.memory_space<hbm>>)
        tpu.yield
      }) : () -> ()
    } else {
    }
    %barrier3A_37 = arith.constant 0 : index
    tpu.barrier barrier_id(%barrier3A_37)
    %mul3A_38 = arith.constant 2 : i32
    %mul3A_39 = arith.muli %arg0, %mul3A_38 : i32
    %add3A_40 = arith.constant 1 : i32
    %add3A_41 = arith.addi %mul3A_39, %add3A_40 : i32
    %broadcast_in_dim3A_42 = arith.constant 0.000000e+00 : f32
    %broadcast_in_dim3A_43 = vector.broadcast %broadcast_in_dim3A_42 : f32 to vector<16xf32>
    %scan3A_44 = arith.constant 0 : i32
    %scan3A_45 = arith.constant 0 : i32
    %scan3A_46 = arith.constant 400 : i32
    %scan3A_47 = arith.addi %scan3A_45, %scan3A_46 : i32
    %scan3A_48 = arith.constant 1 : i32
    %scan3A_49 = scf.for %scan3A_82 = %scan3A_45 to %scan3A_47 step %scan3A_48 iter_args(%scan3A_83 = %scan3A_44) -> (i32)  : i32 {
      %swap3A = arith.index_cast %scan3A_82 : i32 to index
      %swap3A_84 = arith.constant 0 : index
      %swap3A_85 = tpu.vector_load %arg10[%swap3A, %swap3A_84] {strides = array<i32>} : memref<400x16xf32, #tpu.memory_space<vmem>>, vector<1x16xf32>,
      %swap3A_86 = vector.shape_cast %swap3A_85 : vector<1x16xf32> to vector<16xf32>
      %swap3A_87 = vector.shape_cast %broadcast_in_dim3A_43 : vector<16xf32> to vector<1x16xf32>
      tpu.vector_store %arg10[%swap3A, %swap3A_84], %swap3A_87 {strides = array<i32>} : memref<400x16xf32, #tpu.memory_space<vmem>>, vector<1x16xf32>,
      %scan3A_88 = arith.constant 0 : i32
      scf.yield %scan3A_88 : i32
    }
    %scan3A_50 = arith.constant 400 : i32
    %lt3A_51 = arith.constant 15 : i32
    %lt3A_52 = arith.cmpi slt, %arg1, %lt3A_51 : i32
    %convert_element_type3A_53 = arith.extui %lt3A_52 : i1 to i32
    %cond3A_54 = arith.constant 0 : i32
    %cond3A_55 = arith.cmpi ne, %convert_element_type3A_53, %cond3A_54 : i32
    scf.if %cond3A_55 {
      %mul3A_82 = arith.constant 3128 : i32
      %mul3A_83 = arith.muli %arg1, %mul3A_82 : i32
      %mul3A_84 = arith.constant 16 : i32
      %mul3A_85 = arith.muli %add3A_41, %mul3A_84 : i32
      "tpu.region"() ({
        %run_scoped3A = tpu.sem_alloc : memref<!tpu.dma_semaphore, #tpu.memory_space<semaphore_mem>>
        %dma_start3A = arith.constant 0 : i32
        %dma_start3A_102 = tpu.memref_slice %arg12[%mul3A_83, %dma_start3A] : memref<50000x16xf32, #tpu.memory_space<vmem_shared>> -> memref<3128x16xf32, #tpu.memory_space<vmem_shared>>
        %dma_start3A_103 = tpu.memref_slice %arg2[%mul3A_83, %mul3A_85] : memref<50000x128xf32, #tpu.memory_space<hbm>> -> memref<3128x16xf32, #tpu.memory_space<hbm>>
        tpu.enqueue_dma source(%dma_start3A_103 : memref<3128x16xf32, #tpu.memory_space<hbm>>) target(%dma_start3A_102 : memref<3128x16xf32, #tpu.memory_space<vmem_shared>>) target_semaphore(%run_scoped3A : memref<!tpu.dma_semaphore, #tpu.memory_space<semaphore_mem>>)
        %dma_wait3A = arith.constant 0 : i32
        %dma_wait3A_104 = tpu.memref_slice %arg12[%mul3A_83, %dma_wait3A] : memref<50000x16xf32, #tpu.memory_space<vmem_shared>> -> memref<3128x16xf32, #tpu.memory_space<vmem_shared>>
        %dma_wait3A_105 = tpu.memref_slice %arg2[%mul3A_83, %mul3A_85] : memref<50000x128xf32, #tpu.memory_space<hbm>> -> memref<3128x16xf32, #tpu.memory_space<hbm>>
        tpu.wait_dma2 semaphore(%run_scoped3A : memref<!tpu.dma_semaphore, #tpu.memory_space<semaphore_mem>>) src(%dma_wait3A_105 : memref<3128x16xf32, #tpu.memory_space<hbm>>) dst(%dma_wait3A_104 : memref<3128x16xf32, #tpu.memory_space<vmem_shared>>)
        tpu.yield
      }) : () -> ()
      %add3A_86 = arith.constant 0 : i32
      %add3A_87 = arith.addi %mul3A_83, %add3A_86 : i32
      "tpu.region"() ({
        %run_scoped3A = tpu.sem_alloc : memref<!tpu.dma_semaphore, #tpu.memory_space<semaphore_mem>>
        %dma_start3A = arith.constant 0 : i32
        %dma_start3A_102 = tpu.memref_slice %arg13[%add3A_87, %dma_start3A] : memref<50000x16xf32, #tpu.memory_space<vmem_shared>> -> memref<400x16xf32, #tpu.memory_space<vmem_shared>>
        %dma_start3A_103 = arith.constant 0 : i32
        %dma_start3A_104 = tpu.memref_slice %arg13[%add3A_87, %dma_start3A_103] : memref<50000x16xf32, #tpu.memory_space<vmem_shared>> -> memref<400x16xf32, #tpu.memory_space<vmem_shared>>
        tpu.enqueue_dma source(%arg10 : memref<400x16xf32, #tpu.memory_space<vmem>>) target(%dma_start3A_104 : memref<400x16xf32, #tpu.memory_space<vmem_shared>>) target_semaphore(%run_scoped3A : memref<!tpu.dma_semaphore, #tpu.memory_space<semaphore_mem>>)
        %dma_wait3A = arith.constant 0 : i32
        %dma_wait3A_105 = tpu.memref_slice %arg13[%add3A_87, %dma_wait3A] : memref<50000x16xf32, #tpu.memory_space<vmem_shared>> -> memref<400x16xf32, #tpu.memory_space<vmem_shared>>
        %dma_wait3A_106 = arith.constant 0 : i32
        %dma_wait3A_107 = tpu.memref_slice %arg13[%add3A_87, %dma_wait3A_106] : memref<50000x16xf32, #tpu.memory_space<vmem_shared>> -> memref<400x16xf32, #tpu.memory_space<vmem_shared>>
        tpu.wait_dma2 semaphore(%run_scoped3A : memref<!tpu.dma_semaphore, #tpu.memory_space<semaphore_mem>>) src(%arg10 : memref<400x16xf32, #tpu.memory_space<vmem>>) dst(%dma_wait3A_107 : memref<400x16xf32, #tpu.memory_space<vmem_shared>>)
        tpu.yield
      }) : () -> ()
      %add3A_88 = arith.constant 400 : i32
      %add3A_89 = arith.addi %mul3A_83, %add3A_88 : i32
      "tpu.region"() ({
        %run_scoped3A = tpu.sem_alloc : memref<!tpu.dma_semaphore, #tpu.memory_space<semaphore_mem>>
        %dma_start3A = arith.constant 0 : i32
        %dma_start3A_102 = tpu.memref_slice %arg13[%add3A_89, %dma_start3A] : memref<50000x16xf32, #tpu.memory_space<vmem_shared>> -> memref<400x16xf32, #tpu.memory_space<vmem_shared>>
        %dma_start3A_103 = arith.constant 0 : i32
        %dma_start3A_104 = tpu.memref_slice %arg13[%add3A_89, %dma_start3A_103] : memref<50000x16xf32, #tpu.memory_space<vmem_shared>> -> memref<400x16xf32, #tpu.memory_space<vmem_shared>>
        tpu.enqueue_dma source(%arg10 : memref<400x16xf32, #tpu.memory_space<vmem>>) target(%dma_start3A_104 : memref<400x16xf32, #tpu.memory_space<vmem_shared>>) target_semaphore(%run_scoped3A : memref<!tpu.dma_semaphore, #tpu.memory_space<semaphore_mem>>)
        %dma_wait3A = arith.constant 0 : i32
        %dma_wait3A_105 = tpu.memref_slice %arg13[%add3A_89, %dma_wait3A] : memref<50000x16xf32, #tpu.memory_space<vmem_shared>> -> memref<400x16xf32, #tpu.memory_space<vmem_shared>>
        %dma_wait3A_106 = arith.constant 0 : i32
        %dma_wait3A_107 = tpu.memref_slice %arg13[%add3A_89, %dma_wait3A_106] : memref<50000x16xf32, #tpu.memory_space<vmem_shared>> -> memref<400x16xf32, #tpu.memory_space<vmem_shared>>
        tpu.wait_dma2 semaphore(%run_scoped3A : memref<!tpu.dma_semaphore, #tpu.memory_space<semaphore_mem>>) src(%arg10 : memref<400x16xf32, #tpu.memory_space<vmem>>) dst(%dma_wait3A_107 : memref<400x16xf32, #tpu.memory_space<vmem_shared>>)
        tpu.yield
      }) : () -> ()
      %add3A_90 = arith.constant 800 : i32
      %add3A_91 = arith.addi %mul3A_83, %add3A_90 : i32
      "tpu.region"() ({
        %run_scoped3A = tpu.sem_alloc : memref<!tpu.dma_semaphore, #tpu.memory_space<semaphore_mem>>
        %dma_start3A = arith.constant 0 : i32
        %dma_start3A_102 = tpu.memref_slice %arg13[%add3A_91, %dma_start3A] : memref<50000x16xf32, #tpu.memory_space<vmem_shared>> -> memref<400x16xf32, #tpu.memory_space<vmem_shared>>
        %dma_start3A_103 = arith.constant 0 : i32
        %dma_start3A_104 = tpu.memref_slice %arg13[%add3A_91, %dma_start3A_103] : memref<50000x16xf32, #tpu.memory_space<vmem_shared>> -> memref<400x16xf32, #tpu.memory_space<vmem_shared>>
        tpu.enqueue_dma source(%arg10 : memref<400x16xf32, #tpu.memory_space<vmem>>) target(%dma_start3A_104 : memref<400x16xf32, #tpu.memory_space<vmem_shared>>) target_semaphore(%run_scoped3A : memref<!tpu.dma_semaphore, #tpu.memory_space<semaphore_mem>>)
        %dma_wait3A = arith.constant 0 : i32
        %dma_wait3A_105 = tpu.memref_slice %arg13[%add3A_91, %dma_wait3A] : memref<50000x16xf32, #tpu.memory_space<vmem_shared>> -> memref<400x16xf32, #tpu.memory_space<vmem_shared>>
        %dma_wait3A_106 = arith.constant 0 : i32
        %dma_wait3A_107 = tpu.memref_slice %arg13[%add3A_91, %dma_wait3A_106] : memref<50000x16xf32, #tpu.memory_space<vmem_shared>> -> memref<400x16xf32, #tpu.memory_space<vmem_shared>>
        tpu.wait_dma2 semaphore(%run_scoped3A : memref<!tpu.dma_semaphore, #tpu.memory_space<semaphore_mem>>) src(%arg10 : memref<400x16xf32, #tpu.memory_space<vmem>>) dst(%dma_wait3A_107 : memref<400x16xf32, #tpu.memory_space<vmem_shared>>)
        tpu.yield
      }) : () -> ()
      %add3A_92 = arith.constant 1200 : i32
      %add3A_93 = arith.addi %mul3A_83, %add3A_92 : i32
      "tpu.region"() ({
        %run_scoped3A = tpu.sem_alloc : memref<!tpu.dma_semaphore, #tpu.memory_space<semaphore_mem>>
        %dma_start3A = arith.constant 0 : i32
        %dma_start3A_102 = tpu.memref_slice %arg13[%add3A_93, %dma_start3A] : memref<50000x16xf32, #tpu.memory_space<vmem_shared>> -> memref<400x16xf32, #tpu.memory_space<vmem_shared>>
        %dma_start3A_103 = arith.constant 0 : i32
        %dma_start3A_104 = tpu.memref_slice %arg13[%add3A_93, %dma_start3A_103] : memref<50000x16xf32, #tpu.memory_space<vmem_shared>> -> memref<400x16xf32, #tpu.memory_space<vmem_shared>>
        tpu.enqueue_dma source(%arg10 : memref<400x16xf32, #tpu.memory_space<vmem>>) target(%dma_start3A_104 : memref<400x16xf32, #tpu.memory_space<vmem_shared>>) target_semaphore(%run_scoped3A : memref<!tpu.dma_semaphore, #tpu.memory_space<semaphore_mem>>)
        %dma_wait3A = arith.constant 0 : i32
        %dma_wait3A_105 = tpu.memref_slice %arg13[%add3A_93, %dma_wait3A] : memref<50000x16xf32, #tpu.memory_space<vmem_shared>> -> memref<400x16xf32, #tpu.memory_space<vmem_shared>>
        %dma_wait3A_106 = arith.constant 0 : i32
        %dma_wait3A_107 = tpu.memref_slice %arg13[%add3A_93, %dma_wait3A_106] : memref<50000x16xf32, #tpu.memory_space<vmem_shared>> -> memref<400x16xf32, #tpu.memory_space<vmem_shared>>
        tpu.wait_dma2 semaphore(%run_scoped3A : memref<!tpu.dma_semaphore, #tpu.memory_space<semaphore_mem>>) src(%arg10 : memref<400x16xf32, #tpu.memory_space<vmem>>) dst(%dma_wait3A_107 : memref<400x16xf32, #tpu.memory_space<vmem_shared>>)
        tpu.yield
      }) : () -> ()
      %add3A_94 = arith.constant 1600 : i32
      %add3A_95 = arith.addi %mul3A_83, %add3A_94 : i32
      "tpu.region"() ({
        %run_scoped3A = tpu.sem_alloc : memref<!tpu.dma_semaphore, #tpu.memory_space<semaphore_mem>>
        %dma_start3A = arith.constant 0 : i32
        %dma_start3A_102 = tpu.memref_slice %arg13[%add3A_95, %dma_start3A] : memref<50000x16xf32, #tpu.memory_space<vmem_shared>> -> memref<400x16xf32, #tpu.memory_space<vmem_shared>>
        %dma_start3A_103 = arith.constant 0 : i32
        %dma_start3A_104 = tpu.memref_slice %arg13[%add3A_95, %dma_start3A_103] : memref<50000x16xf32, #tpu.memory_space<vmem_shared>> -> memref<400x16xf32, #tpu.memory_space<vmem_shared>>
        tpu.enqueue_dma source(%arg10 : memref<400x16xf32, #tpu.memory_space<vmem>>) target(%dma_start3A_104 : memref<400x16xf32, #tpu.memory_space<vmem_shared>>) target_semaphore(%run_scoped3A : memref<!tpu.dma_semaphore, #tpu.memory_space<semaphore_mem>>)
        %dma_wait3A = arith.constant 0 : i32
        %dma_wait3A_105 = tpu.memref_slice %arg13[%add3A_95, %dma_wait3A] : memref<50000x16xf32, #tpu.memory_space<vmem_shared>> -> memref<400x16xf32, #tpu.memory_space<vmem_shared>>
        %dma_wait3A_106 = arith.constant 0 : i32
        %dma_wait3A_107 = tpu.memref_slice %arg13[%add3A_95, %dma_wait3A_106] : memref<50000x16xf32, #tpu.memory_space<vmem_shared>> -> memref<400x16xf32, #tpu.memory_space<vmem_shared>>
        tpu.wait_dma2 semaphore(%run_scoped3A : memref<!tpu.dma_semaphore, #tpu.memory_space<semaphore_mem>>) src(%arg10 : memref<400x16xf32, #tpu.memory_space<vmem>>) dst(%dma_wait3A_107 : memref<400x16xf32, #tpu.memory_space<vmem_shared>>)
        tpu.yield
      }) : () -> ()
      %add3A_96 = arith.constant 2000 : i32
      %add3A_97 = arith.addi %mul3A_83, %add3A_96 : i32
      "tpu.region"() ({
        %run_scoped3A = tpu.sem_alloc : memref<!tpu.dma_semaphore, #tpu.memory_space<semaphore_mem>>
        %dma_start3A = arith.constant 0 : i32
        %dma_start3A_102 = tpu.memref_slice %arg13[%add3A_97, %dma_start3A] : memref<50000x16xf32, #tpu.memory_space<vmem_shared>> -> memref<400x16xf32, #tpu.memory_space<vmem_shared>>
        %dma_start3A_103 = arith.constant 0 : i32
        %dma_start3A_104 = tpu.memref_slice %arg13[%add3A_97, %dma_start3A_103] : memref<50000x16xf32, #tpu.memory_space<vmem_shared>> -> memref<400x16xf32, #tpu.memory_space<vmem_shared>>
        tpu.enqueue_dma source(%arg10 : memref<400x16xf32, #tpu.memory_space<vmem>>) target(%dma_start3A_104 : memref<400x16xf32, #tpu.memory_space<vmem_shared>>) target_semaphore(%run_scoped3A : memref<!tpu.dma_semaphore, #tpu.memory_space<semaphore_mem>>)
        %dma_wait3A = arith.constant 0 : i32
        %dma_wait3A_105 = tpu.memref_slice %arg13[%add3A_97, %dma_wait3A] : memref<50000x16xf32, #tpu.memory_space<vmem_shared>> -> memref<400x16xf32, #tpu.memory_space<vmem_shared>>
        %dma_wait3A_106 = arith.constant 0 : i32
        %dma_wait3A_107 = tpu.memref_slice %arg13[%add3A_97, %dma_wait3A_106] : memref<50000x16xf32, #tpu.memory_space<vmem_shared>> -> memref<400x16xf32, #tpu.memory_space<vmem_shared>>
        tpu.wait_dma2 semaphore(%run_scoped3A : memref<!tpu.dma_semaphore, #tpu.memory_space<semaphore_mem>>) src(%arg10 : memref<400x16xf32, #tpu.memory_space<vmem>>) dst(%dma_wait3A_107 : memref<400x16xf32, #tpu.memory_space<vmem_shared>>)
        tpu.yield
      }) : () -> ()
      %add3A_98 = arith.constant 2400 : i32
      %add3A_99 = arith.addi %mul3A_83, %add3A_98 : i32
      "tpu.region"() ({
        %run_scoped3A = tpu.sem_alloc : memref<!tpu.dma_semaphore, #tpu.memory_space<semaphore_mem>>
        %dma_start3A = arith.constant 0 : i32
        %dma_start3A_102 = tpu.memref_slice %arg13[%add3A_99, %dma_start3A] : memref<50000x16xf32, #tpu.memory_space<vmem_shared>> -> memref<400x16xf32, #tpu.memory_space<vmem_shared>>
        %dma_start3A_103 = arith.constant 0 : i32
        %dma_start3A_104 = tpu.memref_slice %arg13[%add3A_99, %dma_start3A_103] : memref<50000x16xf32, #tpu.memory_space<vmem_shared>> -> memref<400x16xf32, #tpu.memory_space<vmem_shared>>
        tpu.enqueue_dma source(%arg10 : memref<400x16xf32, #tpu.memory_space<vmem>>) target(%dma_start3A_104 : memref<400x16xf32, #tpu.memory_space<vmem_shared>>) target_semaphore(%run_scoped3A : memref<!tpu.dma_semaphore, #tpu.memory_space<semaphore_mem>>)
        %dma_wait3A = arith.constant 0 : i32
        %dma_wait3A_105 = tpu.memref_slice %arg13[%add3A_99, %dma_wait3A] : memref<50000x16xf32, #tpu.memory_space<vmem_shared>> -> memref<400x16xf32, #tpu.memory_space<vmem_shared>>
        %dma_wait3A_106 = arith.constant 0 : i32
        %dma_wait3A_107 = tpu.memref_slice %arg13[%add3A_99, %dma_wait3A_106] : memref<50000x16xf32, #tpu.memory_space<vmem_shared>> -> memref<400x16xf32, #tpu.memory_space<vmem_shared>>
        tpu.wait_dma2 semaphore(%run_scoped3A : memref<!tpu.dma_semaphore, #tpu.memory_space<semaphore_mem>>) src(%arg10 : memref<400x16xf32, #tpu.memory_space<vmem>>) dst(%dma_wait3A_107 : memref<400x16xf32, #tpu.memory_space<vmem_shared>>)
        tpu.yield
      }) : () -> ()
      %add3A_100 = arith.constant 2800 : i32
      %add3A_101 = arith.addi %mul3A_83, %add3A_100 : i32
      "tpu.region"() ({
        %run_scoped3A = tpu.sem_alloc : memref<!tpu.dma_semaphore, #tpu.memory_space<semaphore_mem>>
        %dma_start3A = arith.constant 0 : i32
        %dma_start3A_102 = arith.constant 0 : i32
        %dma_start3A_103 = tpu.memref_slice %arg10[%dma_start3A, %dma_start3A_102] : memref<400x16xf32, #tpu.memory_space<vmem>> -> memref<328x16xf32, #tpu.memory_space<vmem>>
        %dma_start3A_104 = arith.constant 0 : i32
        %dma_start3A_105 = tpu.memref_slice %arg13[%add3A_101, %dma_start3A_104] : memref<50000x16xf32, #tpu.memory_space<vmem_shared>> -> memref<328x16xf32, #tpu.memory_space<vmem_shared>>
        %dma_start3A_106 = arith.constant 0 : i32
        %dma_start3A_107 = tpu.memref_slice %arg13[%add3A_101, %dma_start3A_106] : memref<50000x16xf32, #tpu.memory_space<vmem_shared>> -> memref<328x16xf32, #tpu.memory_space<vmem_shared>>
        %dma_start3A_108 = arith.constant 0 : i32
        %dma_start3A_109 = arith.constant 0 : i32
        %dma_start3A_110 = tpu.memref_slice %arg10[%dma_start3A_108, %dma_start3A_109] : memref<400x16xf32, #tpu.memory_space<vmem>> -> memref<328x16xf32, #tpu.memory_space<vmem>>
        tpu.enqueue_dma source(%dma_start3A_110 : memref<328x16xf32, #tpu.memory_space<vmem>>) target(%dma_start3A_107 : memref<328x16xf32, #tpu.memory_space<vmem_shared>>) target_semaphore(%run_scoped3A : memref<!tpu.dma_semaphore, #tpu.memory_space<semaphore_mem>>)
        %dma_wait3A = arith.constant 0 : i32
        %dma_wait3A_111 = arith.constant 0 : i32
        %dma_wait3A_112 = tpu.memref_slice %arg10[%dma_wait3A, %dma_wait3A_111] : memref<400x16xf32, #tpu.memory_space<vmem>> -> memref<328x16xf32, #tpu.memory_space<vmem>>
        %dma_wait3A_113 = arith.constant 0 : i32
        %dma_wait3A_114 = tpu.memref_slice %arg13[%add3A_101, %dma_wait3A_113] : memref<50000x16xf32, #tpu.memory_space<vmem_shared>> -> memref<328x16xf32, #tpu.memory_space<vmem_shared>>
        %dma_wait3A_115 = arith.constant 0 : i32
        %dma_wait3A_116 = tpu.memref_slice %arg13[%add3A_101, %dma_wait3A_115] : memref<50000x16xf32, #tpu.memory_space<vmem_shared>> -> memref<328x16xf32, #tpu.memory_space<vmem_shared>>
        %dma_wait3A_117 = arith.constant 0 : i32
        %dma_wait3A_118 = arith.constant 0 : i32
        %dma_wait3A_119 = tpu.memref_slice %arg10[%dma_wait3A_117, %dma_wait3A_118] : memref<400x16xf32, #tpu.memory_space<vmem>> -> memref<328x16xf32, #tpu.memory_space<vmem>>
        tpu.wait_dma2 semaphore(%run_scoped3A : memref<!tpu.dma_semaphore, #tpu.memory_space<semaphore_mem>>) src(%dma_wait3A_119 : memref<328x16xf32, #tpu.memory_space<vmem>>) dst(%dma_wait3A_116 : memref<328x16xf32, #tpu.memory_space<vmem_shared>>)
        tpu.yield
      }) : () -> ()
    } else {
    }
    %eq3A_56 = arith.constant 15 : i32
    %eq3A_57 = arith.cmpi eq, %arg1, %eq3A_56 : i32
    %convert_element_type3A_58 = arith.extui %eq3A_57 : i1 to i32
    %cond3A_59 = arith.constant 0 : i32
    %cond3A_60 = arith.cmpi ne, %convert_element_type3A_58, %cond3A_59 : i32
    scf.if %cond3A_60 {
      %mul3A_82 = arith.constant 16 : i32
      %mul3A_83 = arith.muli %add3A_41, %mul3A_82 : i32
      "tpu.region"() ({
        %run_scoped3A = tpu.sem_alloc : memref<!tpu.dma_semaphore, #tpu.memory_space<semaphore_mem>>
        %dma_start3A = arith.constant 46920 : i32
        %dma_start3A_84 = arith.constant 0 : i32
        %dma_start3A_85 = tpu.memref_slice %arg12[%dma_start3A, %dma_start3A_84] : memref<50000x16xf32, #tpu.memory_space<vmem_shared>> -> memref<3080x16xf32, #tpu.memory_space<vmem_shared>>
        %dma_start3A_86 = arith.constant 46920 : i32
        %dma_start3A_87 = tpu.memref_slice %arg2[%dma_start3A_86, %mul3A_83] : memref<50000x128xf32, #tpu.memory_space<hbm>> -> memref<3080x16xf32, #tpu.memory_space<hbm>>
        tpu.enqueue_dma source(%dma_start3A_87 : memref<3080x16xf32, #tpu.memory_space<hbm>>) target(%dma_start3A_85 : memref<3080x16xf32, #tpu.memory_space<vmem_shared>>) target_semaphore(%run_scoped3A : memref<!tpu.dma_semaphore, #tpu.memory_space<semaphore_mem>>)
        %dma_wait3A = arith.constant 46920 : i32
        %dma_wait3A_88 = arith.constant 0 : i32
        %dma_wait3A_89 = tpu.memref_slice %arg12[%dma_wait3A, %dma_wait3A_88] : memref<50000x16xf32, #tpu.memory_space<vmem_shared>> -> memref<3080x16xf32, #tpu.memory_space<vmem_shared>>
        %dma_wait3A_90 = arith.constant 46920 : i32
        %dma_wait3A_91 = tpu.memref_slice %arg2[%dma_wait3A_90, %mul3A_83] : memref<50000x128xf32, #tpu.memory_space<hbm>> -> memref<3080x16xf32, #tpu.memory_space<hbm>>
        tpu.wait_dma2 semaphore(%run_scoped3A : memref<!tpu.dma_semaphore, #tpu.memory_space<semaphore_mem>>) src(%dma_wait3A_91 : memref<3080x16xf32, #tpu.memory_space<hbm>>) dst(%dma_wait3A_89 : memref<3080x16xf32, #tpu.memory_space<vmem_shared>>)
        tpu.yield
      }) : () -> ()
      "tpu.region"() ({
        %run_scoped3A = tpu.sem_alloc : memref<!tpu.dma_semaphore, #tpu.memory_space<semaphore_mem>>
        %dma_start3A = arith.constant 46920 : i32
        %dma_start3A_84 = arith.constant 0 : i32
        %dma_start3A_85 = tpu.memref_slice %arg13[%dma_start3A, %dma_start3A_84] : memref<50000x16xf32, #tpu.memory_space<vmem_shared>> -> memref<400x16xf32, #tpu.memory_space<vmem_shared>>
        %dma_start3A_86 = arith.constant 46920 : i32
        %dma_start3A_87 = arith.constant 0 : i32
        %dma_start3A_88 = tpu.memref_slice %arg13[%dma_start3A_86, %dma_start3A_87] : memref<50000x16xf32, #tpu.memory_space<vmem_shared>> -> memref<400x16xf32, #tpu.memory_space<vmem_shared>>
        tpu.enqueue_dma source(%arg10 : memref<400x16xf32, #tpu.memory_space<vmem>>) target(%dma_start3A_88 : memref<400x16xf32, #tpu.memory_space<vmem_shared>>) target_semaphore(%run_scoped3A : memref<!tpu.dma_semaphore, #tpu.memory_space<semaphore_mem>>)
        %dma_wait3A = arith.constant 46920 : i32
        %dma_wait3A_89 = arith.constant 0 : i32
        %dma_wait3A_90 = tpu.memref_slice %arg13[%dma_wait3A, %dma_wait3A_89] : memref<50000x16xf32, #tpu.memory_space<vmem_shared>> -> memref<400x16xf32, #tpu.memory_space<vmem_shared>>
        %dma_wait3A_91 = arith.constant 46920 : i32
        %dma_wait3A_92 = arith.constant 0 : i32
        %dma_wait3A_93 = tpu.memref_slice %arg13[%dma_wait3A_91, %dma_wait3A_92] : memref<50000x16xf32, #tpu.memory_space<vmem_shared>> -> memref<400x16xf32, #tpu.memory_space<vmem_shared>>
        tpu.wait_dma2 semaphore(%run_scoped3A : memref<!tpu.dma_semaphore, #tpu.memory_space<semaphore_mem>>) src(%arg10 : memref<400x16xf32, #tpu.memory_space<vmem>>) dst(%dma_wait3A_93 : memref<400x16xf32, #tpu.memory_space<vmem_shared>>)
        tpu.yield
      }) : () -> ()
      "tpu.region"() ({
        %run_scoped3A = tpu.sem_alloc : memref<!tpu.dma_semaphore, #tpu.memory_space<semaphore_mem>>
        %dma_start3A = arith.constant 47320 : i32
        %dma_start3A_84 = arith.constant 0 : i32
        %dma_start3A_85 = tpu.memref_slice %arg13[%dma_start3A, %dma_start3A_84] : memref<50000x16xf32, #tpu.memory_space<vmem_shared>> -> memref<400x16xf32, #tpu.memory_space<vmem_shared>>
        %dma_start3A_86 = arith.constant 47320 : i32
        %dma_start3A_87 = arith.constant 0 : i32
        %dma_start3A_88 = tpu.memref_slice %arg13[%dma_start3A_86, %dma_start3A_87] : memref<50000x16xf32, #tpu.memory_space<vmem_shared>> -> memref<400x16xf32, #tpu.memory_space<vmem_shared>>
        tpu.enqueue_dma source(%arg10 : memref<400x16xf32, #tpu.memory_space<vmem>>) target(%dma_start3A_88 : memref<400x16xf32, #tpu.memory_space<vmem_shared>>) target_semaphore(%run_scoped3A : memref<!tpu.dma_semaphore, #tpu.memory_space<semaphore_mem>>)
        %dma_wait3A = arith.constant 47320 : i32
        %dma_wait3A_89 = arith.constant 0 : i32
        %dma_wait3A_90 = tpu.memref_slice %arg13[%dma_wait3A, %dma_wait3A_89] : memref<50000x16xf32, #tpu.memory_space<vmem_shared>> -> memref<400x16xf32, #tpu.memory_space<vmem_shared>>
        %dma_wait3A_91 = arith.constant 47320 : i32
        %dma_wait3A_92 = arith.constant 0 : i32
        %dma_wait3A_93 = tpu.memref_slice %arg13[%dma_wait3A_91, %dma_wait3A_92] : memref<50000x16xf32, #tpu.memory_space<vmem_shared>> -> memref<400x16xf32, #tpu.memory_space<vmem_shared>>
        tpu.wait_dma2 semaphore(%run_scoped3A : memref<!tpu.dma_semaphore, #tpu.memory_space<semaphore_mem>>) src(%arg10 : memref<400x16xf32, #tpu.memory_space<vmem>>) dst(%dma_wait3A_93 : memref<400x16xf32, #tpu.memory_space<vmem_shared>>)
        tpu.yield
      }) : () -> ()
      "tpu.region"() ({
        %run_scoped3A = tpu.sem_alloc : memref<!tpu.dma_semaphore, #tpu.memory_space<semaphore_mem>>
        %dma_start3A = arith.constant 47720 : i32
        %dma_start3A_84 = arith.constant 0 : i32
        %dma_start3A_85 = tpu.memref_slice %arg13[%dma_start3A, %dma_start3A_84] : memref<50000x16xf32, #tpu.memory_space<vmem_shared>> -> memref<400x16xf32, #tpu.memory_space<vmem_shared>>
        %dma_start3A_86 = arith.constant 47720 : i32
        %dma_start3A_87 = arith.constant 0 : i32
        %dma_start3A_88 = tpu.memref_slice %arg13[%dma_start3A_86, %dma_start3A_87] : memref<50000x16xf32, #tpu.memory_space<vmem_shared>> -> memref<400x16xf32, #tpu.memory_space<vmem_shared>>
        tpu.enqueue_dma source(%arg10 : memref<400x16xf32, #tpu.memory_space<vmem>>) target(%dma_start3A_88 : memref<400x16xf32, #tpu.memory_space<vmem_shared>>) target_semaphore(%run_scoped3A : memref<!tpu.dma_semaphore, #tpu.memory_space<semaphore_mem>>)
        %dma_wait3A = arith.constant 47720 : i32
        %dma_wait3A_89 = arith.constant 0 : i32
        %dma_wait3A_90 = tpu.memref_slice %arg13[%dma_wait3A, %dma_wait3A_89] : memref<50000x16xf32, #tpu.memory_space<vmem_shared>> -> memref<400x16xf32, #tpu.memory_space<vmem_shared>>
        %dma_wait3A_91 = arith.constant 47720 : i32
        %dma_wait3A_92 = arith.constant 0 : i32
        %dma_wait3A_93 = tpu.memref_slice %arg13[%dma_wait3A_91, %dma_wait3A_92] : memref<50000x16xf32, #tpu.memory_space<vmem_shared>> -> memref<400x16xf32, #tpu.memory_space<vmem_shared>>
        tpu.wait_dma2 semaphore(%run_scoped3A : memref<!tpu.dma_semaphore, #tpu.memory_space<semaphore_mem>>) src(%arg10 : memref<400x16xf32, #tpu.memory_space<vmem>>) dst(%dma_wait3A_93 : memref<400x16xf32, #tpu.memory_space<vmem_shared>>)
        tpu.yield
      }) : () -> ()
      "tpu.region"() ({
        %run_scoped3A = tpu.sem_alloc : memref<!tpu.dma_semaphore, #tpu.memory_space<semaphore_mem>>
        %dma_start3A = arith.constant 48120 : i32
        %dma_start3A_84 = arith.constant 0 : i32
        %dma_start3A_85 = tpu.memref_slice %arg13[%dma_start3A, %dma_start3A_84] : memref<50000x16xf32, #tpu.memory_space<vmem_shared>> -> memref<400x16xf32, #tpu.memory_space<vmem_shared>>
        %dma_start3A_86 = arith.constant 48120 : i32
        %dma_start3A_87 = arith.constant 0 : i32
        %dma_start3A_88 = tpu.memref_slice %arg13[%dma_start3A_86, %dma_start3A_87] : memref<50000x16xf32, #tpu.memory_space<vmem_shared>> -> memref<400x16xf32, #tpu.memory_space<vmem_shared>>
        tpu.enqueue_dma source(%arg10 : memref<400x16xf32, #tpu.memory_space<vmem>>) target(%dma_start3A_88 : memref<400x16xf32, #tpu.memory_space<vmem_shared>>) target_semaphore(%run_scoped3A : memref<!tpu.dma_semaphore, #tpu.memory_space<semaphore_mem>>)
        %dma_wait3A = arith.constant 48120 : i32
        %dma_wait3A_89 = arith.constant 0 : i32
        %dma_wait3A_90 = tpu.memref_slice %arg13[%dma_wait3A, %dma_wait3A_89] : memref<50000x16xf32, #tpu.memory_space<vmem_shared>> -> memref<400x16xf32, #tpu.memory_space<vmem_shared>>
        %dma_wait3A_91 = arith.constant 48120 : i32
        %dma_wait3A_92 = arith.constant 0 : i32
        %dma_wait3A_93 = tpu.memref_slice %arg13[%dma_wait3A_91, %dma_wait3A_92] : memref<50000x16xf32, #tpu.memory_space<vmem_shared>> -> memref<400x16xf32, #tpu.memory_space<vmem_shared>>
        tpu.wait_dma2 semaphore(%run_scoped3A : memref<!tpu.dma_semaphore, #tpu.memory_space<semaphore_mem>>) src(%arg10 : memref<400x16xf32, #tpu.memory_space<vmem>>) dst(%dma_wait3A_93 : memref<400x16xf32, #tpu.memory_space<vmem_shared>>)
        tpu.yield
      }) : () -> ()
      "tpu.region"() ({
        %run_scoped3A = tpu.sem_alloc : memref<!tpu.dma_semaphore, #tpu.memory_space<semaphore_mem>>
        %dma_start3A = arith.constant 48520 : i32
        %dma_start3A_84 = arith.constant 0 : i32
        %dma_start3A_85 = tpu.memref_slice %arg13[%dma_start3A, %dma_start3A_84] : memref<50000x16xf32, #tpu.memory_space<vmem_shared>> -> memref<400x16xf32, #tpu.memory_space<vmem_shared>>
        %dma_start3A_86 = arith.constant 48520 : i32
        %dma_start3A_87 = arith.constant 0 : i32
        %dma_start3A_88 = tpu.memref_slice %arg13[%dma_start3A_86, %dma_start3A_87] : memref<50000x16xf32, #tpu.memory_space<vmem_shared>> -> memref<400x16xf32, #tpu.memory_space<vmem_shared>>
        tpu.enqueue_dma source(%arg10 : memref<400x16xf32, #tpu.memory_space<vmem>>) target(%dma_start3A_88 : memref<400x16xf32, #tpu.memory_space<vmem_shared>>) target_semaphore(%run_scoped3A : memref<!tpu.dma_semaphore, #tpu.memory_space<semaphore_mem>>)
        %dma_wait3A = arith.constant 48520 : i32
        %dma_wait3A_89 = arith.constant 0 : i32
        %dma_wait3A_90 = tpu.memref_slice %arg13[%dma_wait3A, %dma_wait3A_89] : memref<50000x16xf32, #tpu.memory_space<vmem_shared>> -> memref<400x16xf32, #tpu.memory_space<vmem_shared>>
        %dma_wait3A_91 = arith.constant 48520 : i32
        %dma_wait3A_92 = arith.constant 0 : i32
        %dma_wait3A_93 = tpu.memref_slice %arg13[%dma_wait3A_91, %dma_wait3A_92] : memref<50000x16xf32, #tpu.memory_space<vmem_shared>> -> memref<400x16xf32, #tpu.memory_space<vmem_shared>>
        tpu.wait_dma2 semaphore(%run_scoped3A : memref<!tpu.dma_semaphore, #tpu.memory_space<semaphore_mem>>) src(%arg10 : memref<400x16xf32, #tpu.memory_space<vmem>>) dst(%dma_wait3A_93 : memref<400x16xf32, #tpu.memory_space<vmem_shared>>)
        tpu.yield
      }) : () -> ()
      "tpu.region"() ({
        %run_scoped3A = tpu.sem_alloc : memref<!tpu.dma_semaphore, #tpu.memory_space<semaphore_mem>>
        %dma_start3A = arith.constant 48920 : i32
        %dma_start3A_84 = arith.constant 0 : i32
        %dma_start3A_85 = tpu.memref_slice %arg13[%dma_start3A, %dma_start3A_84] : memref<50000x16xf32, #tpu.memory_space<vmem_shared>> -> memref<400x16xf32, #tpu.memory_space<vmem_shared>>
        %dma_start3A_86 = arith.constant 48920 : i32
        %dma_start3A_87 = arith.constant 0 : i32
        %dma_start3A_88 = tpu.memref_slice %arg13[%dma_start3A_86, %dma_start3A_87] : memref<50000x16xf32, #tpu.memory_space<vmem_shared>> -> memref<400x16xf32, #tpu.memory_space<vmem_shared>>
        tpu.enqueue_dma source(%arg10 : memref<400x16xf32, #tpu.memory_space<vmem>>) target(%dma_start3A_88 : memref<400x16xf32, #tpu.memory_space<vmem_shared>>) target_semaphore(%run_scoped3A : memref<!tpu.dma_semaphore, #tpu.memory_space<semaphore_mem>>)
        %dma_wait3A = arith.constant 48920 : i32
        %dma_wait3A_89 = arith.constant 0 : i32
        %dma_wait3A_90 = tpu.memref_slice %arg13[%dma_wait3A, %dma_wait3A_89] : memref<50000x16xf32, #tpu.memory_space<vmem_shared>> -> memref<400x16xf32, #tpu.memory_space<vmem_shared>>
        %dma_wait3A_91 = arith.constant 48920 : i32
        %dma_wait3A_92 = arith.constant 0 : i32
        %dma_wait3A_93 = tpu.memref_slice %arg13[%dma_wait3A_91, %dma_wait3A_92] : memref<50000x16xf32, #tpu.memory_space<vmem_shared>> -> memref<400x16xf32, #tpu.memory_space<vmem_shared>>
        tpu.wait_dma2 semaphore(%run_scoped3A : memref<!tpu.dma_semaphore, #tpu.memory_space<semaphore_mem>>) src(%arg10 : memref<400x16xf32, #tpu.memory_space<vmem>>) dst(%dma_wait3A_93 : memref<400x16xf32, #tpu.memory_space<vmem_shared>>)
        tpu.yield
      }) : () -> ()
      "tpu.region"() ({
        %run_scoped3A = tpu.sem_alloc : memref<!tpu.dma_semaphore, #tpu.memory_space<semaphore_mem>>
        %dma_start3A = arith.constant 49320 : i32
        %dma_start3A_84 = arith.constant 0 : i32
        %dma_start3A_85 = tpu.memref_slice %arg13[%dma_start3A, %dma_start3A_84] : memref<50000x16xf32, #tpu.memory_space<vmem_shared>> -> memref<400x16xf32, #tpu.memory_space<vmem_shared>>
        %dma_start3A_86 = arith.constant 49320 : i32
        %dma_start3A_87 = arith.constant 0 : i32
        %dma_start3A_88 = tpu.memref_slice %arg13[%dma_start3A_86, %dma_start3A_87] : memref<50000x16xf32, #tpu.memory_space<vmem_shared>> -> memref<400x16xf32, #tpu.memory_space<vmem_shared>>
        tpu.enqueue_dma source(%arg10 : memref<400x16xf32, #tpu.memory_space<vmem>>) target(%dma_start3A_88 : memref<400x16xf32, #tpu.memory_space<vmem_shared>>) target_semaphore(%run_scoped3A : memref<!tpu.dma_semaphore, #tpu.memory_space<semaphore_mem>>)
        %dma_wait3A = arith.constant 49320 : i32
        %dma_wait3A_89 = arith.constant 0 : i32
        %dma_wait3A_90 = tpu.memref_slice %arg13[%dma_wait3A, %dma_wait3A_89] : memref<50000x16xf32, #tpu.memory_space<vmem_shared>> -> memref<400x16xf32, #tpu.memory_space<vmem_shared>>
        %dma_wait3A_91 = arith.constant 49320 : i32
        %dma_wait3A_92 = arith.constant 0 : i32
        %dma_wait3A_93 = tpu.memref_slice %arg13[%dma_wait3A_91, %dma_wait3A_92] : memref<50000x16xf32, #tpu.memory_space<vmem_shared>> -> memref<400x16xf32, #tpu.memory_space<vmem_shared>>
        tpu.wait_dma2 semaphore(%run_scoped3A : memref<!tpu.dma_semaphore, #tpu.memory_space<semaphore_mem>>) src(%arg10 : memref<400x16xf32, #tpu.memory_space<vmem>>) dst(%dma_wait3A_93 : memref<400x16xf32, #tpu.memory_space<vmem_shared>>)
        tpu.yield
      }) : () -> ()
      "tpu.region"() ({
        %run_scoped3A = tpu.sem_alloc : memref<!tpu.dma_semaphore, #tpu.memory_space<semaphore_mem>>
        %dma_start3A = arith.constant 0 : i32
        %dma_start3A_84 = arith.constant 0 : i32
        %dma_start3A_85 = tpu.memref_slice %arg10[%dma_start3A, %dma_start3A_84] : memref<400x16xf32, #tpu.memory_space<vmem>> -> memref<280x16xf32, #tpu.memory_space<vmem>>
        %dma_start3A_86 = arith.constant 49720 : i32
        %dma_start3A_87 = arith.constant 0 : i32
        %dma_start3A_88 = tpu.memref_slice %arg13[%dma_start3A_86, %dma_start3A_87] : memref<50000x16xf32, #tpu.memory_space<vmem_shared>> -> memref<280x16xf32, #tpu.memory_space<vmem_shared>>
        %dma_start3A_89 = arith.constant 49720 : i32
        %dma_start3A_90 = arith.constant 0 : i32
        %dma_start3A_91 = tpu.memref_slice %arg13[%dma_start3A_89, %dma_start3A_90] : memref<50000x16xf32, #tpu.memory_space<vmem_shared>> -> memref<280x16xf32, #tpu.memory_space<vmem_shared>>
        %dma_start3A_92 = arith.constant 0 : i32
        %dma_start3A_93 = arith.constant 0 : i32
        %dma_start3A_94 = tpu.memref_slice %arg10[%dma_start3A_92, %dma_start3A_93] : memref<400x16xf32, #tpu.memory_space<vmem>> -> memref<280x16xf32, #tpu.memory_space<vmem>>
        tpu.enqueue_dma source(%dma_start3A_94 : memref<280x16xf32, #tpu.memory_space<vmem>>) target(%dma_start3A_91 : memref<280x16xf32, #tpu.memory_space<vmem_shared>>) target_semaphore(%run_scoped3A : memref<!tpu.dma_semaphore, #tpu.memory_space<semaphore_mem>>)
        %dma_wait3A = arith.constant 0 : i32
        %dma_wait3A_95 = arith.constant 0 : i32
        %dma_wait3A_96 = tpu.memref_slice %arg10[%dma_wait3A, %dma_wait3A_95] : memref<400x16xf32, #tpu.memory_space<vmem>> -> memref<280x16xf32, #tpu.memory_space<vmem>>
        %dma_wait3A_97 = arith.constant 49720 : i32
        %dma_wait3A_98 = arith.constant 0 : i32
        %dma_wait3A_99 = tpu.memref_slice %arg13[%dma_wait3A_97, %dma_wait3A_98] : memref<50000x16xf32, #tpu.memory_space<vmem_shared>> -> memref<280x16xf32, #tpu.memory_space<vmem_shared>>
        %dma_wait3A_100 = arith.constant 49720 : i32
        %dma_wait3A_101 = arith.constant 0 : i32
        %dma_wait3A_102 = tpu.memref_slice %arg13[%dma_wait3A_100, %dma_wait3A_101] : memref<50000x16xf32, #tpu.memory_space<vmem_shared>> -> memref<280x16xf32, #tpu.memory_space<vmem_shared>>
        %dma_wait3A_103 = arith.constant 0 : i32
        %dma_wait3A_104 = arith.constant 0 : i32
        %dma_wait3A_105 = tpu.memref_slice %arg10[%dma_wait3A_103, %dma_wait3A_104] : memref<400x16xf32, #tpu.memory_space<vmem>> -> memref<280x16xf32, #tpu.memory_space<vmem>>
        tpu.wait_dma2 semaphore(%run_scoped3A : memref<!tpu.dma_semaphore, #tpu.memory_space<semaphore_mem>>) src(%dma_wait3A_105 : memref<280x16xf32, #tpu.memory_space<vmem>>) dst(%dma_wait3A_102 : memref<280x16xf32, #tpu.memory_space<vmem_shared>>)
        tpu.yield
      }) : () -> ()
    } else {
    }
    %barrier3A_61 = arith.constant 0 : index
    tpu.barrier barrier_id(%barrier3A_61)
    %scan3A_62 = arith.constant 0 : i32
    %scan3A_63 = arith.constant 0 : i32
    %scan3A_64 = arith.constant 62 : i32
    %scan3A_65 = arith.addi %scan3A_63, %scan3A_64 : i32
    %scan3A_66 = arith.constant 1 : i32
    %scan3A_67 = scf.for %scan3A_82 = %scan3A_63 to %scan3A_65 step %scan3A_66 iter_args(%scan3A_83 = %scan3A_62) -> (i32)  : i32 {
      %mul3A_84 = arith.constant 800 : i32
      %mul3A_85 = arith.muli %scan3A_82, %mul3A_84 : i32
      %add3A_86 = arith.addi %mul3A_0, %mul3A_85 : i32
      %add3A_87 = arith.constant 400 : i32
      %add3A_88 = arith.addi %add3A_86, %add3A_87 : i32
      "tpu.region"() ({
        %run_scoped3A = tpu.sem_alloc : memref<!tpu.dma_semaphore, #tpu.memory_space<semaphore_mem>>
        %dma_start3A_108 = tpu.memref_slice %arg3[%add3A_86] : memref<800000xi32, #tpu.memory_space<hbm>> -> memref<400xi32, #tpu.memory_space<hbm>>
        %dma_start3A_109 = tpu.memref_slice %arg3[%add3A_86] : memref<800000xi32, #tpu.memory_space<hbm>> -> memref<400xi32, #tpu.memory_space<hbm>>
        tpu.enqueue_dma source(%dma_start3A_109 : memref<400xi32, #tpu.memory_space<hbm>>) target(%arg6 : memref<400xi32, #tpu.memory_space<vmem>>) target_semaphore(%run_scoped3A : memref<!tpu.dma_semaphore, #tpu.memory_space<semaphore_mem>>)
        %dma_wait3A_110 = tpu.memref_slice %arg3[%add3A_86] : memref<800000xi32, #tpu.memory_space<hbm>> -> memref<400xi32, #tpu.memory_space<hbm>>
        %dma_wait3A_111 = tpu.memref_slice %arg3[%add3A_86] : memref<800000xi32, #tpu.memory_space<hbm>> -> memref<400xi32, #tpu.memory_space<hbm>>
        tpu.wait_dma2 semaphore(%run_scoped3A : memref<!tpu.dma_semaphore, #tpu.memory_space<semaphore_mem>>) src(%dma_wait3A_111 : memref<400xi32, #tpu.memory_space<hbm>>) dst(%arg6 : memref<400xi32, #tpu.memory_space<vmem>>)
        tpu.yield
      }) : () -> ()
      "tpu.region"() ({
        %run_scoped3A = tpu.sem_alloc : memref<!tpu.dma_semaphore, #tpu.memory_space<semaphore_mem>>
        %dma_start3A_108 = tpu.memref_slice %arg4[%add3A_86] : memref<800000xi32, #tpu.memory_space<hbm>> -> memref<400xi32, #tpu.memory_space<hbm>>
        %dma_start3A_109 = tpu.memref_slice %arg4[%add3A_86] : memref<800000xi32, #tpu.memory_space<hbm>> -> memref<400xi32, #tpu.memory_space<hbm>>
        tpu.enqueue_dma source(%dma_start3A_109 : memref<400xi32, #tpu.memory_space<hbm>>) target(%arg7 : memref<400xi32, #tpu.memory_space<vmem>>) target_semaphore(%run_scoped3A : memref<!tpu.dma_semaphore, #tpu.memory_space<semaphore_mem>>)
        %dma_wait3A_110 = tpu.memref_slice %arg4[%add3A_86] : memref<800000xi32, #tpu.memory_space<hbm>> -> memref<400xi32, #tpu.memory_space<hbm>>
        %dma_wait3A_111 = tpu.memref_slice %arg4[%add3A_86] : memref<800000xi32, #tpu.memory_space<hbm>> -> memref<400xi32, #tpu.memory_space<hbm>>
        tpu.wait_dma2 semaphore(%run_scoped3A : memref<!tpu.dma_semaphore, #tpu.memory_space<semaphore_mem>>) src(%dma_wait3A_111 : memref<400xi32, #tpu.memory_space<hbm>>) dst(%arg7 : memref<400xi32, #tpu.memory_space<vmem>>)
        tpu.yield
      }) : () -> ()
      %dma_start3A = tpu.memref_slice %arg3[%add3A_88] : memref<800000xi32, #tpu.memory_space<hbm>> -> memref<400xi32, #tpu.memory_space<hbm>>
      %dma_start3A_89 = tpu.memref_slice %arg3[%add3A_88] : memref<800000xi32, #tpu.memory_space<hbm>> -> memref<400xi32, #tpu.memory_space<hbm>>
      tpu.enqueue_dma source(%dma_start3A_89 : memref<400xi32, #tpu.memory_space<hbm>>) target(%arg8 : memref<400xi32, #tpu.memory_space<vmem>>) target_semaphore(%arg14 : memref<!tpu.dma_semaphore, #tpu.memory_space<semaphore_mem>>)
      %dma_start3A_90 = tpu.memref_slice %arg4[%add3A_88] : memref<800000xi32, #tpu.memory_space<hbm>> -> memref<400xi32, #tpu.memory_space<hbm>>
      %dma_start3A_91 = tpu.memref_slice %arg4[%add3A_88] : memref<800000xi32, #tpu.memory_space<hbm>> -> memref<400xi32, #tpu.memory_space<hbm>>
      tpu.enqueue_dma source(%dma_start3A_91 : memref<400xi32, #tpu.memory_space<hbm>>) target(%arg9 : memref<400xi32, #tpu.memory_space<vmem>>) target_semaphore(%arg14 : memref<!tpu.dma_semaphore, #tpu.memory_space<semaphore_mem>>)
      "tpu.region"() ({
        %run_scoped3A = tpu.sem_alloc : memref<!tpu.dma_semaphore, #tpu.memory_space<semaphore_mem>>
        %dma_start3A_108 = arith.constant 0 : i32
        %dma_start3A_109 = arith.constant 0 : i32
        %dma_start3A_110 = tpu.memref_slice %arg12[%dma_start3A_108, %dma_start3A_109] : memref<50000x16xf32, #tpu.memory_space<vmem_shared>> -> memref<50000x16xf32, #tpu.memory_space<vmem_shared>>
        tpu.enqueue_indirect_dma source(%dma_start3A_110 : memref<50000x16xf32, #tpu.memory_space<vmem_shared>>) target(%arg10 : memref<400x16xf32, #tpu.memory_space<vmem>>) offsets(%arg6 : memref<400xi32, #tpu.memory_space<vmem>>) semaphore(%run_scoped3A : memref<!tpu.dma_semaphore, #tpu.memory_space<semaphore_mem>>)
        %dma_wait3A_111 = arith.constant 0 : i32
        %dma_wait3A_112 = arith.constant 0 : i32
        %dma_wait3A_113 = tpu.memref_slice %arg12[%dma_wait3A_111, %dma_wait3A_112] : memref<50000x16xf32, #tpu.memory_space<vmem_shared>> -> memref<50000x16xf32, #tpu.memory_space<vmem_shared>>
        tpu.wait_indirect_dma semaphore(%run_scoped3A : memref<!tpu.dma_semaphore, #tpu.memory_space<semaphore_mem>>) src(%dma_wait3A_113 : memref<50000x16xf32, #tpu.memory_space<vmem_shared>>) dst(%arg10 : memref<400x16xf32, #tpu.memory_space<vmem>>)
        tpu.yield
      }) : () -> ()
      %dma_start3A_92 = arith.constant 0 : i32
      %dma_start3A_93 = arith.constant 0 : i32
      %dma_start3A_94 = tpu.memref_slice %arg13[%dma_start3A_92, %dma_start3A_93] : memref<50000x16xf32, #tpu.memory_space<vmem_shared>> -> memref<50000x16xf32, #tpu.memory_space<vmem_shared>>
      tpu.enqueue_indirect_dma source(%arg10 : memref<400x16xf32, #tpu.memory_space<vmem>>) target(%dma_start3A_94 : memref<50000x16xf32, #tpu.memory_space<vmem_shared>>) offsets(%arg7 : memref<400xi32, #tpu.memory_space<vmem>>) semaphore(%arg15 : memref<!tpu.dma_semaphore, #tpu.memory_space<semaphore_mem>>) {add = true}
      %dma_wait3A = tpu.memref_slice %arg3[%add3A_88] : memref<800000xi32, #tpu.memory_space<hbm>> -> memref<400xi32, #tpu.memory_space<hbm>>
      %dma_wait3A_95 = tpu.memref_slice %arg3[%add3A_88] : memref<800000xi32, #tpu.memory_space<hbm>> -> memref<400xi32, #tpu.memory_space<hbm>>
      tpu.wait_dma2 semaphore(%arg14 : memref<!tpu.dma_semaphore, #tpu.memory_space<semaphore_mem>>) src(%dma_wait3A_95 : memref<400xi32, #tpu.memory_space<hbm>>) dst(%arg8 : memref<400xi32, #tpu.memory_space<vmem>>)
      %dma_wait3A_96 = tpu.memref_slice %arg4[%add3A_88] : memref<800000xi32, #tpu.memory_space<hbm>> -> memref<400xi32, #tpu.memory_space<hbm>>
      %dma_wait3A_97 = tpu.memref_slice %arg4[%add3A_88] : memref<800000xi32, #tpu.memory_space<hbm>> -> memref<400xi32, #tpu.memory_space<hbm>>
      tpu.wait_dma2 semaphore(%arg14 : memref<!tpu.dma_semaphore, #tpu.memory_space<semaphore_mem>>) src(%dma_wait3A_97 : memref<400xi32, #tpu.memory_space<hbm>>) dst(%arg9 : memref<400xi32, #tpu.memory_space<vmem>>)
      "tpu.region"() ({
        %run_scoped3A = tpu.sem_alloc : memref<!tpu.dma_semaphore, #tpu.memory_space<semaphore_mem>>
        %dma_start3A_108 = arith.constant 0 : i32
        %dma_start3A_109 = arith.constant 0 : i32
        %dma_start3A_110 = tpu.memref_slice %arg12[%dma_start3A_108, %dma_start3A_109] : memref<50000x16xf32, #tpu.memory_space<vmem_shared>> -> memref<50000x16xf32, #tpu.memory_space<vmem_shared>>
        tpu.enqueue_indirect_dma source(%dma_start3A_110 : memref<50000x16xf32, #tpu.memory_space<vmem_shared>>) target(%arg11 : memref<400x16xf32, #tpu.memory_space<vmem>>) offsets(%arg8 : memref<400xi32, #tpu.memory_space<vmem>>) semaphore(%run_scoped3A : memref<!tpu.dma_semaphore, #tpu.memory_space<semaphore_mem>>)
        %dma_wait3A_111 = arith.constant 0 : i32
        %dma_wait3A_112 = arith.constant 0 : i32
        %dma_wait3A_113 = tpu.memref_slice %arg12[%dma_wait3A_111, %dma_wait3A_112] : memref<50000x16xf32, #tpu.memory_space<vmem_shared>> -> memref<50000x16xf32, #tpu.memory_space<vmem_shared>>
        tpu.wait_indirect_dma semaphore(%run_scoped3A : memref<!tpu.dma_semaphore, #tpu.memory_space<semaphore_mem>>) src(%dma_wait3A_113 : memref<50000x16xf32, #tpu.memory_space<vmem_shared>>) dst(%arg11 : memref<400x16xf32, #tpu.memory_space<vmem>>)
        tpu.yield
      }) : () -> ()
      %dma_wait3A_98 = arith.constant 0 : i32
      %dma_wait3A_99 = arith.constant 0 : i32
      %dma_wait3A_100 = tpu.memref_slice %arg13[%dma_wait3A_98, %dma_wait3A_99] : memref<50000x16xf32, #tpu.memory_space<vmem_shared>> -> memref<50000x16xf32, #tpu.memory_space<vmem_shared>>
      tpu.wait_indirect_dma semaphore(%arg15 : memref<!tpu.dma_semaphore, #tpu.memory_space<semaphore_mem>>) src(%arg10 : memref<400x16xf32, #tpu.memory_space<vmem>>) dst(%dma_wait3A_100 : memref<50000x16xf32, #tpu.memory_space<vmem_shared>>)
      %dma_start3A_101 = arith.constant 0 : i32
      %dma_start3A_102 = arith.constant 0 : i32
      %dma_start3A_103 = tpu.memref_slice %arg13[%dma_start3A_101, %dma_start3A_102] : memref<50000x16xf32, #tpu.memory_space<vmem_shared>> -> memref<50000x16xf32, #tpu.memory_space<vmem_shared>>
      tpu.enqueue_indirect_dma source(%arg11 : memref<400x16xf32, #tpu.memory_space<vmem>>) target(%dma_start3A_103 : memref<50000x16xf32, #tpu.memory_space<vmem_shared>>) offsets(%arg9 : memref<400xi32, #tpu.memory_space<vmem>>) semaphore(%arg15 : memref<!tpu.dma_semaphore, #tpu.memory_space<semaphore_mem>>) {add = true}
      %dma_wait3A_104 = arith.constant 0 : i32
      %dma_wait3A_105 = arith.constant 0 : i32
      %dma_wait3A_106 = tpu.memref_slice %arg13[%dma_wait3A_104, %dma_wait3A_105] : memref<50000x16xf32, #tpu.memory_space<vmem_shared>> -> memref<50000x16xf32, #tpu.memory_space<vmem_shared>>
      tpu.wait_indirect_dma semaphore(%arg15 : memref<!tpu.dma_semaphore, #tpu.memory_space<semaphore_mem>>) src(%arg11 : memref<400x16xf32, #tpu.memory_space<vmem>>) dst(%dma_wait3A_106 : memref<50000x16xf32, #tpu.memory_space<vmem_shared>>)
      %scan3A_107 = arith.constant 0 : i32
      scf.yield %scan3A_107 : i32
    }
    %scan3A_68 = arith.constant 62 : i32
    %add3A_69 = arith.constant 49600 : i32
    %add3A_70 = arith.addi %mul3A_0, %add3A_69 : i32
    "tpu.region"() ({
      %run_scoped3A = tpu.sem_alloc : memref<!tpu.dma_semaphore, #tpu.memory_space<semaphore_mem>>
      %dma_start3A = tpu.memref_slice %arg3[%add3A_70] : memref<800000xi32, #tpu.memory_space<hbm>> -> memref<400xi32, #tpu.memory_space<hbm>>
      %dma_start3A_82 = tpu.memref_slice %arg3[%add3A_70] : memref<800000xi32, #tpu.memory_space<hbm>> -> memref<400xi32, #tpu.memory_space<hbm>>
      tpu.enqueue_dma source(%dma_start3A_82 : memref<400xi32, #tpu.memory_space<hbm>>) target(%arg6 : memref<400xi32, #tpu.memory_space<vmem>>) target_semaphore(%run_scoped3A : memref<!tpu.dma_semaphore, #tpu.memory_space<semaphore_mem>>)
      %dma_wait3A = tpu.memref_slice %arg3[%add3A_70] : memref<800000xi32, #tpu.memory_space<hbm>> -> memref<400xi32, #tpu.memory_space<hbm>>
      %dma_wait3A_83 = tpu.memref_slice %arg3[%add3A_70] : memref<800000xi32, #tpu.memory_space<hbm>> -> memref<400xi32, #tpu.memory_space<hbm>>
      tpu.wait_dma2 semaphore(%run_scoped3A : memref<!tpu.dma_semaphore, #tpu.memory_space<semaphore_mem>>) src(%dma_wait3A_83 : memref<400xi32, #tpu.memory_space<hbm>>) dst(%arg6 : memref<400xi32, #tpu.memory_space<vmem>>)
      tpu.yield
    }) : () -> ()
    "tpu.region"() ({
      %run_scoped3A = tpu.sem_alloc : memref<!tpu.dma_semaphore, #tpu.memory_space<semaphore_mem>>
      %dma_start3A = tpu.memref_slice %arg4[%add3A_70] : memref<800000xi32, #tpu.memory_space<hbm>> -> memref<400xi32, #tpu.memory_space<hbm>>
      %dma_start3A_82 = tpu.memref_slice %arg4[%add3A_70] : memref<800000xi32, #tpu.memory_space<hbm>> -> memref<400xi32, #tpu.memory_space<hbm>>
      tpu.enqueue_dma source(%dma_start3A_82 : memref<400xi32, #tpu.memory_space<hbm>>) target(%arg7 : memref<400xi32, #tpu.memory_space<vmem>>) target_semaphore(%run_scoped3A : memref<!tpu.dma_semaphore, #tpu.memory_space<semaphore_mem>>)
      %dma_wait3A = tpu.memref_slice %arg4[%add3A_70] : memref<800000xi32, #tpu.memory_space<hbm>> -> memref<400xi32, #tpu.memory_space<hbm>>
      %dma_wait3A_83 = tpu.memref_slice %arg4[%add3A_70] : memref<800000xi32, #tpu.memory_space<hbm>> -> memref<400xi32, #tpu.memory_space<hbm>>
      tpu.wait_dma2 semaphore(%run_scoped3A : memref<!tpu.dma_semaphore, #tpu.memory_space<semaphore_mem>>) src(%dma_wait3A_83 : memref<400xi32, #tpu.memory_space<hbm>>) dst(%arg7 : memref<400xi32, #tpu.memory_space<vmem>>)
      tpu.yield
    }) : () -> ()
    "tpu.region"() ({
      %run_scoped3A = tpu.sem_alloc : memref<!tpu.dma_semaphore, #tpu.memory_space<semaphore_mem>>
      %dma_start3A = arith.constant 0 : i32
      %dma_start3A_82 = arith.constant 0 : i32
      %dma_start3A_83 = tpu.memref_slice %arg12[%dma_start3A, %dma_start3A_82] : memref<50000x16xf32, #tpu.memory_space<vmem_shared>> -> memref<50000x16xf32, #tpu.memory_space<vmem_shared>>
      tpu.enqueue_indirect_dma source(%dma_start3A_83 : memref<50000x16xf32, #tpu.memory_space<vmem_shared>>) target(%arg10 : memref<400x16xf32, #tpu.memory_space<vmem>>) offsets(%arg6 : memref<400xi32, #tpu.memory_space<vmem>>) semaphore(%run_scoped3A : memref<!tpu.dma_semaphore, #tpu.memory_space<semaphore_mem>>)
      %dma_wait3A = arith.constant 0 : i32
      %dma_wait3A_84 = arith.constant 0 : i32
      %dma_wait3A_85 = tpu.memref_slice %arg12[%dma_wait3A, %dma_wait3A_84] : memref<50000x16xf32, #tpu.memory_space<vmem_shared>> -> memref<50000x16xf32, #tpu.memory_space<vmem_shared>>
      tpu.wait_indirect_dma semaphore(%run_scoped3A : memref<!tpu.dma_semaphore, #tpu.memory_space<semaphore_mem>>) src(%dma_wait3A_85 : memref<50000x16xf32, #tpu.memory_space<vmem_shared>>) dst(%arg10 : memref<400x16xf32, #tpu.memory_space<vmem>>)
      tpu.yield
    }) : () -> ()
    "tpu.region"() ({
      %run_scoped3A = tpu.sem_alloc : memref<!tpu.dma_semaphore, #tpu.memory_space<semaphore_mem>>
      %dma_start3A = arith.constant 0 : i32
      %dma_start3A_82 = arith.constant 0 : i32
      %dma_start3A_83 = tpu.memref_slice %arg13[%dma_start3A, %dma_start3A_82] : memref<50000x16xf32, #tpu.memory_space<vmem_shared>> -> memref<50000x16xf32, #tpu.memory_space<vmem_shared>>
      tpu.enqueue_indirect_dma source(%arg10 : memref<400x16xf32, #tpu.memory_space<vmem>>) target(%dma_start3A_83 : memref<50000x16xf32, #tpu.memory_space<vmem_shared>>) offsets(%arg7 : memref<400xi32, #tpu.memory_space<vmem>>) semaphore(%run_scoped3A : memref<!tpu.dma_semaphore, #tpu.memory_space<semaphore_mem>>) {add = true}
      %dma_wait3A = arith.constant 0 : i32
      %dma_wait3A_84 = arith.constant 0 : i32
      %dma_wait3A_85 = tpu.memref_slice %arg13[%dma_wait3A, %dma_wait3A_84] : memref<50000x16xf32, #tpu.memory_space<vmem_shared>> -> memref<50000x16xf32, #tpu.memory_space<vmem_shared>>
      tpu.wait_indirect_dma semaphore(%run_scoped3A : memref<!tpu.dma_semaphore, #tpu.memory_space<semaphore_mem>>) src(%arg10 : memref<400x16xf32, #tpu.memory_space<vmem>>) dst(%dma_wait3A_85 : memref<50000x16xf32, #tpu.memory_space<vmem_shared>>)
      tpu.yield
    }) : () -> ()
    %barrier3A_71 = arith.constant 0 : index
    tpu.barrier barrier_id(%barrier3A_71)
    %lt3A_72 = arith.constant 15 : i32
    %lt3A_73 = arith.cmpi slt, %arg1, %lt3A_72 : i32
    %convert_element_type3A_74 = arith.extui %lt3A_73 : i1 to i32
    %cond3A_75 = arith.constant 0 : i32
    %cond3A_76 = arith.cmpi ne, %convert_element_type3A_74, %cond3A_75 : i32
    scf.if %cond3A_76 {
      %mul3A_82 = arith.constant 3128 : i32
      %mul3A_83 = arith.muli %arg1, %mul3A_82 : i32
      %mul3A_84 = arith.constant 16 : i32
      %mul3A_85 = arith.muli %add3A_41, %mul3A_84 : i32
      "tpu.region"() ({
        %run_scoped3A = tpu.sem_alloc : memref<!tpu.dma_semaphore, #tpu.memory_space<semaphore_mem>>
        %dma_start3A = tpu.memref_slice %arg5[%mul3A_83, %mul3A_85] : memref<50000x128xf32, #tpu.memory_space<hbm>> -> memref<3128x16xf32, #tpu.memory_space<hbm>>
        %dma_start3A_86 = arith.constant 0 : i32
        %dma_start3A_87 = tpu.memref_slice %arg13[%mul3A_83, %dma_start3A_86] : memref<50000x16xf32, #tpu.memory_space<vmem_shared>> -> memref<3128x16xf32, #tpu.memory_space<vmem_shared>>
        tpu.enqueue_dma source(%dma_start3A_87 : memref<3128x16xf32, #tpu.memory_space<vmem_shared>>) target(%dma_start3A : memref<3128x16xf32, #tpu.memory_space<hbm>>) target_semaphore(%run_scoped3A : memref<!tpu.dma_semaphore, #tpu.memory_space<semaphore_mem>>)
        %dma_wait3A = tpu.memref_slice %arg5[%mul3A_83, %mul3A_85] : memref<50000x128xf32, #tpu.memory_space<hbm>> -> memref<3128x16xf32, #tpu.memory_space<hbm>>
        %dma_wait3A_88 = arith.constant 0 : i32
        %dma_wait3A_89 = tpu.memref_slice %arg13[%mul3A_83, %dma_wait3A_88] : memref<50000x16xf32, #tpu.memory_space<vmem_shared>> -> memref<3128x16xf32, #tpu.memory_space<vmem_shared>>
        tpu.wait_dma2 semaphore(%run_scoped3A : memref<!tpu.dma_semaphore, #tpu.memory_space<semaphore_mem>>) src(%dma_wait3A_89 : memref<3128x16xf32, #tpu.memory_space<vmem_shared>>) dst(%dma_wait3A : memref<3128x16xf32, #tpu.memory_space<hbm>>)
        tpu.yield
      }) : () -> ()
    } else {
    }
    %eq3A_77 = arith.constant 15 : i32
    %eq3A_78 = arith.cmpi eq, %arg1, %eq3A_77 : i32
    %convert_element_type3A_79 = arith.extui %eq3A_78 : i1 to i32
    %cond3A_80 = arith.constant 0 : i32
    %cond3A_81 = arith.cmpi ne, %convert_element_type3A_79, %cond3A_80 : i32
    scf.if %cond3A_81 {
      %mul3A_82 = arith.constant 16 : i32
      %mul3A_83 = arith.muli %add3A_41, %mul3A_82 : i32
      "tpu.region"() ({
        %run_scoped3A = tpu.sem_alloc : memref<!tpu.dma_semaphore, #tpu.memory_space<semaphore_mem>>
        %dma_start3A = arith.constant 46920 : i32
        %dma_start3A_84 = tpu.memref_slice %arg5[%dma_start3A, %mul3A_83] : memref<50000x128xf32, #tpu.memory_space<hbm>> -> memref<3080x16xf32, #tpu.memory_space<hbm>>
        %dma_start3A_85 = arith.constant 46920 : i32
        %dma_start3A_86 = arith.constant 0 : i32
        %dma_start3A_87 = tpu.memref_slice %arg13[%dma_start3A_85, %dma_start3A_86] : memref<50000x16xf32, #tpu.memory_space<vmem_shared>> -> memref<3080x16xf32, #tpu.memory_space<vmem_shared>>
        tpu.enqueue_dma source(%dma_start3A_87 : memref<3080x16xf32, #tpu.memory_space<vmem_shared>>) target(%dma_start3A_84 : memref<3080x16xf32, #tpu.memory_space<hbm>>) target_semaphore(%run_scoped3A : memref<!tpu.dma_semaphore, #tpu.memory_space<semaphore_mem>>)
        %dma_wait3A = arith.constant 46920 : i32
        %dma_wait3A_88 = tpu.memref_slice %arg5[%dma_wait3A, %mul3A_83] : memref<50000x128xf32, #tpu.memory_space<hbm>> -> memref<3080x16xf32, #tpu.memory_space<hbm>>
        %dma_wait3A_89 = arith.constant 46920 : i32
        %dma_wait3A_90 = arith.constant 0 : i32
        %dma_wait3A_91 = tpu.memref_slice %arg13[%dma_wait3A_89, %dma_wait3A_90] : memref<50000x16xf32, #tpu.memory_space<vmem_shared>> -> memref<3080x16xf32, #tpu.memory_space<vmem_shared>>
        tpu.wait_dma2 semaphore(%run_scoped3A : memref<!tpu.dma_semaphore, #tpu.memory_space<semaphore_mem>>) src(%dma_wait3A_91 : memref<3080x16xf32, #tpu.memory_space<vmem_shared>>) dst(%dma_wait3A_88 : memref<3080x16xf32, #tpu.memory_space<hbm>>)
        tpu.yield
      }) : () -> ()
    } else {
    }
    return
  }
}

#map = affine_map<(d0, d1) -> (0, 0)>
#map1 = affine_map<(d0, d1) -> (0)>
#map2 = affine_map<(d0, d1) -> (0, 0, 0)>
module attributes {stable_mosaic.version = 14 : i64} {
  func.func @k(%arg0: i32, %arg1: i32, %arg2: memref<50000x128xf32, #tpu.memory_space<hbm>>, %arg3: memref<50000xi32, #tpu.memory_space<hbm>>, %arg4: memref<2x1000x128xf32, #tpu.memory_space<hbm>>, %arg5: memref<400xi32, #tpu.memory_space<vmem>>, %arg6: memref<400x64xf32, #tpu.memory_space<vmem>>, %arg7: memref<400x16xf32, #tpu.memory_space<vmem>>, %arg8: memref<400x16xf32, #tpu.memory_space<vmem>>, %arg9: memref<1000x64xf32, #tpu.memory_space<vmem_shared>>, %arg10: memref<1000x16xf32, #tpu.memory_space<vmem_shared>>) attributes {dimension_semantics = [#tpu.dimension_semantics<core_parallel>, #tpu.dimension_semantics<subcore_parallel>], iteration_bounds = array<i64: 2, 16>, scalar_prefetch = 0 : i64, scratch_operands = 6 : i64, tpu.core_type = #tpu.core_type<sc_vector_subcore>, window_params = [{transform_indices = #map}, {transform_indices = #map1}, {transform_indices = #map2}]} {
    %mul3A = arith.constant 2 : i32
    %mul3A_0 = arith.muli %arg1, %mul3A : i32
    %add3A = arith.addi %mul3A_0, %arg0 : i32
    %scan3A = arith.constant 0 : i32
    %scan3A_1 = arith.constant 0 : i32
    %scan3A_2 = arith.constant 400 : i32
    %scan3A_3 = arith.addi %scan3A_1, %scan3A_2 : i32
    %scan3A_4 = arith.constant 1 : i32
    %scan3A_5 = scf.for %scan3A_32 = %scan3A_1 to %scan3A_3 step %scan3A_4 iter_args(%scan3A_33 = %scan3A) -> (i32)  : i32 {
      %broadcast_in_dim3A = arith.constant 0.000000e+00 : f32
      %broadcast_in_dim3A_34 = vector.broadcast %broadcast_in_dim3A : f32 to vector<16xf32>
      %swap3A = arith.index_cast %scan3A_32 : i32 to index
      %swap3A_35 = arith.constant 0 : index
      %swap3A_36 = tpu.vector_load %arg6[%swap3A, %swap3A_35] {strides = array<i32>} : memref<400x64xf32, #tpu.memory_space<vmem>>, vector<1x16xf32>,
      %swap3A_37 = vector.shape_cast %swap3A_36 : vector<1x16xf32> to vector<16xf32>
      %swap3A_38 = vector.shape_cast %broadcast_in_dim3A_34 : vector<16xf32> to vector<1x16xf32>
      tpu.vector_store %arg6[%swap3A, %swap3A_35], %swap3A_38 {strides = array<i32>} : memref<400x64xf32, #tpu.memory_space<vmem>>, vector<1x16xf32>,
      %broadcast_in_dim3A_39 = arith.constant 0.000000e+00 : f32
      %broadcast_in_dim3A_40 = vector.broadcast %broadcast_in_dim3A_39 : f32 to vector<16xf32>
      %swap3A_41 = arith.index_cast %scan3A_32 : i32 to index
      %swap3A_42 = arith.constant 16 : index
      %swap3A_43 = tpu.vector_load %arg6[%swap3A_41, %swap3A_42] {strides = array<i32>} : memref<400x64xf32, #tpu.memory_space<vmem>>, vector<1x16xf32>,
      %swap3A_44 = vector.shape_cast %swap3A_43 : vector<1x16xf32> to vector<16xf32>
      %swap3A_45 = vector.shape_cast %broadcast_in_dim3A_40 : vector<16xf32> to vector<1x16xf32>
      tpu.vector_store %arg6[%swap3A_41, %swap3A_42], %swap3A_45 {strides = array<i32>} : memref<400x64xf32, #tpu.memory_space<vmem>>, vector<1x16xf32>,
      %broadcast_in_dim3A_46 = arith.constant 0.000000e+00 : f32
      %broadcast_in_dim3A_47 = vector.broadcast %broadcast_in_dim3A_46 : f32 to vector<16xf32>
      %swap3A_48 = arith.index_cast %scan3A_32 : i32 to index
      %swap3A_49 = arith.constant 32 : index
      %swap3A_50 = tpu.vector_load %arg6[%swap3A_48, %swap3A_49] {strides = array<i32>} : memref<400x64xf32, #tpu.memory_space<vmem>>, vector<1x16xf32>,
      %swap3A_51 = vector.shape_cast %swap3A_50 : vector<1x16xf32> to vector<16xf32>
      %swap3A_52 = vector.shape_cast %broadcast_in_dim3A_47 : vector<16xf32> to vector<1x16xf32>
      tpu.vector_store %arg6[%swap3A_48, %swap3A_49], %swap3A_52 {strides = array<i32>} : memref<400x64xf32, #tpu.memory_space<vmem>>, vector<1x16xf32>,
      %broadcast_in_dim3A_53 = arith.constant 0.000000e+00 : f32
      %broadcast_in_dim3A_54 = vector.broadcast %broadcast_in_dim3A_53 : f32 to vector<16xf32>
      %swap3A_55 = arith.index_cast %scan3A_32 : i32 to index
      %swap3A_56 = arith.constant 48 : index
      %swap3A_57 = tpu.vector_load %arg6[%swap3A_55, %swap3A_56] {strides = array<i32>} : memref<400x64xf32, #tpu.memory_space<vmem>>, vector<1x16xf32>,
      %swap3A_58 = vector.shape_cast %swap3A_57 : vector<1x16xf32> to vector<16xf32>
      %swap3A_59 = vector.shape_cast %broadcast_in_dim3A_54 : vector<16xf32> to vector<1x16xf32>
      tpu.vector_store %arg6[%swap3A_55, %swap3A_56], %swap3A_59 {strides = array<i32>} : memref<400x64xf32, #tpu.memory_space<vmem>>, vector<1x16xf32>,
      %broadcast_in_dim3A_60 = arith.constant 1.000000e+00 : f32
      %broadcast_in_dim3A_61 = vector.broadcast %broadcast_in_dim3A_60 : f32 to vector<16xf32>
      %swap3A_62 = arith.index_cast %scan3A_32 : i32 to index
      %swap3A_63 = arith.constant 0 : index
      %swap3A_64 = tpu.vector_load %arg7[%swap3A_62, %swap3A_63] {strides = array<i32>} : memref<400x16xf32, #tpu.memory_space<vmem>>, vector<1x16xf32>,
      %swap3A_65 = vector.shape_cast %swap3A_64 : vector<1x16xf32> to vector<16xf32>
      %swap3A_66 = vector.shape_cast %broadcast_in_dim3A_61 : vector<16xf32> to vector<1x16xf32>
      tpu.vector_store %arg7[%swap3A_62, %swap3A_63], %swap3A_66 {strides = array<i32>} : memref<400x16xf32, #tpu.memory_space<vmem>>, vector<1x16xf32>,
      %broadcast_in_dim3A_67 = arith.constant 0.000000e+00 : f32
      %broadcast_in_dim3A_68 = vector.broadcast %broadcast_in_dim3A_67 : f32 to vector<16xf32>
      %swap3A_69 = arith.index_cast %scan3A_32 : i32 to index
      %swap3A_70 = arith.constant 0 : index
      %swap3A_71 = tpu.vector_load %arg8[%swap3A_69, %swap3A_70] {strides = array<i32>} : memref<400x16xf32, #tpu.memory_space<vmem>>, vector<1x16xf32>,
      %swap3A_72 = vector.shape_cast %swap3A_71 : vector<1x16xf32> to vector<16xf32>
      %swap3A_73 = vector.shape_cast %broadcast_in_dim3A_68 : vector<16xf32> to vector<1x16xf32>
      tpu.vector_store %arg8[%swap3A_69, %swap3A_70], %swap3A_73 {strides = array<i32>} : memref<400x16xf32, #tpu.memory_space<vmem>>, vector<1x16xf32>,
      %scan3A_74 = arith.constant 0 : i32
      scf.yield %scan3A_74 : i32
    }
    %scan3A_6 = arith.constant 400 : i32
    %eq3A = arith.constant 0 : i32
    %eq3A_7 = arith.cmpi eq, %arg1, %eq3A : i32
    %convert_element_type3A = arith.extui %eq3A_7 : i1 to i32
    %cond3A = arith.constant 0 : i32
    %cond3A_8 = arith.cmpi ne, %convert_element_type3A, %cond3A : i32
    scf.if %cond3A_8 {
      "tpu.region"() ({
        %run_scoped3A = tpu.sem_alloc : memref<!tpu.dma_semaphore, #tpu.memory_space<semaphore_mem>>
        %dma_start3A = arith.constant 0 : i32
        %dma_start3A_32 = arith.constant 0 : i32
        %dma_start3A_33 = tpu.memref_slice %arg9[%dma_start3A, %dma_start3A_32] : memref<1000x64xf32, #tpu.memory_space<vmem_shared>> -> memref<400x64xf32, #tpu.memory_space<vmem_shared>>
        %dma_start3A_34 = arith.constant 0 : i32
        %dma_start3A_35 = arith.constant 0 : i32
        %dma_start3A_36 = tpu.memref_slice %arg9[%dma_start3A_34, %dma_start3A_35] : memref<1000x64xf32, #tpu.memory_space<vmem_shared>> -> memref<400x64xf32, #tpu.memory_space<vmem_shared>>
        tpu.enqueue_dma source(%arg6 : memref<400x64xf32, #tpu.memory_space<vmem>>) target(%dma_start3A_36 : memref<400x64xf32, #tpu.memory_space<vmem_shared>>) target_semaphore(%run_scoped3A : memref<!tpu.dma_semaphore, #tpu.memory_space<semaphore_mem>>)
        %dma_wait3A = arith.constant 0 : i32
        %dma_wait3A_37 = arith.constant 0 : i32
        %dma_wait3A_38 = tpu.memref_slice %arg9[%dma_wait3A, %dma_wait3A_37] : memref<1000x64xf32, #tpu.memory_space<vmem_shared>> -> memref<400x64xf32, #tpu.memory_space<vmem_shared>>
        %dma_wait3A_39 = arith.constant 0 : i32
        %dma_wait3A_40 = arith.constant 0 : i32
        %dma_wait3A_41 = tpu.memref_slice %arg9[%dma_wait3A_39, %dma_wait3A_40] : memref<1000x64xf32, #tpu.memory_space<vmem_shared>> -> memref<400x64xf32, #tpu.memory_space<vmem_shared>>
        tpu.wait_dma2 semaphore(%run_scoped3A : memref<!tpu.dma_semaphore, #tpu.memory_space<semaphore_mem>>) src(%arg6 : memref<400x64xf32, #tpu.memory_space<vmem>>) dst(%dma_wait3A_41 : memref<400x64xf32, #tpu.memory_space<vmem_shared>>)
        tpu.yield
      }) : () -> ()
      "tpu.region"() ({
        %run_scoped3A = tpu.sem_alloc : memref<!tpu.dma_semaphore, #tpu.memory_space<semaphore_mem>>
        %dma_start3A = arith.constant 400 : i32
        %dma_start3A_32 = arith.constant 0 : i32
        %dma_start3A_33 = tpu.memref_slice %arg9[%dma_start3A, %dma_start3A_32] : memref<1000x64xf32, #tpu.memory_space<vmem_shared>> -> memref<400x64xf32, #tpu.memory_space<vmem_shared>>
        %dma_start3A_34 = arith.constant 400 : i32
        %dma_start3A_35 = arith.constant 0 : i32
        %dma_start3A_36 = tpu.memref_slice %arg9[%dma_start3A_34, %dma_start3A_35] : memref<1000x64xf32, #tpu.memory_space<vmem_shared>> -> memref<400x64xf32, #tpu.memory_space<vmem_shared>>
        tpu.enqueue_dma source(%arg6 : memref<400x64xf32, #tpu.memory_space<vmem>>) target(%dma_start3A_36 : memref<400x64xf32, #tpu.memory_space<vmem_shared>>) target_semaphore(%run_scoped3A : memref<!tpu.dma_semaphore, #tpu.memory_space<semaphore_mem>>)
        %dma_wait3A = arith.constant 400 : i32
        %dma_wait3A_37 = arith.constant 0 : i32
        %dma_wait3A_38 = tpu.memref_slice %arg9[%dma_wait3A, %dma_wait3A_37] : memref<1000x64xf32, #tpu.memory_space<vmem_shared>> -> memref<400x64xf32, #tpu.memory_space<vmem_shared>>
        %dma_wait3A_39 = arith.constant 400 : i32
        %dma_wait3A_40 = arith.constant 0 : i32
        %dma_wait3A_41 = tpu.memref_slice %arg9[%dma_wait3A_39, %dma_wait3A_40] : memref<1000x64xf32, #tpu.memory_space<vmem_shared>> -> memref<400x64xf32, #tpu.memory_space<vmem_shared>>
        tpu.wait_dma2 semaphore(%run_scoped3A : memref<!tpu.dma_semaphore, #tpu.memory_space<semaphore_mem>>) src(%arg6 : memref<400x64xf32, #tpu.memory_space<vmem>>) dst(%dma_wait3A_41 : memref<400x64xf32, #tpu.memory_space<vmem_shared>>)
        tpu.yield
      }) : () -> ()
      "tpu.region"() ({
        %run_scoped3A = tpu.sem_alloc : memref<!tpu.dma_semaphore, #tpu.memory_space<semaphore_mem>>
        %dma_start3A = arith.constant 0 : i32
        %dma_start3A_32 = arith.constant 0 : i32
        %dma_start3A_33 = tpu.memref_slice %arg6[%dma_start3A, %dma_start3A_32] : memref<400x64xf32, #tpu.memory_space<vmem>> -> memref<200x64xf32, #tpu.memory_space<vmem>>
        %dma_start3A_34 = arith.constant 800 : i32
        %dma_start3A_35 = arith.constant 0 : i32
        %dma_start3A_36 = tpu.memref_slice %arg9[%dma_start3A_34, %dma_start3A_35] : memref<1000x64xf32, #tpu.memory_space<vmem_shared>> -> memref<200x64xf32, #tpu.memory_space<vmem_shared>>
        %dma_start3A_37 = arith.constant 800 : i32
        %dma_start3A_38 = arith.constant 0 : i32
        %dma_start3A_39 = tpu.memref_slice %arg9[%dma_start3A_37, %dma_start3A_38] : memref<1000x64xf32, #tpu.memory_space<vmem_shared>> -> memref<200x64xf32, #tpu.memory_space<vmem_shared>>
        %dma_start3A_40 = arith.constant 0 : i32
        %dma_start3A_41 = arith.constant 0 : i32
        %dma_start3A_42 = tpu.memref_slice %arg6[%dma_start3A_40, %dma_start3A_41] : memref<400x64xf32, #tpu.memory_space<vmem>> -> memref<200x64xf32, #tpu.memory_space<vmem>>
        tpu.enqueue_dma source(%dma_start3A_42 : memref<200x64xf32, #tpu.memory_space<vmem>>) target(%dma_start3A_39 : memref<200x64xf32, #tpu.memory_space<vmem_shared>>) target_semaphore(%run_scoped3A : memref<!tpu.dma_semaphore, #tpu.memory_space<semaphore_mem>>)
        %dma_wait3A = arith.constant 0 : i32
        %dma_wait3A_43 = arith.constant 0 : i32
        %dma_wait3A_44 = tpu.memref_slice %arg6[%dma_wait3A, %dma_wait3A_43] : memref<400x64xf32, #tpu.memory_space<vmem>> -> memref<200x64xf32, #tpu.memory_space<vmem>>
        %dma_wait3A_45 = arith.constant 800 : i32
        %dma_wait3A_46 = arith.constant 0 : i32
        %dma_wait3A_47 = tpu.memref_slice %arg9[%dma_wait3A_45, %dma_wait3A_46] : memref<1000x64xf32, #tpu.memory_space<vmem_shared>> -> memref<200x64xf32, #tpu.memory_space<vmem_shared>>
        %dma_wait3A_48 = arith.constant 800 : i32
        %dma_wait3A_49 = arith.constant 0 : i32
        %dma_wait3A_50 = tpu.memref_slice %arg9[%dma_wait3A_48, %dma_wait3A_49] : memref<1000x64xf32, #tpu.memory_space<vmem_shared>> -> memref<200x64xf32, #tpu.memory_space<vmem_shared>>
        %dma_wait3A_51 = arith.constant 0 : i32
        %dma_wait3A_52 = arith.constant 0 : i32
        %dma_wait3A_53 = tpu.memref_slice %arg6[%dma_wait3A_51, %dma_wait3A_52] : memref<400x64xf32, #tpu.memory_space<vmem>> -> memref<200x64xf32, #tpu.memory_space<vmem>>
        tpu.wait_dma2 semaphore(%run_scoped3A : memref<!tpu.dma_semaphore, #tpu.memory_space<semaphore_mem>>) src(%dma_wait3A_53 : memref<200x64xf32, #tpu.memory_space<vmem>>) dst(%dma_wait3A_50 : memref<200x64xf32, #tpu.memory_space<vmem_shared>>)
        tpu.yield
      }) : () -> ()
    } else {
    }
    %eq3A_9 = arith.constant 1 : i32
    %eq3A_10 = arith.cmpi eq, %arg1, %eq3A_9 : i32
    %convert_element_type3A_11 = arith.extui %eq3A_10 : i1 to i32
    %cond3A_12 = arith.constant 0 : i32
    %cond3A_13 = arith.cmpi ne, %convert_element_type3A_11, %cond3A_12 : i32
    scf.if %cond3A_13 {
      "tpu.region"() ({
        %run_scoped3A = tpu.sem_alloc : memref<!tpu.dma_semaphore, #tpu.memory_space<semaphore_mem>>
        %dma_start3A = arith.constant 0 : i32
        %dma_start3A_32 = arith.constant 0 : i32
        %dma_start3A_33 = tpu.memref_slice %arg10[%dma_start3A, %dma_start3A_32] : memref<1000x16xf32, #tpu.memory_space<vmem_shared>> -> memref<400x16xf32, #tpu.memory_space<vmem_shared>>
        %dma_start3A_34 = arith.constant 0 : i32
        %dma_start3A_35 = arith.constant 0 : i32
        %dma_start3A_36 = tpu.memref_slice %arg10[%dma_start3A_34, %dma_start3A_35] : memref<1000x16xf32, #tpu.memory_space<vmem_shared>> -> memref<400x16xf32, #tpu.memory_space<vmem_shared>>
        tpu.enqueue_dma source(%arg8 : memref<400x16xf32, #tpu.memory_space<vmem>>) target(%dma_start3A_36 : memref<400x16xf32, #tpu.memory_space<vmem_shared>>) target_semaphore(%run_scoped3A : memref<!tpu.dma_semaphore, #tpu.memory_space<semaphore_mem>>)
        %dma_wait3A = arith.constant 0 : i32
        %dma_wait3A_37 = arith.constant 0 : i32
        %dma_wait3A_38 = tpu.memref_slice %arg10[%dma_wait3A, %dma_wait3A_37] : memref<1000x16xf32, #tpu.memory_space<vmem_shared>> -> memref<400x16xf32, #tpu.memory_space<vmem_shared>>
        %dma_wait3A_39 = arith.constant 0 : i32
        %dma_wait3A_40 = arith.constant 0 : i32
        %dma_wait3A_41 = tpu.memref_slice %arg10[%dma_wait3A_39, %dma_wait3A_40] : memref<1000x16xf32, #tpu.memory_space<vmem_shared>> -> memref<400x16xf32, #tpu.memory_space<vmem_shared>>
        tpu.wait_dma2 semaphore(%run_scoped3A : memref<!tpu.dma_semaphore, #tpu.memory_space<semaphore_mem>>) src(%arg8 : memref<400x16xf32, #tpu.memory_space<vmem>>) dst(%dma_wait3A_41 : memref<400x16xf32, #tpu.memory_space<vmem_shared>>)
        tpu.yield
      }) : () -> ()
      "tpu.region"() ({
        %run_scoped3A = tpu.sem_alloc : memref<!tpu.dma_semaphore, #tpu.memory_space<semaphore_mem>>
        %dma_start3A = arith.constant 400 : i32
        %dma_start3A_32 = arith.constant 0 : i32
        %dma_start3A_33 = tpu.memref_slice %arg10[%dma_start3A, %dma_start3A_32] : memref<1000x16xf32, #tpu.memory_space<vmem_shared>> -> memref<400x16xf32, #tpu.memory_space<vmem_shared>>
        %dma_start3A_34 = arith.constant 400 : i32
        %dma_start3A_35 = arith.constant 0 : i32
        %dma_start3A_36 = tpu.memref_slice %arg10[%dma_start3A_34, %dma_start3A_35] : memref<1000x16xf32, #tpu.memory_space<vmem_shared>> -> memref<400x16xf32, #tpu.memory_space<vmem_shared>>
        tpu.enqueue_dma source(%arg8 : memref<400x16xf32, #tpu.memory_space<vmem>>) target(%dma_start3A_36 : memref<400x16xf32, #tpu.memory_space<vmem_shared>>) target_semaphore(%run_scoped3A : memref<!tpu.dma_semaphore, #tpu.memory_space<semaphore_mem>>)
        %dma_wait3A = arith.constant 400 : i32
        %dma_wait3A_37 = arith.constant 0 : i32
        %dma_wait3A_38 = tpu.memref_slice %arg10[%dma_wait3A, %dma_wait3A_37] : memref<1000x16xf32, #tpu.memory_space<vmem_shared>> -> memref<400x16xf32, #tpu.memory_space<vmem_shared>>
        %dma_wait3A_39 = arith.constant 400 : i32
        %dma_wait3A_40 = arith.constant 0 : i32
        %dma_wait3A_41 = tpu.memref_slice %arg10[%dma_wait3A_39, %dma_wait3A_40] : memref<1000x16xf32, #tpu.memory_space<vmem_shared>> -> memref<400x16xf32, #tpu.memory_space<vmem_shared>>
        tpu.wait_dma2 semaphore(%run_scoped3A : memref<!tpu.dma_semaphore, #tpu.memory_space<semaphore_mem>>) src(%arg8 : memref<400x16xf32, #tpu.memory_space<vmem>>) dst(%dma_wait3A_41 : memref<400x16xf32, #tpu.memory_space<vmem_shared>>)
        tpu.yield
      }) : () -> ()
      "tpu.region"() ({
        %run_scoped3A = tpu.sem_alloc : memref<!tpu.dma_semaphore, #tpu.memory_space<semaphore_mem>>
        %dma_start3A = arith.constant 0 : i32
        %dma_start3A_32 = arith.constant 0 : i32
        %dma_start3A_33 = tpu.memref_slice %arg8[%dma_start3A, %dma_start3A_32] : memref<400x16xf32, #tpu.memory_space<vmem>> -> memref<200x16xf32, #tpu.memory_space<vmem>>
        %dma_start3A_34 = arith.constant 800 : i32
        %dma_start3A_35 = arith.constant 0 : i32
        %dma_start3A_36 = tpu.memref_slice %arg10[%dma_start3A_34, %dma_start3A_35] : memref<1000x16xf32, #tpu.memory_space<vmem_shared>> -> memref<200x16xf32, #tpu.memory_space<vmem_shared>>
        %dma_start3A_37 = arith.constant 800 : i32
        %dma_start3A_38 = arith.constant 0 : i32
        %dma_start3A_39 = tpu.memref_slice %arg10[%dma_start3A_37, %dma_start3A_38] : memref<1000x16xf32, #tpu.memory_space<vmem_shared>> -> memref<200x16xf32, #tpu.memory_space<vmem_shared>>
        %dma_start3A_40 = arith.constant 0 : i32
        %dma_start3A_41 = arith.constant 0 : i32
        %dma_start3A_42 = tpu.memref_slice %arg8[%dma_start3A_40, %dma_start3A_41] : memref<400x16xf32, #tpu.memory_space<vmem>> -> memref<200x16xf32, #tpu.memory_space<vmem>>
        tpu.enqueue_dma source(%dma_start3A_42 : memref<200x16xf32, #tpu.memory_space<vmem>>) target(%dma_start3A_39 : memref<200x16xf32, #tpu.memory_space<vmem_shared>>) target_semaphore(%run_scoped3A : memref<!tpu.dma_semaphore, #tpu.memory_space<semaphore_mem>>)
        %dma_wait3A = arith.constant 0 : i32
        %dma_wait3A_43 = arith.constant 0 : i32
        %dma_wait3A_44 = tpu.memref_slice %arg8[%dma_wait3A, %dma_wait3A_43] : memref<400x16xf32, #tpu.memory_space<vmem>> -> memref<200x16xf32, #tpu.memory_space<vmem>>
        %dma_wait3A_45 = arith.constant 800 : i32
        %dma_wait3A_46 = arith.constant 0 : i32
        %dma_wait3A_47 = tpu.memref_slice %arg10[%dma_wait3A_45, %dma_wait3A_46] : memref<1000x16xf32, #tpu.memory_space<vmem_shared>> -> memref<200x16xf32, #tpu.memory_space<vmem_shared>>
        %dma_wait3A_48 = arith.constant 800 : i32
        %dma_wait3A_49 = arith.constant 0 : i32
        %dma_wait3A_50 = tpu.memref_slice %arg10[%dma_wait3A_48, %dma_wait3A_49] : memref<1000x16xf32, #tpu.memory_space<vmem_shared>> -> memref<200x16xf32, #tpu.memory_space<vmem_shared>>
        %dma_wait3A_51 = arith.constant 0 : i32
        %dma_wait3A_52 = arith.constant 0 : i32
        %dma_wait3A_53 = tpu.memref_slice %arg8[%dma_wait3A_51, %dma_wait3A_52] : memref<400x16xf32, #tpu.memory_space<vmem>> -> memref<200x16xf32, #tpu.memory_space<vmem>>
        tpu.wait_dma2 semaphore(%run_scoped3A : memref<!tpu.dma_semaphore, #tpu.memory_space<semaphore_mem>>) src(%dma_wait3A_53 : memref<200x16xf32, #tpu.memory_space<vmem>>) dst(%dma_wait3A_50 : memref<200x16xf32, #tpu.memory_space<vmem_shared>>)
        tpu.yield
      }) : () -> ()
    } else {
    }
    %barrier3A = arith.constant 0 : index
    tpu.barrier barrier_id(%barrier3A)
    %scan3A_14 = arith.constant 0 : i32
    %scan3A_15 = arith.constant 0 : i32
    %scan3A_16 = arith.constant 4 : i32
    %scan3A_17 = arith.addi %scan3A_15, %scan3A_16 : i32
    %scan3A_18 = arith.constant 1 : i32
    %scan3A_19 = scf.for %scan3A_32 = %scan3A_15 to %scan3A_17 step %scan3A_18 iter_args(%scan3A_33 = %scan3A_14) -> (i32)  : i32 {
      %mul3A_34 = arith.constant 32 : i32
      %mul3A_35 = arith.muli %mul3A_34, %scan3A_32 : i32
      %add3A_36 = arith.addi %add3A, %mul3A_35 : i32
      %lt3A = arith.constant 125 : i32
      %lt3A_37 = arith.cmpi slt, %add3A_36, %lt3A : i32
      %convert_element_type3A_38 = arith.extui %lt3A_37 : i1 to i32
      %cond3A_39 = arith.constant 0 : i32
      %cond3A_40 = arith.cmpi ne, %convert_element_type3A_38, %cond3A_39 : i32
      scf.if %cond3A_40 {
        %mul3A_42 = arith.constant 400 : i32
        %mul3A_43 = arith.muli %add3A_36, %mul3A_42 : i32
        "tpu.region"() ({
          %run_scoped3A = tpu.sem_alloc : memref<!tpu.dma_semaphore, #tpu.memory_space<semaphore_mem>>
          %dma_start3A = tpu.memref_slice %arg3[%mul3A_43] : memref<50000xi32, #tpu.memory_space<hbm>> -> memref<400xi32, #tpu.memory_space<hbm>>
          %dma_start3A_44 = tpu.memref_slice %arg3[%mul3A_43] : memref<50000xi32, #tpu.memory_space<hbm>> -> memref<400xi32, #tpu.memory_space<hbm>>
          tpu.enqueue_dma source(%dma_start3A_44 : memref<400xi32, #tpu.memory_space<hbm>>) target(%arg5 : memref<400xi32, #tpu.memory_space<vmem>>) target_semaphore(%run_scoped3A : memref<!tpu.dma_semaphore, #tpu.memory_space<semaphore_mem>>)
          %dma_wait3A = tpu.memref_slice %arg3[%mul3A_43] : memref<50000xi32, #tpu.memory_space<hbm>> -> memref<400xi32, #tpu.memory_space<hbm>>
          %dma_wait3A_45 = tpu.memref_slice %arg3[%mul3A_43] : memref<50000xi32, #tpu.memory_space<hbm>> -> memref<400xi32, #tpu.memory_space<hbm>>
          tpu.wait_dma2 semaphore(%run_scoped3A : memref<!tpu.dma_semaphore, #tpu.memory_space<semaphore_mem>>) src(%dma_wait3A_45 : memref<400xi32, #tpu.memory_space<hbm>>) dst(%arg5 : memref<400xi32, #tpu.memory_space<vmem>>)
          tpu.yield
        }) : () -> ()
        "tpu.region"() ({
          %run_scoped3A = tpu.sem_alloc : memref<!tpu.dma_semaphore, #tpu.memory_space<semaphore_mem>>
          %dma_start3A = arith.constant 0 : i32
          %dma_start3A_44 = tpu.memref_slice %arg2[%mul3A_43, %dma_start3A] : memref<50000x128xf32, #tpu.memory_space<hbm>> -> memref<400x64xf32, #tpu.memory_space<hbm>>
          %dma_start3A_45 = arith.constant 0 : i32
          %dma_start3A_46 = tpu.memref_slice %arg2[%mul3A_43, %dma_start3A_45] : memref<50000x128xf32, #tpu.memory_space<hbm>> -> memref<400x64xf32, #tpu.memory_space<hbm>>
          tpu.enqueue_dma source(%dma_start3A_46 : memref<400x64xf32, #tpu.memory_space<hbm>>) target(%arg6 : memref<400x64xf32, #tpu.memory_space<vmem>>) target_semaphore(%run_scoped3A : memref<!tpu.dma_semaphore, #tpu.memory_space<semaphore_mem>>)
          %dma_wait3A = arith.constant 0 : i32
          %dma_wait3A_47 = tpu.memref_slice %arg2[%mul3A_43, %dma_wait3A] : memref<50000x128xf32, #tpu.memory_space<hbm>> -> memref<400x64xf32, #tpu.memory_space<hbm>>
          %dma_wait3A_48 = arith.constant 0 : i32
          %dma_wait3A_49 = tpu.memref_slice %arg2[%mul3A_43, %dma_wait3A_48] : memref<50000x128xf32, #tpu.memory_space<hbm>> -> memref<400x64xf32, #tpu.memory_space<hbm>>
          tpu.wait_dma2 semaphore(%run_scoped3A : memref<!tpu.dma_semaphore, #tpu.memory_space<semaphore_mem>>) src(%dma_wait3A_49 : memref<400x64xf32, #tpu.memory_space<hbm>>) dst(%arg6 : memref<400x64xf32, #tpu.memory_space<vmem>>)
          tpu.yield
        }) : () -> ()
        "tpu.region"() ({
          %run_scoped3A = tpu.sem_alloc : memref<!tpu.dma_semaphore, #tpu.memory_space<semaphore_mem>>
          %dma_start3A = arith.constant 0 : i32
          %dma_start3A_44 = arith.constant 0 : i32
          %dma_start3A_45 = tpu.memref_slice %arg9[%dma_start3A, %dma_start3A_44] : memref<1000x64xf32, #tpu.memory_space<vmem_shared>> -> memref<1000x64xf32, #tpu.memory_space<vmem_shared>>
          tpu.enqueue_indirect_dma source(%arg6 : memref<400x64xf32, #tpu.memory_space<vmem>>) target(%dma_start3A_45 : memref<1000x64xf32, #tpu.memory_space<vmem_shared>>) offsets(%arg5 : memref<400xi32, #tpu.memory_space<vmem>>) semaphore(%run_scoped3A : memref<!tpu.dma_semaphore, #tpu.memory_space<semaphore_mem>>) {add = true}
          %dma_wait3A = arith.constant 0 : i32
          %dma_wait3A_46 = arith.constant 0 : i32
          %dma_wait3A_47 = tpu.memref_slice %arg9[%dma_wait3A, %dma_wait3A_46] : memref<1000x64xf32, #tpu.memory_space<vmem_shared>> -> memref<1000x64xf32, #tpu.memory_space<vmem_shared>>
          tpu.wait_indirect_dma semaphore(%run_scoped3A : memref<!tpu.dma_semaphore, #tpu.memory_space<semaphore_mem>>) src(%arg6 : memref<400x64xf32, #tpu.memory_space<vmem>>) dst(%dma_wait3A_47 : memref<1000x64xf32, #tpu.memory_space<vmem_shared>>)
          tpu.yield
        }) : () -> ()
        "tpu.region"() ({
          %run_scoped3A = tpu.sem_alloc : memref<!tpu.dma_semaphore, #tpu.memory_space<semaphore_mem>>
          %dma_start3A = arith.constant 0 : i32
          %dma_start3A_44 = arith.constant 0 : i32
          %dma_start3A_45 = tpu.memref_slice %arg10[%dma_start3A, %dma_start3A_44] : memref<1000x16xf32, #tpu.memory_space<vmem_shared>> -> memref<1000x16xf32, #tpu.memory_space<vmem_shared>>
          tpu.enqueue_indirect_dma source(%arg7 : memref<400x16xf32, #tpu.memory_space<vmem>>) target(%dma_start3A_45 : memref<1000x16xf32, #tpu.memory_space<vmem_shared>>) offsets(%arg5 : memref<400xi32, #tpu.memory_space<vmem>>) semaphore(%run_scoped3A : memref<!tpu.dma_semaphore, #tpu.memory_space<semaphore_mem>>) {add = true}
          %dma_wait3A = arith.constant 0 : i32
          %dma_wait3A_46 = arith.constant 0 : i32
          %dma_wait3A_47 = tpu.memref_slice %arg10[%dma_wait3A, %dma_wait3A_46] : memref<1000x16xf32, #tpu.memory_space<vmem_shared>> -> memref<1000x16xf32, #tpu.memory_space<vmem_shared>>
          tpu.wait_indirect_dma semaphore(%run_scoped3A : memref<!tpu.dma_semaphore, #tpu.memory_space<semaphore_mem>>) src(%arg7 : memref<400x16xf32, #tpu.memory_space<vmem>>) dst(%dma_wait3A_47 : memref<1000x16xf32, #tpu.memory_space<vmem_shared>>)
          tpu.yield
        }) : () -> ()
      } else {
      }
      %scan3A_41 = arith.constant 0 : i32
      scf.yield %scan3A_41 : i32
    }
    %scan3A_20 = arith.constant 4 : i32
    %barrier3A_21 = arith.constant 0 : index
    tpu.barrier barrier_id(%barrier3A_21)
    %eq3A_22 = arith.constant 0 : i32
    %eq3A_23 = arith.cmpi eq, %arg1, %eq3A_22 : i32
    %convert_element_type3A_24 = arith.extui %eq3A_23 : i1 to i32
    %cond3A_25 = arith.constant 0 : i32
    %cond3A_26 = arith.cmpi ne, %convert_element_type3A_24, %cond3A_25 : i32
    scf.if %cond3A_26 {
      "tpu.region"() ({
        %run_scoped3A = tpu.sem_alloc : memref<!tpu.dma_semaphore, #tpu.memory_space<semaphore_mem>>
        %dma_start3A = arith.constant 0 : i32
        %dma_start3A_32 = arith.constant 0 : i32
        %dma_start3A_33 = tpu.memref_slice %arg4[%arg0, %dma_start3A, %dma_start3A_32] : memref<2x1000x128xf32, #tpu.memory_space<hbm>> -> memref<1x1000x64xf32, #tpu.memory_space<hbm>>
        %dma_start3A_34 = tpu.memref_squeeze %dma_start3A_33 : memref<1x1000x64xf32, #tpu.memory_space<hbm>> -> memref<1000x64xf32, #tpu.memory_space<hbm>>
        tpu.enqueue_dma source(%arg9 : memref<1000x64xf32, #tpu.memory_space<vmem_shared>>) target(%dma_start3A_34 : memref<1000x64xf32, #tpu.memory_space<hbm>>) target_semaphore(%run_scoped3A : memref<!tpu.dma_semaphore, #tpu.memory_space<semaphore_mem>>)
        %dma_wait3A = arith.constant 0 : i32
        %dma_wait3A_35 = arith.constant 0 : i32
        %dma_wait3A_36 = tpu.memref_slice %arg4[%arg0, %dma_wait3A, %dma_wait3A_35] : memref<2x1000x128xf32, #tpu.memory_space<hbm>> -> memref<1x1000x64xf32, #tpu.memory_space<hbm>>
        %dma_wait3A_37 = tpu.memref_squeeze %dma_wait3A_36 : memref<1x1000x64xf32, #tpu.memory_space<hbm>> -> memref<1000x64xf32, #tpu.memory_space<hbm>>
        tpu.wait_dma2 semaphore(%run_scoped3A : memref<!tpu.dma_semaphore, #tpu.memory_space<semaphore_mem>>) src(%arg9 : memref<1000x64xf32, #tpu.memory_space<vmem_shared>>) dst(%dma_wait3A_37 : memref<1000x64xf32, #tpu.memory_space<hbm>>)
        tpu.yield
      }) : () -> ()
    } else {
    }
    %eq3A_27 = arith.constant 1 : i32
    %eq3A_28 = arith.cmpi eq, %arg1, %eq3A_27 : i32
    %convert_element_type3A_29 = arith.extui %eq3A_28 : i1 to i32
    %cond3A_30 = arith.constant 0 : i32
    %cond3A_31 = arith.cmpi ne, %convert_element_type3A_29, %cond3A_30 : i32
    scf.if %cond3A_31 {
      "tpu.region"() ({
        %run_scoped3A = tpu.sem_alloc : memref<!tpu.dma_semaphore, #tpu.memory_space<semaphore_mem>>
        %dma_start3A = arith.constant 0 : i32
        %dma_start3A_32 = arith.constant 64 : i32
        %dma_start3A_33 = tpu.memref_slice %arg4[%arg0, %dma_start3A, %dma_start3A_32] : memref<2x1000x128xf32, #tpu.memory_space<hbm>> -> memref<1x1000x16xf32, #tpu.memory_space<hbm>>
        %dma_start3A_34 = tpu.memref_squeeze %dma_start3A_33 : memref<1x1000x16xf32, #tpu.memory_space<hbm>> -> memref<1000x16xf32, #tpu.memory_space<hbm>>
        tpu.enqueue_dma source(%arg10 : memref<1000x16xf32, #tpu.memory_space<vmem_shared>>) target(%dma_start3A_34 : memref<1000x16xf32, #tpu.memory_space<hbm>>) target_semaphore(%run_scoped3A : memref<!tpu.dma_semaphore, #tpu.memory_space<semaphore_mem>>)
        %dma_wait3A = arith.constant 0 : i32
        %dma_wait3A_35 = arith.constant 64 : i32
        %dma_wait3A_36 = tpu.memref_slice %arg4[%arg0, %dma_wait3A, %dma_wait3A_35] : memref<2x1000x128xf32, #tpu.memory_space<hbm>> -> memref<1x1000x16xf32, #tpu.memory_space<hbm>>
        %dma_wait3A_37 = tpu.memref_squeeze %dma_wait3A_36 : memref<1x1000x16xf32, #tpu.memory_space<hbm>> -> memref<1000x16xf32, #tpu.memory_space<hbm>>
        tpu.wait_dma2 semaphore(%run_scoped3A : memref<!tpu.dma_semaphore, #tpu.memory_space<semaphore_mem>>) src(%arg10 : memref<1000x16xf32, #tpu.memory_space<vmem_shared>>) dst(%dma_wait3A_37 : memref<1000x16xf32, #tpu.memory_space<hbm>>)
        tpu.yield
      }) : () -> ()
    } else {
    }
    return
  }
}

module attributes {stable_mosaic.version = 14 : i64} {
  func.func @body(%arg0: i32, %arg1: i32, %arg2: memref<1000x128xf32, #tpu.memory_space<vmem>>, %arg3: memref<1000x128xf32, #tpu.memory_space<vmem>>, %arg4: memref<64x4xf32, #tpu.memory_space<vmem>>, %arg5: memref<64x4xf32, #tpu.memory_space<vmem>>, %arg6: memref<64xf32, #tpu.memory_space<vmem>>, %arg7: memref<64xf32, #tpu.memory_space<vmem>>, %arg8: memref<64xf32, #tpu.memory_space<vmem>>, %arg9: memref<1x1x1000xf32, #tpu.memory_space<vmem>>, %arg10: memref<1000x128xf32, #tpu.memory_space<vmem>>, %arg11: memref<2x64xf32, #tpu.memory_space<vmem>>, %arg12: memref<50000x64xf32, #tpu.memory_space<vmem>>) attributes {dimension_semantics = [#tpu.dimension_semantics<arbitrary>, #tpu.dimension_semantics<arbitrary>], iteration_bounds = array<i64: 2, 50>, scalar_prefetch = 0 : i64, scratch_operands = 2 : i64, tpu.core_type = #tpu.core_type<tc>, window_params = [{transform_indices = @transform_0, window_bounds = array<i64: 1000, 128>}, {transform_indices = @transform_1, window_bounds = array<i64: 1000, 128>}, {pipeline_mode = #tpu.pipeline_mode<synchronous>, transform_indices = @transform_2, window_bounds = array<i64: 64, 4>}, {pipeline_mode = #tpu.pipeline_mode<synchronous>, transform_indices = @transform_3, window_bounds = array<i64: 64, 4>}, {pipeline_mode = #tpu.pipeline_mode<synchronous>, transform_indices = @transform_4, window_bounds = array<i64: 64>}, {pipeline_mode = #tpu.pipeline_mode<synchronous>, transform_indices = @transform_5, window_bounds = array<i64: 64>}, {pipeline_mode = #tpu.pipeline_mode<synchronous>, transform_indices = @transform_6, window_bounds = array<i64: 64>}, {transform_indices = @transform_7, window_bounds = array<i64: 1, 1, 1000>}, {transform_indices = @transform_8, window_bounds = array<i64: 1000, 128>}]} {
    %get3A = arith.constant 0 : index
    %get3A_0 = arith.constant 0 : index
    %get3A_1 = vector.load %arg2[%get3A, %get3A_0] : memref<1000x128xf32, #tpu.memory_space<vmem>>, vector<1000x128xf32>
    %slice3A = vector.extract_strided_slice %get3A_1 {offsets = [0, 0], sizes = [1000, 16], strides = [1, 1]} : vector<1000x128xf32> to vector<1000x16xf32>
    %slice3A_2 = vector.extract_strided_slice %get3A_1 {offsets = [0, 16], sizes = [1000, 16], strides = [1, 1]} : vector<1000x128xf32> to vector<1000x16xf32>
    %add3A = arith.addf %slice3A, %slice3A_2 : vector<1000x16xf32>
    %slice3A_3 = vector.extract_strided_slice %add3A {offsets = [0, 4], sizes = [1000, 1], strides = [1, 1]} : vector<1000x16xf32> to vector<1000x1xf32>
    %squeeze3A = vector.shape_cast %slice3A_3 : vector<1000x1xf32> to vector<1000xf32>
    %max3A = arith.constant 1.000000e+00 : f32
    %max3A_4 = vector.broadcast %max3A : f32 to vector<1000xf32>
    %max3A_5 = arith.maximumf %squeeze3A, %max3A_4 : vector<1000xf32>
    %div3A = arith.constant 1.000000e+00 : f32
    %div3A_6 = vector.broadcast %div3A : f32 to vector<1000xf32>
    %div3A_7 = arith.divf %div3A_6, %max3A_5 : vector<1000xf32>
    %broadcast_in_dim3A = vector.shape_cast %div3A_7 : vector<1000xf32> to vector<1x1x1000xf32>
    %swap3A = arith.constant 0 : index
    %swap3A_8 = arith.constant 0 : index
    %swap3A_9 = arith.constant 0 : index
    %swap3A_10 = vector.load %arg9[%swap3A, %swap3A_8, %swap3A_9] : memref<1x1x1000xf32, #tpu.memory_space<vmem>>, vector<1x1x1000xf32>
    tpu.vector_store %arg9[%swap3A, %swap3A_8, %swap3A_9], %broadcast_in_dim3A {strides = array<i32>} : memref<1x1x1000xf32, #tpu.memory_space<vmem>>, vector<1x1x1000xf32>,
    %eq3A = arith.constant 0 : i32
    %eq3A_11 = arith.cmpi eq, %arg0, %eq3A : i32
    %convert_element_type3A = arith.extui %eq3A_11 : i1 to i32
    %cond3A = arith.constant 0 : i32
    %cond3A_12 = arith.cmpi ne, %convert_element_type3A, %cond3A : i32
    scf.if %cond3A_12 {
      %slice3A_18 = vector.extract_strided_slice %add3A {offsets = [0, 0], sizes = [1000, 4], strides = [1, 1]} : vector<1000x16xf32> to vector<1000x4xf32>
      %broadcast_in_dim3A_19 = vector.shape_cast %div3A_7 : vector<1000xf32> to vector<1000x1xf32>
      %mul3A = vector.broadcast %broadcast_in_dim3A_19 : vector<1000x1xf32> to vector<1000x4xf32>
      %mul3A_20 = arith.mulf %slice3A_18, %mul3A : vector<1000x4xf32>
      %get3A_21 = arith.constant 0 : index
      %get3A_22 = arith.constant 0 : index
      %get3A_23 = vector.load %arg3[%get3A_21, %get3A_22] : memref<1000x128xf32, #tpu.memory_space<vmem>>, vector<1000x128xf32>
      %slice3A_24 = vector.extract_strided_slice %get3A_23 {offsets = [0, 0], sizes = [1000, 4], strides = [1, 1]} : vector<1000x128xf32> to vector<1000x4xf32>
      %get3A_25 = arith.constant 0 : index
      %get3A_26 = arith.constant 0 : index
      %get3A_27 = vector.load %arg4[%get3A_25, %get3A_26] : memref<64x4xf32, #tpu.memory_space<vmem>>, vector<64x4xf32>
      %dot_general3A = arith.constant dense<0.000000e+00> : vector<1000x64xf32>
      %dot_general3A_28 = tpu.matmul %mul3A_20, %get3A_27, %dot_general3A {dimension_numbers = #tpu.dot_dimension_numbers<[1], [1], [0], [0], [0, 0, 1, 0], [], []>, transpose_lhs_hint = false} : vector<1000x4xf32>, vector<64x4xf32>, vector<1000x64xf32> -> vector<1000x64xf32>
      %get3A_29 = arith.constant 0 : index
      %get3A_30 = arith.constant 0 : index
      %get3A_31 = vector.load %arg5[%get3A_29, %get3A_30] : memref<64x4xf32, #tpu.memory_space<vmem>>, vector<64x4xf32>
      %dot_general3A_32 = arith.constant dense<0.000000e+00> : vector<1000x64xf32>
      %dot_general3A_33 = tpu.matmul %slice3A_24, %get3A_31, %dot_general3A_32 {dimension_numbers = #tpu.dot_dimension_numbers<[1], [1], [0], [0], [0, 0, 1, 0], [], []>, transpose_lhs_hint = false} : vector<1000x4xf32>, vector<64x4xf32>, vector<1000x64xf32> -> vector<1000x64xf32>
      %add3A_34 = arith.addf %dot_general3A_28, %dot_general3A_33 : vector<1000x64xf32>
      %get3A_35 = arith.constant 0 : index
      %get3A_36 = vector.load %arg6[%get3A_35] : memref<64xf32, #tpu.memory_space<vmem>>, vector<64xf32>
      %broadcast_in_dim3A_37 = vector.shape_cast %get3A_36 : vector<64xf32> to vector<1x64xf32>
      %add3A_38 = vector.broadcast %broadcast_in_dim3A_37 : vector<1x64xf32> to vector<1000x64xf32>
      %add3A_39 = arith.addf %add3A_34, %add3A_38 : vector<1000x64xf32>
      %mul3A_40 = arith.constant 1000 : i32
      %mul3A_41 = arith.muli %arg1, %mul3A_40 : i32
      %swap3A_42 = arith.index_cast %mul3A_41 : i32 to index
      %swap3A_43 = arith.constant 0 : index
      %swap3A_44 = vector.load %arg12[%swap3A_42, %swap3A_43] : memref<50000x64xf32, #tpu.memory_space<vmem>>, vector<1000x64xf32>
      tpu.vector_store %arg12[%swap3A_42, %swap3A_43], %add3A_39 {strides = array<i32>} : memref<50000x64xf32, #tpu.memory_space<vmem>>, vector<1000x64xf32>,
      %eq3A_45 = arith.constant 0 : i32
      %eq3A_46 = arith.cmpi eq, %arg1, %eq3A_45 : i32
      %reduce_sum3A = arith.constant dense<0.000000e+00> : vector<64xf32>
      %reduce_sum3A_47 = vector.multi_reduction <add>, %add3A_39, %reduce_sum3A [0] : vector<1000x64xf32> to vector<64xf32>
      %broadcast_in_dim3A_48 = vector.shape_cast %reduce_sum3A_47 : vector<64xf32> to vector<1x64xf32>
      %mul3A_49 = arith.mulf %add3A_39, %add3A_39 : vector<1000x64xf32>
      %reduce_sum3A_50 = arith.constant dense<0.000000e+00> : vector<64xf32>
      %reduce_sum3A_51 = vector.multi_reduction <add>, %mul3A_49, %reduce_sum3A_50 [0] : vector<1000x64xf32> to vector<64xf32>
      %broadcast_in_dim3A_52 = vector.shape_cast %reduce_sum3A_51 : vector<64xf32> to vector<1x64xf32>
      %concatenate3A = tpu.concatenate %broadcast_in_dim3A_48, %broadcast_in_dim3A_52 in 0 : vector<1x64xf32>, vector<1x64xf32> -> vector<2x64xf32>
      %convert_element_type3A_53 = arith.extui %eq3A_46 : i1 to i32
      %cond3A_54 = arith.constant 0 : i32
      %cond3A_55 = arith.cmpi ne, %convert_element_type3A_53, %cond3A_54 : i32
      scf.if %cond3A_55 {
        %swap3A_60 = arith.constant 0 : index
        %swap3A_61 = arith.constant 0 : index
        %swap3A_62 = vector.load %arg11[%swap3A_60, %swap3A_61] : memref<2x64xf32, #tpu.memory_space<vmem>>, vector<2x64xf32>
        tpu.vector_store %arg11[%swap3A_60, %swap3A_61], %concatenate3A {strides = array<i32>} : memref<2x64xf32, #tpu.memory_space<vmem>>, vector<2x64xf32>,
      } else {
      }
      %not3A = arith.constant true
      %not3A_56 = arith.xori %eq3A_46, %not3A : i1
      %convert_element_type3A_57 = arith.extui %not3A_56 : i1 to i32
      %cond3A_58 = arith.constant 0 : i32
      %cond3A_59 = arith.cmpi ne, %convert_element_type3A_57, %cond3A_58 : i32
      scf.if %cond3A_59 {
        %get3A_60 = arith.constant 0 : index
        %get3A_61 = arith.constant 0 : index
        %get3A_62 = vector.load %arg11[%get3A_60, %get3A_61] : memref<2x64xf32, #tpu.memory_space<vmem>>, vector<2x64xf32>
        %add3A_63 = arith.addf %get3A_62, %concatenate3A : vector<2x64xf32>
        %swap3A_64 = arith.constant 0 : index
        %swap3A_65 = arith.constant 0 : index
        %swap3A_66 = vector.load %arg11[%swap3A_64, %swap3A_65] : memref<2x64xf32, #tpu.memory_space<vmem>>, vector<2x64xf32>
        tpu.vector_store %arg11[%swap3A_64, %swap3A_65], %add3A_63 {strides = array<i32>} : memref<2x64xf32, #tpu.memory_space<vmem>>, vector<2x64xf32>,
      } else {
      }
    } else {
    }
    %eq3A_13 = arith.constant 1 : i32
    %eq3A_14 = arith.cmpi eq, %arg0, %eq3A_13 : i32
    %convert_element_type3A_15 = arith.extui %eq3A_14 : i1 to i32
    %cond3A_16 = arith.constant 0 : i32
    %cond3A_17 = arith.cmpi ne, %convert_element_type3A_15, %cond3A_16 : i32
    scf.if %cond3A_17 {
      %mul3A = arith.constant 1000 : i32
      %mul3A_18 = arith.muli %arg1, %mul3A : i32
      %get3A_19 = arith.index_cast %mul3A_18 : i32 to index
      %get3A_20 = arith.constant 0 : index
      %get3A_21 = vector.load %arg12[%get3A_19, %get3A_20] : memref<50000x64xf32, #tpu.memory_space<vmem>>, vector<1000x64xf32>
      %get3A_22 = arith.constant 0 : index
      %get3A_23 = arith.constant 0 : index
      %get3A_24 = vector.load %arg11[%get3A_22, %get3A_23] : memref<2x64xf32, #tpu.memory_space<vmem>>, vector<1x64xf32>
      %get3A_25 = vector.shape_cast %get3A_24 : vector<1x64xf32> to vector<64xf32>
      %div3A_26 = arith.constant 5.000000e+04 : f32
      %div3A_27 = vector.broadcast %div3A_26 : f32 to vector<64xf32>
      %div3A_28 = arith.divf %get3A_25, %div3A_27 : vector<64xf32>
      %get3A_29 = arith.constant 1 : index
      %get3A_30 = arith.constant 0 : index
      %get3A_31 = vector.load %arg11[%get3A_29, %get3A_30] : memref<2x64xf32, #tpu.memory_space<vmem>>, vector<1x64xf32>
      %get3A_32 = vector.shape_cast %get3A_31 : vector<1x64xf32> to vector<64xf32>
      %div3A_33 = arith.constant 5.000000e+04 : f32
      %div3A_34 = vector.broadcast %div3A_33 : f32 to vector<64xf32>
      %div3A_35 = arith.divf %get3A_32, %div3A_34 : vector<64xf32>
      %mul3A_36 = arith.mulf %div3A_28, %div3A_28 : vector<64xf32>
      %sub3A = arith.subf %div3A_35, %mul3A_36 : vector<64xf32>
      %broadcast_in_dim3A_37 = vector.shape_cast %div3A_28 : vector<64xf32> to vector<1x64xf32>
      %sub3A_38 = vector.broadcast %broadcast_in_dim3A_37 : vector<1x64xf32> to vector<1000x64xf32>
      %sub3A_39 = arith.subf %get3A_21, %sub3A_38 : vector<1000x64xf32>
      %add3A_40 = arith.constant 9.99999974E-6 : f32
      %add3A_41 = vector.broadcast %add3A_40 : f32 to vector<64xf32>
      %add3A_42 = arith.addf %sub3A, %add3A_41 : vector<64xf32>
      %rsqrt3A = math.rsqrt %add3A_42 : vector<64xf32>
      %broadcast_in_dim3A_43 = vector.shape_cast %rsqrt3A : vector<64xf32> to vector<1x64xf32>
      %mul3A_44 = vector.broadcast %broadcast_in_dim3A_43 : vector<1x64xf32> to vector<1000x64xf32>
      %mul3A_45 = arith.mulf %sub3A_39, %mul3A_44 : vector<1000x64xf32>
      %get3A_46 = arith.constant 0 : index
      %get3A_47 = vector.load %arg7[%get3A_46] : memref<64xf32, #tpu.memory_space<vmem>>, vector<64xf32>
      %broadcast_in_dim3A_48 = vector.shape_cast %get3A_47 : vector<64xf32> to vector<1x64xf32>
      %mul3A_49 = vector.broadcast %broadcast_in_dim3A_48 : vector<1x64xf32> to vector<1000x64xf32>
      %mul3A_50 = arith.mulf %mul3A_45, %mul3A_49 : vector<1000x64xf32>
      %get3A_51 = arith.constant 0 : index
      %get3A_52 = vector.load %arg8[%get3A_51] : memref<64xf32, #tpu.memory_space<vmem>>, vector<64xf32>
      %broadcast_in_dim3A_53 = vector.shape_cast %get3A_52 : vector<64xf32> to vector<1x64xf32>
      %add3A_54 = vector.broadcast %broadcast_in_dim3A_53 : vector<1x64xf32> to vector<1000x64xf32>
      %add3A_55 = arith.addf %mul3A_50, %add3A_54 : vector<1000x64xf32>
      %max3A_56 = arith.constant 0.000000e+00 : f32
      %max3A_57 = vector.broadcast %max3A_56 : f32 to vector<1000x64xf32>
      %max3A_58 = arith.maximumf %add3A_55, %max3A_57 : vector<1000x64xf32>
      %broadcast_in_dim3A_59 = arith.constant 0.000000e+00 : f32
      %broadcast_in_dim3A_60 = vector.broadcast %broadcast_in_dim3A_59 : f32 to vector<1000x64xf32>
      %concatenate3A = tpu.concatenate %max3A_58, %broadcast_in_dim3A_60 in 1 : vector<1000x64xf32>, vector<1000x64xf32> -> vector<1000x128xf32>
      %swap3A_61 = arith.constant 0 : index
      %swap3A_62 = arith.constant 0 : index
      %swap3A_63 = vector.load %arg10[%swap3A_61, %swap3A_62] : memref<1000x128xf32, #tpu.memory_space<vmem>>, vector<1000x128xf32>
      tpu.vector_store %arg10[%swap3A_61, %swap3A_62], %concatenate3A {strides = array<i32>} : memref<1000x128xf32, #tpu.memory_space<vmem>>, vector<1000x128xf32>,
    } else {
    }
    return
  }
  func.func @transform_0(%arg0: i32, %arg1: i32) -> (i32, i32) {
    %c0_i32 = arith.constant 0 : i32
    %c0_i32_0 = arith.constant 0 : i32
    return %arg1, %c0_i32 : i32, i32
  }
  func.func @transform_1(%arg0: i32, %arg1: i32) -> (i32, i32) {
    %sub3A = arith.constant 1 : i32
    %sub3A_0 = arith.subi %sub3A, %arg0 : i32
    %mul3A = arith.muli %arg1, %sub3A_0 : i32
    %c0_i32 = arith.constant 0 : i32
    %c0_i32_1 = arith.constant 0 : i32
    return %mul3A, %c0_i32 : i32, i32
  }
  func.func @transform_2(%arg0: i32, %arg1: i32) -> (i32, i32) {
    %c0_i32 = arith.constant 0 : i32
    %c0_i32_0 = arith.constant 0 : i32
    %c0_i32_1 = arith.constant 0 : i32
    return %c0_i32, %c0_i32_0 : i32, i32
  }
  func.func @transform_3(%arg0: i32, %arg1: i32) -> (i32, i32) {
    %c0_i32 = arith.constant 0 : i32
    %c0_i32_0 = arith.constant 0 : i32
    %c0_i32_1 = arith.constant 0 : i32
    return %c0_i32, %c0_i32_0 : i32, i32
  }
  func.func @transform_4(%arg0: i32, %arg1: i32) -> i32 {
    %c0_i32 = arith.constant 0 : i32
    %c0_i32_0 = arith.constant 0 : i32
    return %c0_i32 : i32
  }
  func.func @transform_5(%arg0: i32, %arg1: i32) -> i32 {
    %c0_i32 = arith.constant 0 : i32
    %c0_i32_0 = arith.constant 0 : i32
    return %c0_i32 : i32
  }
  func.func @transform_6(%arg0: i32, %arg1: i32) -> i32 {
    %c0_i32 = arith.constant 0 : i32
    %c0_i32_0 = arith.constant 0 : i32
    return %c0_i32 : i32
  }
  func.func @transform_7(%arg0: i32, %arg1: i32) -> (i32, i32, i32) {
    %c0_i32 = arith.constant 0 : i32
    %c0_i32_0 = arith.constant 0 : i32
    %c0_i32_1 = arith.constant 0 : i32
    return %arg1, %c0_i32, %c0_i32_0 : i32, i32, i32
  }
  func.func @transform_8(%arg0: i32, %arg1: i32) -> (i32, i32) {
    %mul3A = arith.muli %arg1, %arg0 : i32
    %c0_i32 = arith.constant 0 : i32
    %c0_i32_0 = arith.constant 0 : i32
    return %mul3A, %c0_i32 : i32, i32
  }
}

module attributes {stable_mosaic.version = 14 : i64} {
  func.func @body(%arg0: i32, %arg1: i32, %arg2: memref<1000x4xf32, #tpu.memory_space<vmem>>, %arg3: memref<4xf32, #tpu.memory_space<vmem>>, %arg4: memref<4xf32, #tpu.memory_space<vmem>>, %arg5: memref<1000x128xf32, #tpu.memory_space<vmem>>, %arg6: memref<2x4xf32, #tpu.memory_space<vmem>>, %arg7: memref<50000x4xf32, #tpu.memory_space<vmem>>) attributes {dimension_semantics = [#tpu.dimension_semantics<arbitrary>, #tpu.dimension_semantics<arbitrary>], iteration_bounds = array<i64: 2, 50>, scalar_prefetch = 0 : i64, scratch_operands = 2 : i64, tpu.core_type = #tpu.core_type<tc>, window_params = [{transform_indices = @transform_0, window_bounds = array<i64: 1000, 4>}, {pipeline_mode = #tpu.pipeline_mode<synchronous>, transform_indices = @transform_1, window_bounds = array<i64: 4>}, {pipeline_mode = #tpu.pipeline_mode<synchronous>, transform_indices = @transform_2, window_bounds = array<i64: 4>}, {transform_indices = @transform_3, window_bounds = array<i64: 1000, 128>}]} {
    %eq3A = arith.constant 0 : i32
    %eq3A_0 = arith.cmpi eq, %arg0, %eq3A : i32
    %convert_element_type3A = arith.extui %eq3A_0 : i1 to i32
    %cond3A = arith.constant 0 : i32
    %cond3A_1 = arith.cmpi ne, %convert_element_type3A, %cond3A : i32
    scf.if %cond3A_1 {
      %get3A = arith.constant 0 : index
      %get3A_7 = arith.constant 0 : index
      %get3A_8 = vector.load %arg2[%get3A, %get3A_7] : memref<1000x4xf32, #tpu.memory_space<vmem>>, vector<1000x4xf32>
      %mul3A = arith.constant 1000 : i32
      %mul3A_9 = arith.muli %arg1, %mul3A : i32
      %swap3A = arith.index_cast %mul3A_9 : i32 to index
      %swap3A_10 = arith.constant 0 : index
      %swap3A_11 = vector.load %arg7[%swap3A, %swap3A_10] : memref<50000x4xf32, #tpu.memory_space<vmem>>, vector<1000x4xf32>
      tpu.vector_store %arg7[%swap3A, %swap3A_10], %get3A_8 {strides = array<i32>} : memref<50000x4xf32, #tpu.memory_space<vmem>>, vector<1000x4xf32>,
      %eq3A_12 = arith.constant 0 : i32
      %eq3A_13 = arith.cmpi eq, %arg1, %eq3A_12 : i32
      %reduce_sum3A = arith.constant dense<0.000000e+00> : vector<4xf32>
      %reduce_sum3A_14 = vector.multi_reduction <add>, %get3A_8, %reduce_sum3A [0] : vector<1000x4xf32> to vector<4xf32>
      %broadcast_in_dim3A = vector.shape_cast %reduce_sum3A_14 : vector<4xf32> to vector<1x4xf32>
      %mul3A_15 = arith.mulf %get3A_8, %get3A_8 : vector<1000x4xf32>
      %reduce_sum3A_16 = arith.constant dense<0.000000e+00> : vector<4xf32>
      %reduce_sum3A_17 = vector.multi_reduction <add>, %mul3A_15, %reduce_sum3A_16 [0] : vector<1000x4xf32> to vector<4xf32>
      %broadcast_in_dim3A_18 = vector.shape_cast %reduce_sum3A_17 : vector<4xf32> to vector<1x4xf32>
      %concatenate3A = tpu.concatenate %broadcast_in_dim3A, %broadcast_in_dim3A_18 in 0 : vector<1x4xf32>, vector<1x4xf32> -> vector<2x4xf32>
      %convert_element_type3A_19 = arith.extui %eq3A_13 : i1 to i32
      %cond3A_20 = arith.constant 0 : i32
      %cond3A_21 = arith.cmpi ne, %convert_element_type3A_19, %cond3A_20 : i32
      scf.if %cond3A_21 {
        %swap3A_26 = arith.constant 0 : index
        %swap3A_27 = arith.constant 0 : index
        %swap3A_28 = vector.load %arg6[%swap3A_26, %swap3A_27] : memref<2x4xf32, #tpu.memory_space<vmem>>, vector<2x4xf32>
        tpu.vector_store %arg6[%swap3A_26, %swap3A_27], %concatenate3A {strides = array<i32>} : memref<2x4xf32, #tpu.memory_space<vmem>>, vector<2x4xf32>,
      } else {
      }
      %not3A = arith.constant true
      %not3A_22 = arith.xori %eq3A_13, %not3A : i1
      %convert_element_type3A_23 = arith.extui %not3A_22 : i1 to i32
      %cond3A_24 = arith.constant 0 : i32
      %cond3A_25 = arith.cmpi ne, %convert_element_type3A_23, %cond3A_24 : i32
      scf.if %cond3A_25 {
        %get3A_26 = arith.constant 0 : index
        %get3A_27 = arith.constant 0 : index
        %get3A_28 = vector.load %arg6[%get3A_26, %get3A_27] : memref<2x4xf32, #tpu.memory_space<vmem>>, vector<2x4xf32>
        %add3A = arith.addf %get3A_28, %concatenate3A : vector<2x4xf32>
        %swap3A_29 = arith.constant 0 : index
        %swap3A_30 = arith.constant 0 : index
        %swap3A_31 = vector.load %arg6[%swap3A_29, %swap3A_30] : memref<2x4xf32, #tpu.memory_space<vmem>>, vector<2x4xf32>
        tpu.vector_store %arg6[%swap3A_29, %swap3A_30], %add3A {strides = array<i32>} : memref<2x4xf32, #tpu.memory_space<vmem>>, vector<2x4xf32>,
      } else {
      }
    } else {
    }
    %eq3A_2 = arith.constant 1 : i32
    %eq3A_3 = arith.cmpi eq, %arg0, %eq3A_2 : i32
    %convert_element_type3A_4 = arith.extui %eq3A_3 : i1 to i32
    %cond3A_5 = arith.constant 0 : i32
    %cond3A_6 = arith.cmpi ne, %convert_element_type3A_4, %cond3A_5 : i32
    scf.if %cond3A_6 {
      %mul3A = arith.constant 1000 : i32
      %mul3A_7 = arith.muli %arg1, %mul3A : i32
      %get3A = arith.index_cast %mul3A_7 : i32 to index
      %get3A_8 = arith.constant 0 : index
      %get3A_9 = vector.load %arg7[%get3A, %get3A_8] : memref<50000x4xf32, #tpu.memory_space<vmem>>, vector<1000x4xf32>
      %get3A_10 = arith.constant 0 : index
      %get3A_11 = arith.constant 0 : index
      %get3A_12 = vector.load %arg6[%get3A_10, %get3A_11] : memref<2x4xf32, #tpu.memory_space<vmem>>, vector<1x4xf32>
      %get3A_13 = vector.shape_cast %get3A_12 : vector<1x4xf32> to vector<4xf32>
      %div3A = arith.constant 5.000000e+04 : f32
      %div3A_14 = vector.broadcast %div3A : f32 to vector<4xf32>
      %div3A_15 = arith.divf %get3A_13, %div3A_14 : vector<4xf32>
      %get3A_16 = arith.constant 1 : index
      %get3A_17 = arith.constant 0 : index
      %get3A_18 = vector.load %arg6[%get3A_16, %get3A_17] : memref<2x4xf32, #tpu.memory_space<vmem>>, vector<1x4xf32>
      %get3A_19 = vector.shape_cast %get3A_18 : vector<1x4xf32> to vector<4xf32>
      %div3A_20 = arith.constant 5.000000e+04 : f32
      %div3A_21 = vector.broadcast %div3A_20 : f32 to vector<4xf32>
      %div3A_22 = arith.divf %get3A_19, %div3A_21 : vector<4xf32>
      %mul3A_23 = arith.mulf %div3A_15, %div3A_15 : vector<4xf32>
      %sub3A = arith.subf %div3A_22, %mul3A_23 : vector<4xf32>
      %broadcast_in_dim3A = vector.shape_cast %div3A_15 : vector<4xf32> to vector<1x4xf32>
      %sub3A_24 = vector.broadcast %broadcast_in_dim3A : vector<1x4xf32> to vector<1000x4xf32>
      %sub3A_25 = arith.subf %get3A_9, %sub3A_24 : vector<1000x4xf32>
      %add3A = arith.constant 9.99999974E-6 : f32
      %add3A_26 = vector.broadcast %add3A : f32 to vector<4xf32>
      %add3A_27 = arith.addf %sub3A, %add3A_26 : vector<4xf32>
      %rsqrt3A = math.rsqrt %add3A_27 : vector<4xf32>
      %broadcast_in_dim3A_28 = vector.shape_cast %rsqrt3A : vector<4xf32> to vector<1x4xf32>
      %mul3A_29 = vector.broadcast %broadcast_in_dim3A_28 : vector<1x4xf32> to vector<1000x4xf32>
      %mul3A_30 = arith.mulf %sub3A_25, %mul3A_29 : vector<1000x4xf32>
      %get3A_31 = arith.constant 0 : index
      %get3A_32 = vector.load %arg3[%get3A_31] : memref<4xf32, #tpu.memory_space<vmem>>, vector<4xf32>
      %broadcast_in_dim3A_33 = vector.shape_cast %get3A_32 : vector<4xf32> to vector<1x4xf32>
      %mul3A_34 = vector.broadcast %broadcast_in_dim3A_33 : vector<1x4xf32> to vector<1000x4xf32>
      %mul3A_35 = arith.mulf %mul3A_30, %mul3A_34 : vector<1000x4xf32>
      %get3A_36 = arith.constant 0 : index
      %get3A_37 = vector.load %arg4[%get3A_36] : memref<4xf32, #tpu.memory_space<vmem>>, vector<4xf32>
      %broadcast_in_dim3A_38 = vector.shape_cast %get3A_37 : vector<4xf32> to vector<1x4xf32>
      %add3A_39 = vector.broadcast %broadcast_in_dim3A_38 : vector<1x4xf32> to vector<1000x4xf32>
      %add3A_40 = arith.addf %mul3A_35, %add3A_39 : vector<1000x4xf32>
      %broadcast_in_dim3A_41 = arith.constant 1.000000e+00 : f32
      %broadcast_in_dim3A_42 = vector.broadcast %broadcast_in_dim3A_41 : f32 to vector<1000x1xf32>
      %broadcast_in_dim3A_43 = arith.constant 0.000000e+00 : f32
      %broadcast_in_dim3A_44 = vector.broadcast %broadcast_in_dim3A_43 : f32 to vector<1000x123xf32>
      %concatenate3A = tpu.concatenate %add3A_40, %broadcast_in_dim3A_42, %broadcast_in_dim3A_44 in 1 : vector<1000x4xf32>, vector<1000x1xf32>, vector<1000x123xf32> -> vector<1000x128xf32>
      %swap3A = arith.constant 0 : index
      %swap3A_45 = arith.constant 0 : index
      %swap3A_46 = vector.load %arg5[%swap3A, %swap3A_45] : memref<1000x128xf32, #tpu.memory_space<vmem>>, vector<1000x128xf32>
      tpu.vector_store %arg5[%swap3A, %swap3A_45], %concatenate3A {strides = array<i32>} : memref<1000x128xf32, #tpu.memory_space<vmem>>, vector<1000x128xf32>,
    } else {
    }
    return
  }
  func.func @transform_0(%arg0: i32, %arg1: i32) -> (i32, i32) {
    %sub3A = arith.constant 1 : i32
    %sub3A_0 = arith.subi %sub3A, %arg0 : i32
    %mul3A = arith.muli %arg1, %sub3A_0 : i32
    %c0_i32 = arith.constant 0 : i32
    %c0_i32_1 = arith.constant 0 : i32
    return %mul3A, %c0_i32 : i32, i32
  }
  func.func @transform_1(%arg0: i32, %arg1: i32) -> i32 {
    %c0_i32 = arith.constant 0 : i32
    %c0_i32_0 = arith.constant 0 : i32
    return %c0_i32 : i32
  }
  func.func @transform_2(%arg0: i32, %arg1: i32) -> i32 {
    %c0_i32 = arith.constant 0 : i32
    %c0_i32_0 = arith.constant 0 : i32
    return %c0_i32 : i32
  }
  func.func @transform_3(%arg0: i32, %arg1: i32) -> (i32, i32) {
    %mul3A = arith.muli %arg1, %arg0 : i32
    %c0_i32 = arith.constant 0 : i32
    %c0_i32_0 = arith.constant 0 : i32
    return %mul3A, %c0_i32 : i32, i32
  }
}

module attributes {stable_mosaic.version = 14 : i64} {
  func.func @body(%arg0: i32, %arg1: i32, %arg2: memref<1000x128xf32, #tpu.memory_space<vmem>>, %arg3: memref<1x1x1000xf32, #tpu.memory_space<vmem>>, %arg4: memref<1000x128xf32, #tpu.memory_space<vmem>>, %arg5: memref<64x64xf32, #tpu.memory_space<vmem>>, %arg6: memref<64x64xf32, #tpu.memory_space<vmem>>, %arg7: memref<64xf32, #tpu.memory_space<vmem>>, %arg8: memref<64xf32, #tpu.memory_space<vmem>>, %arg9: memref<64xf32, #tpu.memory_space<vmem>>, %arg10: memref<1000x128xf32, #tpu.memory_space<vmem>>, %arg11: memref<2x64xf32, #tpu.memory_space<vmem>>, %arg12: memref<50000x64xf32, #tpu.memory_space<vmem>>) attributes {dimension_semantics = [#tpu.dimension_semantics<arbitrary>, #tpu.dimension_semantics<arbitrary>], iteration_bounds = array<i64: 2, 50>, scalar_prefetch = 0 : i64, scratch_operands = 2 : i64, tpu.core_type = #tpu.core_type<tc>, window_params = [{transform_indices = @transform_0, window_bounds = array<i64: 1000, 128>}, {transform_indices = @transform_1, window_bounds = array<i64: 1, 1, 1000>}, {transform_indices = @transform_2, window_bounds = array<i64: 1000, 128>}, {pipeline_mode = #tpu.pipeline_mode<synchronous>, transform_indices = @transform_3, window_bounds = array<i64: 64, 64>}, {pipeline_mode = #tpu.pipeline_mode<synchronous>, transform_indices = @transform_4, window_bounds = array<i64: 64, 64>}, {pipeline_mode = #tpu.pipeline_mode<synchronous>, transform_indices = @transform_5, window_bounds = array<i64: 64>}, {pipeline_mode = #tpu.pipeline_mode<synchronous>, transform_indices = @transform_6, window_bounds = array<i64: 64>}, {pipeline_mode = #tpu.pipeline_mode<synchronous>, transform_indices = @transform_7, window_bounds = array<i64: 64>}, {transform_indices = @transform_8, window_bounds = array<i64: 1000, 128>}]} {
    %eq3A = arith.constant 0 : i32
    %eq3A_0 = arith.cmpi eq, %arg0, %eq3A : i32
    %convert_element_type3A = arith.extui %eq3A_0 : i1 to i32
    %cond3A = arith.constant 0 : i32
    %cond3A_1 = arith.cmpi ne, %convert_element_type3A, %cond3A : i32
    scf.if %cond3A_1 {
      %get3A = arith.constant 0 : index
      %get3A_7 = arith.constant 0 : index
      %get3A_8 = vector.load %arg2[%get3A, %get3A_7] : memref<1000x128xf32, #tpu.memory_space<vmem>>, vector<1000x128xf32>
      %slice3A = vector.extract_strided_slice %get3A_8 {offsets = [0, 0], sizes = [1000, 64], strides = [1, 1]} : vector<1000x128xf32> to vector<1000x64xf32>
      %get3A_9 = arith.constant 0 : index
      %get3A_10 = arith.constant 0 : index
      %get3A_11 = arith.constant 0 : index
      %get3A_12 = vector.load %arg3[%get3A_9, %get3A_10, %get3A_11] : memref<1x1x1000xf32, #tpu.memory_space<vmem>>, vector<1x1x1000xf32>
      %get3A_13 = vector.shape_cast %get3A_12 : vector<1x1x1000xf32> to vector<1000xf32>
      %broadcast_in_dim3A = vector.shape_cast %get3A_13 : vector<1000xf32> to vector<1000x1xf32>
      %mul3A = vector.broadcast %broadcast_in_dim3A : vector<1000x1xf32> to vector<1000x64xf32>
      %mul3A_14 = arith.mulf %slice3A, %mul3A : vector<1000x64xf32>
      %get3A_15 = arith.constant 0 : index
      %get3A_16 = arith.constant 0 : index
      %get3A_17 = vector.load %arg5[%get3A_15, %get3A_16] : memref<64x64xf32, #tpu.memory_space<vmem>>, vector<64x64xf32>
      %dot_general3A = arith.constant dense<0.000000e+00> : vector<1000x64xf32>
      %dot_general3A_18 = tpu.matmul %mul3A_14, %get3A_17, %dot_general3A {dimension_numbers = #tpu.dot_dimension_numbers<[1], [1], [0], [0], [0, 0, 1, 0], [], []>, transpose_lhs_hint = false} : vector<1000x64xf32>, vector<64x64xf32>, vector<1000x64xf32> -> vector<1000x64xf32>
      %get3A_19 = arith.constant 0 : index
      %get3A_20 = arith.constant 0 : index
      %get3A_21 = vector.load %arg4[%get3A_19, %get3A_20] : memref<1000x128xf32, #tpu.memory_space<vmem>>, vector<1000x128xf32>
      %slice3A_22 = vector.extract_strided_slice %get3A_21 {offsets = [0, 0], sizes = [1000, 64], strides = [1, 1]} : vector<1000x128xf32> to vector<1000x64xf32>
      %get3A_23 = arith.constant 0 : index
      %get3A_24 = arith.constant 0 : index
      %get3A_25 = vector.load %arg6[%get3A_23, %get3A_24] : memref<64x64xf32, #tpu.memory_space<vmem>>, vector<64x64xf32>
      %dot_general3A_26 = arith.constant dense<0.000000e+00> : vector<1000x64xf32>
      %dot_general3A_27 = tpu.matmul %slice3A_22, %get3A_25, %dot_general3A_26 {dimension_numbers = #tpu.dot_dimension_numbers<[1], [1], [0], [0], [0, 0, 1, 0], [], []>, transpose_lhs_hint = false} : vector<1000x64xf32>, vector<64x64xf32>, vector<1000x64xf32> -> vector<1000x64xf32>
      %add3A = arith.addf %dot_general3A_18, %dot_general3A_27 : vector<1000x64xf32>
      %get3A_28 = arith.constant 0 : index
      %get3A_29 = vector.load %arg7[%get3A_28] : memref<64xf32, #tpu.memory_space<vmem>>, vector<64xf32>
      %broadcast_in_dim3A_30 = vector.shape_cast %get3A_29 : vector<64xf32> to vector<1x64xf32>
      %add3A_31 = vector.broadcast %broadcast_in_dim3A_30 : vector<1x64xf32> to vector<1000x64xf32>
      %add3A_32 = arith.addf %add3A, %add3A_31 : vector<1000x64xf32>
      %mul3A_33 = arith.constant 1000 : i32
      %mul3A_34 = arith.muli %arg1, %mul3A_33 : i32
      %swap3A = arith.index_cast %mul3A_34 : i32 to index
      %swap3A_35 = arith.constant 0 : index
      %swap3A_36 = vector.load %arg12[%swap3A, %swap3A_35] : memref<50000x64xf32, #tpu.memory_space<vmem>>, vector<1000x64xf32>
      tpu.vector_store %arg12[%swap3A, %swap3A_35], %add3A_32 {strides = array<i32>} : memref<50000x64xf32, #tpu.memory_space<vmem>>, vector<1000x64xf32>,
      %eq3A_37 = arith.constant 0 : i32
      %eq3A_38 = arith.cmpi eq, %arg1, %eq3A_37 : i32
      %reduce_sum3A = arith.constant dense<0.000000e+00> : vector<64xf32>
      %reduce_sum3A_39 = vector.multi_reduction <add>, %add3A_32, %reduce_sum3A [0] : vector<1000x64xf32> to vector<64xf32>
      %broadcast_in_dim3A_40 = vector.shape_cast %reduce_sum3A_39 : vector<64xf32> to vector<1x64xf32>
      %mul3A_41 = arith.mulf %add3A_32, %add3A_32 : vector<1000x64xf32>
      %reduce_sum3A_42 = arith.constant dense<0.000000e+00> : vector<64xf32>
      %reduce_sum3A_43 = vector.multi_reduction <add>, %mul3A_41, %reduce_sum3A_42 [0] : vector<1000x64xf32> to vector<64xf32>
      %broadcast_in_dim3A_44 = vector.shape_cast %reduce_sum3A_43 : vector<64xf32> to vector<1x64xf32>
      %concatenate3A = tpu.concatenate %broadcast_in_dim3A_40, %broadcast_in_dim3A_44 in 0 : vector<1x64xf32>, vector<1x64xf32> -> vector<2x64xf32>
      %convert_element_type3A_45 = arith.extui %eq3A_38 : i1 to i32
      %cond3A_46 = arith.constant 0 : i32
      %cond3A_47 = arith.cmpi ne, %convert_element_type3A_45, %cond3A_46 : i32
      scf.if %cond3A_47 {
        %swap3A_52 = arith.constant 0 : index
        %swap3A_53 = arith.constant 0 : index
        %swap3A_54 = vector.load %arg11[%swap3A_52, %swap3A_53] : memref<2x64xf32, #tpu.memory_space<vmem>>, vector<2x64xf32>
        tpu.vector_store %arg11[%swap3A_52, %swap3A_53], %concatenate3A {strides = array<i32>} : memref<2x64xf32, #tpu.memory_space<vmem>>, vector<2x64xf32>,
      } else {
      }
      %not3A = arith.constant true
      %not3A_48 = arith.xori %eq3A_38, %not3A : i1
      %convert_element_type3A_49 = arith.extui %not3A_48 : i1 to i32
      %cond3A_50 = arith.constant 0 : i32
      %cond3A_51 = arith.cmpi ne, %convert_element_type3A_49, %cond3A_50 : i32
      scf.if %cond3A_51 {
        %get3A_52 = arith.constant 0 : index
        %get3A_53 = arith.constant 0 : index
        %get3A_54 = vector.load %arg11[%get3A_52, %get3A_53] : memref<2x64xf32, #tpu.memory_space<vmem>>, vector<2x64xf32>
        %add3A_55 = arith.addf %get3A_54, %concatenate3A : vector<2x64xf32>
        %swap3A_56 = arith.constant 0 : index
        %swap3A_57 = arith.constant 0 : index
        %swap3A_58 = vector.load %arg11[%swap3A_56, %swap3A_57] : memref<2x64xf32, #tpu.memory_space<vmem>>, vector<2x64xf32>
        tpu.vector_store %arg11[%swap3A_56, %swap3A_57], %add3A_55 {strides = array<i32>} : memref<2x64xf32, #tpu.memory_space<vmem>>, vector<2x64xf32>,
      } else {
      }
    } else {
    }
    %eq3A_2 = arith.constant 1 : i32
    %eq3A_3 = arith.cmpi eq, %arg0, %eq3A_2 : i32
    %convert_element_type3A_4 = arith.extui %eq3A_3 : i1 to i32
    %cond3A_5 = arith.constant 0 : i32
    %cond3A_6 = arith.cmpi ne, %convert_element_type3A_4, %cond3A_5 : i32
    scf.if %cond3A_6 {
      %mul3A = arith.constant 1000 : i32
      %mul3A_7 = arith.muli %arg1, %mul3A : i32
      %get3A = arith.index_cast %mul3A_7 : i32 to index
      %get3A_8 = arith.constant 0 : index
      %get3A_9 = vector.load %arg12[%get3A, %get3A_8] : memref<50000x64xf32, #tpu.memory_space<vmem>>, vector<1000x64xf32>
      %get3A_10 = arith.constant 0 : index
      %get3A_11 = arith.constant 0 : index
      %get3A_12 = vector.load %arg11[%get3A_10, %get3A_11] : memref<2x64xf32, #tpu.memory_space<vmem>>, vector<1x64xf32>
      %get3A_13 = vector.shape_cast %get3A_12 : vector<1x64xf32> to vector<64xf32>
      %div3A = arith.constant 5.000000e+04 : f32
      %div3A_14 = vector.broadcast %div3A : f32 to vector<64xf32>
      %div3A_15 = arith.divf %get3A_13, %div3A_14 : vector<64xf32>
      %get3A_16 = arith.constant 1 : index
      %get3A_17 = arith.constant 0 : index
      %get3A_18 = vector.load %arg11[%get3A_16, %get3A_17] : memref<2x64xf32, #tpu.memory_space<vmem>>, vector<1x64xf32>
      %get3A_19 = vector.shape_cast %get3A_18 : vector<1x64xf32> to vector<64xf32>
      %div3A_20 = arith.constant 5.000000e+04 : f32
      %div3A_21 = vector.broadcast %div3A_20 : f32 to vector<64xf32>
      %div3A_22 = arith.divf %get3A_19, %div3A_21 : vector<64xf32>
      %mul3A_23 = arith.mulf %div3A_15, %div3A_15 : vector<64xf32>
      %sub3A = arith.subf %div3A_22, %mul3A_23 : vector<64xf32>
      %broadcast_in_dim3A = vector.shape_cast %div3A_15 : vector<64xf32> to vector<1x64xf32>
      %sub3A_24 = vector.broadcast %broadcast_in_dim3A : vector<1x64xf32> to vector<1000x64xf32>
      %sub3A_25 = arith.subf %get3A_9, %sub3A_24 : vector<1000x64xf32>
      %add3A = arith.constant 9.99999974E-6 : f32
      %add3A_26 = vector.broadcast %add3A : f32 to vector<64xf32>
      %add3A_27 = arith.addf %sub3A, %add3A_26 : vector<64xf32>
      %rsqrt3A = math.rsqrt %add3A_27 : vector<64xf32>
      %broadcast_in_dim3A_28 = vector.shape_cast %rsqrt3A : vector<64xf32> to vector<1x64xf32>
      %mul3A_29 = vector.broadcast %broadcast_in_dim3A_28 : vector<1x64xf32> to vector<1000x64xf32>
      %mul3A_30 = arith.mulf %sub3A_25, %mul3A_29 : vector<1000x64xf32>
      %get3A_31 = arith.constant 0 : index
      %get3A_32 = vector.load %arg8[%get3A_31] : memref<64xf32, #tpu.memory_space<vmem>>, vector<64xf32>
      %broadcast_in_dim3A_33 = vector.shape_cast %get3A_32 : vector<64xf32> to vector<1x64xf32>
      %mul3A_34 = vector.broadcast %broadcast_in_dim3A_33 : vector<1x64xf32> to vector<1000x64xf32>
      %mul3A_35 = arith.mulf %mul3A_30, %mul3A_34 : vector<1000x64xf32>
      %get3A_36 = arith.constant 0 : index
      %get3A_37 = vector.load %arg9[%get3A_36] : memref<64xf32, #tpu.memory_space<vmem>>, vector<64xf32>
      %broadcast_in_dim3A_38 = vector.shape_cast %get3A_37 : vector<64xf32> to vector<1x64xf32>
      %add3A_39 = vector.broadcast %broadcast_in_dim3A_38 : vector<1x64xf32> to vector<1000x64xf32>
      %add3A_40 = arith.addf %mul3A_35, %add3A_39 : vector<1000x64xf32>
      %max3A = arith.constant 0.000000e+00 : f32
      %max3A_41 = vector.broadcast %max3A : f32 to vector<1000x64xf32>
      %max3A_42 = arith.maximumf %add3A_40, %max3A_41 : vector<1000x64xf32>
      %broadcast_in_dim3A_43 = arith.constant 0.000000e+00 : f32
      %broadcast_in_dim3A_44 = vector.broadcast %broadcast_in_dim3A_43 : f32 to vector<1000x64xf32>
      %concatenate3A = tpu.concatenate %max3A_42, %broadcast_in_dim3A_44 in 1 : vector<1000x64xf32>, vector<1000x64xf32> -> vector<1000x128xf32>
      %swap3A = arith.constant 0 : index
      %swap3A_45 = arith.constant 0 : index
      %swap3A_46 = vector.load %arg10[%swap3A, %swap3A_45] : memref<1000x128xf32, #tpu.memory_space<vmem>>, vector<1000x128xf32>
      tpu.vector_store %arg10[%swap3A, %swap3A_45], %concatenate3A {strides = array<i32>} : memref<1000x128xf32, #tpu.memory_space<vmem>>, vector<1000x128xf32>,
    } else {
    }
    return
  }
  func.func @transform_0(%arg0: i32, %arg1: i32) -> (i32, i32) {
    %sub3A = arith.constant 1 : i32
    %sub3A_0 = arith.subi %sub3A, %arg0 : i32
    %mul3A = arith.muli %arg1, %sub3A_0 : i32
    %c0_i32 = arith.constant 0 : i32
    %c0_i32_1 = arith.constant 0 : i32
    return %mul3A, %c0_i32 : i32, i32
  }
  func.func @transform_1(%arg0: i32, %arg1: i32) -> (i32, i32, i32) {
    %sub3A = arith.constant 1 : i32
    %sub3A_0 = arith.subi %sub3A, %arg0 : i32
    %mul3A = arith.muli %arg1, %sub3A_0 : i32
    %c0_i32 = arith.constant 0 : i32
    %c0_i32_1 = arith.constant 0 : i32
    %c0_i32_2 = arith.constant 0 : i32
    return %mul3A, %c0_i32, %c0_i32_1 : i32, i32, i32
  }
  func.func @transform_2(%arg0: i32, %arg1: i32) -> (i32, i32) {
    %sub3A = arith.constant 1 : i32
    %sub3A_0 = arith.subi %sub3A, %arg0 : i32
    %mul3A = arith.muli %arg1, %sub3A_0 : i32
    %c0_i32 = arith.constant 0 : i32
    %c0_i32_1 = arith.constant 0 : i32
    return %mul3A, %c0_i32 : i32, i32
  }
  func.func @transform_3(%arg0: i32, %arg1: i32) -> (i32, i32) {
    %c0_i32 = arith.constant 0 : i32
    %c0_i32_0 = arith.constant 0 : i32
    %c0_i32_1 = arith.constant 0 : i32
    return %c0_i32, %c0_i32_0 : i32, i32
  }
  func.func @transform_4(%arg0: i32, %arg1: i32) -> (i32, i32) {
    %c0_i32 = arith.constant 0 : i32
    %c0_i32_0 = arith.constant 0 : i32
    %c0_i32_1 = arith.constant 0 : i32
    return %c0_i32, %c0_i32_0 : i32, i32
  }
  func.func @transform_5(%arg0: i32, %arg1: i32) -> i32 {
    %c0_i32 = arith.constant 0 : i32
    %c0_i32_0 = arith.constant 0 : i32
    return %c0_i32 : i32
  }
  func.func @transform_6(%arg0: i32, %arg1: i32) -> i32 {
    %c0_i32 = arith.constant 0 : i32
    %c0_i32_0 = arith.constant 0 : i32
    return %c0_i32 : i32
  }
  func.func @transform_7(%arg0: i32, %arg1: i32) -> i32 {
    %c0_i32 = arith.constant 0 : i32
    %c0_i32_0 = arith.constant 0 : i32
    return %c0_i32 : i32
  }
  func.func @transform_8(%arg0: i32, %arg1: i32) -> (i32, i32) {
    %mul3A = arith.muli %arg1, %arg0 : i32
    %c0_i32 = arith.constant 0 : i32
    %c0_i32_0 = arith.constant 0 : i32
    return %mul3A, %c0_i32 : i32, i32
  }
}

module attributes {stable_mosaic.version = 14 : i64} {
  func.func @body(%arg0: memref<2x1000x128xf32, #tpu.memory_space<vmem>>, %arg1: memref<64x64xf32, #tpu.memory_space<vmem>>, %arg2: memref<64xf32, #tpu.memory_space<vmem>>, %arg3: memref<32x64xf32, #tpu.memory_space<vmem>>, %arg4: memref<32xf32, #tpu.memory_space<vmem>>, %arg5: memref<1000x32xf32, #tpu.memory_space<vmem>>) attributes {dimension_semantics = [], scalar_prefetch = 0 : i64, scratch_operands = 0 : i64, tpu.core_type = #tpu.core_type<tc>} {
    %get3A = arith.constant 0 : index
    %get3A_0 = arith.constant 0 : index
    %get3A_1 = arith.constant 0 : index
    %get3A_2 = vector.load %arg0[%get3A, %get3A_0, %get3A_1] : memref<2x1000x128xf32, #tpu.memory_space<vmem>>, vector<1x1000x128xf32>
    %get3A_3 = vector.shape_cast %get3A_2 : vector<1x1000x128xf32> to vector<1000x128xf32>
    %get3A_4 = arith.constant 1 : index
    %get3A_5 = arith.constant 0 : index
    %get3A_6 = arith.constant 0 : index
    %get3A_7 = vector.load %arg0[%get3A_4, %get3A_5, %get3A_6] : memref<2x1000x128xf32, #tpu.memory_space<vmem>>, vector<1x1000x128xf32>
    %get3A_8 = vector.shape_cast %get3A_7 : vector<1x1000x128xf32> to vector<1000x128xf32>
    %add3A = arith.addf %get3A_3, %get3A_8 : vector<1000x128xf32>
    %slice3A = vector.extract_strided_slice %add3A {offsets = [0, 0], sizes = [1000, 64], strides = [1, 1]} : vector<1000x128xf32> to vector<1000x64xf32>
    %slice3A_9 = vector.extract_strided_slice %add3A {offsets = [0, 64], sizes = [1000, 1], strides = [1, 1]} : vector<1000x128xf32> to vector<1000x1xf32>
    %squeeze3A = vector.shape_cast %slice3A_9 : vector<1000x1xf32> to vector<1000xf32>
    %max3A = arith.constant 1.000000e+00 : f32
    %max3A_10 = vector.broadcast %max3A : f32 to vector<1000xf32>
    %max3A_11 = arith.maximumf %squeeze3A, %max3A_10 : vector<1000xf32>
    %broadcast_in_dim3A = vector.shape_cast %max3A_11 : vector<1000xf32> to vector<1000x1xf32>
    %div3A = vector.broadcast %broadcast_in_dim3A : vector<1000x1xf32> to vector<1000x64xf32>
    %div3A_12 = arith.divf %slice3A, %div3A : vector<1000x64xf32>
    %get3A_13 = arith.constant 0 : index
    %get3A_14 = arith.constant 0 : index
    %get3A_15 = vector.load %arg1[%get3A_13, %get3A_14] : memref<64x64xf32, #tpu.memory_space<vmem>>, vector<64x64xf32>
    %dot_general3A = arith.constant dense<0.000000e+00> : vector<1000x64xf32>
    %dot_general3A_16 = tpu.matmul %div3A_12, %get3A_15, %dot_general3A {dimension_numbers = #tpu.dot_dimension_numbers<[1], [1], [0], [0], [0, 0, 1, 0], [], []>, transpose_lhs_hint = false} : vector<1000x64xf32>, vector<64x64xf32>, vector<1000x64xf32> -> vector<1000x64xf32>
    %get3A_17 = arith.constant 0 : index
    %get3A_18 = vector.load %arg2[%get3A_17] : memref<64xf32, #tpu.memory_space<vmem>>, vector<64xf32>
    %broadcast_in_dim3A_19 = vector.shape_cast %get3A_18 : vector<64xf32> to vector<1x64xf32>
    %add3A_20 = vector.broadcast %broadcast_in_dim3A_19 : vector<1x64xf32> to vector<1000x64xf32>
    %add3A_21 = arith.addf %dot_general3A_16, %add3A_20 : vector<1000x64xf32>
    %max3A_22 = arith.constant 0.000000e+00 : f32
    %max3A_23 = vector.broadcast %max3A_22 : f32 to vector<1000x64xf32>
    %max3A_24 = arith.maximumf %add3A_21, %max3A_23 : vector<1000x64xf32>
    %get3A_25 = arith.constant 0 : index
    %get3A_26 = arith.constant 0 : index
    %get3A_27 = vector.load %arg3[%get3A_25, %get3A_26] : memref<32x64xf32, #tpu.memory_space<vmem>>, vector<32x64xf32>
    %dot_general3A_28 = arith.constant dense<0.000000e+00> : vector<1000x32xf32>
    %dot_general3A_29 = tpu.matmul %max3A_24, %get3A_27, %dot_general3A_28 {dimension_numbers = #tpu.dot_dimension_numbers<[1], [1], [0], [0], [0, 0, 1, 0], [], []>, transpose_lhs_hint = false} : vector<1000x64xf32>, vector<32x64xf32>, vector<1000x32xf32> -> vector<1000x32xf32>
    %get3A_30 = arith.constant 0 : index
    %get3A_31 = vector.load %arg4[%get3A_30] : memref<32xf32, #tpu.memory_space<vmem>>, vector<32xf32>
    %broadcast_in_dim3A_32 = vector.shape_cast %get3A_31 : vector<32xf32> to vector<1x32xf32>
    %add3A_33 = vector.broadcast %broadcast_in_dim3A_32 : vector<1x32xf32> to vector<1000x32xf32>
    %add3A_34 = arith.addf %dot_general3A_29, %add3A_33 : vector<1000x32xf32>
    %mul3A = arith.mulf %add3A_34, %add3A_34 : vector<1000x32xf32>
    %reduce_sum3A = arith.constant dense<0.000000e+00> : vector<1000xf32>
    %reduce_sum3A_35 = vector.multi_reduction <add>, %mul3A, %reduce_sum3A [1] : vector<1000x32xf32> to vector<1000xf32>
    %broadcast_in_dim3A_36 = vector.shape_cast %reduce_sum3A_35 : vector<1000xf32> to vector<1000x1xf32>
    %sqrt3A = math.sqrt %broadcast_in_dim3A_36 : vector<1000x1xf32>
    %max3A_37 = arith.constant 9.99999996E-13 : f32
    %max3A_38 = vector.broadcast %max3A_37 : f32 to vector<1000x1xf32>
    %max3A_39 = arith.maximumf %sqrt3A, %max3A_38 : vector<1000x1xf32>
    %div3A_40 = vector.broadcast %max3A_39 : vector<1000x1xf32> to vector<1000x32xf32>
    %div3A_41 = arith.divf %add3A_34, %div3A_40 : vector<1000x32xf32>
    %swap3A = arith.constant 0 : index
    %swap3A_42 = arith.constant 0 : index
    %swap3A_43 = vector.load %arg5[%swap3A, %swap3A_42] : memref<1000x32xf32, #tpu.memory_space<vmem>>, vector<1000x32xf32>
    tpu.vector_store %arg5[%swap3A, %swap3A_42], %div3A_41 {strides = array<i32>} : memref<1000x32xf32, #tpu.memory_space<vmem>>, vector<1000x32xf32>,
    return
  }
}

</mosaic_0001>

<sc_bundles>
// kernel: kernel.11.cloned.1.call-start
scs
__scs_entry_jumppad:
0x0: {  	(pc) =	sbr.rel $0x88, $3  }
0x1: {  	(tag) =	ssettag $0x0;
	lr =	simm.s32 $0x1  }
0x2: {  	[smem:$0x3F89] =	sst lr;
	_ =	strace $0xD0000000  }
0x3: {  	_ = 	snop  }
0x4: {  	_ = 	snop  }
0x5: {  	_ = 	snop  }
0x6: {  	_ = 	snop  }
0x7: {  	_ = 	snop  }
__scs_overlays_trampoline_lowered:
0x8: {  	[smem:$0x3F98] =	sst s0  }
0x9: {  	[smem:$0x3F99] =	sst s1  }
0xa: {  	[smem:$0x3F9A] =	sst s2  }
0xb: {  	[smem:$0x3F9B] =	sst s3  }
0xc: {  	[smem:$0x3F9C] =	sst s4  }
0xd: {  	[smem:$0x3F9D] =	sst s5  }
0xe: {  	[smem:$0x3F9E] =	sst s6  }
0xf: {  	[smem:$0x3F9F] =	sst s7  }
0x10: {  	[smem:$0x3FA0] =	sst s8  }
0x11: {  	[smem:$0x3FA1] =	sst s9;
	s0 =	simm.s32 @!p0 $0x0  }
0x12: {  	s1 =	sld [smem:$0x3F87];
	s0 =	simm.s32 @p0 $0x1  }
0x13: {  	[smem:$0x3FA2] =	sst s0;
	s0 =	simm.s32 @!p1 $0x0  }
0x14: {  	s2 =	sld [smem:$0x3F86];
	s0 =	simm.s32 @p1 $0x1  }
0x15: {  	[smem:$0x3FA3] =	sst s0;
	s0 =	simm.s32 @!p2 $0x0  }
0x16: {  	s3 =	sld [smem:$0x3FDB];
	s0 =	simm.s32 @p2 $0x1  }
0x17: {  	s4 =	simm.s32 $0x1BF5;
	[smem:$0x3FA5] =	sst s0  }
0x18: {  	s0 =	sld [smem:$0x3F88];
	_ =	swait.ge [sflag:s4], $0x0  }
0x19: {  	s7 =	sld [smem:$0x3F89]  }
0x1a: {  	s8 =	sadd.s32 $0xFFFFE003, lr  }
0x1b: {  	s9 =	sadd.s32 $0xFFFFFEF7, lr;
	s5 =	simm.s32 $0xFFFFFFFF;
	p2 =	slt.u32 s8, $0xFFFFF086  }
0x1c: {  	p1 =	slt.u32 s9, $0xF7A;
	s5 =	simm.s32 @!p2 $0x0  }
0x1d: {  	s5 =	simm.s32 @p1 $0x1;
	p0 =	seq.s32 s7, s2  }
0x1e: {  	s7 =	smul.u32 @!p0 $0xF7A, s2;
	p2 =	seq.s32 @!p0 s5, $0x0  }
0x1f: {  	s9 =	smul.u32 $0xF7A, s1;
	s8 =	simm.s32 @!p0 $0x1BF5;
	p2 =	por !p2, p0  }
0x20: {  	[sflag:s8] =	ssyncset.s32 @!p0 $0xFFFFF086;
	s6 =	sadd.s32 @!p0 s3, s7;
	s7 =	simm.s32 @!p0 $0x108  }
0x21: {  	s3 =	sadd.s32 s3, s9;
	s6 =	sadd.s32 @!p0 $0x88, s6;
	s7 =	simm.s32 @p2 $0x1082  }
0x22: {  	[simem:s7], [sflag:s8] =	dma.local @!p0 [hbm:s6], $0xF7A  }
0x23: {  	s9 =	sor.u32 $0xD0000000, s2;
	s6 =	simm.s32 $0x108;
	_ =	swait.ge @!p0 [sflag:s8], $0x0  }
0x24: {  	s3 =	sadd.s32 $0x88, s3;
	s6 =	simm.s32 @!p1 $0x1082;
	[sflag:s4] =	ssyncset.s32 $0xFFFFF086  }
0x25: {  	[simem:s6], [sflag:s4] =	dma.local [hbm:s3], $0xF7A  }
0x26: {  	[smem:$0x3F89] =	sst s1;
	(tag) =	ssettag s2;
	_ =	strace s9  }
0x27: {  	s1 =	sld [smem:$0x3F99]  }
0x28: {  	s2 =	sld [smem:$0x3F9A]  }
0x29: {  	s4 =	sld [smem:$0x3F9C]  }
0x2a: {  	p0 =	seq.s32 s5, $0x0;
	s5 =	sld [smem:$0x3F9D]  }
0x2b: {  	s6 =	sld [smem:$0x3F9E]  }
0x2c: {  	s7 =	sld [smem:$0x3F9F]  }
0x2d: {  	s3 =	simm.s32 $0x108;
	s8 =	sld [smem:$0x3FA0]  }
0x2e: {  	s3 =	simm.s32 @!p0 $0x1082;
	s9 =	sld [smem:$0x3FA1]  }
0x2f: {  	lr =	sadd.s32 s0, s3;
	s0 =	sld [smem:$0x3F98]  }
0x30: {  	s3 =	sld [smem:$0x3F9B]  }
0x31: {  	[smem:$0x3FA4] =	sst s10  }
0x32: {  	s10 =	sld [smem:$0x3FA2];
	_ =	sdelay $0x3  }
0x33: {  	p0 =	seq.s32 s10, $0x1;
	s10 =	sld [smem:$0x3FA4];
	_ =	sdelay $0x3  }
0x34: {  	[smem:$0x3FA4] =	sst s10  }
0x35: {  	s10 =	sld [smem:$0x3FA3];
	_ =	sdelay $0x3  }
0x36: {  	p1 =	seq.s32 s10, $0x1;
	s10 =	sld [smem:$0x3FA4];
	_ =	sdelay $0x3  }
0x37: {  	[smem:$0x3FA4] =	sst s10  }
0x38: {  	s10 =	sld [smem:$0x3FA5]  }
0x39: {  	_ = 	snop;
	(pc) =	sbr.ind lr, $3  }
0x3a: {  	_ = 	snop  }
0x3b: {  	_ = 	snop  }
0x3c: {  	p2 =	seq.s32 s10, $0x1;
	s10 =	sld [smem:$0x3FA4]  }
0x3d: {  	_ =	shalt  }
0x3e: {  	_ =	shalt  }
0x3f: {  	_ =	shalt  }
0x40: {  	_ =	shalt  }
0x41: {  	_ =	shalt  }
0x42: {  	_ =	shalt  }
0x43: {  	_ =	shalt  }
0x44: {  	_ =	shalt  }
0x45: {  	_ =	shalt  }
0x46: {  	_ =	shalt  }
0x47: {  	_ =	shalt  }
0x48: {  	_ =	shalt  }
0x49: {  	_ =	shalt  }
0x4a: {  	_ =	shalt  }
0x4b: {  	_ =	shalt  }
0x4c: {  	_ =	shalt  }
0x4d: {  	_ =	shalt  }
0x4e: {  	_ =	shalt  }
0x4f: {  	_ =	shalt  }
0x50: {  	_ =	shalt  }
0x51: {  	_ =	shalt  }
0x52: {  	_ =	shalt  }
0x53: {  	_ =	shalt  }
0x54: {  	_ =	shalt  }
0x55: {  	_ =	shalt  }
0x56: {  	_ =	shalt  }
0x57: {  	_ =	shalt  }
0x58: {  	_ =	shalt  }
0x59: {  	_ =	shalt  }
0x5a: {  	_ =	shalt  }
0x5b: {  	_ =	shalt  }
0x5c: {  	_ =	shalt  }
0x5d: {  	_ =	shalt  }
0x5e: {  	_ =	shalt  }
0x5f: {  	_ =	shalt  }
0x60: {  	_ =	shalt  }
0x61: {  	_ =	shalt  }
0x62: {  	_ =	shalt  }
0x63: {  	_ =	shalt  }
0x64: {  	_ =	shalt  }
0x65: {  	_ =	shalt  }
0x66: {  	_ =	shalt  }
0x67: {  	_ =	shalt  }
0x68: {  	_ =	shalt  }
0x69: {  	_ =	shalt  }
0x6a: {  	_ =	shalt  }
0x6b: {  	_ =	shalt  }
0x6c: {  	_ =	shalt  }
0x6d: {  	_ =	shalt  }
0x6e: {  	_ =	shalt  }
0x6f: {  	_ =	shalt  }
0x70: {  	_ =	shalt  }
0x71: {  	_ =	shalt  }
0x72: {  	_ =	shalt  }
0x73: {  	_ =	shalt  }
0x74: {  	_ =	shalt  }
0x75: {  	_ =	shalt  }
0x76: {  	_ =	shalt  }
0x77: {  	_ =	shalt  }
0x78: {  	_ =	shalt  }
0x79: {  	_ =	shalt  }
0x7a: {  	_ =	shalt  }
0x7b: {  	_ =	shalt  }
0x7c: {  	_ =	shalt  }
0x7d: {  	_ =	shalt  }
0x7e: {  	_ =	shalt  }
0x7f: {  	_ =	shalt  }
0x80: {  	_ =	shalt  }
0x81: {  	_ =	shalt  }
0x82: {  	_ =	shalt  }
0x83: {  	_ =	shalt  }
0x84: {  	_ =	shalt  }
0x85: {  	_ =	shalt  }
0x86: {  	_ =	shalt  }
0x87: {  	_ =	shalt  }
.Lfunc_end0:
.L_simem_size_0:
called_computation_lowered:
.L_overlay_start_0:
0x88: {  	s2 =	sld [smem:$0x3FD9]  }
0x89: {  	s3 =	sld [smem:$0x3FFE];
	_ =	sdelay $0x1  }
0x8a: {  	s1 =	srdreg.scid  }
0x8b: {  	s0 =	sand.u32 $0x1, s1  }
0x8c: {  	s16 =	sshll.u32 s0, $0xA;
	s2 =	sadd.s32 s3, s2  }
0x8d: {  	s2 =	sadd.s32 s2, s16  }
0x8e: {  	[smem:$0x3FB0] =	sst s2  }
0x8f: {  	_ = 	snop  }
0x90: {  	(tm) =	ssettm $0x1  }
0x91: {  	s17 =	sld [smem:$0x3FFB];
	_ =	sdelay $0x3  }
0x92: {  	_ =	strace s17  }
0x93: {  	s2 =	sld [smem:$0x3FFC];
	_ =	sdelay $0x3  }
0x94: {  	_ =	strace s2  }
0x95: {  	s2 =	sld [smem:$0x3FFD];
	_ =	sdelay $0x3  }
0x96: {  	_ =	strace s2  }
0x97: {  	_ =	strace $0x8FFFFFFF  }
0x98: {  	s18 =	sld [smem:$0x3FDB];
	_ =	sdelay $0x1  }
0x99: {  	s19 =	simm.s32 $_scs_section_size  }
0x9a: {  	s4 =	simm.s32 $_size__tile_overlayer_lowered;
	s5 =	simm.s32 $_tile_overlayer_lowered  }
0x9b: {  	s22 =	simm.s32 $0x1BFF;
	s21 =	sshll.u32 s5, $0x1;
	s2 =	sadd.s32 s19, s18  }
0x9c: {  	s6 =	simm.s32 $0x0;
	s20 =	sshll.u32 s4, $0x1;
	s4 =	sadd.s32 s21, s2  }
0x9d: {  	[timem:s6], [sflag:s22] =	dma.local [hbm:s4], s20  }
0x9e: {  	_ =	swait.ge [sflag:s22], s20  }
0x9f: {  	s3 =	ssub.s32 $0x0, s20;
	[sflag:s22] =	ssyncset.done $0x0  }
0xa0: {  	[sflag:s22] =	ssyncadd.s32 s3;
	_ =	sdelay $0x1  }
0xa1: {  	s23 =	simm.s32 $0x1B8B  }
0xa2: {  	_ =	swait.ge [sflag:s23], $0x1  }
0xa3: {  	[sflag:s23] =	ssyncset.done $0x0  }
0xa4: {  	s25 =	simm.s32 $0x1B8E;
	s24 =	sld [smem:$0x3FFE];
	[sflag:s23] =	ssyncadd.s32 $0xFFFFFFFF  }
0xa5: {  	s26 =	simm.s32 $execute0_lowered;
	[smem:$0x3FD2] =	sst s25  }
0xa6: {  	s4 =	sshll.u32 s26, $0x1;
	_ =	strace $0x80000046;
	[dreg:$0x1] =	wrdreg $0xFFFFFFFF  }
0xa7: {  	s28 =	simm.s32 $_size_execute0_lowered;
	s2 =	sadd.s32 s2, s4;
	[dreg:$0x0] =	wrdreg $0x0  }
0xa8: {  	s4 =	sshll.u32 s28, $0x1;
	[dreg:$0x2] =	wrdreg s2  }
0xa9: {  	[dreg:$0x3] =	wrdreg s4  }
0xaa: {  	[dreg:$0x4] =	wrdreg $0xC0  }
0xab: {  	_ =	task [dreg:s6], $0x5FFFF  }
0xac: {  	[dreg:$0x1] =	wrdreg $0xFFFFFFFF  }
0xad: {  	[dreg:$0x0] =	wrdreg $0x60  }
0xae: {  	[dreg:$0x2] =	wrdreg s24  }
0xaf: {  	[dreg:$0x3] =	wrdreg $0x38400  }
0xb0: {  	[dreg:$0x4] =	wrdreg $0xFB900  }
0xb1: {  	[dreg:$0x5] =	wrdreg $0x9  }
0xb2: {  	_ =	task.clear_ibuf [dreg:s6], $0x6FFFF;
	_ =	strace $0x90000046  }
0xb3: {  	s29 =	simm.s32 $0x9;
	_ =	strace $0x80000048  }
0xb4: {  	_ =	swait.ge [sflag:s29], $0x1  }
0xb5: {  	[sflag:s29] =	ssyncadd.s32 $0xFFFFFFFF  }
0xb6: {  	_ =	strace $0x90000048  }
0xb7: {  	_ =	sfence  }
0xb8: {  	s30 =	sld [smem:$0x0];
	_ =	sdelay $0x2  }
0xb9: {  	s31 =	sshll.u32 s1, $0xD;
	s1 =	sshrl.u32 s1, $0x2  }
0xba: {  	s3 =	sand.u32 $0x4000, s31;
	s1 =	sadd.s32 s1, s30  }
0xbb: {  	s0 =	sor.u32 s3, s0;
	s1 =	sshll.u32 s1, $0x11  }
0xbc: {  	s0 =	sor.u32 s1, s0  }
0xbd: {  	s0 =	sadd.s32 $0x8F2B, s0  }
0xbe: {  	[sflag:s0] =	ssyncadd.remote.s32 $0x1  }
0xbf: {  	_ =	sfence.sel $0xFFFF  }
0xc0: {  	[dreg:$0x0] =	wrdreg $0xFFFFFFFF;
	(pc) =	sbr.abs _section_cstart, $3  }
0xc1: {  	[dreg:$0x1] =	wrdreg $0xFFFFFFFF  }
0xc2: {  	_ =	task.clear_ibuf [dreg:s6], $0x2FFFF;
	_ =	strace $0x9FFFFFFF  }
0xc3: {  	(tm) =	ssettm $0x7FFFFFFF  }
tec
execute0_lowered:
.L_overlay_start_1:
0x0: {  	(tag) =	ssettag $0x1  }
0x1: {  	s12 =	rddreg [dreg:$0x0]  }
0x2: {  	s2 =	rddreg [dreg:$0x1]  }
0x3: {  	s3 =	rddreg [dreg:$0x2];
	s0 =	stileid.u32  }
0x4: {  	s4 =	simm.s32 $0x0;
	s5 =	srdreg.scid;
	s8 =	smul.u32 $0xC380, s0  }
0x5: {  	[smem:$0x7FF] =	sst s4;
	s6 =	smul.u32 $0xC8, s0;
	s16 =	sand.u32 $0x1, s5  }
0x6: {  	s7 =	smul.u32 $0x30E00, s0;
	s17 =	sadd.s32 $0x34600, s12;
	s22 =	sadd.s32 $0xB7480, s2  }
0x7: {  	s13 =	sadd.s32 $0xB7480, s3;
	s18 =	smul.u32 $0x61C00, s0;
	s14 =	sadd.s32 $0xBA680, s3  }
0x8: {  	s15 =	sadd.s32 $0xBD880, s3;
	p0 =	seq.s32 s0, $0xF;
	_ =	strace $0x80000047  }
0x9: {  	s5 =	ssub.s32 $0x2, s16;
	s21 =	sshll.u32 s16, $0x4;
	s30 =	sshll.u32 s16, $0x1  }
0xa: {  	s24 =	smul.u32 $0x64, s16;
	s16 =	sadd.s32 $0xC0A80, s3;
	s22 =	sshrl.u32 @p0 s22, $0x3  }
0xb: {  	s9 =	sadd.s32 s8, s12;
	s19 =	sadd.s32 s6, s12;
	s28 =	sshrl.u32 s5, $0x1  }
0xc: {  	s29 =	sshrl.u32 s7, $0x2;
	s23 =	sadd.s32 s8, s2;
	s8 =	sadd.s32 s8, s3  }
0xd: {  	s12 =	sadd.s32 $0x1AF080, s12;
	s18 =	sor.u32 s21, s18;
	s21 =	sadd.s32 s30, s17  }
0xe: {  	s20 =	ssub.s32 s5, s28;
	s5 =	sshll.u32 s0, $0x1;
	s6 =	sadd.s32 s29, s3  }
0xf: {  	s7 =	sadd.s32 $0xF7C00, s9;
	s18 =	sshrl.u32 s18, $0x3;
	s31 =	sadd.s32 s24, s19  }
0x10: {  	s23 =	sshrl.u32 @!p0 s23, $0x3;
	s9 =	sadd.s32 $0x3200, s6;
	s10 =	sadd.s32 $0x6400, s6  }
0x11: {  	s11 =	sadd.s32 $0x9600, s6;
	s17 =	sadd.s32 s17, s18;
	s18 =	sadd.s32 $0xB7480, s21  }
0x12: {  	v0 =	vimm.f32 $0.0e+00;
	s19 =	smax.u32 s20, $0x1;
	s20 =	sadd.s32 $0x1BE00, s31;
	s21 =	sadd.s32 $0x3600, s31  }
.LBB2_1:
0x13: {  	s24 =	simm.s32 $0x40;
	s25 =	simm.s32 $0x0  }
.LBB2_2:
0x14: {  	p1 =	sne.s32 s24, $0xC7C0;
	[tilespmem:s25+$0x640] =	vst v0;
	s25 =	smov.u32 s24;
	s24 =	sadd.s32 $0x40, s24  }
.Ltmp0:
0x15: {  	(pc) =	sbr.rel @p1 .LBB2_2-.Ltmp0, $2  }
0x16: {  	_ =	sdelay $0x2  }
0x17: {  	s25 =	sshra.s32 s25, $0x2  }
0x18: {  	s24 =	simm.s32 @p0 $0x1  }
0x19: {  	[tilespmem:s25+$0x640] =	vst v0;
	s25 =	simm.s32 @p0 $0x2;
	s26 =	simm.s32 @p0 $0x10;
	s28 =	simm.s32 @p0 $0x1FC1  }
0x1a: {  	[spmem:s22@s25], [sflag:s28] =	dma.strided @p0 [hbm:s12@s26], $0x1810, s24, $0x2   }
0x1b: {  	_ =	swait.ge @p0 [sflag:s24], $0x1810  }
0x1c: {  	[sflag:s24] =	ssyncset.done @p0 $0x0  }
0x1d: {  	s25 =	simm.s32 @p0 $0x640;
	[sflag:s24] =	ssyncadd.s32 @p0 $0xFFFFE7F0  }
0x1e: {  	[spmem:s13] =	stream.linear.scatter @p0 [tilespmem:s25], [sflag:$0x1], $0x3200, $0x38;
	[tilespmem:$0x1BEE0] =	vst v63  }
0x1f: {  	_ =	swait.ge @p0 [sflag:s24], $0x3200  }
0x20: {  	[sflag:s24] =	ssyncset.done @p0 $0x0  }
0x21: {  	[sflag:s24] =	ssyncadd.s32 @p0 $0xFFFFCE00  }
0x22: {  	[spmem:s14] =	stream.linear.scatter @p0 [tilespmem:s25], [sflag:$0x1], $0x3200, $0x38;
	[tilespmem:$0x1BEE0] =	vst v63  }
0x23: {  	_ =	swait.ge @p0 [sflag:s24], $0x3200  }
0x24: {  	[sflag:s24] =	ssyncset.done @p0 $0x0  }
0x25: {  	[sflag:s24] =	ssyncadd.s32 @p0 $0xFFFFCE00  }
0x26: {  	[spmem:s15] =	stream.linear.scatter @p0 [tilespmem:s25], [sflag:$0x1], $0x3200, $0x38;
	[tilespmem:$0x1BEE0] =	vst v63  }
0x27: {  	_ =	swait.ge @p0 [sflag:s24], $0x3200  }
0x28: {  	[sflag:s24] =	ssyncset.done @p0 $0x0  }
0x29: {  	[sflag:s24] =	ssyncadd.s32 @p0 $0xFFFFCE00  }
0x2a: {  	[spmem:s16] =	stream.linear.scatter @p0 [tilespmem:s25], [sflag:$0x1], $0x2A80, $0x38;
	[tilespmem:$0x1BEE0] =	vst v63  }
0x2b: {  	s0 =	stileid.u32;
	s26 =	simm.s32 @!p0 $0x2;
	_ =	swait.ge @p0 [sflag:s24], $0x2A80  }
0x2c: {  	s28 =	simm.s32 @!p0 $0x10;
	s25 =	sshll.u32 @!p0 s0, $0x6;
	[sflag:s24] =	ssyncset.done @p0 $0x0  }
0x2d: {  	[sflag:s24] =	ssyncadd.s32 @p0 $0xFFFFD580;
	s24 =	sor.u32 @!p0 $0x1C01, s25;
	s25 =	simm.s32 @!p0 $0x1  }
0x2e: {  	[spmem:s23@s26], [sflag:s24] =	dma.strided @!p0 [hbm:s7@s28], $0x1870, s25, $0x2   }
0x2f: {  	_ =	swait.ge @!p0 [sflag:s25], $0x1870  }
0x30: {  	[sflag:s25] =	ssyncset.done @!p0 $0x0  }
0x31: {  	s26 =	simm.s32 @!p0 $0x640;
	[sflag:s25] =	ssyncadd.s32 @!p0 $0xFFFFE790  }
0x32: {  	[spmem:s8] =	stream.linear.scatter @!p0 [tilespmem:s26], [sflag:$0x1], $0x3200, $0x38;
	[tilespmem:$0x1BEE0] =	vst v63  }
0x33: {  	_ =	swait.ge @!p0 [sflag:s25], $0x3200  }
0x34: {  	[sflag:s25] =	ssyncset.done @!p0 $0x0  }
0x35: {  	[sflag:s25] =	ssyncadd.s32 @!p0 $0xFFFFCE00  }
0x36: {  	[spmem:s9] =	stream.linear.scatter @!p0 [tilespmem:s26], [sflag:$0x1], $0x3200, $0x38;
	[tilespmem:$0x1BEE0] =	vst v63  }
0x37: {  	_ =	swait.ge @!p0 [sflag:s25], $0x3200  }
0x38: {  	[sflag:s25] =	ssyncset.done @!p0 $0x0  }
0x39: {  	[sflag:s25] =	ssyncadd.s32 @!p0 $0xFFFFCE00  }
0x3a: {  	[spmem:s10] =	stream.linear.scatter @!p0 [tilespmem:s26], [sflag:$0x1], $0x3200, $0x38;
	[tilespmem:$0x1BEE0] =	vst v63  }
0x3b: {  	_ =	swait.ge @!p0 [sflag:s25], $0x3200  }
0x3c: {  	[sflag:s25] =	ssyncset.done @!p0 $0x0  }
0x3d: {  	[sflag:s25] =	ssyncadd.s32 @!p0 $0xFFFFCE00  }
0x3e: {  	[spmem:s11] =	stream.linear.scatter @!p0 [tilespmem:s26], [sflag:$0x1], $0x2D80, $0x38;
	[tilespmem:$0x1BEE0] =	vst v63  }
0x3f: {  	_ =	swait.ge @!p0 [sflag:s25], $0x2D80  }
0x40: {  	p1 =	sgt.u32 s5, $0x3E7;
	[sflag:s25] =	ssyncset.done @!p0 $0x0  }
0x41: {  	s28 =	simm.s32 @!p1 $0x2;
	[sflag:s25] =	ssyncadd.s32 @!p0 $0xFFFFD280  }
0x42: {  	s26 =	simm.s32 @!p1 $0x0;
	s25 =	sadd.s32 @!p1 $0x0, s20;
	[bflag:$0x0] =	sbarrier.arrive $0xFFFF  }
0x43: {  	[tilespmem:s26], [sflag:$0x2] =	stream.linear.gather @!p1 [hbm4b:s25+s26], $0x320, $0x38;
	[tilespmem:$0x1BEE0] =	vst v63  }
0x44: {  	_ =	swait.ge @!p1 [sflag:s28], $0x320;
	p1 =	por p1, p1  }
0x45: {  	[sflag:s28] =	ssyncset.done @!p1 $0x0  }
0x46: {  	s25 =	sadd.s32 @!p1 $0x0, s21;
	s29 =	simm.s32 @!p1 $0x320;
	[sflag:s28] =	ssyncadd.s32 @!p1 $0xFFFFFCE0  }
0x47: {  	[tilespmem:s29], [sflag:$0x2] =	stream.linear.gather @!p1 [hbm4b:s25+s26], $0x320, $0x38;
	[tilespmem:$0x1BEE0] =	vst v63  }
0x48: {  	_ =	swait.ge @!p1 [sflag:s28], $0x320  }
0x49: {  	[sflag:s28] =	ssyncset.done @!p1 $0x0  }
0x4a: {  	s25 =	simm.s32 @!p1 $0x640;
	[sflag:s28] =	ssyncadd.s32 @!p1 $0xFFFFFCE0  }
0x4b: {  	[tilespmem:s25], [sflag:$0x2] =	stream.indirect.gather @!p1 [spmem:s2], $0x10, s26, s29, $0xb8;
	[tilespmem:$0x1BEE0] =	vst v63  }
0x4c: {  	_ =	swait.ge @!p1 [sflag:s28], $0x3200  }
0x4d: {  	[sflag:s28] =	ssyncset.done @!p1 $0x0  }
0x4e: {  	s26 =	sadd.s32 $0x20, s5;
	[sflag:s28] =	ssyncadd.s32 @!p1 $0xFFFFCE00  }
0x4f: {  	[spmem:s3] =	stream.indirect.scatter.add.f32 @!p1 [tilespmem:s25], [sflag:$0x1], $0x10, s29, s29, $0xb8;
	[tilespmem:$0x1BEE0] =	vst v63  }
0x50: {  	p3 =	sgt.u32 s26, $0x3E7;
	s29 =	simm.s32 @!p1 $0x1  }
0x51: {  	s28 =	simm.s32 $0x1900;
	s25 =	simm.s32 $0xC80;
	_ =	swait.ge @!p1 [sflag:s29], $0x3200  }
.LBB2_4:
0x52: {  	s30 =	sadd.s32 @!p3 s25, s20  }
0x53: {  	s31 =	simm.s32 @!p3 $0x0;
	[sflag:s29] =	ssyncset.done @!p1 $0x0;
	s0 =	smov.u32 s28  }
0x54: {  	s28 =	sadd.s32 $0xC80, s28;
	s1 =	simm.s32 @!p3 $0x2;
	[sflag:s29] =	ssyncadd.s32 @!p1 $0xFFFFCE00  }
0x55: {  	[tilespmem:s31], [sflag:$0x2] =	stream.linear.gather @!p3 [hbm4b:s30+s31], $0x320, $0x38;
	[tilespmem:$0x1BEE0] =	vst v63  }
0x56: {  	p2 =	sne.s32 s28, $0x19000;
	p1 =	por p3, p3;
	_ =	swait.ge @!p3 [sflag:s1], $0x320  }
0x57: {  	[sflag:s1] =	ssyncset.done @!p1 $0x0  }
0x58: {  	s25 =	sadd.s32 @!p1 s25, s21;
	s30 =	simm.s32 @!p1 $0x320;
	[sflag:s1] =	ssyncadd.s32 @!p1 $0xFFFFFCE0  }
0x59: {  	[tilespmem:s30], [sflag:$0x2] =	stream.linear.gather @!p1 [hbm4b:s25+s31], $0x320, $0x38;
	[tilespmem:$0x1BEE0] =	vst v63  }
0x5a: {  	s25 =	smov.u32 s0;
	_ =	swait.ge @!p1 [sflag:s1], $0x320  }
0x5b: {  	[sflag:s1] =	ssyncset.done @!p1 $0x0  }
0x5c: {  	s0 =	simm.s32 @!p1 $0x640;
	[sflag:s1] =	ssyncadd.s32 @!p1 $0xFFFFFCE0  }
0x5d: {  	[tilespmem:s0], [sflag:$0x2] =	stream.indirect.gather @!p1 [spmem:s2], $0x10, s31, s30, $0xb8;
	[tilespmem:$0x1BEE0] =	vst v63  }
.Ltmp1:
0x5e: {  	_ =	swait.ge @!p1 [sflag:s1], $0x3200;
	(pc) =	sbr.rel @p2 .LBB2_4-.Ltmp1, $4  }
0x5f: {  	[sflag:s1] =	ssyncset.done @!p1 $0x0  }
0x60: {  	s26 =	sadd.s32 $0x20, s26;
	s29 =	simm.s32 @!p1 $0x1;
	[sflag:s1] =	ssyncadd.s32 @!p1 $0xFFFFCE00  }
0x61: {  	[spmem:s3] =	stream.indirect.scatter.add.f32 @!p1 [tilespmem:s0], [sflag:$0x1], $0x10, s30, s30, $0xb8;
	[tilespmem:$0x1BEE0] =	vst v63  }
0x62: {  	p3 =	sgt.u32 s26, $0x3E7;
	_ =	swait.ge @!p1 [sflag:s29], $0x3200  }
0x63: {  	s0 =	sadd.s32 @!p3 s25, s20;
	[sflag:s29] =	ssyncset.done @!p1 $0x0  }
0x64: {  	s1 =	simm.s32 @!p3 $0x0;
	s26 =	simm.s32 @!p3 $0x2;
	[sflag:s29] =	ssyncadd.s32 @!p1 $0xFFFFCE00  }
0x65: {  	[tilespmem:s1], [sflag:$0x2] =	stream.linear.gather @!p3 [hbm4b:s0+s1], $0x320, $0x38;
	[tilespmem:$0x1BEE0] =	vst v63  }
0x66: {  	p1 =	por p3, p3;
	_ =	swait.ge @!p3 [sflag:s26], $0x320  }
0x67: {  	[sflag:s26] =	ssyncset.done @!p1 $0x0  }
0x68: {  	s0 =	sadd.s32 @!p1 s25, s21;
	s25 =	simm.s32 @!p1 $0x320;
	[sflag:s26] =	ssyncadd.s32 @!p1 $0xFFFFFCE0  }
0x69: {  	[tilespmem:s25], [sflag:$0x2] =	stream.linear.gather @!p1 [hbm4b:s0+s1], $0x320, $0x38;
	[tilespmem:$0x1BEE0] =	vst v63  }
0x6a: {  	_ =	swait.ge @!p1 [sflag:s26], $0x320  }
0x6b: {  	[sflag:s26] =	ssyncset.done @!p1 $0x0  }
0x6c: {  	s0 =	simm.s32 @!p1 $0x640;
	[sflag:s26] =	ssyncadd.s32 @!p1 $0xFFFFFCE0  }
0x6d: {  	[tilespmem:s0], [sflag:$0x2] =	stream.indirect.gather @!p1 [spmem:s2], $0x10, s1, s25, $0xb8;
	[tilespmem:$0x1BEE0] =	vst v63  }
0x6e: {  	_ =	swait.ge @!p1 [sflag:s26], $0x3200  }
0x6f: {  	[sflag:s26] =	ssyncset.done @!p1 $0x0  }
0x70: {  	s1 =	simm.s32 @!p1 $0x1;
	[sflag:s26] =	ssyncadd.s32 @!p1 $0xFFFFCE00  }
0x71: {  	[spmem:s3] =	stream.indirect.scatter.add.f32 @!p1 [tilespmem:s0], [sflag:$0x1], $0x10, s25, s25, $0xb8;
	[tilespmem:$0x1BEE0] =	vst v63  }
0x72: {  	_ =	swait.ge @!p1 [sflag:s1], $0x3200  }
0x73: {  	s28 =	simm.s32 @p0 $0x1FC1;
	s4 =	sadd.s32 $0x1, s4;
	[sflag:s1] =	ssyncset.done @!p1 $0x0  }
0x74: {  	s26 =	simm.s32 @p0 $0x2;
	s0 =	sshrl.u32 @p0 s13, $0x3;
	[sflag:s1] =	ssyncadd.s32 @!p1 $0xFFFFCE00  }
0x75: {  	s25 =	simm.s32 @p0 $0x10;
	s1 =	simm.s32 @p0 $0x1;
	[bflag:$0x0] =	sbarrier.arrive $0xFFFF  }
0x76: {  	[hbm:s18@s25], [sflag:s28] =	dma.strided @p0 [spmem:s0@s26], $0x1810, s1, $0x2   }
0x77: {  	p1 =	sne.s32 s4, s19;
	s0 =	sshrl.u32 @!p0 s6, $0x3;
	_ =	swait.ge @p0 [sflag:s1], $0x1810  }
0x78: {  	s25 =	simm.s32 @!p0 $0x10;
	s26 =	simm.s32 @!p0 $0x2;
	[sflag:s1] =	ssyncset.done @p0 $0x0  }
.Ltmp2:
0x79: {  	[sflag:s1] =	ssyncadd.s32 @p0 $0xFFFFE7F0;
	s1 =	simm.s32 @!p0 $0x1;
	(pc) =	sbr.rel @p1 .LBB2_1-.Ltmp2, $4  }
0x7a: {  	[hbm:s17@s25], [sflag:s24] =	dma.strided @!p0 [spmem:s0@s26], $0x1870, s1, $0x2   }
0x7b: {  	_ =	swait.ge @!p0 [sflag:s1], $0x1870  }
0x7c: {  	[sflag:s1] =	ssyncset.done @!p0 $0x0  }
0x7d: {  	[sflag:s1] =	ssyncadd.s32 @!p0 $0xFFFFE790  }
0x7e: {  	_ =	sfence.sel $0x180000  }
0x7f: {  	[bflag:$0x0] =	sbarrier.arrive $0xFFFF  }
0x80: {  	_ =	strace $0x90000047  }
0x81: {  	s0 =	stileid.u32;
	[bflag:$0x2] =	sbarrier.arrive $0xFFFF  }
0x82: {  	p0 =	sne.s32 s0, $0x0;
	s0 =	rddreg [dreg:$0x3]  }
0x83: {  	s0 =	sadd.s32 @!p0 $0x100000, s0  }
0x84: {  	[sflag:s0] =	ssyncadd.tile.s32 @!p0 $0x1;
	_ =	shalt  }
.Lfunc_end2:
_tile_overlayer_lowered:
.L_overlay_start_2:
0x85: {  	(tag) =	ssettag $0x2  }
0x86: {  	s0 =	rddreg [dreg:$0x0];
	s2 =	stileid.u32  }
0x87: {  	s1 =	rddreg [dreg:$0x1];
	p0 =	sne.s32 s2, $0x0  }
0x88: {  	s3 =	rddreg [dreg:$0x2];
	[bflag:$0x3] =	sbarrier.arrive $0xFFFF;
	s2 =	simm.s32 @!p0 $0x1C01  }
0x89: {  	[timem:s3], [sflag:s2] =	dma.local @!p0 [hbm:s0], s1  }
0x8a: {  	s0 =	simm.s32 @!p0 $0x1  }
0x8b: {  	_ =	swait.ge @!p0 [sflag:s0], s1  }
0x8c: {  	s1 =	ssub.s32 @!p0 $0x0, s1;
	[sflag:s0] =	ssyncset.done @!p0 $0x0  }
0x8d: {  	[sflag:s0] =	ssyncadd.s32 @!p0 s1  }
0x8e: {  	[bflag:$0x3] =	sbarrier.arrive $0xFFFF  }
0x8f: {  	_ =	shalt  }

// kernel: kernel.14.cloned.1.call-start
scs
__scs_entry_jumppad:
0x0: {  	(pc) =	sbr.rel $0x88, $3  }
0x1: {  	(tag) =	ssettag $0x0;
	lr =	simm.s32 $0x1  }
0x2: {  	[smem:$0x3F89] =	sst lr;
	_ =	strace $0xD0000000  }
0x3: {  	_ = 	snop  }
0x4: {  	_ = 	snop  }
0x5: {  	_ = 	snop  }
0x6: {  	_ = 	snop  }
0x7: {  	_ = 	snop  }
__scs_overlays_trampoline_lowered:
0x8: {  	[smem:$0x3F98] =	sst s0  }
0x9: {  	[smem:$0x3F99] =	sst s1  }
0xa: {  	[smem:$0x3F9A] =	sst s2  }
0xb: {  	[smem:$0x3F9B] =	sst s3  }
0xc: {  	[smem:$0x3F9C] =	sst s4  }
0xd: {  	[smem:$0x3F9D] =	sst s5  }
0xe: {  	[smem:$0x3F9E] =	sst s6  }
0xf: {  	[smem:$0x3F9F] =	sst s7  }
0x10: {  	[smem:$0x3FA0] =	sst s8  }
0x11: {  	[smem:$0x3FA1] =	sst s9;
	s0 =	simm.s32 @!p0 $0x0  }
0x12: {  	s1 =	sld [smem:$0x3F87];
	s0 =	simm.s32 @p0 $0x1  }
0x13: {  	[smem:$0x3FA2] =	sst s0;
	s0 =	simm.s32 @!p1 $0x0  }
0x14: {  	s2 =	sld [smem:$0x3F86];
	s0 =	simm.s32 @p1 $0x1  }
0x15: {  	[smem:$0x3FA3] =	sst s0;
	s0 =	simm.s32 @!p2 $0x0  }
0x16: {  	s3 =	sld [smem:$0x3FDB];
	s0 =	simm.s32 @p2 $0x1  }
0x17: {  	s4 =	simm.s32 $0x1BF5;
	[smem:$0x3FA5] =	sst s0  }
0x18: {  	s0 =	sld [smem:$0x3F88];
	_ =	swait.ge [sflag:s4], $0x0  }
0x19: {  	s7 =	sld [smem:$0x3F89]  }
0x1a: {  	s8 =	sadd.s32 $0xFFFFE003, lr  }
0x1b: {  	s9 =	sadd.s32 $0xFFFFFEF7, lr;
	s5 =	simm.s32 $0xFFFFFFFF;
	p2 =	slt.u32 s8, $0xFFFFF086  }
0x1c: {  	p1 =	slt.u32 s9, $0xF7A;
	s5 =	simm.s32 @!p2 $0x0  }
0x1d: {  	s5 =	simm.s32 @p1 $0x1;
	p0 =	seq.s32 s7, s2  }
0x1e: {  	s7 =	smul.u32 @!p0 $0xF7A, s2;
	p2 =	seq.s32 @!p0 s5, $0x0  }
0x1f: {  	s9 =	smul.u32 $0xF7A, s1;
	s8 =	simm.s32 @!p0 $0x1BF5;
	p2 =	por !p2, p0  }
0x20: {  	[sflag:s8] =	ssyncset.s32 @!p0 $0xFFFFF086;
	s6 =	sadd.s32 @!p0 s3, s7;
	s7 =	simm.s32 @!p0 $0x108  }
0x21: {  	s3 =	sadd.s32 s3, s9;
	s6 =	sadd.s32 @!p0 $0x88, s6;
	s7 =	simm.s32 @p2 $0x1082  }
0x22: {  	[simem:s7], [sflag:s8] =	dma.local @!p0 [hbm:s6], $0xF7A  }
0x23: {  	s9 =	sor.u32 $0xD0000000, s2;
	s6 =	simm.s32 $0x108;
	_ =	swait.ge @!p0 [sflag:s8], $0x0  }
0x24: {  	s3 =	sadd.s32 $0x88, s3;
	s6 =	simm.s32 @!p1 $0x1082;
	[sflag:s4] =	ssyncset.s32 $0xFFFFF086  }
0x25: {  	[simem:s6], [sflag:s4] =	dma.local [hbm:s3], $0xF7A  }
0x26: {  	[smem:$0x3F89] =	sst s1;
	(tag) =	ssettag s2;
	_ =	strace s9  }
0x27: {  	s1 =	sld [smem:$0x3F99]  }
0x28: {  	s2 =	sld [smem:$0x3F9A]  }
0x29: {  	s4 =	sld [smem:$0x3F9C]  }
0x2a: {  	p0 =	seq.s32 s5, $0x0;
	s5 =	sld [smem:$0x3F9D]  }
0x2b: {  	s6 =	sld [smem:$0x3F9E]  }
0x2c: {  	s7 =	sld [smem:$0x3F9F]  }
0x2d: {  	s3 =	simm.s32 $0x108;
	s8 =	sld [smem:$0x3FA0]  }
0x2e: {  	s3 =	simm.s32 @!p0 $0x1082;
	s9 =	sld [smem:$0x3FA1]  }
0x2f: {  	lr =	sadd.s32 s0, s3;
	s0 =	sld [smem:$0x3F98]  }
0x30: {  	s3 =	sld [smem:$0x3F9B]  }
0x31: {  	[smem:$0x3FA4] =	sst s10  }
0x32: {  	s10 =	sld [smem:$0x3FA2];
	_ =	sdelay $0x3  }
0x33: {  	p0 =	seq.s32 s10, $0x1;
	s10 =	sld [smem:$0x3FA4];
	_ =	sdelay $0x3  }
0x34: {  	[smem:$0x3FA4] =	sst s10  }
0x35: {  	s10 =	sld [smem:$0x3FA3];
	_ =	sdelay $0x3  }
0x36: {  	p1 =	seq.s32 s10, $0x1;
	s10 =	sld [smem:$0x3FA4];
	_ =	sdelay $0x3  }
0x37: {  	[smem:$0x3FA4] =	sst s10  }
0x38: {  	s10 =	sld [smem:$0x3FA5]  }
0x39: {  	_ = 	snop;
	(pc) =	sbr.ind lr, $3  }
0x3a: {  	_ = 	snop  }
0x3b: {  	_ = 	snop  }
0x3c: {  	p2 =	seq.s32 s10, $0x1;
	s10 =	sld [smem:$0x3FA4]  }
0x3d: {  	_ =	shalt  }
0x3e: {  	_ =	shalt  }
0x3f: {  	_ =	shalt  }
0x40: {  	_ =	shalt  }
0x41: {  	_ =	shalt  }
0x42: {  	_ =	shalt  }
0x43: {  	_ =	shalt  }
0x44: {  	_ =	shalt  }
0x45: {  	_ =	shalt  }
0x46: {  	_ =	shalt  }
0x47: {  	_ =	shalt  }
0x48: {  	_ =	shalt  }
0x49: {  	_ =	shalt  }
0x4a: {  	_ =	shalt  }
0x4b: {  	_ =	shalt  }
0x4c: {  	_ =	shalt  }
0x4d: {  	_ =	shalt  }
0x4e: {  	_ =	shalt  }
0x4f: {  	_ =	shalt  }
0x50: {  	_ =	shalt  }
0x51: {  	_ =	shalt  }
0x52: {  	_ =	shalt  }
0x53: {  	_ =	shalt  }
0x54: {  	_ =	shalt  }
0x55: {  	_ =	shalt  }
0x56: {  	_ =	shalt  }
0x57: {  	_ =	shalt  }
0x58: {  	_ =	shalt  }
0x59: {  	_ =	shalt  }
0x5a: {  	_ =	shalt  }
0x5b: {  	_ =	shalt  }
0x5c: {  	_ =	shalt  }
0x5d: {  	_ =	shalt  }
0x5e: {  	_ =	shalt  }
0x5f: {  	_ =	shalt  }
0x60: {  	_ =	shalt  }
0x61: {  	_ =	shalt  }
0x62: {  	_ =	shalt  }
0x63: {  	_ =	shalt  }
0x64: {  	_ =	shalt  }
0x65: {  	_ =	shalt  }
0x66: {  	_ =	shalt  }
0x67: {  	_ =	shalt  }
0x68: {  	_ =	shalt  }
0x69: {  	_ =	shalt  }
0x6a: {  	_ =	shalt  }
0x6b: {  	_ =	shalt  }
0x6c: {  	_ =	shalt  }
0x6d: {  	_ =	shalt  }
0x6e: {  	_ =	shalt  }
0x6f: {  	_ =	shalt  }
0x70: {  	_ =	shalt  }
0x71: {  	_ =	shalt  }
0x72: {  	_ =	shalt  }
0x73: {  	_ =	shalt  }
0x74: {  	_ =	shalt  }
0x75: {  	_ =	shalt  }
0x76: {  	_ =	shalt  }
0x77: {  	_ =	shalt  }
0x78: {  	_ =	shalt  }
0x79: {  	_ =	shalt  }
0x7a: {  	_ =	shalt  }
0x7b: {  	_ =	shalt  }
0x7c: {  	_ =	shalt  }
0x7d: {  	_ =	shalt  }
0x7e: {  	_ =	shalt  }
0x7f: {  	_ =	shalt  }
0x80: {  	_ =	shalt  }
0x81: {  	_ =	shalt  }
0x82: {  	_ =	shalt  }
0x83: {  	_ =	shalt  }
0x84: {  	_ =	shalt  }
0x85: {  	_ =	shalt  }
0x86: {  	_ =	shalt  }
0x87: {  	_ =	shalt  }
.Lfunc_end0:
.L_simem_size_0:
called_computation.1_lowered:
.L_overlay_start_0:
0x88: {  	s2 =	sld [smem:$0x3FD9]  }
0x89: {  	s3 =	sld [smem:$0x3FFE];
	_ =	sdelay $0x1  }
0x8a: {  	s1 =	srdreg.scid  }
0x8b: {  	s0 =	sand.u32 $0x1, s1  }
0x8c: {  	s16 =	sshll.u32 s0, $0xA;
	s2 =	sadd.s32 s3, s2  }
0x8d: {  	s2 =	sadd.s32 s2, s16  }
0x8e: {  	[smem:$0x3FB0] =	sst s2  }
0x8f: {  	_ = 	snop  }
0x90: {  	(tm) =	ssettm $0x1  }
0x91: {  	s17 =	sld [smem:$0x3FFB];
	_ =	sdelay $0x3  }
0x92: {  	_ =	strace s17  }
0x93: {  	s2 =	sld [smem:$0x3FFC];
	_ =	sdelay $0x3  }
0x94: {  	_ =	strace s2  }
0x95: {  	s2 =	sld [smem:$0x3FFD];
	_ =	sdelay $0x3  }
0x96: {  	_ =	strace s2  }
0x97: {  	_ =	strace $0x8FFFFFFF  }
0x98: {  	s18 =	sld [smem:$0x3FDB];
	_ =	sdelay $0x1  }
0x99: {  	s19 =	simm.s32 $_scs_section_size  }
0x9a: {  	s4 =	simm.s32 $_size__tile_overlayer_lowered;
	s5 =	simm.s32 $_tile_overlayer_lowered  }
0x9b: {  	s22 =	simm.s32 $0x1BFF;
	s21 =	sshll.u32 s5, $0x1;
	s2 =	sadd.s32 s19, s18  }
0x9c: {  	s6 =	simm.s32 $0x0;
	s20 =	sshll.u32 s4, $0x1;
	s4 =	sadd.s32 s21, s2  }
0x9d: {  	[timem:s6], [sflag:s22] =	dma.local [hbm:s4], s20  }
0x9e: {  	_ =	swait.ge [sflag:s22], s20  }
0x9f: {  	s3 =	ssub.s32 $0x0, s20;
	[sflag:s22] =	ssyncset.done $0x0  }
0xa0: {  	[sflag:s22] =	ssyncadd.s32 s3;
	_ =	sdelay $0x1  }
0xa1: {  	s23 =	simm.s32 $0x1B8B  }
0xa2: {  	_ =	swait.ge [sflag:s23], $0x1  }
0xa3: {  	[sflag:s23] =	ssyncset.done $0x0  }
0xa4: {  	s25 =	simm.s32 $0x1B8E;
	s24 =	sld [smem:$0x3FFE];
	[sflag:s23] =	ssyncadd.s32 $0xFFFFFFFF  }
0xa5: {  	s26 =	simm.s32 $execute0_lowered;
	[smem:$0x3FD2] =	sst s25  }
0xa6: {  	s4 =	sshll.u32 s26, $0x1;
	_ =	strace $0x80000049;
	[dreg:$0x1] =	wrdreg $0xFFFFFFFF  }
0xa7: {  	s28 =	simm.s32 $_size_execute0_lowered;
	s2 =	sadd.s32 s2, s4;
	[dreg:$0x0] =	wrdreg $0x0  }
0xa8: {  	s4 =	sshll.u32 s28, $0x1;
	[dreg:$0x2] =	wrdreg s2  }
0xa9: {  	[dreg:$0x3] =	wrdreg s4  }
0xaa: {  	[dreg:$0x4] =	wrdreg $0xC0  }
0xab: {  	_ =	task [dreg:s6], $0x5FFFF  }
0xac: {  	[dreg:$0x1] =	wrdreg $0xFFFFFFFF  }
0xad: {  	[dreg:$0x0] =	wrdreg $0x60  }
0xae: {  	[dreg:$0x2] =	wrdreg s24  }
0xaf: {  	[dreg:$0x3] =	wrdreg $0x38400  }
0xb0: {  	[dreg:$0x4] =	wrdreg $0xFB900  }
0xb1: {  	[dreg:$0x5] =	wrdreg $0x9  }
0xb2: {  	_ =	task.clear_ibuf [dreg:s6], $0x6FFFF;
	_ =	strace $0x90000049  }
0xb3: {  	s29 =	simm.s32 $0x9;
	_ =	strace $0x8000004B  }
0xb4: {  	_ =	swait.ge [sflag:s29], $0x1  }
0xb5: {  	[sflag:s29] =	ssyncadd.s32 $0xFFFFFFFF  }
0xb6: {  	_ =	strace $0x9000004B  }
0xb7: {  	_ =	sfence  }
0xb8: {  	s30 =	sld [smem:$0x0];
	_ =	sdelay $0x2  }
0xb9: {  	s31 =	sshll.u32 s1, $0xD;
	s1 =	sshrl.u32 s1, $0x2  }
0xba: {  	s3 =	sand.u32 $0x4000, s31;
	s1 =	sadd.s32 s1, s30  }
0xbb: {  	s0 =	sor.u32 s3, s0;
	s1 =	sshll.u32 s1, $0x11  }
0xbc: {  	s0 =	sor.u32 s1, s0  }
0xbd: {  	s0 =	sadd.s32 $0x8F2B, s0  }
0xbe: {  	[sflag:s0] =	ssyncadd.remote.s32 $0x1  }
0xbf: {  	_ =	sfence.sel $0xFFFF  }
0xc0: {  	[dreg:$0x0] =	wrdreg $0xFFFFFFFF;
	(pc) =	sbr.abs _section_cstart, $3  }
0xc1: {  	[dreg:$0x1] =	wrdreg $0xFFFFFFFF  }
0xc2: {  	_ =	task.clear_ibuf [dreg:s6], $0x2FFFF;
	_ =	strace $0x9FFFFFFF  }
0xc3: {  	(tm) =	ssettm $0x7FFFFFFF  }
tec
execute0_lowered:
.L_overlay_start_1:
0x0: {  	(tag) =	ssettag $0x1  }
0x1: {  	s0 =	rddreg [dreg:$0x0]  }
0x2: {  	s1 =	rddreg [dreg:$0x1]  }
0x3: {  	s2 =	rddreg [dreg:$0x2];
	s3 =	simm.s32 $0x0;
	s5 =	srdreg.scid  }
0x4: {  	s16 =	stileid.u32;
	[smem:$0x7FF] =	sst s3  }
0x5: {  	s4 =	sadd.s32 $0x1BB200, s0;
	s6 =	sadd.s32 $0x1BE00, s0;
	s9 =	smul.u32 $0x61C00, s16  }
0x6: {  	s5 =	sand.u32 $0x1, s5;
	s7 =	sadd.s32 $0x3600, s0;
	s12 =	smul.u32 $0x30E00, s16  }
0x7: {  	s10 =	sadd.s32 $0x34600, s0;
	s13 =	smul.u32 $0xC380, s16;
	s23 =	sadd.s32 $0x272680, s0  }
0x8: {  	s0 =	sadd.s32 $0xEBA80, s0;
	_ =	strace $0x8000004A;
	s8 =	ssub.s32 $0x2, s5  }
0x9: {  	s26 =	sshll.u32 s5, $0x5;
	s20 =	sshllo.u32 s5, $0x1;
	s5 =	sshll.u32 s5, $0x2  }
0xa: {  	s11 =	sshrl.u32 s8, $0x1;
	s12 =	sshrl.u32 s12, $0x2;
	s15 =	sadd.s32 s13, s1  }
0xb: {  	s22 =	sshll.u32 s20, $0x4;
	s24 =	sadd.s32 s5, s23;
	[dreg:$0x4] =	wrdreg s15  }
0xc: {  	s5 =	sadd.s32 s5, s0;
	s8 =	ssub.s32 s8, s11;
	[dreg:$0xa] =	wrdreg s24  }
0xd: {  	s11 =	sor.u32 s26, s9;
	s17 =	sadd.s32 s12, s2;
	[dreg:$0xe] =	wrdreg s5  }
0xe: {  	s26 =	sshll.u32 s20, $0x1;
	s20 =	sadd.s32 $0xB7480, s1;
	[dreg:$0x5] =	wrdreg s17  }
0xf: {  	s29 =	simm.s32 $0x1F40;
	s24 =	sadd.s32 $0xBA680, s2;
	[dreg:$0x16] =	wrdreg s20  }
0x10: {  	s14 =	smul.u32 $0xC350, s16;
	s18 =	sadd.s32 $0x3200, s17;
	[dreg:$0x18] =	wrdreg s24  }
0x11: {  	p0 =	seq.s32 s16, $0xF;
	s19 =	sadd.s32 $0x4B00, s17;
	[dreg:$0x7] =	wrdreg s18  }
0x12: {  	s30 =	sadd.s32 $0xB7480, s2;
	s21 =	sadd.s32 $0x6400, s17;
	[dreg:$0x8] =	wrdreg s19  }
0x13: {  	s14 =	sshrl.u32 s14, $0x3;
	s12 =	sadd.s32 s26, s23;
	[dreg:$0x9] =	wrdreg s21  }
0x14: {  	s25 =	sadd.s32 $0x1838, s14;
	s0 =	sadd.s32 s26, s0;
	[dreg:$0xf] =	wrdreg s12  }
0x15: {  	s28 =	sadd.s32 s13, s2;
	s13 =	sadd.s32 s7, s25;
	[dreg:$0x10] =	wrdreg s0  }
0x16: {  	s9 =	sor.u32 s9, s22;
	s14 =	sadd.s32 $0x7D00, s17;
	[dreg:$0x11] =	wrdreg s13  }
0x17: {  	s11 =	sshrl.u32 s11, $0x3;
	s26 =	sadd.s32 $0xBD880, s2;
	[dreg:$0x12] =	wrdreg s14  }
0x18: {  	s31 =	sadd.s32 $0x1900, s17;
	s15 =	sadd.s32 s4, s11;
	[dreg:$0x1a] =	wrdreg s26  }
0x19: {  	s9 =	sshrl.u32 s9, $0x3;
	s11 =	sadd.s32 s10, s11;
	[dreg:$0x6] =	wrdreg s15  }
0x1a: {  	s4 =	sadd.s32 s4, s9;
	s9 =	sadd.s32 s10, s9;
	[dreg:$0xb] =	wrdreg s11  }
0x1b: {  	s18 =	sadd.s32 $0x9600, s17;
	s19 =	sadd.s32 $0xAF00, s17;
	[dreg:$0xc] =	wrdreg s4  }
0x1c: {  	s21 =	sadd.s32 $0xB8D80, s2;
	s13 =	sadd.s32 $0xC0A80, s2;
	[dreg:$0xd] =	wrdreg s9  }
0x1d: {  	s14 =	sadd.s32 $0xC2380, s2;
	s17 =	simm.s32 $0x320;
	[dreg:$0x14] =	wrdreg s18  }
0x1e: {  	s11 =	smul.u32 $0x186A, s16;
	s4 =	sadd.s32 s6, s25;
	[dreg:$0x15] =	wrdreg s19  }
0x1f: {  	s15 =	smax.u32 s8, $0x1;
	[dreg:$0x17] =	wrdreg s21;
	s25 =	sadd.s32 $0xBBF80, s2  }
0x20: {  	s16 =	simm.s32 $0x190;
	s18 =	simm.s32 $0x4B0;
	[dreg:$0x13] =	wrdreg s15  }
0x21: {  	s19 =	simm.s32 $0x640;
	s8 =	simm.s32 $0x0;
	[dreg:$0x19] =	wrdreg s25  }
0x22: {  	s15 =	simm.s32 $0x3;
	s25 =	simm.s32 $0x1;
	s22 =	sadd.s32 s11, s7  }
0x23: {  	v0 =	vimm.f32 $0.0e+00;
	s23 =	sadd.s32 s11, s6;
	s7 =	sadd.s32 $0xBF180, s2;
	s6 =	simm.s32 $0x2  }
.LBB2_1:
0x24: {  	s9 =	simm.s32 $0x40;
	s11 =	simm.s32 $0x0  }
.LBB2_2:
0x25: {  	p1 =	sne.s32 s9, $0x63C0;
	[tilespmem:s11+$0x640] =	vst v0;
	s10 =	smov.u32 s9;
	s9 =	sadd.s32 $0x40, s9  }
.Ltmp0:
0x26: {  	(pc) =	sbr.rel @p1 .LBB2_2-.Ltmp0, $2  }
0x27: {  	_ =	sdelay $0x2  }
0x28: {  	s11 =	sshra.s32 s10, $0x2  }
0x29: {  	s0 =	rddreg [dreg:$0x16]  }
0x2a: {  	s9 =	simm.s32 @p0 $0x1;
	[tilespmem:s11+$0x640] =	vst v0;
	s11 =	simm.s32 @p0 $0x2;
	s12 =	simm.s32 @p0 $0x10  }
0x2b: {  	s20 =	simm.s32 @p0 $0x1FC3;
	s10 =	sshrl.u32 @p0 s0, $0x3;
	s0 =	rddreg [dreg:$0xa]  }
0x2c: {  	[spmem:s10@s11], [sflag:s20] =	dma.strided @p0 [hbm:s0@s12], $0x1810, s9, $0x2   }
0x2d: {  	s9 =	simm.s32 @p0 $0x3  }
0x2e: {  	_ =	swait.ge @p0 [sflag:s9], $0x1810  }
0x2f: {  	[sflag:s9] =	ssyncset.done @p0 $0x0  }
0x30: {  	s11 =	simm.s32 @p0 $0x640;
	[sflag:s9] =	ssyncadd.s32 @p0 $0xFFFFE7F0  }
0x31: {  	[spmem:s30] =	stream.linear.scatter @p0 [tilespmem:s11], [sflag:$0x3], $0x1900, $0x38;
	[tilespmem:$0x1BEE0] =	vst v63  }
0x32: {  	_ =	swait.ge @p0 [sflag:s9], $0x1900  }
0x33: {  	[sflag:s9] =	ssyncset.done @p0 $0x0  }
0x34: {  	s0 =	rddreg [dreg:$0x17];
	[sflag:s9] =	ssyncadd.s32 @p0 $0xFFFFE700  }
0x35: {  	[spmem:s0] =	stream.linear.scatter @p0 [tilespmem:s11], [sflag:$0x3], $0x1900, $0x38;
	[tilespmem:$0x1BEE0] =	vst v63  }
0x36: {  	_ =	swait.ge @p0 [sflag:s9], $0x1900  }
0x37: {  	[sflag:s9] =	ssyncset.done @p0 $0x0  }
0x38: {  	s0 =	rddreg [dreg:$0x18];
	[sflag:s9] =	ssyncadd.s32 @p0 $0xFFFFE700  }
0x39: {  	[spmem:s0] =	stream.linear.scatter @p0 [tilespmem:s11], [sflag:$0x3], $0x1900, $0x38;
	[tilespmem:$0x1BEE0] =	vst v63  }
0x3a: {  	_ =	swait.ge @p0 [sflag:s9], $0x1900  }
0x3b: {  	[sflag:s9] =	ssyncset.done @p0 $0x0  }
0x3c: {  	s0 =	rddreg [dreg:$0x19];
	[sflag:s9] =	ssyncadd.s32 @p0 $0xFFFFE700  }
0x3d: {  	[spmem:s0] =	stream.linear.scatter @p0 [tilespmem:s11], [sflag:$0x3], $0x1900, $0x38;
	[tilespmem:$0x1BEE0] =	vst v63  }
0x3e: {  	_ =	swait.ge @p0 [sflag:s9], $0x1900  }
0x3f: {  	[sflag:s9] =	ssyncset.done @p0 $0x0  }
0x40: {  	s0 =	rddreg [dreg:$0x1a];
	[sflag:s9] =	ssyncadd.s32 @p0 $0xFFFFE700  }
0x41: {  	[spmem:s0] =	stream.linear.scatter @p0 [tilespmem:s11], [sflag:$0x3], $0x1900, $0x38;
	[tilespmem:$0x1BEE0] =	vst v63  }
0x42: {  	_ =	swait.ge @p0 [sflag:s9], $0x1900  }
0x43: {  	[sflag:s9] =	ssyncset.done @p0 $0x0  }
0x44: {  	[sflag:s9] =	ssyncadd.s32 @p0 $0xFFFFE700  }
0x45: {  	[spmem:s7] =	stream.linear.scatter @p0 [tilespmem:s11], [sflag:$0x3], $0x1900, $0x38;
	[tilespmem:$0x1BEE0] =	vst v63  }
0x46: {  	_ =	swait.ge @p0 [sflag:s9], $0x1900  }
0x47: {  	[sflag:s9] =	ssyncset.done @p0 $0x0  }
0x48: {  	[sflag:s9] =	ssyncadd.s32 @p0 $0xFFFFE700  }
0x49: {  	[spmem:s13] =	stream.linear.scatter @p0 [tilespmem:s11], [sflag:$0x3], $0x1900, $0x38;
	[tilespmem:$0x1BEE0] =	vst v63  }
0x4a: {  	_ =	swait.ge @p0 [sflag:s9], $0x1900  }
0x4b: {  	[sflag:s9] =	ssyncset.done @p0 $0x0  }
0x4c: {  	[sflag:s9] =	ssyncadd.s32 @p0 $0xFFFFE700  }
0x4d: {  	[spmem:s14] =	stream.linear.scatter @p0 [tilespmem:s11], [sflag:$0x3], $0x1180, $0x38;
	[tilespmem:$0x1BEE0] =	vst v63  }
0x4e: {  	s21 =	simm.s32 @!p0 $0x10;
	s11 =	stileid.u32;
	_ =	swait.ge @p0 [sflag:s9], $0x1180  }
0x4f: {  	s12 =	simm.s32 @!p0 $0x1;
	s11 =	sshll.u32 @!p0 s11, $0x6;
	[sflag:s9] =	ssyncset.done @p0 $0x0  }
0x50: {  	[sflag:s9] =	ssyncadd.s32 @p0 $0xFFFFEE80;
	s9 =	sor.u32 @!p0 $0x1C03, s11;
	s11 =	rddreg [dreg:$0x4]  }
0x51: {  	s20 =	simm.s32 @!p0 $0x2;
	s24 =	rddreg [dreg:$0x6];
	s11 =	sshrl.u32 @!p0 s11, $0x3  }
0x52: {  	[spmem:s11@s20], [sflag:s9] =	dma.strided @!p0 [hbm:s24@s21], $0x1870, s12, $0x2   }
0x53: {  	s12 =	simm.s32 @!p0 $0x3  }
0x54: {  	_ =	swait.ge @!p0 [sflag:s12], $0x1870  }
0x55: {  	[sflag:s12] =	ssyncset.done @!p0 $0x0  }
0x56: {  	s20 =	simm.s32 @!p0 $0x640;
	[sflag:s12] =	ssyncadd.s32 @!p0 $0xFFFFE790  }
0x57: {  	[spmem:s28] =	stream.linear.scatter @!p0 [tilespmem:s20], [sflag:$0x3], $0x1900, $0x38;
	[tilespmem:$0x1BEE0] =	vst v63  }
0x58: {  	_ =	swait.ge @!p0 [sflag:s12], $0x1900  }
0x59: {  	[sflag:s12] =	ssyncset.done @!p0 $0x0  }
0x5a: {  	[sflag:s12] =	ssyncadd.s32 @!p0 $0xFFFFE700  }
0x5b: {  	[spmem:s31] =	stream.linear.scatter @!p0 [tilespmem:s20], [sflag:$0x3], $0x1900, $0x38;
	[tilespmem:$0x1BEE0] =	vst v63  }
0x5c: {  	_ =	swait.ge @!p0 [sflag:s12], $0x1900  }
0x5d: {  	[sflag:s12] =	ssyncset.done @!p0 $0x0  }
0x5e: {  	s21 =	rddreg [dreg:$0x7];
	[sflag:s12] =	ssyncadd.s32 @!p0 $0xFFFFE700  }
0x5f: {  	[spmem:s21] =	stream.linear.scatter @!p0 [tilespmem:s20], [sflag:$0x3], $0x1900, $0x38;
	[tilespmem:$0x1BEE0] =	vst v63  }
0x60: {  	_ =	swait.ge @!p0 [sflag:s12], $0x1900  }
0x61: {  	[sflag:s12] =	ssyncset.done @!p0 $0x0  }
0x62: {  	s21 =	rddreg [dreg:$0x8];
	[sflag:s12] =	ssyncadd.s32 @!p0 $0xFFFFE700  }
0x63: {  	[spmem:s21] =	stream.linear.scatter @!p0 [tilespmem:s20], [sflag:$0x3], $0x1900, $0x38;
	[tilespmem:$0x1BEE0] =	vst v63  }
0x64: {  	_ =	swait.ge @!p0 [sflag:s12], $0x1900  }
0x65: {  	[sflag:s12] =	ssyncset.done @!p0 $0x0  }
0x66: {  	s21 =	rddreg [dreg:$0x9];
	[sflag:s12] =	ssyncadd.s32 @!p0 $0xFFFFE700  }
0x67: {  	[spmem:s21] =	stream.linear.scatter @!p0 [tilespmem:s20], [sflag:$0x3], $0x1900, $0x38;
	[tilespmem:$0x1BEE0] =	vst v63  }
0x68: {  	_ =	swait.ge @!p0 [sflag:s12], $0x1900  }
0x69: {  	[sflag:s12] =	ssyncset.done @!p0 $0x0  }
0x6a: {  	s5 =	rddreg [dreg:$0x12];
	[sflag:s12] =	ssyncadd.s32 @!p0 $0xFFFFE700  }
0x6b: {  	[spmem:s5] =	stream.linear.scatter @!p0 [tilespmem:s20], [sflag:$0x3], $0x1900, $0x38;
	[tilespmem:$0x1BEE0] =	vst v63  }
0x6c: {  	_ =	swait.ge @!p0 [sflag:s12], $0x1900  }
0x6d: {  	[sflag:s12] =	ssyncset.done @!p0 $0x0  }
0x6e: {  	s5 =	rddreg [dreg:$0x14];
	[sflag:s12] =	ssyncadd.s32 @!p0 $0xFFFFE700  }
0x6f: {  	[spmem:s5] =	stream.linear.scatter @!p0 [tilespmem:s20], [sflag:$0x3], $0x1900, $0x38;
	[tilespmem:$0x1BEE0] =	vst v63  }
0x70: {  	_ =	swait.ge @!p0 [sflag:s12], $0x1900  }
0x71: {  	[sflag:s12] =	ssyncset.done @!p0 $0x0  }
0x72: {  	s5 =	rddreg [dreg:$0x15];
	[sflag:s12] =	ssyncadd.s32 @!p0 $0xFFFFE700  }
0x73: {  	[spmem:s5] =	stream.linear.scatter @!p0 [tilespmem:s20], [sflag:$0x3], $0x1480, $0x38;
	[tilespmem:$0x1BEE0] =	vst v63  }
0x74: {  	_ =	swait.ge @!p0 [sflag:s12], $0x1480  }
0x75: {  	[sflag:s12] =	ssyncset.done @!p0 $0x0  }
0x76: {  	[sflag:s12] =	ssyncadd.s32 @!p0 $0xFFFFEB80  }
0x77: {  	s24 =	sadd.s32 $0x0, s23;
	[bflag:$0x0] =	sbarrier.arrive $0xFFFF  }
0x78: {  	[tilespmem:s3], [sflag:$0x3] =	stream.linear.gather [hbm4b:s24+s3], $0x190, $0x38;
	[tilespmem:$0x1BEE0] =	vst v63  }
0x79: {  	_ =	swait.ge [sflag:s15], $0x190  }
0x7a: {  	[sflag:s15] =	ssyncset.done $0x0  }
0x7b: {  	s26 =	sadd.s32 $0x0, s22;
	[sflag:s15] =	ssyncadd.s32 $0xFFFFFE70  }
0x7c: {  	[tilespmem:s16], [sflag:$0x3] =	stream.linear.gather [hbm4b:s26+s3], $0x190, $0x38;
	[tilespmem:$0x1BEE0] =	vst v63  }
0x7d: {  	_ =	swait.ge [sflag:s15], $0x190  }
0x7e: {  	[sflag:s15] =	ssyncset.done $0x0  }
0x7f: {  	s12 =	sadd.s32 $0x32, s24;
	[sflag:s15] =	ssyncadd.s32 $0xFFFFFE70  }
0x80: {  	[tilespmem:s17], [sflag:$0x1] =	stream.linear.gather [hbm4b:s12+s3], $0x190, $0x38;
	[tilespmem:$0x1BEE0] =	vst v63  }
0x81: {  	s0 =	smov.u32 s31;
	s31 =	sadd.s32 $0x32, s26  }
0x82: {  	[tilespmem:s18], [sflag:$0x1] =	stream.linear.gather [hbm4b:s31+s3], $0x190, $0x38;
	[tilespmem:$0x1BEE0] =	vst v63  }
0x83: {  	_ = 	snop  }
0x84: {  	[tilespmem:s19], [sflag:$0x3] =	stream.indirect.gather [spmem:s1], $0x10, s3, s16, $0xb8;
	[tilespmem:$0x1BEE0] =	vst v63  }
0x85: {  	_ =	swait.ge [sflag:s15], $0x1900  }
0x86: {  	[sflag:s15] =	ssyncset.done $0x0  }
0x87: {  	[sflag:s15] =	ssyncadd.s32 $0xFFFFE700  }
0x88: {  	[spmem:s2] =	stream.indirect.scatter.add.f32 [tilespmem:s19], [sflag:$0x2], $0x10, s16, s16, $0xb8;
	[tilespmem:$0x1BEE0] =	vst v63  }
0x89: {  	_ =	swait.ge [sflag:s25], $0x190  }
0x8a: {  	[sflag:s25] =	ssyncset.done $0x0  }
0x8b: {  	[sflag:s25] =	ssyncadd.s32 $0xFFFFFE70  }
0x8c: {  	_ =	swait.ge [sflag:s25], $0x190  }
0x8d: {  	[sflag:s25] =	ssyncset.done $0x0  }
0x8e: {  	[sflag:s25] =	ssyncadd.s32 $0xFFFFFE70  }
0x8f: {  	[tilespmem:s29], [sflag:$0x3] =	stream.indirect.gather [spmem:s1], $0x10, s17, s16, $0xb8;
	[tilespmem:$0x1BEE0] =	vst v63  }
0x90: {  	_ =	swait.ge [sflag:s15], $0x1900  }
0x91: {  	[sflag:s15] =	ssyncset.done $0x0  }
0x92: {  	[sflag:s15] =	ssyncadd.s32 $0xFFFFE700  }
0x93: {  	_ =	swait.ge [sflag:s6], $0x1900  }
0x94: {  	[sflag:s6] =	ssyncset.done $0x0  }
0x95: {  	[sflag:s6] =	ssyncadd.s32 $0xFFFFE700  }
0x96: {  	[spmem:s2] =	stream.indirect.scatter.add.f32 [tilespmem:s29], [sflag:$0x2], $0x10, s18, s16, $0xb8;
	[tilespmem:$0x1BEE0] =	vst v63  }
0x97: {  	_ =	swait.ge [sflag:s6], $0x1900  }
0x98: {  	s21 =	simm.s32 $0xC8;
	s12 =	simm.s32 $0x64;
	[sflag:s6] =	ssyncset.done $0x0  }
.LBB2_4:
0x99: {  	s24 =	sadd.s32 s12, s23  }
0x9a: {  	[sflag:s6] =	ssyncadd.s32 $0xFFFFE700;
	s26 =	smov.u32 s21;
	s20 =	sadd.s32 $0x64, s21  }
0x9b: {  	[tilespmem:s3], [sflag:$0x3] =	stream.linear.gather [hbm4b:s24+s3], $0x190, $0x38;
	[tilespmem:$0x1BEE0] =	vst v63  }
0x9c: {  	p1 =	sne.s32 s21, $0x17D4;
	_ =	swait.ge [sflag:s15], $0x190  }
0x9d: {  	[sflag:s15] =	ssyncset.done $0x0  }
0x9e: {  	s21 =	sadd.s32 s12, s22;
	s12 =	smov.u32 s26;
	[sflag:s15] =	ssyncadd.s32 $0xFFFFFE70  }
0x9f: {  	[tilespmem:s16], [sflag:$0x3] =	stream.linear.gather [hbm4b:s21+s3], $0x190, $0x38;
	[tilespmem:$0x1BEE0] =	vst v63  }
0xa0: {  	_ =	swait.ge [sflag:s15], $0x190  }
0xa1: {  	[sflag:s15] =	ssyncset.done $0x0  }
0xa2: {  	s24 =	sadd.s32 $0x32, s24;
	[sflag:s15] =	ssyncadd.s32 $0xFFFFFE70  }
0xa3: {  	[tilespmem:s17], [sflag:$0x1] =	stream.linear.gather [hbm4b:s24+s3], $0x190, $0x38;
	[tilespmem:$0x1BEE0] =	vst v63  }
0xa4: {  	s21 =	sadd.s32 $0x32, s21  }
0xa5: {  	[tilespmem:s18], [sflag:$0x1] =	stream.linear.gather [hbm4b:s21+s3], $0x190, $0x38;
	[tilespmem:$0x1BEE0] =	vst v63  }
0xa6: {  	_ = 	snop  }
0xa7: {  	[tilespmem:s19], [sflag:$0x3] =	stream.indirect.gather [spmem:s1], $0x10, s3, s16, $0xb8;
	[tilespmem:$0x1BEE0] =	vst v63  }
0xa8: {  	_ =	swait.ge [sflag:s15], $0x1900  }
0xa9: {  	[sflag:s15] =	ssyncset.done $0x0  }
0xaa: {  	[sflag:s15] =	ssyncadd.s32 $0xFFFFE700  }
0xab: {  	[spmem:s2] =	stream.indirect.scatter.add.f32 [tilespmem:s19], [sflag:$0x2], $0x10, s16, s16, $0xb8;
	[tilespmem:$0x1BEE0] =	vst v63  }
0xac: {  	_ =	swait.ge [sflag:s25], $0x190  }
0xad: {  	[sflag:s25] =	ssyncset.done $0x0  }
0xae: {  	[sflag:s25] =	ssyncadd.s32 $0xFFFFFE70  }
0xaf: {  	_ =	swait.ge [sflag:s25], $0x190  }
0xb0: {  	[sflag:s25] =	ssyncset.done $0x0  }
0xb1: {  	[sflag:s25] =	ssyncadd.s32 $0xFFFFFE70  }
0xb2: {  	[tilespmem:s29], [sflag:$0x3] =	stream.indirect.gather [spmem:s1], $0x10, s17, s16, $0xb8;
	[tilespmem:$0x1BEE0] =	vst v63  }
0xb3: {  	_ =	swait.ge [sflag:s15], $0x1900  }
0xb4: {  	[sflag:s15] =	ssyncset.done $0x0  }
0xb5: {  	[sflag:s15] =	ssyncadd.s32 $0xFFFFE700  }
0xb6: {  	_ =	swait.ge [sflag:s6], $0x1900  }
.Ltmp1:
0xb7: {  	[sflag:s6] =	ssyncset.done $0x0;
	(pc) =	sbr.rel @p1 .LBB2_4-.Ltmp1, $4  }
0xb8: {  	[sflag:s6] =	ssyncadd.s32 $0xFFFFE700  }
0xb9: {  	[spmem:s2] =	stream.indirect.scatter.add.f32 [tilespmem:s29], [sflag:$0x2], $0x10, s18, s16, $0xb8;
	[tilespmem:$0x1BEE0] =	vst v63  }
0xba: {  	_ =	swait.ge [sflag:s6], $0x1900  }
0xbb: {  	s21 =	smov.u32 s20;
	[sflag:s6] =	ssyncset.done $0x0  }
0xbc: {  	s20 =	sadd.s32 s12, s23;
	[sflag:s6] =	ssyncadd.s32 $0xFFFFE700  }
0xbd: {  	[tilespmem:s3], [sflag:$0x3] =	stream.linear.gather [hbm4b:s20+s3], $0x190, $0x38;
	[tilespmem:$0x1BEE0] =	vst v63  }
0xbe: {  	_ =	swait.ge [sflag:s15], $0x190  }
0xbf: {  	[sflag:s15] =	ssyncset.done $0x0  }
0xc0: {  	s26 =	sadd.s32 s12, s22;
	[sflag:s15] =	ssyncadd.s32 $0xFFFFFE70  }
0xc1: {  	[tilespmem:s16], [sflag:$0x3] =	stream.linear.gather [hbm4b:s26+s3], $0x190, $0x38;
	[tilespmem:$0x1BEE0] =	vst v63  }
0xc2: {  	_ =	swait.ge [sflag:s15], $0x190  }
0xc3: {  	[sflag:s15] =	ssyncset.done $0x0  }
0xc4: {  	s20 =	sadd.s32 $0x32, s20;
	[sflag:s15] =	ssyncadd.s32 $0xFFFFFE70  }
0xc5: {  	[tilespmem:s17], [sflag:$0x1] =	stream.linear.gather [hbm4b:s20+s3], $0x190, $0x38;
	[tilespmem:$0x1BEE0] =	vst v63  }
0xc6: {  	s12 =	sadd.s32 $0x32, s26  }
0xc7: {  	[tilespmem:s18], [sflag:$0x1] =	stream.linear.gather [hbm4b:s12+s3], $0x190, $0x38;
	[tilespmem:$0x1BEE0] =	vst v63  }
0xc8: {  	_ = 	snop  }
0xc9: {  	[tilespmem:s19], [sflag:$0x3] =	stream.indirect.gather [spmem:s1], $0x10, s3, s16, $0xb8;
	[tilespmem:$0x1BEE0] =	vst v63  }
0xca: {  	_ =	swait.ge [sflag:s15], $0x1900  }
0xcb: {  	[sflag:s15] =	ssyncset.done $0x0  }
0xcc: {  	[sflag:s15] =	ssyncadd.s32 $0xFFFFE700  }
0xcd: {  	[spmem:s2] =	stream.indirect.scatter.add.f32 [tilespmem:s19], [sflag:$0x2], $0x10, s16, s16, $0xb8;
	[tilespmem:$0x1BEE0] =	vst v63  }
0xce: {  	_ =	swait.ge [sflag:s25], $0x190  }
0xcf: {  	[sflag:s25] =	ssyncset.done $0x0  }
0xd0: {  	[sflag:s25] =	ssyncadd.s32 $0xFFFFFE70  }
0xd1: {  	_ =	swait.ge [sflag:s25], $0x190  }
0xd2: {  	[sflag:s25] =	ssyncset.done $0x0  }
0xd3: {  	[sflag:s25] =	ssyncadd.s32 $0xFFFFFE70  }
0xd4: {  	[tilespmem:s29], [sflag:$0x3] =	stream.indirect.gather [spmem:s1], $0x10, s17, s16, $0xb8;
	[tilespmem:$0x1BEE0] =	vst v63  }
0xd5: {  	_ =	swait.ge [sflag:s15], $0x1900  }
0xd6: {  	[sflag:s15] =	ssyncset.done $0x0  }
0xd7: {  	[sflag:s15] =	ssyncadd.s32 $0xFFFFE700  }
0xd8: {  	_ =	swait.ge [sflag:s6], $0x1900  }
0xd9: {  	[sflag:s6] =	ssyncset.done $0x0  }
0xda: {  	[sflag:s6] =	ssyncadd.s32 $0xFFFFE700  }
0xdb: {  	[spmem:s2] =	stream.indirect.scatter.add.f32 [tilespmem:s29], [sflag:$0x2], $0x10, s18, s16, $0xb8;
	[tilespmem:$0x1BEE0] =	vst v63  }
0xdc: {  	_ =	swait.ge [sflag:s6], $0x1900  }
0xdd: {  	[sflag:s6] =	ssyncset.done $0x0  }
0xde: {  	[sflag:s6] =	ssyncadd.s32 $0xFFFFE700  }
0xdf: {  	[tilespmem:s3], [sflag:$0x3] =	stream.linear.gather [hbm4b:s4+s3], $0x190, $0x38;
	[tilespmem:$0x1BEE0] =	vst v63  }
0xe0: {  	_ =	swait.ge [sflag:s15], $0x190  }
0xe1: {  	[sflag:s15] =	ssyncset.done $0x0  }
0xe2: {  	s31 =	smov.u32 s28;
	s28 =	rddreg [dreg:$0x11];
	[sflag:s15] =	ssyncadd.s32 $0xFFFFFE70  }
0xe3: {  	[tilespmem:s16], [sflag:$0x3] =	stream.linear.gather [hbm4b:s28+s3], $0x190, $0x38;
	[tilespmem:$0x1BEE0] =	vst v63  }
0xe4: {  	_ =	swait.ge [sflag:s15], $0x190  }
0xe5: {  	[sflag:s15] =	ssyncset.done $0x0  }
0xe6: {  	[sflag:s15] =	ssyncadd.s32 $0xFFFFFE70  }
0xe7: {  	[tilespmem:s19], [sflag:$0x3] =	stream.indirect.gather [spmem:s1], $0x10, s3, s16, $0xb8;
	[tilespmem:$0x1BEE0] =	vst v63  }
0xe8: {  	_ =	swait.ge [sflag:s15], $0x1900  }
0xe9: {  	[sflag:s15] =	ssyncset.done $0x0  }
0xea: {  	[sflag:s15] =	ssyncadd.s32 $0xFFFFE700  }
0xeb: {  	[spmem:s2] =	stream.indirect.scatter.add.f32 [tilespmem:s19], [sflag:$0x3], $0x10, s16, s16, $0xb8;
	[tilespmem:$0x1BEE0] =	vst v63  }
0xec: {  	_ =	swait.ge [sflag:s15], $0x1900  }
0xed: {  	[sflag:s15] =	ssyncset.done $0x0  }
0xee: {  	s21 =	simm.s32 @p0 $0x10;
	[sflag:s15] =	ssyncadd.s32 $0xFFFFE700  }
0xef: {  	s24 =	simm.s32 @p0 $0x2;
	s26 =	simm.s32 @p0 $0x1FC3;
	[bflag:$0x0] =	sbarrier.arrive $0xFFFF  }
0xf0: {  	s20 =	simm.s32 @p0 $0x1;
	s12 =	sshrl.u32 @p0 s30, $0x3;
	s28 =	rddreg [dreg:$0xe]  }
0xf1: {  	[hbm:s28@s21], [sflag:s26] =	dma.strided @p0 [spmem:s12@s24], $0x1810, s20, $0x2   }
0xf2: {  	s20 =	simm.s32 @p0 $0x3  }
0xf3: {  	_ =	swait.ge @p0 [sflag:s20], $0x1810  }
0xf4: {  	s21 =	simm.s32 @!p0 $0x1;
	[sflag:s20] =	ssyncset.done @p0 $0x0  }
0xf5: {  	s24 =	simm.s32 @!p0 $0x10;
	[sflag:s20] =	ssyncadd.s32 @p0 $0xFFFFE7F0;
	s20 =	rddreg [dreg:$0x5]  }
0xf6: {  	s26 =	simm.s32 @!p0 $0x2;
	s28 =	rddreg [dreg:$0xb];
	s20 =	sshrl.u32 @!p0 s20, $0x3  }
0xf7: {  	[hbm:s28@s24], [sflag:s9] =	dma.strided @!p0 [spmem:s20@s26], $0x1870, s21, $0x2   }
0xf8: {  	s21 =	simm.s32 @!p0 $0x3  }
0xf9: {  	_ =	swait.ge @!p0 [sflag:s21], $0x1870  }
0xfa: {  	[sflag:s21] =	ssyncset.done @!p0 $0x0  }
0xfb: {  	s5 =	smov.u32 s4;
	[sflag:s21] =	ssyncadd.s32 @!p0 $0xFFFFE790  }
0xfc: {  	s24 =	simm.s32 $0x0;
	s21 =	simm.s32 $0x40;
	[bflag:$0x0] =	sbarrier.arrive $0xFFFF  }
.LBB2_6:
0xfd: {  	p1 =	sne.s32 s21, $0x63C0;
	[tilespmem:s24+$0x640] =	vst v0;
	s24 =	smov.u32 s21;
	s21 =	sadd.s32 $0x40, s21  }
.Ltmp2:
0xfe: {  	(pc) =	sbr.rel @p1 .LBB2_6-.Ltmp2, $2  }
0xff: {  	_ =	sdelay $0x2  }
0x100: {  	s24 =	sshra.s32 s24, $0x2  }
0x101: {  	s21 =	simm.s32 @p0 $0x1;
	[tilespmem:s24+$0x640] =	vst v0;
	s24 =	simm.s32 @p0 $0x2  }
0x102: {  	s26 =	simm.s32 @p0 $0x10;
	s28 =	simm.s32 @p0 $0x1FC3;
	s4 =	rddreg [dreg:$0xf]  }
0x103: {  	[spmem:s10@s24], [sflag:s28] =	dma.strided @p0 [hbm:s4@s26], $0x1810, s21, $0x2   }
0x104: {  	s10 =	simm.s32 @p0 $0x3  }
0x105: {  	_ =	swait.ge @p0 [sflag:s10], $0x1810  }
0x106: {  	[sflag:s10] =	ssyncset.done @p0 $0x0  }
0x107: {  	s21 =	simm.s32 @p0 $0x640;
	[sflag:s10] =	ssyncadd.s32 @p0 $0xFFFFE7F0  }
0x108: {  	[spmem:s30] =	stream.linear.scatter @p0 [tilespmem:s21], [sflag:$0x3], $0x1900, $0x38;
	[tilespmem:$0x1BEE0] =	vst v63  }
0x109: {  	_ =	swait.ge @p0 [sflag:s10], $0x1900  }
0x10a: {  	[sflag:s10] =	ssyncset.done @p0 $0x0  }
0x10b: {  	s4 =	rddreg [dreg:$0x17];
	[sflag:s10] =	ssyncadd.s32 @p0 $0xFFFFE700  }
0x10c: {  	[spmem:s4] =	stream.linear.scatter @p0 [tilespmem:s21], [sflag:$0x3], $0x1900, $0x38;
	[tilespmem:$0x1BEE0] =	vst v63  }
0x10d: {  	_ =	swait.ge @p0 [sflag:s10], $0x1900  }
0x10e: {  	[sflag:s10] =	ssyncset.done @p0 $0x0  }
0x10f: {  	s4 =	rddreg [dreg:$0x18];
	[sflag:s10] =	ssyncadd.s32 @p0 $0xFFFFE700  }
0x110: {  	[spmem:s4] =	stream.linear.scatter @p0 [tilespmem:s21], [sflag:$0x3], $0x1900, $0x38;
	[tilespmem:$0x1BEE0] =	vst v63  }
0x111: {  	_ =	swait.ge @p0 [sflag:s10], $0x1900  }
0x112: {  	[sflag:s10] =	ssyncset.done @p0 $0x0  }
0x113: {  	s4 =	rddreg [dreg:$0x19];
	[sflag:s10] =	ssyncadd.s32 @p0 $0xFFFFE700  }
0x114: {  	[spmem:s4] =	stream.linear.scatter @p0 [tilespmem:s21], [sflag:$0x3], $0x1900, $0x38;
	[tilespmem:$0x1BEE0] =	vst v63  }
0x115: {  	_ =	swait.ge @p0 [sflag:s10], $0x1900  }
0x116: {  	[sflag:s10] =	ssyncset.done @p0 $0x0  }
0x117: {  	s4 =	rddreg [dreg:$0x1a];
	[sflag:s10] =	ssyncadd.s32 @p0 $0xFFFFE700  }
0x118: {  	[spmem:s4] =	stream.linear.scatter @p0 [tilespmem:s21], [sflag:$0x3], $0x1900, $0x38;
	[tilespmem:$0x1BEE0] =	vst v63  }
0x119: {  	_ =	swait.ge @p0 [sflag:s10], $0x1900  }
0x11a: {  	[sflag:s10] =	ssyncset.done @p0 $0x0  }
0x11b: {  	[sflag:s10] =	ssyncadd.s32 @p0 $0xFFFFE700  }
0x11c: {  	[spmem:s7] =	stream.linear.scatter @p0 [tilespmem:s21], [sflag:$0x3], $0x1900, $0x38;
	[tilespmem:$0x1BEE0] =	vst v63  }
0x11d: {  	_ =	swait.ge @p0 [sflag:s10], $0x1900  }
0x11e: {  	[sflag:s10] =	ssyncset.done @p0 $0x0  }
0x11f: {  	[sflag:s10] =	ssyncadd.s32 @p0 $0xFFFFE700  }
0x120: {  	[spmem:s13] =	stream.linear.scatter @p0 [tilespmem:s21], [sflag:$0x3], $0x1900, $0x38;
	[tilespmem:$0x1BEE0] =	vst v63  }
0x121: {  	_ =	swait.ge @p0 [sflag:s10], $0x1900  }
0x122: {  	[sflag:s10] =	ssyncset.done @p0 $0x0  }
0x123: {  	[sflag:s10] =	ssyncadd.s32 @p0 $0xFFFFE700  }
0x124: {  	[spmem:s14] =	stream.linear.scatter @p0 [tilespmem:s21], [sflag:$0x3], $0x1180, $0x38;
	[tilespmem:$0x1BEE0] =	vst v63  }
0x125: {  	_ =	swait.ge @p0 [sflag:s10], $0x1180  }
0x126: {  	s24 =	simm.s32 @!p0 $0x10;
	s21 =	simm.s32 @!p0 $0x2;
	[sflag:s10] =	ssyncset.done @p0 $0x0  }
0x127: {  	s26 =	rddreg [dreg:$0xc];
	[sflag:s10] =	ssyncadd.s32 @p0 $0xFFFFEE80;
	s10 =	simm.s32 @!p0 $0x1  }
0x128: {  	[spmem:s11@s21], [sflag:s9] =	dma.strided @!p0 [hbm:s26@s24], $0x1870, s10, $0x2   }
0x129: {  	s10 =	simm.s32 @!p0 $0x3  }
0x12a: {  	_ =	swait.ge @!p0 [sflag:s10], $0x1870  }
0x12b: {  	[sflag:s10] =	ssyncset.done @!p0 $0x0  }
0x12c: {  	s11 =	simm.s32 @!p0 $0x640;
	[sflag:s10] =	ssyncadd.s32 @!p0 $0xFFFFE790  }
0x12d: {  	[spmem:s31] =	stream.linear.scatter @!p0 [tilespmem:s11], [sflag:$0x3], $0x1900, $0x38;
	[tilespmem:$0x1BEE0] =	vst v63  }
0x12e: {  	_ =	swait.ge @!p0 [sflag:s10], $0x1900  }
0x12f: {  	[sflag:s10] =	ssyncset.done @!p0 $0x0  }
0x130: {  	[sflag:s10] =	ssyncadd.s32 @!p0 $0xFFFFE700  }
0x131: {  	[spmem:s0] =	stream.linear.scatter @!p0 [tilespmem:s11], [sflag:$0x3], $0x1900, $0x38;
	[tilespmem:$0x1BEE0] =	vst v63  }
0x132: {  	_ =	swait.ge @!p0 [sflag:s10], $0x1900  }
0x133: {  	s28 =	smov.u32 s31;
	[sflag:s10] =	ssyncset.done @!p0 $0x0  }
0x134: {  	s31 =	smov.u32 s0;
	s0 =	rddreg [dreg:$0x7];
	[sflag:s10] =	ssyncadd.s32 @!p0 $0xFFFFE700  }
0x135: {  	[spmem:s0] =	stream.linear.scatter @!p0 [tilespmem:s11], [sflag:$0x3], $0x1900, $0x38;
	[tilespmem:$0x1BEE0] =	vst v63  }
0x136: {  	_ =	swait.ge @!p0 [sflag:s10], $0x1900  }
0x137: {  	[sflag:s10] =	ssyncset.done @!p0 $0x0  }
0x138: {  	s0 =	rddreg [dreg:$0x8];
	[sflag:s10] =	ssyncadd.s32 @!p0 $0xFFFFE700  }
0x139: {  	[spmem:s0] =	stream.linear.scatter @!p0 [tilespmem:s11], [sflag:$0x3], $0x1900, $0x38;
	[tilespmem:$0x1BEE0] =	vst v63  }
0x13a: {  	_ =	swait.ge @!p0 [sflag:s10], $0x1900  }
0x13b: {  	[sflag:s10] =	ssyncset.done @!p0 $0x0  }
0x13c: {  	s0 =	rddreg [dreg:$0x9];
	[sflag:s10] =	ssyncadd.s32 @!p0 $0xFFFFE700  }
0x13d: {  	[spmem:s0] =	stream.linear.scatter @!p0 [tilespmem:s11], [sflag:$0x3], $0x1900, $0x38;
	[tilespmem:$0x1BEE0] =	vst v63  }
0x13e: {  	_ =	swait.ge @!p0 [sflag:s10], $0x1900  }
0x13f: {  	[sflag:s10] =	ssyncset.done @!p0 $0x0  }
0x140: {  	s0 =	rddreg [dreg:$0x12];
	[sflag:s10] =	ssyncadd.s32 @!p0 $0xFFFFE700  }
0x141: {  	[spmem:s0] =	stream.linear.scatter @!p0 [tilespmem:s11], [sflag:$0x3], $0x1900, $0x38;
	[tilespmem:$0x1BEE0] =	vst v63  }
0x142: {  	_ =	swait.ge @!p0 [sflag:s10], $0x1900  }
0x143: {  	[sflag:s10] =	ssyncset.done @!p0 $0x0  }
0x144: {  	s0 =	rddreg [dreg:$0x14];
	[sflag:s10] =	ssyncadd.s32 @!p0 $0xFFFFE700  }
0x145: {  	[spmem:s0] =	stream.linear.scatter @!p0 [tilespmem:s11], [sflag:$0x3], $0x1900, $0x38;
	[tilespmem:$0x1BEE0] =	vst v63  }
0x146: {  	_ =	swait.ge @!p0 [sflag:s10], $0x1900  }
0x147: {  	[sflag:s10] =	ssyncset.done @!p0 $0x0  }
0x148: {  	s0 =	rddreg [dreg:$0x15];
	[sflag:s10] =	ssyncadd.s32 @!p0 $0xFFFFE700  }
0x149: {  	[spmem:s0] =	stream.linear.scatter @!p0 [tilespmem:s11], [sflag:$0x3], $0x1480, $0x38;
	[tilespmem:$0x1BEE0] =	vst v63  }
0x14a: {  	_ =	swait.ge @!p0 [sflag:s10], $0x1480  }
0x14b: {  	[sflag:s10] =	ssyncset.done @!p0 $0x0  }
0x14c: {  	[sflag:s10] =	ssyncadd.s32 @!p0 $0xFFFFEB80  }
0x14d: {  	s21 =	sadd.s32 $0x0, s23;
	[bflag:$0x0] =	sbarrier.arrive $0xFFFF  }
0x14e: {  	[tilespmem:s3], [sflag:$0x3] =	stream.linear.gather [hbm4b:s21+s3], $0x190, $0x38;
	[tilespmem:$0x1BEE0] =	vst v63  }
0x14f: {  	_ =	swait.ge [sflag:s15], $0x190  }
0x150: {  	[sflag:s15] =	ssyncset.done $0x0  }
0x151: {  	s24 =	sadd.s32 $0x0, s22;
	[sflag:s15] =	ssyncadd.s32 $0xFFFFFE70  }
0x152: {  	[tilespmem:s16], [sflag:$0x3] =	stream.linear.gather [hbm4b:s24+s3], $0x190, $0x38;
	[tilespmem:$0x1BEE0] =	vst v63  }
0x153: {  	_ =	swait.ge [sflag:s15], $0x190  }
0x154: {  	[sflag:s15] =	ssyncset.done $0x0  }
0x155: {  	s10 =	sadd.s32 $0x32, s21;
	[sflag:s15] =	ssyncadd.s32 $0xFFFFFE70  }
0x156: {  	[tilespmem:s17], [sflag:$0x1] =	stream.linear.gather [hbm4b:s10+s3], $0x190, $0x38;
	[tilespmem:$0x1BEE0] =	vst v63  }
0x157: {  	s26 =	sadd.s32 $0x32, s24  }
0x158: {  	[tilespmem:s18], [sflag:$0x1] =	stream.linear.gather [hbm4b:s26+s3], $0x190, $0x38;
	[tilespmem:$0x1BEE0] =	vst v63  }
0x159: {  	_ = 	snop  }
0x15a: {  	[tilespmem:s19], [sflag:$0x3] =	stream.indirect.gather [spmem:s1], $0x10, s3, s16, $0xb8;
	[tilespmem:$0x1BEE0] =	vst v63  }
0x15b: {  	_ =	swait.ge [sflag:s15], $0x1900  }
0x15c: {  	[sflag:s15] =	ssyncset.done $0x0  }
0x15d: {  	[sflag:s15] =	ssyncadd.s32 $0xFFFFE700  }
0x15e: {  	[spmem:s2] =	stream.indirect.scatter.add.f32 [tilespmem:s19], [sflag:$0x2], $0x10, s16, s16, $0xb8;
	[tilespmem:$0x1BEE0] =	vst v63  }
0x15f: {  	_ =	swait.ge [sflag:s25], $0x190  }
0x160: {  	[sflag:s25] =	ssyncset.done $0x0  }
0x161: {  	[sflag:s25] =	ssyncadd.s32 $0xFFFFFE70  }
0x162: {  	_ =	swait.ge [sflag:s25], $0x190  }
0x163: {  	[sflag:s25] =	ssyncset.done $0x0  }
0x164: {  	[sflag:s25] =	ssyncadd.s32 $0xFFFFFE70  }
0x165: {  	[tilespmem:s29], [sflag:$0x3] =	stream.indirect.gather [spmem:s1], $0x10, s17, s16, $0xb8;
	[tilespmem:$0x1BEE0] =	vst v63  }
0x166: {  	_ =	swait.ge [sflag:s15], $0x1900  }
0x167: {  	[sflag:s15] =	ssyncset.done $0x0  }
0x168: {  	[sflag:s15] =	ssyncadd.s32 $0xFFFFE700  }
0x169: {  	_ =	swait.ge [sflag:s6], $0x1900  }
0x16a: {  	[sflag:s6] =	ssyncset.done $0x0  }
0x16b: {  	[sflag:s6] =	ssyncadd.s32 $0xFFFFE700  }
0x16c: {  	[spmem:s2] =	stream.indirect.scatter.add.f32 [tilespmem:s29], [sflag:$0x2], $0x10, s18, s16, $0xb8;
	[tilespmem:$0x1BEE0] =	vst v63  }
0x16d: {  	_ =	swait.ge [sflag:s6], $0x1900  }
0x16e: {  	s21 =	simm.s32 $0xC8;
	s10 =	simm.s32 $0x64;
	[sflag:s6] =	ssyncset.done $0x0  }
.LBB2_8:
0x16f: {  	s24 =	sadd.s32 s10, s23  }
0x170: {  	[sflag:s6] =	ssyncadd.s32 $0xFFFFE700;
	s26 =	smov.u32 s21;
	s11 =	sadd.s32 $0x64, s21  }
0x171: {  	[tilespmem:s3], [sflag:$0x3] =	stream.linear.gather [hbm4b:s24+s3], $0x190, $0x38;
	[tilespmem:$0x1BEE0] =	vst v63  }
0x172: {  	p1 =	sne.s32 s21, $0x17D4;
	_ =	swait.ge [sflag:s15], $0x190  }
0x173: {  	[sflag:s15] =	ssyncset.done $0x0  }
0x174: {  	s21 =	sadd.s32 s10, s22;
	s10 =	smov.u32 s26;
	[sflag:s15] =	ssyncadd.s32 $0xFFFFFE70  }
0x175: {  	[tilespmem:s16], [sflag:$0x3] =	stream.linear.gather [hbm4b:s21+s3], $0x190, $0x38;
	[tilespmem:$0x1BEE0] =	vst v63  }
0x176: {  	_ =	swait.ge [sflag:s15], $0x190  }
0x177: {  	[sflag:s15] =	ssyncset.done $0x0  }
0x178: {  	s24 =	sadd.s32 $0x32, s24;
	[sflag:s15] =	ssyncadd.s32 $0xFFFFFE70  }
0x179: {  	[tilespmem:s17], [sflag:$0x1] =	stream.linear.gather [hbm4b:s24+s3], $0x190, $0x38;
	[tilespmem:$0x1BEE0] =	vst v63  }
0x17a: {  	s21 =	sadd.s32 $0x32, s21  }
0x17b: {  	[tilespmem:s18], [sflag:$0x1] =	stream.linear.gather [hbm4b:s21+s3], $0x190, $0x38;
	[tilespmem:$0x1BEE0] =	vst v63  }
0x17c: {  	_ = 	snop  }
0x17d: {  	[tilespmem:s19], [sflag:$0x3] =	stream.indirect.gather [spmem:s1], $0x10, s3, s16, $0xb8;
	[tilespmem:$0x1BEE0] =	vst v63  }
0x17e: {  	_ =	swait.ge [sflag:s15], $0x1900  }
0x17f: {  	[sflag:s15] =	ssyncset.done $0x0  }
0x180: {  	[sflag:s15] =	ssyncadd.s32 $0xFFFFE700  }
0x181: {  	[spmem:s2] =	stream.indirect.scatter.add.f32 [tilespmem:s19], [sflag:$0x2], $0x10, s16, s16, $0xb8;
	[tilespmem:$0x1BEE0] =	vst v63  }
0x182: {  	_ =	swait.ge [sflag:s25], $0x190  }
0x183: {  	[sflag:s25] =	ssyncset.done $0x0  }
0x184: {  	[sflag:s25] =	ssyncadd.s32 $0xFFFFFE70  }
0x185: {  	_ =	swait.ge [sflag:s25], $0x190  }
0x186: {  	[sflag:s25] =	ssyncset.done $0x0  }
0x187: {  	[sflag:s25] =	ssyncadd.s32 $0xFFFFFE70  }
0x188: {  	[tilespmem:s29], [sflag:$0x3] =	stream.indirect.gather [spmem:s1], $0x10, s17, s16, $0xb8;
	[tilespmem:$0x1BEE0] =	vst v63  }
0x189: {  	_ =	swait.ge [sflag:s15], $0x1900  }
0x18a: {  	[sflag:s15] =	ssyncset.done $0x0  }
0x18b: {  	[sflag:s15] =	ssyncadd.s32 $0xFFFFE700  }
0x18c: {  	_ =	swait.ge [sflag:s6], $0x1900  }
.Ltmp3:
0x18d: {  	[sflag:s6] =	ssyncset.done $0x0;
	(pc) =	sbr.rel @p1 .LBB2_8-.Ltmp3, $4  }
0x18e: {  	[sflag:s6] =	ssyncadd.s32 $0xFFFFE700  }
0x18f: {  	[spmem:s2] =	stream.indirect.scatter.add.f32 [tilespmem:s29], [sflag:$0x2], $0x10, s18, s16, $0xb8;
	[tilespmem:$0x1BEE0] =	vst v63  }
0x190: {  	_ =	swait.ge [sflag:s6], $0x1900  }
0x191: {  	s21 =	smov.u32 s11;
	[sflag:s6] =	ssyncset.done $0x0  }
0x192: {  	s11 =	sadd.s32 s10, s23;
	[sflag:s6] =	ssyncadd.s32 $0xFFFFE700  }
0x193: {  	[tilespmem:s3], [sflag:$0x3] =	stream.linear.gather [hbm4b:s11+s3], $0x190, $0x38;
	[tilespmem:$0x1BEE0] =	vst v63  }
0x194: {  	_ =	swait.ge [sflag:s15], $0x190  }
0x195: {  	[sflag:s15] =	ssyncset.done $0x0  }
0x196: {  	s24 =	sadd.s32 s10, s22;
	[sflag:s15] =	ssyncadd.s32 $0xFFFFFE70  }
0x197: {  	[tilespmem:s16], [sflag:$0x3] =	stream.linear.gather [hbm4b:s24+s3], $0x190, $0x38;
	[tilespmem:$0x1BEE0] =	vst v63  }
0x198: {  	_ =	swait.ge [sflag:s15], $0x190  }
0x199: {  	[sflag:s15] =	ssyncset.done $0x0  }
0x19a: {  	s11 =	sadd.s32 $0x32, s11;
	[sflag:s15] =	ssyncadd.s32 $0xFFFFFE70  }
0x19b: {  	[tilespmem:s17], [sflag:$0x1] =	stream.linear.gather [hbm4b:s11+s3], $0x190, $0x38;
	[tilespmem:$0x1BEE0] =	vst v63  }
0x19c: {  	s10 =	sadd.s32 $0x32, s24  }
0x19d: {  	[tilespmem:s18], [sflag:$0x1] =	stream.linear.gather [hbm4b:s10+s3], $0x190, $0x38;
	[tilespmem:$0x1BEE0] =	vst v63  }
0x19e: {  	_ = 	snop  }
0x19f: {  	[tilespmem:s19], [sflag:$0x3] =	stream.indirect.gather [spmem:s1], $0x10, s3, s16, $0xb8;
	[tilespmem:$0x1BEE0] =	vst v63  }
0x1a0: {  	_ =	swait.ge [sflag:s15], $0x1900  }
0x1a1: {  	[sflag:s15] =	ssyncset.done $0x0  }
0x1a2: {  	[sflag:s15] =	ssyncadd.s32 $0xFFFFE700  }
0x1a3: {  	[spmem:s2] =	stream.indirect.scatter.add.f32 [tilespmem:s19], [sflag:$0x2], $0x10, s16, s16, $0xb8;
	[tilespmem:$0x1BEE0] =	vst v63  }
0x1a4: {  	_ =	swait.ge [sflag:s25], $0x190  }
0x1a5: {  	[sflag:s25] =	ssyncset.done $0x0  }
0x1a6: {  	[sflag:s25] =	ssyncadd.s32 $0xFFFFFE70  }
0x1a7: {  	_ =	swait.ge [sflag:s25], $0x190  }
0x1a8: {  	[sflag:s25] =	ssyncset.done $0x0  }
0x1a9: {  	[sflag:s25] =	ssyncadd.s32 $0xFFFFFE70  }
0x1aa: {  	[tilespmem:s29], [sflag:$0x3] =	stream.indirect.gather [spmem:s1], $0x10, s17, s16, $0xb8;
	[tilespmem:$0x1BEE0] =	vst v63  }
0x1ab: {  	_ =	swait.ge [sflag:s15], $0x1900  }
0x1ac: {  	[sflag:s15] =	ssyncset.done $0x0  }
0x1ad: {  	[sflag:s15] =	ssyncadd.s32 $0xFFFFE700  }
0x1ae: {  	_ =	swait.ge [sflag:s6], $0x1900  }
0x1af: {  	[sflag:s6] =	ssyncset.done $0x0  }
0x1b0: {  	[sflag:s6] =	ssyncadd.s32 $0xFFFFE700  }
0x1b1: {  	[spmem:s2] =	stream.indirect.scatter.add.f32 [tilespmem:s29], [sflag:$0x2], $0x10, s18, s16, $0xb8;
	[tilespmem:$0x1BEE0] =	vst v63  }
0x1b2: {  	_ =	swait.ge [sflag:s6], $0x1900  }
0x1b3: {  	[sflag:s6] =	ssyncset.done $0x0  }
0x1b4: {  	[sflag:s6] =	ssyncadd.s32 $0xFFFFE700  }
0x1b5: {  	[tilespmem:s3], [sflag:$0x3] =	stream.linear.gather [hbm4b:s5+s3], $0x190, $0x38;
	[tilespmem:$0x1BEE0] =	vst v63  }
0x1b6: {  	_ =	swait.ge [sflag:s15], $0x190  }
0x1b7: {  	[sflag:s15] =	ssyncset.done $0x0  }
0x1b8: {  	s0 =	rddreg [dreg:$0x11];
	[sflag:s15] =	ssyncadd.s32 $0xFFFFFE70  }
0x1b9: {  	[tilespmem:s16], [sflag:$0x3] =	stream.linear.gather [hbm4b:s0+s3], $0x190, $0x38;
	[tilespmem:$0x1BEE0] =	vst v63  }
0x1ba: {  	_ =	swait.ge [sflag:s15], $0x190  }
0x1bb: {  	[sflag:s15] =	ssyncset.done $0x0  }
0x1bc: {  	[sflag:s15] =	ssyncadd.s32 $0xFFFFFE70  }
0x1bd: {  	[tilespmem:s19], [sflag:$0x3] =	stream.indirect.gather [spmem:s1], $0x10, s3, s16, $0xb8;
	[tilespmem:$0x1BEE0] =	vst v63  }
0x1be: {  	_ =	swait.ge [sflag:s15], $0x1900  }
0x1bf: {  	[sflag:s15] =	ssyncset.done $0x0  }
0x1c0: {  	[sflag:s15] =	ssyncadd.s32 $0xFFFFE700  }
0x1c1: {  	[spmem:s2] =	stream.indirect.scatter.add.f32 [tilespmem:s19], [sflag:$0x3], $0x10, s16, s16, $0xb8;
	[tilespmem:$0x1BEE0] =	vst v63  }
0x1c2: {  	_ =	swait.ge [sflag:s15], $0x1900  }
0x1c3: {  	[sflag:s15] =	ssyncset.done $0x0  }
0x1c4: {  	[sflag:s15] =	ssyncadd.s32 $0xFFFFE700  }
0x1c5: {  	s21 =	simm.s32 @p0 $0x2;
	s24 =	simm.s32 @p0 $0x1FC3;
	[bflag:$0x0] =	sbarrier.arrive $0xFFFF  }
0x1c6: {  	s11 =	simm.s32 @p0 $0x10;
	s10 =	simm.s32 @p0 $0x1;
	s0 =	rddreg [dreg:$0x10]  }
0x1c7: {  	[hbm:s0@s11], [sflag:s24] =	dma.strided @p0 [spmem:s12@s21], $0x1810, s10, $0x2   }
0x1c8: {  	s10 =	simm.s32 @p0 $0x3  }
0x1c9: {  	_ =	swait.ge @p0 [sflag:s10], $0x1810  }
0x1ca: {  	s11 =	simm.s32 @!p0 $0x10;
	s12 =	simm.s32 @!p0 $0x2;
	[sflag:s10] =	ssyncset.done @p0 $0x0  }
0x1cb: {  	s0 =	rddreg [dreg:$0xd];
	[sflag:s10] =	ssyncadd.s32 @p0 $0xFFFFE7F0;
	s10 =	simm.s32 @!p0 $0x1  }
0x1cc: {  	[hbm:s0@s11], [sflag:s9] =	dma.strided @!p0 [spmem:s20@s12], $0x1870, s10, $0x2   }
0x1cd: {  	s9 =	simm.s32 @!p0 $0x3  }
0x1ce: {  	_ =	swait.ge @!p0 [sflag:s9], $0x1870  }
0x1cf: {  	s8 =	sadd.s32 $0x1, s8;
	s26 =	rddreg [dreg:$0x13]  }
0x1d0: {  	p1 =	sne.s32 s8, s26  }
.Ltmp4:
0x1d1: {  	_ = 	snop;
	(pc) =	sbr.rel @p1 .LBB2_1-.Ltmp4, $3  }
0x1d2: {  	_ =	sdelay $0x1  }
0x1d3: {  	[sflag:s9] =	ssyncset.done @!p0 $0x0  }
0x1d4: {  	s4 =	smov.u32 s5;
	[sflag:s9] =	ssyncadd.s32 @!p0 $0xFFFFE790  }
0x1d5: {  	_ =	sfence.sel $0x180000  }
0x1d6: {  	[bflag:$0x0] =	sbarrier.arrive $0xFFFF  }
0x1d7: {  	_ =	strace $0x9000004A  }
0x1d8: {  	s0 =	stileid.u32;
	[bflag:$0x2] =	sbarrier.arrive $0xFFFF  }
0x1d9: {  	p0 =	sne.s32 s0, $0x0;
	s0 =	rddreg [dreg:$0x3]  }
0x1da: {  	s0 =	sadd.s32 @!p0 $0x100000, s0  }
0x1db: {  	[sflag:s0] =	ssyncadd.tile.s32 @!p0 $0x1;
	_ =	shalt  }
.Lfunc_end2:
_tile_overlayer_lowered:
.L_overlay_start_2:
0x1dc: {  	(tag) =	ssettag $0x2  }
0x1dd: {  	s0 =	rddreg [dreg:$0x0];
	s2 =	stileid.u32  }
0x1de: {  	s1 =	rddreg [dreg:$0x1];
	p0 =	sne.s32 s2, $0x0  }
0x1df: {  	s3 =	rddreg [dreg:$0x2];
	[bflag:$0x3] =	sbarrier.arrive $0xFFFF;
	s2 =	simm.s32 @!p0 $0x1C03  }
0x1e0: {  	[timem:s3], [sflag:s2] =	dma.local @!p0 [hbm:s0], s1  }
0x1e1: {  	s0 =	simm.s32 @!p0 $0x3  }
0x1e2: {  	_ =	swait.ge @!p0 [sflag:s0], s1  }
0x1e3: {  	s1 =	ssub.s32 @!p0 $0x0, s1;
	[sflag:s0] =	ssyncset.done @!p0 $0x0  }
0x1e4: {  	[sflag:s0] =	ssyncadd.s32 @!p0 s1  }
0x1e5: {  	[bflag:$0x3] =	sbarrier.arrive $0xFFFF  }
0x1e6: {  	_ =	shalt  }

// kernel: kernel.17.cloned.1.call-start
scs
__scs_entry_jumppad:
0x0: {  	(pc) =	sbr.rel $0x88, $3  }
0x1: {  	(tag) =	ssettag $0x0;
	lr =	simm.s32 $0x1  }
0x2: {  	[smem:$0x3F89] =	sst lr;
	_ =	strace $0xD0000000  }
0x3: {  	_ = 	snop  }
0x4: {  	_ = 	snop  }
0x5: {  	_ = 	snop  }
0x6: {  	_ = 	snop  }
0x7: {  	_ = 	snop  }
__scs_overlays_trampoline_lowered:
0x8: {  	[smem:$0x3F98] =	sst s0  }
0x9: {  	[smem:$0x3F99] =	sst s1  }
0xa: {  	[smem:$0x3F9A] =	sst s2  }
0xb: {  	[smem:$0x3F9B] =	sst s3  }
0xc: {  	[smem:$0x3F9C] =	sst s4  }
0xd: {  	[smem:$0x3F9D] =	sst s5  }
0xe: {  	[smem:$0x3F9E] =	sst s6  }
0xf: {  	[smem:$0x3F9F] =	sst s7  }
0x10: {  	[smem:$0x3FA0] =	sst s8  }
0x11: {  	[smem:$0x3FA1] =	sst s9;
	s0 =	simm.s32 @!p0 $0x0  }
0x12: {  	s1 =	sld [smem:$0x3F87];
	s0 =	simm.s32 @p0 $0x1  }
0x13: {  	[smem:$0x3FA2] =	sst s0;
	s0 =	simm.s32 @!p1 $0x0  }
0x14: {  	s2 =	sld [smem:$0x3F86];
	s0 =	simm.s32 @p1 $0x1  }
0x15: {  	[smem:$0x3FA3] =	sst s0;
	s0 =	simm.s32 @!p2 $0x0  }
0x16: {  	s3 =	sld [smem:$0x3FDB];
	s0 =	simm.s32 @p2 $0x1  }
0x17: {  	s4 =	simm.s32 $0x1BF5;
	[smem:$0x3FA5] =	sst s0  }
0x18: {  	s0 =	sld [smem:$0x3F88];
	_ =	swait.ge [sflag:s4], $0x0  }
0x19: {  	s7 =	sld [smem:$0x3F89]  }
0x1a: {  	s8 =	sadd.s32 $0xFFFFE003, lr  }
0x1b: {  	s9 =	sadd.s32 $0xFFFFFEF7, lr;
	s5 =	simm.s32 $0xFFFFFFFF;
	p2 =	slt.u32 s8, $0xFFFFF086  }
0x1c: {  	p1 =	slt.u32 s9, $0xF7A;
	s5 =	simm.s32 @!p2 $0x0  }
0x1d: {  	s5 =	simm.s32 @p1 $0x1;
	p0 =	seq.s32 s7, s2  }
0x1e: {  	s7 =	smul.u32 @!p0 $0xF7A, s2;
	p2 =	seq.s32 @!p0 s5, $0x0  }
0x1f: {  	s9 =	smul.u32 $0xF7A, s1;
	s8 =	simm.s32 @!p0 $0x1BF5;
	p2 =	por !p2, p0  }
0x20: {  	[sflag:s8] =	ssyncset.s32 @!p0 $0xFFFFF086;
	s6 =	sadd.s32 @!p0 s3, s7;
	s7 =	simm.s32 @!p0 $0x108  }
0x21: {  	s3 =	sadd.s32 s3, s9;
	s6 =	sadd.s32 @!p0 $0x88, s6;
	s7 =	simm.s32 @p2 $0x1082  }
0x22: {  	[simem:s7], [sflag:s8] =	dma.local @!p0 [hbm:s6], $0xF7A  }
0x23: {  	s9 =	sor.u32 $0xD0000000, s2;
	s6 =	simm.s32 $0x108;
	_ =	swait.ge @!p0 [sflag:s8], $0x0  }
0x24: {  	s3 =	sadd.s32 $0x88, s3;
	s6 =	simm.s32 @!p1 $0x1082;
	[sflag:s4] =	ssyncset.s32 $0xFFFFF086  }
0x25: {  	[simem:s6], [sflag:s4] =	dma.local [hbm:s3], $0xF7A  }
0x26: {  	[smem:$0x3F89] =	sst s1;
	(tag) =	ssettag s2;
	_ =	strace s9  }
0x27: {  	s1 =	sld [smem:$0x3F99]  }
0x28: {  	s2 =	sld [smem:$0x3F9A]  }
0x29: {  	s4 =	sld [smem:$0x3F9C]  }
0x2a: {  	p0 =	seq.s32 s5, $0x0;
	s5 =	sld [smem:$0x3F9D]  }
0x2b: {  	s6 =	sld [smem:$0x3F9E]  }
0x2c: {  	s7 =	sld [smem:$0x3F9F]  }
0x2d: {  	s3 =	simm.s32 $0x108;
	s8 =	sld [smem:$0x3FA0]  }
0x2e: {  	s3 =	simm.s32 @!p0 $0x1082;
	s9 =	sld [smem:$0x3FA1]  }
0x2f: {  	lr =	sadd.s32 s0, s3;
	s0 =	sld [smem:$0x3F98]  }
0x30: {  	s3 =	sld [smem:$0x3F9B]  }
0x31: {  	[smem:$0x3FA4] =	sst s10  }
0x32: {  	s10 =	sld [smem:$0x3FA2];
	_ =	sdelay $0x3  }
0x33: {  	p0 =	seq.s32 s10, $0x1;
	s10 =	sld [smem:$0x3FA4];
	_ =	sdelay $0x3  }
0x34: {  	[smem:$0x3FA4] =	sst s10  }
0x35: {  	s10 =	sld [smem:$0x3FA3];
	_ =	sdelay $0x3  }
0x36: {  	p1 =	seq.s32 s10, $0x1;
	s10 =	sld [smem:$0x3FA4];
	_ =	sdelay $0x3  }
0x37: {  	[smem:$0x3FA4] =	sst s10  }
0x38: {  	s10 =	sld [smem:$0x3FA5]  }
0x39: {  	_ = 	snop;
	(pc) =	sbr.ind lr, $3  }
0x3a: {  	_ = 	snop  }
0x3b: {  	_ = 	snop  }
0x3c: {  	p2 =	seq.s32 s10, $0x1;
	s10 =	sld [smem:$0x3FA4]  }
0x3d: {  	_ =	shalt  }
0x3e: {  	_ =	shalt  }
0x3f: {  	_ =	shalt  }
0x40: {  	_ =	shalt  }
0x41: {  	_ =	shalt  }
0x42: {  	_ =	shalt  }
0x43: {  	_ =	shalt  }
0x44: {  	_ =	shalt  }
0x45: {  	_ =	shalt  }
0x46: {  	_ =	shalt  }
0x47: {  	_ =	shalt  }
0x48: {  	_ =	shalt  }
0x49: {  	_ =	shalt  }
0x4a: {  	_ =	shalt  }
0x4b: {  	_ =	shalt  }
0x4c: {  	_ =	shalt  }
0x4d: {  	_ =	shalt  }
0x4e: {  	_ =	shalt  }
0x4f: {  	_ =	shalt  }
0x50: {  	_ =	shalt  }
0x51: {  	_ =	shalt  }
0x52: {  	_ =	shalt  }
0x53: {  	_ =	shalt  }
0x54: {  	_ =	shalt  }
0x55: {  	_ =	shalt  }
0x56: {  	_ =	shalt  }
0x57: {  	_ =	shalt  }
0x58: {  	_ =	shalt  }
0x59: {  	_ =	shalt  }
0x5a: {  	_ =	shalt  }
0x5b: {  	_ =	shalt  }
0x5c: {  	_ =	shalt  }
0x5d: {  	_ =	shalt  }
0x5e: {  	_ =	shalt  }
0x5f: {  	_ =	shalt  }
0x60: {  	_ =	shalt  }
0x61: {  	_ =	shalt  }
0x62: {  	_ =	shalt  }
0x63: {  	_ =	shalt  }
0x64: {  	_ =	shalt  }
0x65: {  	_ =	shalt  }
0x66: {  	_ =	shalt  }
0x67: {  	_ =	shalt  }
0x68: {  	_ =	shalt  }
0x69: {  	_ =	shalt  }
0x6a: {  	_ =	shalt  }
0x6b: {  	_ =	shalt  }
0x6c: {  	_ =	shalt  }
0x6d: {  	_ =	shalt  }
0x6e: {  	_ =	shalt  }
0x6f: {  	_ =	shalt  }
0x70: {  	_ =	shalt  }
0x71: {  	_ =	shalt  }
0x72: {  	_ =	shalt  }
0x73: {  	_ =	shalt  }
0x74: {  	_ =	shalt  }
0x75: {  	_ =	shalt  }
0x76: {  	_ =	shalt  }
0x77: {  	_ =	shalt  }
0x78: {  	_ =	shalt  }
0x79: {  	_ =	shalt  }
0x7a: {  	_ =	shalt  }
0x7b: {  	_ =	shalt  }
0x7c: {  	_ =	shalt  }
0x7d: {  	_ =	shalt  }
0x7e: {  	_ =	shalt  }
0x7f: {  	_ =	shalt  }
0x80: {  	_ =	shalt  }
0x81: {  	_ =	shalt  }
0x82: {  	_ =	shalt  }
0x83: {  	_ =	shalt  }
0x84: {  	_ =	shalt  }
0x85: {  	_ =	shalt  }
0x86: {  	_ =	shalt  }
0x87: {  	_ =	shalt  }
.Lfunc_end0:
.L_simem_size_0:
called_computation.2_lowered:
.L_overlay_start_0:
0x88: {  	s2 =	sld [smem:$0x3FD9]  }
0x89: {  	s3 =	sld [smem:$0x3FFE];
	_ =	sdelay $0x1  }
0x8a: {  	s1 =	srdreg.scid  }
0x8b: {  	s0 =	sand.u32 $0x1, s1  }
0x8c: {  	s16 =	sshll.u32 s0, $0xA;
	s2 =	sadd.s32 s3, s2  }
0x8d: {  	s2 =	sadd.s32 s2, s16  }
0x8e: {  	[smem:$0x3FB0] =	sst s2  }
0x8f: {  	_ = 	snop  }
0x90: {  	(tm) =	ssettm $0x1  }
0x91: {  	s17 =	sld [smem:$0x3FFB];
	_ =	sdelay $0x3  }
0x92: {  	_ =	strace s17  }
0x93: {  	s2 =	sld [smem:$0x3FFC];
	_ =	sdelay $0x3  }
0x94: {  	_ =	strace s2  }
0x95: {  	s2 =	sld [smem:$0x3FFD];
	_ =	sdelay $0x3  }
0x96: {  	_ =	strace s2  }
0x97: {  	_ =	strace $0x8FFFFFFF  }
0x98: {  	s18 =	sld [smem:$0x3FDB];
	_ =	sdelay $0x1  }
0x99: {  	s19 =	simm.s32 $_scs_section_size  }
0x9a: {  	s4 =	simm.s32 $_size__tile_overlayer_lowered;
	s5 =	simm.s32 $_tile_overlayer_lowered  }
0x9b: {  	s22 =	simm.s32 $0x1BFF;
	s21 =	sshll.u32 s5, $0x1;
	s2 =	sadd.s32 s19, s18  }
0x9c: {  	s6 =	simm.s32 $0x0;
	s20 =	sshll.u32 s4, $0x1;
	s4 =	sadd.s32 s21, s2  }
0x9d: {  	[timem:s6], [sflag:s22] =	dma.local [hbm:s4], s20  }
0x9e: {  	_ =	swait.ge [sflag:s22], s20  }
0x9f: {  	s3 =	ssub.s32 $0x0, s20;
	[sflag:s22] =	ssyncset.done $0x0  }
0xa0: {  	[sflag:s22] =	ssyncadd.s32 s3;
	_ =	sdelay $0x1  }
0xa1: {  	s23 =	simm.s32 $0x1B8B  }
0xa2: {  	_ =	swait.ge [sflag:s23], $0x1  }
0xa3: {  	[sflag:s23] =	ssyncset.done $0x0  }
0xa4: {  	s25 =	simm.s32 $0x1B8E;
	s24 =	sld [smem:$0x3FFE];
	[sflag:s23] =	ssyncadd.s32 $0xFFFFFFFF  }
0xa5: {  	s26 =	simm.s32 $execute0_lowered;
	[smem:$0x3FD2] =	sst s25  }
0xa6: {  	s4 =	sshll.u32 s26, $0x1;
	_ =	strace $0x8000004C;
	[dreg:$0x1] =	wrdreg $0xFFFFFFFF  }
0xa7: {  	s28 =	simm.s32 $_size_execute0_lowered;
	s2 =	sadd.s32 s2, s4;
	[dreg:$0x0] =	wrdreg $0x0  }
0xa8: {  	s4 =	sshll.u32 s28, $0x1;
	[dreg:$0x2] =	wrdreg s2  }
0xa9: {  	[dreg:$0x3] =	wrdreg s4  }
0xaa: {  	[dreg:$0x4] =	wrdreg $0xC0  }
0xab: {  	_ =	task [dreg:s6], $0x5FFFF  }
0xac: {  	[dreg:$0x1] =	wrdreg $0xFFFFFFFF  }
0xad: {  	[dreg:$0x0] =	wrdreg $0x60  }
0xae: {  	[dreg:$0x2] =	wrdreg s24  }
0xaf: {  	[dreg:$0x3] =	wrdreg $0x38400  }
0xb0: {  	[dreg:$0x4] =	wrdreg $0xFB900  }
0xb1: {  	[dreg:$0x5] =	wrdreg $0x9  }
0xb2: {  	_ =	task.clear_ibuf [dreg:s6], $0x6FFFF;
	_ =	strace $0x9000004C  }
0xb3: {  	s29 =	simm.s32 $0x9;
	_ =	strace $0x8000004E  }
0xb4: {  	_ =	swait.ge [sflag:s29], $0x1  }
0xb5: {  	[sflag:s29] =	ssyncadd.s32 $0xFFFFFFFF  }
0xb6: {  	_ =	strace $0x9000004E  }
0xb7: {  	_ =	sfence  }
0xb8: {  	s30 =	sld [smem:$0x0];
	_ =	sdelay $0x2  }
0xb9: {  	s31 =	sshll.u32 s1, $0xD;
	s1 =	sshrl.u32 s1, $0x2  }
0xba: {  	s3 =	sand.u32 $0x4000, s31;
	s1 =	sadd.s32 s1, s30  }
0xbb: {  	s0 =	sor.u32 s3, s0;
	s1 =	sshll.u32 s1, $0x11  }
0xbc: {  	s0 =	sor.u32 s1, s0  }
0xbd: {  	s0 =	sadd.s32 $0x8F2B, s0  }
0xbe: {  	[sflag:s0] =	ssyncadd.remote.s32 $0x1  }
0xbf: {  	_ =	sfence.sel $0xFFFF  }
0xc0: {  	[dreg:$0x0] =	wrdreg $0xFFFFFFFF;
	(pc) =	sbr.abs _section_cstart, $3  }
0xc1: {  	[dreg:$0x1] =	wrdreg $0xFFFFFFFF  }
0xc2: {  	_ =	task.clear_ibuf [dreg:s6], $0x2FFFF;
	_ =	strace $0x9FFFFFFF  }
0xc3: {  	(tm) =	ssettm $0x7FFFFFFF  }
tec
execute0_lowered:
.L_overlay_start_1:
0x0: {  	(tag) =	ssettag $0x1  }
0x1: {  	s0 =	rddreg [dreg:$0x0]  }
0x2: {  	s1 =	rddreg [dreg:$0x1]  }
0x3: {  	s2 =	rddreg [dreg:$0x2];
	s3 =	simm.s32 $0x0;
	s5 =	srdreg.scid  }
0x4: {  	s16 =	stileid.u32;
	[smem:$0x7FF] =	sst s3  }
0x5: {  	s4 =	sadd.s32 $0xF7C00, s0;
	s6 =	sadd.s32 $0x1BE00, s0;
	s9 =	smul.u32 $0x61C00, s16  }
0x6: {  	s5 =	sand.u32 $0x1, s5;
	s7 =	sadd.s32 $0x3600, s0;
	s12 =	smul.u32 $0x30E00, s16  }
0x7: {  	s10 =	sadd.s32 $0x34600, s0;
	s13 =	smul.u32 $0xC380, s16;
	s23 =	sadd.s32 $0x1AF080, s0  }
0x8: {  	s0 =	sadd.s32 $0xEBA80, s0;
	_ =	strace $0x8000004D;
	s8 =	ssub.s32 $0x2, s5  }
0x9: {  	s26 =	sshll.u32 s5, $0x5;
	s20 =	sshllo.u32 s5, $0x1;
	s5 =	sshll.u32 s5, $0x2  }
0xa: {  	s11 =	sshrl.u32 s8, $0x1;
	s12 =	sshrl.u32 s12, $0x2;
	s15 =	sadd.s32 s13, s1  }
0xb: {  	s22 =	sshll.u32 s20, $0x4;
	s24 =	sadd.s32 s5, s23;
	[dreg:$0x4] =	wrdreg s15  }
0xc: {  	s5 =	sadd.s32 s5, s0;
	s8 =	ssub.s32 s8, s11;
	[dreg:$0xa] =	wrdreg s24  }
0xd: {  	s11 =	sor.u32 s26, s9;
	s17 =	sadd.s32 s12, s2;
	[dreg:$0xe] =	wrdreg s5  }
0xe: {  	s26 =	sshll.u32 s20, $0x1;
	s20 =	sadd.s32 $0xB7480, s1;
	[dreg:$0x5] =	wrdreg s17  }
0xf: {  	s29 =	simm.s32 $0x1F40;
	s24 =	sadd.s32 $0xBA680, s2;
	[dreg:$0x16] =	wrdreg s20  }
0x10: {  	s14 =	smul.u32 $0xC350, s16;
	s18 =	sadd.s32 $0x3200, s17;
	[dreg:$0x18] =	wrdreg s24  }
0x11: {  	p0 =	seq.s32 s16, $0xF;
	s19 =	sadd.s32 $0x4B00, s17;
	[dreg:$0x7] =	wrdreg s18  }
0x12: {  	s30 =	sadd.s32 $0xB7480, s2;
	s21 =	sadd.s32 $0x6400, s17;
	[dreg:$0x8] =	wrdreg s19  }
0x13: {  	s14 =	sshrl.u32 s14, $0x3;
	s12 =	sadd.s32 s26, s23;
	[dreg:$0x9] =	wrdreg s21  }
0x14: {  	s25 =	sadd.s32 $0x1838, s14;
	s0 =	sadd.s32 s26, s0;
	[dreg:$0xf] =	wrdreg s12  }
0x15: {  	s28 =	sadd.s32 s13, s2;
	s13 =	sadd.s32 s7, s25;
	[dreg:$0x10] =	wrdreg s0  }
0x16: {  	s9 =	sor.u32 s9, s22;
	s14 =	sadd.s32 $0x7D00, s17;
	[dreg:$0x11] =	wrdreg s13  }
0x17: {  	s11 =	sshrl.u32 s11, $0x3;
	s26 =	sadd.s32 $0xBD880, s2;
	[dreg:$0x12] =	wrdreg s14  }
0x18: {  	s31 =	sadd.s32 $0x1900, s17;
	s15 =	sadd.s32 s4, s11;
	[dreg:$0x1a] =	wrdreg s26  }
0x19: {  	s9 =	sshrl.u32 s9, $0x3;
	s11 =	sadd.s32 s10, s11;
	[dreg:$0x6] =	wrdreg s15  }
0x1a: {  	s4 =	sadd.s32 s4, s9;
	s9 =	sadd.s32 s10, s9;
	[dreg:$0xb] =	wrdreg s11  }
0x1b: {  	s18 =	sadd.s32 $0x9600, s17;
	s19 =	sadd.s32 $0xAF00, s17;
	[dreg:$0xc] =	wrdreg s4  }
0x1c: {  	s21 =	sadd.s32 $0xB8D80, s2;
	s13 =	sadd.s32 $0xC0A80, s2;
	[dreg:$0xd] =	wrdreg s9  }
0x1d: {  	s14 =	sadd.s32 $0xC2380, s2;
	s17 =	simm.s32 $0x320;
	[dreg:$0x14] =	wrdreg s18  }
0x1e: {  	s11 =	smul.u32 $0x186A, s16;
	s4 =	sadd.s32 s6, s25;
	[dreg:$0x15] =	wrdreg s19  }
0x1f: {  	s15 =	smax.u32 s8, $0x1;
	[dreg:$0x17] =	wrdreg s21;
	s25 =	sadd.s32 $0xBBF80, s2  }
0x20: {  	s16 =	simm.s32 $0x190;
	s18 =	simm.s32 $0x4B0;
	[dreg:$0x13] =	wrdreg s15  }
0x21: {  	s19 =	simm.s32 $0x640;
	s8 =	simm.s32 $0x0;
	[dreg:$0x19] =	wrdreg s25  }
0x22: {  	s15 =	simm.s32 $0x3;
	s25 =	simm.s32 $0x1;
	s22 =	sadd.s32 s11, s7  }
0x23: {  	v0 =	vimm.f32 $0.0e+00;
	s23 =	sadd.s32 s11, s6;
	s7 =	sadd.s32 $0xBF180, s2;
	s6 =	simm.s32 $0x2  }
.LBB2_1:
0x24: {  	s9 =	simm.s32 $0x40;
	s11 =	simm.s32 $0x0  }
.LBB2_2:
0x25: {  	p1 =	sne.s32 s9, $0x63C0;
	[tilespmem:s11+$0x640] =	vst v0;
	s10 =	smov.u32 s9;
	s9 =	sadd.s32 $0x40, s9  }
.Ltmp0:
0x26: {  	(pc) =	sbr.rel @p1 .LBB2_2-.Ltmp0, $2  }
0x27: {  	_ =	sdelay $0x2  }
0x28: {  	s11 =	sshra.s32 s10, $0x2  }
0x29: {  	s0 =	rddreg [dreg:$0x16]  }
0x2a: {  	s9 =	simm.s32 @p0 $0x1;
	[tilespmem:s11+$0x640] =	vst v0;
	s11 =	simm.s32 @p0 $0x2;
	s12 =	simm.s32 @p0 $0x10  }
0x2b: {  	s20 =	simm.s32 @p0 $0x1FC3;
	s10 =	sshrl.u32 @p0 s0, $0x3;
	s0 =	rddreg [dreg:$0xa]  }
0x2c: {  	[spmem:s10@s11], [sflag:s20] =	dma.strided @p0 [hbm:s0@s12], $0x1810, s9, $0x2   }
0x2d: {  	s9 =	simm.s32 @p0 $0x3  }
0x2e: {  	_ =	swait.ge @p0 [sflag:s9], $0x1810  }
0x2f: {  	[sflag:s9] =	ssyncset.done @p0 $0x0  }
0x30: {  	s11 =	simm.s32 @p0 $0x640;
	[sflag:s9] =	ssyncadd.s32 @p0 $0xFFFFE7F0  }
0x31: {  	[spmem:s30] =	stream.linear.scatter @p0 [tilespmem:s11], [sflag:$0x3], $0x1900, $0x38;
	[tilespmem:$0x1BEE0] =	vst v63  }
0x32: {  	_ =	swait.ge @p0 [sflag:s9], $0x1900  }
0x33: {  	[sflag:s9] =	ssyncset.done @p0 $0x0  }
0x34: {  	s0 =	rddreg [dreg:$0x17];
	[sflag:s9] =	ssyncadd.s32 @p0 $0xFFFFE700  }
0x35: {  	[spmem:s0] =	stream.linear.scatter @p0 [tilespmem:s11], [sflag:$0x3], $0x1900, $0x38;
	[tilespmem:$0x1BEE0] =	vst v63  }
0x36: {  	_ =	swait.ge @p0 [sflag:s9], $0x1900  }
0x37: {  	[sflag:s9] =	ssyncset.done @p0 $0x0  }
0x38: {  	s0 =	rddreg [dreg:$0x18];
	[sflag:s9] =	ssyncadd.s32 @p0 $0xFFFFE700  }
0x39: {  	[spmem:s0] =	stream.linear.scatter @p0 [tilespmem:s11], [sflag:$0x3], $0x1900, $0x38;
	[tilespmem:$0x1BEE0] =	vst v63  }
0x3a: {  	_ =	swait.ge @p0 [sflag:s9], $0x1900  }
0x3b: {  	[sflag:s9] =	ssyncset.done @p0 $0x0  }
0x3c: {  	s0 =	rddreg [dreg:$0x19];
	[sflag:s9] =	ssyncadd.s32 @p0 $0xFFFFE700  }
0x3d: {  	[spmem:s0] =	stream.linear.scatter @p0 [tilespmem:s11], [sflag:$0x3], $0x1900, $0x38;
	[tilespmem:$0x1BEE0] =	vst v63  }
0x3e: {  	_ =	swait.ge @p0 [sflag:s9], $0x1900  }
0x3f: {  	[sflag:s9] =	ssyncset.done @p0 $0x0  }
0x40: {  	s0 =	rddreg [dreg:$0x1a];
	[sflag:s9] =	ssyncadd.s32 @p0 $0xFFFFE700  }
0x41: {  	[spmem:s0] =	stream.linear.scatter @p0 [tilespmem:s11], [sflag:$0x3], $0x1900, $0x38;
	[tilespmem:$0x1BEE0] =	vst v63  }
0x42: {  	_ =	swait.ge @p0 [sflag:s9], $0x1900  }
0x43: {  	[sflag:s9] =	ssyncset.done @p0 $0x0  }
0x44: {  	[sflag:s9] =	ssyncadd.s32 @p0 $0xFFFFE700  }
0x45: {  	[spmem:s7] =	stream.linear.scatter @p0 [tilespmem:s11], [sflag:$0x3], $0x1900, $0x38;
	[tilespmem:$0x1BEE0] =	vst v63  }
0x46: {  	_ =	swait.ge @p0 [sflag:s9], $0x1900  }
0x47: {  	[sflag:s9] =	ssyncset.done @p0 $0x0  }
0x48: {  	[sflag:s9] =	ssyncadd.s32 @p0 $0xFFFFE700  }
0x49: {  	[spmem:s13] =	stream.linear.scatter @p0 [tilespmem:s11], [sflag:$0x3], $0x1900, $0x38;
	[tilespmem:$0x1BEE0] =	vst v63  }
0x4a: {  	_ =	swait.ge @p0 [sflag:s9], $0x1900  }
0x4b: {  	[sflag:s9] =	ssyncset.done @p0 $0x0  }
0x4c: {  	[sflag:s9] =	ssyncadd.s32 @p0 $0xFFFFE700  }
0x4d: {  	[spmem:s14] =	stream.linear.scatter @p0 [tilespmem:s11], [sflag:$0x3], $0x1180, $0x38;
	[tilespmem:$0x1BEE0] =	vst v63  }
0x4e: {  	s21 =	simm.s32 @!p0 $0x10;
	s11 =	stileid.u32;
	_ =	swait.ge @p0 [sflag:s9], $0x1180  }
0x4f: {  	s12 =	simm.s32 @!p0 $0x1;
	s11 =	sshll.u32 @!p0 s11, $0x6;
	[sflag:s9] =	ssyncset.done @p0 $0x0  }
0x50: {  	[sflag:s9] =	ssyncadd.s32 @p0 $0xFFFFEE80;
	s9 =	sor.u32 @!p0 $0x1C03, s11;
	s11 =	rddreg [dreg:$0x4]  }
0x51: {  	s20 =	simm.s32 @!p0 $0x2;
	s24 =	rddreg [dreg:$0x6];
	s11 =	sshrl.u32 @!p0 s11, $0x3  }
0x52: {  	[spmem:s11@s20], [sflag:s9] =	dma.strided @!p0 [hbm:s24@s21], $0x1870, s12, $0x2   }
0x53: {  	s12 =	simm.s32 @!p0 $0x3  }
0x54: {  	_ =	swait.ge @!p0 [sflag:s12], $0x1870  }
0x55: {  	[sflag:s12] =	ssyncset.done @!p0 $0x0  }
0x56: {  	s20 =	simm.s32 @!p0 $0x640;
	[sflag:s12] =	ssyncadd.s32 @!p0 $0xFFFFE790  }
0x57: {  	[spmem:s28] =	stream.linear.scatter @!p0 [tilespmem:s20], [sflag:$0x3], $0x1900, $0x38;
	[tilespmem:$0x1BEE0] =	vst v63  }
0x58: {  	_ =	swait.ge @!p0 [sflag:s12], $0x1900  }
0x59: {  	[sflag:s12] =	ssyncset.done @!p0 $0x0  }
0x5a: {  	[sflag:s12] =	ssyncadd.s32 @!p0 $0xFFFFE700  }
0x5b: {  	[spmem:s31] =	stream.linear.scatter @!p0 [tilespmem:s20], [sflag:$0x3], $0x1900, $0x38;
	[tilespmem:$0x1BEE0] =	vst v63  }
0x5c: {  	_ =	swait.ge @!p0 [sflag:s12], $0x1900  }
0x5d: {  	[sflag:s12] =	ssyncset.done @!p0 $0x0  }
0x5e: {  	s21 =	rddreg [dreg:$0x7];
	[sflag:s12] =	ssyncadd.s32 @!p0 $0xFFFFE700  }
0x5f: {  	[spmem:s21] =	stream.linear.scatter @!p0 [tilespmem:s20], [sflag:$0x3], $0x1900, $0x38;
	[tilespmem:$0x1BEE0] =	vst v63  }
0x60: {  	_ =	swait.ge @!p0 [sflag:s12], $0x1900  }
0x61: {  	[sflag:s12] =	ssyncset.done @!p0 $0x0  }
0x62: {  	s21 =	rddreg [dreg:$0x8];
	[sflag:s12] =	ssyncadd.s32 @!p0 $0xFFFFE700  }
0x63: {  	[spmem:s21] =	stream.linear.scatter @!p0 [tilespmem:s20], [sflag:$0x3], $0x1900, $0x38;
	[tilespmem:$0x1BEE0] =	vst v63  }
0x64: {  	_ =	swait.ge @!p0 [sflag:s12], $0x1900  }
0x65: {  	[sflag:s12] =	ssyncset.done @!p0 $0x0  }
0x66: {  	s21 =	rddreg [dreg:$0x9];
	[sflag:s12] =	ssyncadd.s32 @!p0 $0xFFFFE700  }
0x67: {  	[spmem:s21] =	stream.linear.scatter @!p0 [tilespmem:s20], [sflag:$0x3], $0x1900, $0x38;
	[tilespmem:$0x1BEE0] =	vst v63  }
0x68: {  	_ =	swait.ge @!p0 [sflag:s12], $0x1900  }
0x69: {  	[sflag:s12] =	ssyncset.done @!p0 $0x0  }
0x6a: {  	s5 =	rddreg [dreg:$0x12];
	[sflag:s12] =	ssyncadd.s32 @!p0 $0xFFFFE700  }
0x6b: {  	[spmem:s5] =	stream.linear.scatter @!p0 [tilespmem:s20], [sflag:$0x3], $0x1900, $0x38;
	[tilespmem:$0x1BEE0] =	vst v63  }
0x6c: {  	_ =	swait.ge @!p0 [sflag:s12], $0x1900  }
0x6d: {  	[sflag:s12] =	ssyncset.done @!p0 $0x0  }
0x6e: {  	s5 =	rddreg [dreg:$0x14];
	[sflag:s12] =	ssyncadd.s32 @!p0 $0xFFFFE700  }
0x6f: {  	[spmem:s5] =	stream.linear.scatter @!p0 [tilespmem:s20], [sflag:$0x3], $0x1900, $0x38;
	[tilespmem:$0x1BEE0] =	vst v63  }
0x70: {  	_ =	swait.ge @!p0 [sflag:s12], $0x1900  }
0x71: {  	[sflag:s12] =	ssyncset.done @!p0 $0x0  }
0x72: {  	s5 =	rddreg [dreg:$0x15];
	[sflag:s12] =	ssyncadd.s32 @!p0 $0xFFFFE700  }
0x73: {  	[spmem:s5] =	stream.linear.scatter @!p0 [tilespmem:s20], [sflag:$0x3], $0x1480, $0x38;
	[tilespmem:$0x1BEE0] =	vst v63  }
0x74: {  	_ =	swait.ge @!p0 [sflag:s12], $0x1480  }
0x75: {  	[sflag:s12] =	ssyncset.done @!p0 $0x0  }
0x76: {  	[sflag:s12] =	ssyncadd.s32 @!p0 $0xFFFFEB80  }
0x77: {  	s24 =	sadd.s32 $0x0, s23;
	[bflag:$0x0] =	sbarrier.arrive $0xFFFF  }
0x78: {  	[tilespmem:s3], [sflag:$0x3] =	stream.linear.gather [hbm4b:s24+s3], $0x190, $0x38;
	[tilespmem:$0x1BEE0] =	vst v63  }
0x79: {  	_ =	swait.ge [sflag:s15], $0x190  }
0x7a: {  	[sflag:s15] =	ssyncset.done $0x0  }
0x7b: {  	s26 =	sadd.s32 $0x0, s22;
	[sflag:s15] =	ssyncadd.s32 $0xFFFFFE70  }
0x7c: {  	[tilespmem:s16], [sflag:$0x3] =	stream.linear.gather [hbm4b:s26+s3], $0x190, $0x38;
	[tilespmem:$0x1BEE0] =	vst v63  }
0x7d: {  	_ =	swait.ge [sflag:s15], $0x190  }
0x7e: {  	[sflag:s15] =	ssyncset.done $0x0  }
0x7f: {  	s12 =	sadd.s32 $0x32, s24;
	[sflag:s15] =	ssyncadd.s32 $0xFFFFFE70  }
0x80: {  	[tilespmem:s17], [sflag:$0x1] =	stream.linear.gather [hbm4b:s12+s3], $0x190, $0x38;
	[tilespmem:$0x1BEE0] =	vst v63  }
0x81: {  	s0 =	smov.u32 s31;
	s31 =	sadd.s32 $0x32, s26  }
0x82: {  	[tilespmem:s18], [sflag:$0x1] =	stream.linear.gather [hbm4b:s31+s3], $0x190, $0x38;
	[tilespmem:$0x1BEE0] =	vst v63  }
0x83: {  	_ = 	snop  }
0x84: {  	[tilespmem:s19], [sflag:$0x3] =	stream.indirect.gather [spmem:s1], $0x10, s3, s16, $0xb8;
	[tilespmem:$0x1BEE0] =	vst v63  }
0x85: {  	_ =	swait.ge [sflag:s15], $0x1900  }
0x86: {  	[sflag:s15] =	ssyncset.done $0x0  }
0x87: {  	[sflag:s15] =	ssyncadd.s32 $0xFFFFE700  }
0x88: {  	[spmem:s2] =	stream.indirect.scatter.add.f32 [tilespmem:s19], [sflag:$0x2], $0x10, s16, s16, $0xb8;
	[tilespmem:$0x1BEE0] =	vst v63  }
0x89: {  	_ =	swait.ge [sflag:s25], $0x190  }
0x8a: {  	[sflag:s25] =	ssyncset.done $0x0  }
0x8b: {  	[sflag:s25] =	ssyncadd.s32 $0xFFFFFE70  }
0x8c: {  	_ =	swait.ge [sflag:s25], $0x190  }
0x8d: {  	[sflag:s25] =	ssyncset.done $0x0  }
0x8e: {  	[sflag:s25] =	ssyncadd.s32 $0xFFFFFE70  }
0x8f: {  	[tilespmem:s29], [sflag:$0x3] =	stream.indirect.gather [spmem:s1], $0x10, s17, s16, $0xb8;
	[tilespmem:$0x1BEE0] =	vst v63  }
0x90: {  	_ =	swait.ge [sflag:s15], $0x1900  }
0x91: {  	[sflag:s15] =	ssyncset.done $0x0  }
0x92: {  	[sflag:s15] =	ssyncadd.s32 $0xFFFFE700  }
0x93: {  	_ =	swait.ge [sflag:s6], $0x1900  }
0x94: {  	[sflag:s6] =	ssyncset.done $0x0  }
0x95: {  	[sflag:s6] =	ssyncadd.s32 $0xFFFFE700  }
0x96: {  	[spmem:s2] =	stream.indirect.scatter.add.f32 [tilespmem:s29], [sflag:$0x2], $0x10, s18, s16, $0xb8;
	[tilespmem:$0x1BEE0] =	vst v63  }
0x97: {  	_ =	swait.ge [sflag:s6], $0x1900  }
0x98: {  	s21 =	simm.s32 $0xC8;
	s12 =	simm.s32 $0x64;
	[sflag:s6] =	ssyncset.done $0x0  }
.LBB2_4:
0x99: {  	s24 =	sadd.s32 s12, s23  }
0x9a: {  	[sflag:s6] =	ssyncadd.s32 $0xFFFFE700;
	s26 =	smov.u32 s21;
	s20 =	sadd.s32 $0x64, s21  }
0x9b: {  	[tilespmem:s3], [sflag:$0x3] =	stream.linear.gather [hbm4b:s24+s3], $0x190, $0x38;
	[tilespmem:$0x1BEE0] =	vst v63  }
0x9c: {  	p1 =	sne.s32 s21, $0x17D4;
	_ =	swait.ge [sflag:s15], $0x190  }
0x9d: {  	[sflag:s15] =	ssyncset.done $0x0  }
0x9e: {  	s21 =	sadd.s32 s12, s22;
	s12 =	smov.u32 s26;
	[sflag:s15] =	ssyncadd.s32 $0xFFFFFE70  }
0x9f: {  	[tilespmem:s16], [sflag:$0x3] =	stream.linear.gather [hbm4b:s21+s3], $0x190, $0x38;
	[tilespmem:$0x1BEE0] =	vst v63  }
0xa0: {  	_ =	swait.ge [sflag:s15], $0x190  }
0xa1: {  	[sflag:s15] =	ssyncset.done $0x0  }
0xa2: {  	s24 =	sadd.s32 $0x32, s24;
	[sflag:s15] =	ssyncadd.s32 $0xFFFFFE70  }
0xa3: {  	[tilespmem:s17], [sflag:$0x1] =	stream.linear.gather [hbm4b:s24+s3], $0x190, $0x38;
	[tilespmem:$0x1BEE0] =	vst v63  }
0xa4: {  	s21 =	sadd.s32 $0x32, s21  }
0xa5: {  	[tilespmem:s18], [sflag:$0x1] =	stream.linear.gather [hbm4b:s21+s3], $0x190, $0x38;
	[tilespmem:$0x1BEE0] =	vst v63  }
0xa6: {  	_ = 	snop  }
0xa7: {  	[tilespmem:s19], [sflag:$0x3] =	stream.indirect.gather [spmem:s1], $0x10, s3, s16, $0xb8;
	[tilespmem:$0x1BEE0] =	vst v63  }
0xa8: {  	_ =	swait.ge [sflag:s15], $0x1900  }
0xa9: {  	[sflag:s15] =	ssyncset.done $0x0  }
0xaa: {  	[sflag:s15] =	ssyncadd.s32 $0xFFFFE700  }
0xab: {  	[spmem:s2] =	stream.indirect.scatter.add.f32 [tilespmem:s19], [sflag:$0x2], $0x10, s16, s16, $0xb8;
	[tilespmem:$0x1BEE0] =	vst v63  }
0xac: {  	_ =	swait.ge [sflag:s25], $0x190  }
0xad: {  	[sflag:s25] =	ssyncset.done $0x0  }
0xae: {  	[sflag:s25] =	ssyncadd.s32 $0xFFFFFE70  }
0xaf: {  	_ =	swait.ge [sflag:s25], $0x190  }
0xb0: {  	[sflag:s25] =	ssyncset.done $0x0  }
0xb1: {  	[sflag:s25] =	ssyncadd.s32 $0xFFFFFE70  }
0xb2: {  	[tilespmem:s29], [sflag:$0x3] =	stream.indirect.gather [spmem:s1], $0x10, s17, s16, $0xb8;
	[tilespmem:$0x1BEE0] =	vst v63  }
0xb3: {  	_ =	swait.ge [sflag:s15], $0x1900  }
0xb4: {  	[sflag:s15] =	ssyncset.done $0x0  }
0xb5: {  	[sflag:s15] =	ssyncadd.s32 $0xFFFFE700  }
0xb6: {  	_ =	swait.ge [sflag:s6], $0x1900  }
.Ltmp1:
0xb7: {  	[sflag:s6] =	ssyncset.done $0x0;
	(pc) =	sbr.rel @p1 .LBB2_4-.Ltmp1, $4  }
0xb8: {  	[sflag:s6] =	ssyncadd.s32 $0xFFFFE700  }
0xb9: {  	[spmem:s2] =	stream.indirect.scatter.add.f32 [tilespmem:s29], [sflag:$0x2], $0x10, s18, s16, $0xb8;
	[tilespmem:$0x1BEE0] =	vst v63  }
0xba: {  	_ =	swait.ge [sflag:s6], $0x1900  }
0xbb: {  	s21 =	smov.u32 s20;
	[sflag:s6] =	ssyncset.done $0x0  }
0xbc: {  	s20 =	sadd.s32 s12, s23;
	[sflag:s6] =	ssyncadd.s32 $0xFFFFE700  }
0xbd: {  	[tilespmem:s3], [sflag:$0x3] =	stream.linear.gather [hbm4b:s20+s3], $0x190, $0x38;
	[tilespmem:$0x1BEE0] =	vst v63  }
0xbe: {  	_ =	swait.ge [sflag:s15], $0x190  }
0xbf: {  	[sflag:s15] =	ssyncset.done $0x0  }
0xc0: {  	s26 =	sadd.s32 s12, s22;
	[sflag:s15] =	ssyncadd.s32 $0xFFFFFE70  }
0xc1: {  	[tilespmem:s16], [sflag:$0x3] =	stream.linear.gather [hbm4b:s26+s3], $0x190, $0x38;
	[tilespmem:$0x1BEE0] =	vst v63  }
0xc2: {  	_ =	swait.ge [sflag:s15], $0x190  }
0xc3: {  	[sflag:s15] =	ssyncset.done $0x0  }
0xc4: {  	s20 =	sadd.s32 $0x32, s20;
	[sflag:s15] =	ssyncadd.s32 $0xFFFFFE70  }
0xc5: {  	[tilespmem:s17], [sflag:$0x1] =	stream.linear.gather [hbm4b:s20+s3], $0x190, $0x38;
	[tilespmem:$0x1BEE0] =	vst v63  }
0xc6: {  	s12 =	sadd.s32 $0x32, s26  }
0xc7: {  	[tilespmem:s18], [sflag:$0x1] =	stream.linear.gather [hbm4b:s12+s3], $0x190, $0x38;
	[tilespmem:$0x1BEE0] =	vst v63  }
0xc8: {  	_ = 	snop  }
0xc9: {  	[tilespmem:s19], [sflag:$0x3] =	stream.indirect.gather [spmem:s1], $0x10, s3, s16, $0xb8;
	[tilespmem:$0x1BEE0] =	vst v63  }
0xca: {  	_ =	swait.ge [sflag:s15], $0x1900  }
0xcb: {  	[sflag:s15] =	ssyncset.done $0x0  }
0xcc: {  	[sflag:s15] =	ssyncadd.s32 $0xFFFFE700  }
0xcd: {  	[spmem:s2] =	stream.indirect.scatter.add.f32 [tilespmem:s19], [sflag:$0x2], $0x10, s16, s16, $0xb8;
	[tilespmem:$0x1BEE0] =	vst v63  }
0xce: {  	_ =	swait.ge [sflag:s25], $0x190  }
0xcf: {  	[sflag:s25] =	ssyncset.done $0x0  }
0xd0: {  	[sflag:s25] =	ssyncadd.s32 $0xFFFFFE70  }
0xd1: {  	_ =	swait.ge [sflag:s25], $0x190  }
0xd2: {  	[sflag:s25] =	ssyncset.done $0x0  }
0xd3: {  	[sflag:s25] =	ssyncadd.s32 $0xFFFFFE70  }
0xd4: {  	[tilespmem:s29], [sflag:$0x3] =	stream.indirect.gather [spmem:s1], $0x10, s17, s16, $0xb8;
	[tilespmem:$0x1BEE0] =	vst v63  }
0xd5: {  	_ =	swait.ge [sflag:s15], $0x1900  }
0xd6: {  	[sflag:s15] =	ssyncset.done $0x0  }
0xd7: {  	[sflag:s15] =	ssyncadd.s32 $0xFFFFE700  }
0xd8: {  	_ =	swait.ge [sflag:s6], $0x1900  }
0xd9: {  	[sflag:s6] =	ssyncset.done $0x0  }
0xda: {  	[sflag:s6] =	ssyncadd.s32 $0xFFFFE700  }
0xdb: {  	[spmem:s2] =	stream.indirect.scatter.add.f32 [tilespmem:s29], [sflag:$0x2], $0x10, s18, s16, $0xb8;
	[tilespmem:$0x1BEE0] =	vst v63  }
0xdc: {  	_ =	swait.ge [sflag:s6], $0x1900  }
0xdd: {  	[sflag:s6] =	ssyncset.done $0x0  }
0xde: {  	[sflag:s6] =	ssyncadd.s32 $0xFFFFE700  }
0xdf: {  	[tilespmem:s3], [sflag:$0x3] =	stream.linear.gather [hbm4b:s4+s3], $0x190, $0x38;
	[tilespmem:$0x1BEE0] =	vst v63  }
0xe0: {  	_ =	swait.ge [sflag:s15], $0x190  }
0xe1: {  	[sflag:s15] =	ssyncset.done $0x0  }
0xe2: {  	s31 =	smov.u32 s28;
	s28 =	rddreg [dreg:$0x11];
	[sflag:s15] =	ssyncadd.s32 $0xFFFFFE70  }
0xe3: {  	[tilespmem:s16], [sflag:$0x3] =	stream.linear.gather [hbm4b:s28+s3], $0x190, $0x38;
	[tilespmem:$0x1BEE0] =	vst v63  }
0xe4: {  	_ =	swait.ge [sflag:s15], $0x190  }
0xe5: {  	[sflag:s15] =	ssyncset.done $0x0  }
0xe6: {  	[sflag:s15] =	ssyncadd.s32 $0xFFFFFE70  }
0xe7: {  	[tilespmem:s19], [sflag:$0x3] =	stream.indirect.gather [spmem:s1], $0x10, s3, s16, $0xb8;
	[tilespmem:$0x1BEE0] =	vst v63  }
0xe8: {  	_ =	swait.ge [sflag:s15], $0x1900  }
0xe9: {  	[sflag:s15] =	ssyncset.done $0x0  }
0xea: {  	[sflag:s15] =	ssyncadd.s32 $0xFFFFE700  }
0xeb: {  	[spmem:s2] =	stream.indirect.scatter.add.f32 [tilespmem:s19], [sflag:$0x3], $0x10, s16, s16, $0xb8;
	[tilespmem:$0x1BEE0] =	vst v63  }
0xec: {  	_ =	swait.ge [sflag:s15], $0x1900  }
0xed: {  	[sflag:s15] =	ssyncset.done $0x0  }
0xee: {  	s21 =	simm.s32 @p0 $0x10;
	[sflag:s15] =	ssyncadd.s32 $0xFFFFE700  }
0xef: {  	s24 =	simm.s32 @p0 $0x2;
	s26 =	simm.s32 @p0 $0x1FC3;
	[bflag:$0x0] =	sbarrier.arrive $0xFFFF  }
0xf0: {  	s20 =	simm.s32 @p0 $0x1;
	s12 =	sshrl.u32 @p0 s30, $0x3;
	s28 =	rddreg [dreg:$0xe]  }
0xf1: {  	[hbm:s28@s21], [sflag:s26] =	dma.strided @p0 [spmem:s12@s24], $0x1810, s20, $0x2   }
0xf2: {  	s20 =	simm.s32 @p0 $0x3  }
0xf3: {  	_ =	swait.ge @p0 [sflag:s20], $0x1810  }
0xf4: {  	s21 =	simm.s32 @!p0 $0x1;
	[sflag:s20] =	ssyncset.done @p0 $0x0  }
0xf5: {  	s24 =	simm.s32 @!p0 $0x10;
	[sflag:s20] =	ssyncadd.s32 @p0 $0xFFFFE7F0;
	s20 =	rddreg [dreg:$0x5]  }
0xf6: {  	s26 =	simm.s32 @!p0 $0x2;
	s28 =	rddreg [dreg:$0xb];
	s20 =	sshrl.u32 @!p0 s20, $0x3  }
0xf7: {  	[hbm:s28@s24], [sflag:s9] =	dma.strided @!p0 [spmem:s20@s26], $0x1870, s21, $0x2   }
0xf8: {  	s21 =	simm.s32 @!p0 $0x3  }
0xf9: {  	_ =	swait.ge @!p0 [sflag:s21], $0x1870  }
0xfa: {  	[sflag:s21] =	ssyncset.done @!p0 $0x0  }
0xfb: {  	s5 =	smov.u32 s4;
	[sflag:s21] =	ssyncadd.s32 @!p0 $0xFFFFE790  }
0xfc: {  	s24 =	simm.s32 $0x0;
	s21 =	simm.s32 $0x40;
	[bflag:$0x0] =	sbarrier.arrive $0xFFFF  }
.LBB2_6:
0xfd: {  	p1 =	sne.s32 s21, $0x63C0;
	[tilespmem:s24+$0x640] =	vst v0;
	s24 =	smov.u32 s21;
	s21 =	sadd.s32 $0x40, s21  }
.Ltmp2:
0xfe: {  	(pc) =	sbr.rel @p1 .LBB2_6-.Ltmp2, $2  }
0xff: {  	_ =	sdelay $0x2  }
0x100: {  	s24 =	sshra.s32 s24, $0x2  }
0x101: {  	s21 =	simm.s32 @p0 $0x1;
	[tilespmem:s24+$0x640] =	vst v0;
	s24 =	simm.s32 @p0 $0x2  }
0x102: {  	s26 =	simm.s32 @p0 $0x10;
	s28 =	simm.s32 @p0 $0x1FC3;
	s4 =	rddreg [dreg:$0xf]  }
0x103: {  	[spmem:s10@s24], [sflag:s28] =	dma.strided @p0 [hbm:s4@s26], $0x1810, s21, $0x2   }
0x104: {  	s10 =	simm.s32 @p0 $0x3  }
0x105: {  	_ =	swait.ge @p0 [sflag:s10], $0x1810  }
0x106: {  	[sflag:s10] =	ssyncset.done @p0 $0x0  }
0x107: {  	s21 =	simm.s32 @p0 $0x640;
	[sflag:s10] =	ssyncadd.s32 @p0 $0xFFFFE7F0  }
0x108: {  	[spmem:s30] =	stream.linear.scatter @p0 [tilespmem:s21], [sflag:$0x3], $0x1900, $0x38;
	[tilespmem:$0x1BEE0] =	vst v63  }
0x109: {  	_ =	swait.ge @p0 [sflag:s10], $0x1900  }
0x10a: {  	[sflag:s10] =	ssyncset.done @p0 $0x0  }
0x10b: {  	s4 =	rddreg [dreg:$0x17];
	[sflag:s10] =	ssyncadd.s32 @p0 $0xFFFFE700  }
0x10c: {  	[spmem:s4] =	stream.linear.scatter @p0 [tilespmem:s21], [sflag:$0x3], $0x1900, $0x38;
	[tilespmem:$0x1BEE0] =	vst v63  }
0x10d: {  	_ =	swait.ge @p0 [sflag:s10], $0x1900  }
0x10e: {  	[sflag:s10] =	ssyncset.done @p0 $0x0  }
0x10f: {  	s4 =	rddreg [dreg:$0x18];
	[sflag:s10] =	ssyncadd.s32 @p0 $0xFFFFE700  }
0x110: {  	[spmem:s4] =	stream.linear.scatter @p0 [tilespmem:s21], [sflag:$0x3], $0x1900, $0x38;
	[tilespmem:$0x1BEE0] =	vst v63  }
0x111: {  	_ =	swait.ge @p0 [sflag:s10], $0x1900  }
0x112: {  	[sflag:s10] =	ssyncset.done @p0 $0x0  }
0x113: {  	s4 =	rddreg [dreg:$0x19];
	[sflag:s10] =	ssyncadd.s32 @p0 $0xFFFFE700  }
0x114: {  	[spmem:s4] =	stream.linear.scatter @p0 [tilespmem:s21], [sflag:$0x3], $0x1900, $0x38;
	[tilespmem:$0x1BEE0] =	vst v63  }
0x115: {  	_ =	swait.ge @p0 [sflag:s10], $0x1900  }
0x116: {  	[sflag:s10] =	ssyncset.done @p0 $0x0  }
0x117: {  	s4 =	rddreg [dreg:$0x1a];
	[sflag:s10] =	ssyncadd.s32 @p0 $0xFFFFE700  }
0x118: {  	[spmem:s4] =	stream.linear.scatter @p0 [tilespmem:s21], [sflag:$0x3], $0x1900, $0x38;
	[tilespmem:$0x1BEE0] =	vst v63  }
0x119: {  	_ =	swait.ge @p0 [sflag:s10], $0x1900  }
0x11a: {  	[sflag:s10] =	ssyncset.done @p0 $0x0  }
0x11b: {  	[sflag:s10] =	ssyncadd.s32 @p0 $0xFFFFE700  }
0x11c: {  	[spmem:s7] =	stream.linear.scatter @p0 [tilespmem:s21], [sflag:$0x3], $0x1900, $0x38;
	[tilespmem:$0x1BEE0] =	vst v63  }
0x11d: {  	_ =	swait.ge @p0 [sflag:s10], $0x1900  }
0x11e: {  	[sflag:s10] =	ssyncset.done @p0 $0x0  }
0x11f: {  	[sflag:s10] =	ssyncadd.s32 @p0 $0xFFFFE700  }
0x120: {  	[spmem:s13] =	stream.linear.scatter @p0 [tilespmem:s21], [sflag:$0x3], $0x1900, $0x38;
	[tilespmem:$0x1BEE0] =	vst v63  }
0x121: {  	_ =	swait.ge @p0 [sflag:s10], $0x1900  }
0x122: {  	[sflag:s10] =	ssyncset.done @p0 $0x0  }
0x123: {  	[sflag:s10] =	ssyncadd.s32 @p0 $0xFFFFE700  }
0x124: {  	[spmem:s14] =	stream.linear.scatter @p0 [tilespmem:s21], [sflag:$0x3], $0x1180, $0x38;
	[tilespmem:$0x1BEE0] =	vst v63  }
0x125: {  	_ =	swait.ge @p0 [sflag:s10], $0x1180  }
0x126: {  	s24 =	simm.s32 @!p0 $0x10;
	s21 =	simm.s32 @!p0 $0x2;
	[sflag:s10] =	ssyncset.done @p0 $0x0  }
0x127: {  	s26 =	rddreg [dreg:$0xc];
	[sflag:s10] =	ssyncadd.s32 @p0 $0xFFFFEE80;
	s10 =	simm.s32 @!p0 $0x1  }
0x128: {  	[spmem:s11@s21], [sflag:s9] =	dma.strided @!p0 [hbm:s26@s24], $0x1870, s10, $0x2   }
0x129: {  	s10 =	simm.s32 @!p0 $0x3  }
0x12a: {  	_ =	swait.ge @!p0 [sflag:s10], $0x1870  }
0x12b: {  	[sflag:s10] =	ssyncset.done @!p0 $0x0  }
0x12c: {  	s11 =	simm.s32 @!p0 $0x640;
	[sflag:s10] =	ssyncadd.s32 @!p0 $0xFFFFE790  }
0x12d: {  	[spmem:s31] =	stream.linear.scatter @!p0 [tilespmem:s11], [sflag:$0x3], $0x1900, $0x38;
	[tilespmem:$0x1BEE0] =	vst v63  }
0x12e: {  	_ =	swait.ge @!p0 [sflag:s10], $0x1900  }
0x12f: {  	[sflag:s10] =	ssyncset.done @!p0 $0x0  }
0x130: {  	[sflag:s10] =	ssyncadd.s32 @!p0 $0xFFFFE700  }
0x131: {  	[spmem:s0] =	stream.linear.scatter @!p0 [tilespmem:s11], [sflag:$0x3], $0x1900, $0x38;
	[tilespmem:$0x1BEE0] =	vst v63  }
0x132: {  	_ =	swait.ge @!p0 [sflag:s10], $0x1900  }
0x133: {  	s28 =	smov.u32 s31;
	[sflag:s10] =	ssyncset.done @!p0 $0x0  }
0x134: {  	s31 =	smov.u32 s0;
	s0 =	rddreg [dreg:$0x7];
	[sflag:s10] =	ssyncadd.s32 @!p0 $0xFFFFE700  }
0x135: {  	[spmem:s0] =	stream.linear.scatter @!p0 [tilespmem:s11], [sflag:$0x3], $0x1900, $0x38;
	[tilespmem:$0x1BEE0] =	vst v63  }
0x136: {  	_ =	swait.ge @!p0 [sflag:s10], $0x1900  }
0x137: {  	[sflag:s10] =	ssyncset.done @!p0 $0x0  }
0x138: {  	s0 =	rddreg [dreg:$0x8];
	[sflag:s10] =	ssyncadd.s32 @!p0 $0xFFFFE700  }
0x139: {  	[spmem:s0] =	stream.linear.scatter @!p0 [tilespmem:s11], [sflag:$0x3], $0x1900, $0x38;
	[tilespmem:$0x1BEE0] =	vst v63  }
0x13a: {  	_ =	swait.ge @!p0 [sflag:s10], $0x1900  }
0x13b: {  	[sflag:s10] =	ssyncset.done @!p0 $0x0  }
0x13c: {  	s0 =	rddreg [dreg:$0x9];
	[sflag:s10] =	ssyncadd.s32 @!p0 $0xFFFFE700  }
0x13d: {  	[spmem:s0] =	stream.linear.scatter @!p0 [tilespmem:s11], [sflag:$0x3], $0x1900, $0x38;
	[tilespmem:$0x1BEE0] =	vst v63  }
0x13e: {  	_ =	swait.ge @!p0 [sflag:s10], $0x1900  }
0x13f: {  	[sflag:s10] =	ssyncset.done @!p0 $0x0  }
0x140: {  	s0 =	rddreg [dreg:$0x12];
	[sflag:s10] =	ssyncadd.s32 @!p0 $0xFFFFE700  }
0x141: {  	[spmem:s0] =	stream.linear.scatter @!p0 [tilespmem:s11], [sflag:$0x3], $0x1900, $0x38;
	[tilespmem:$0x1BEE0] =	vst v63  }
0x142: {  	_ =	swait.ge @!p0 [sflag:s10], $0x1900  }
0x143: {  	[sflag:s10] =	ssyncset.done @!p0 $0x0  }
0x144: {  	s0 =	rddreg [dreg:$0x14];
	[sflag:s10] =	ssyncadd.s32 @!p0 $0xFFFFE700  }
0x145: {  	[spmem:s0] =	stream.linear.scatter @!p0 [tilespmem:s11], [sflag:$0x3], $0x1900, $0x38;
	[tilespmem:$0x1BEE0] =	vst v63  }
0x146: {  	_ =	swait.ge @!p0 [sflag:s10], $0x1900  }
0x147: {  	[sflag:s10] =	ssyncset.done @!p0 $0x0  }
0x148: {  	s0 =	rddreg [dreg:$0x15];
	[sflag:s10] =	ssyncadd.s32 @!p0 $0xFFFFE700  }
0x149: {  	[spmem:s0] =	stream.linear.scatter @!p0 [tilespmem:s11], [sflag:$0x3], $0x1480, $0x38;
	[tilespmem:$0x1BEE0] =	vst v63  }
0x14a: {  	_ =	swait.ge @!p0 [sflag:s10], $0x1480  }
0x14b: {  	[sflag:s10] =	ssyncset.done @!p0 $0x0  }
0x14c: {  	[sflag:s10] =	ssyncadd.s32 @!p0 $0xFFFFEB80  }
0x14d: {  	s21 =	sadd.s32 $0x0, s23;
	[bflag:$0x0] =	sbarrier.arrive $0xFFFF  }
0x14e: {  	[tilespmem:s3], [sflag:$0x3] =	stream.linear.gather [hbm4b:s21+s3], $0x190, $0x38;
	[tilespmem:$0x1BEE0] =	vst v63  }
0x14f: {  	_ =	swait.ge [sflag:s15], $0x190  }
0x150: {  	[sflag:s15] =	ssyncset.done $0x0  }
0x151: {  	s24 =	sadd.s32 $0x0, s22;
	[sflag:s15] =	ssyncadd.s32 $0xFFFFFE70  }
0x152: {  	[tilespmem:s16], [sflag:$0x3] =	stream.linear.gather [hbm4b:s24+s3], $0x190, $0x38;
	[tilespmem:$0x1BEE0] =	vst v63  }
0x153: {  	_ =	swait.ge [sflag:s15], $0x190  }
0x154: {  	[sflag:s15] =	ssyncset.done $0x0  }
0x155: {  	s10 =	sadd.s32 $0x32, s21;
	[sflag:s15] =	ssyncadd.s32 $0xFFFFFE70  }
0x156: {  	[tilespmem:s17], [sflag:$0x1] =	stream.linear.gather [hbm4b:s10+s3], $0x190, $0x38;
	[tilespmem:$0x1BEE0] =	vst v63  }
0x157: {  	s26 =	sadd.s32 $0x32, s24  }
0x158: {  	[tilespmem:s18], [sflag:$0x1] =	stream.linear.gather [hbm4b:s26+s3], $0x190, $0x38;
	[tilespmem:$0x1BEE0] =	vst v63  }
0x159: {  	_ = 	snop  }
0x15a: {  	[tilespmem:s19], [sflag:$0x3] =	stream.indirect.gather [spmem:s1], $0x10, s3, s16, $0xb8;
	[tilespmem:$0x1BEE0] =	vst v63  }
0x15b: {  	_ =	swait.ge [sflag:s15], $0x1900  }
0x15c: {  	[sflag:s15] =	ssyncset.done $0x0  }
0x15d: {  	[sflag:s15] =	ssyncadd.s32 $0xFFFFE700  }
0x15e: {  	[spmem:s2] =	stream.indirect.scatter.add.f32 [tilespmem:s19], [sflag:$0x2], $0x10, s16, s16, $0xb8;
	[tilespmem:$0x1BEE0] =	vst v63  }
0x15f: {  	_ =	swait.ge [sflag:s25], $0x190  }
0x160: {  	[sflag:s25] =	ssyncset.done $0x0  }
0x161: {  	[sflag:s25] =	ssyncadd.s32 $0xFFFFFE70  }
0x162: {  	_ =	swait.ge [sflag:s25], $0x190  }
0x163: {  	[sflag:s25] =	ssyncset.done $0x0  }
0x164: {  	[sflag:s25] =	ssyncadd.s32 $0xFFFFFE70  }
0x165: {  	[tilespmem:s29], [sflag:$0x3] =	stream.indirect.gather [spmem:s1], $0x10, s17, s16, $0xb8;
	[tilespmem:$0x1BEE0] =	vst v63  }
0x166: {  	_ =	swait.ge [sflag:s15], $0x1900  }
0x167: {  	[sflag:s15] =	ssyncset.done $0x0  }
0x168: {  	[sflag:s15] =	ssyncadd.s32 $0xFFFFE700  }
0x169: {  	_ =	swait.ge [sflag:s6], $0x1900  }
0x16a: {  	[sflag:s6] =	ssyncset.done $0x0  }
0x16b: {  	[sflag:s6] =	ssyncadd.s32 $0xFFFFE700  }
0x16c: {  	[spmem:s2] =	stream.indirect.scatter.add.f32 [tilespmem:s29], [sflag:$0x2], $0x10, s18, s16, $0xb8;
	[tilespmem:$0x1BEE0] =	vst v63  }
0x16d: {  	_ =	swait.ge [sflag:s6], $0x1900  }
0x16e: {  	s21 =	simm.s32 $0xC8;
	s10 =	simm.s32 $0x64;
	[sflag:s6] =	ssyncset.done $0x0  }
.LBB2_8:
0x16f: {  	s24 =	sadd.s32 s10, s23  }
0x170: {  	[sflag:s6] =	ssyncadd.s32 $0xFFFFE700;
	s26 =	smov.u32 s21;
	s11 =	sadd.s32 $0x64, s21  }
0x171: {  	[tilespmem:s3], [sflag:$0x3] =	stream.linear.gather [hbm4b:s24+s3], $0x190, $0x38;
	[tilespmem:$0x1BEE0] =	vst v63  }
0x172: {  	p1 =	sne.s32 s21, $0x17D4;
	_ =	swait.ge [sflag:s15], $0x190  }
0x173: {  	[sflag:s15] =	ssyncset.done $0x0  }
0x174: {  	s21 =	sadd.s32 s10, s22;
	s10 =	smov.u32 s26;
	[sflag:s15] =	ssyncadd.s32 $0xFFFFFE70  }
0x175: {  	[tilespmem:s16], [sflag:$0x3] =	stream.linear.gather [hbm4b:s21+s3], $0x190, $0x38;
	[tilespmem:$0x1BEE0] =	vst v63  }
0x176: {  	_ =	swait.ge [sflag:s15], $0x190  }
0x177: {  	[sflag:s15] =	ssyncset.done $0x0  }
0x178: {  	s24 =	sadd.s32 $0x32, s24;
	[sflag:s15] =	ssyncadd.s32 $0xFFFFFE70  }
0x179: {  	[tilespmem:s17], [sflag:$0x1] =	stream.linear.gather [hbm4b:s24+s3], $0x190, $0x38;
	[tilespmem:$0x1BEE0] =	vst v63  }
0x17a: {  	s21 =	sadd.s32 $0x32, s21  }
0x17b: {  	[tilespmem:s18], [sflag:$0x1] =	stream.linear.gather [hbm4b:s21+s3], $0x190, $0x38;
	[tilespmem:$0x1BEE0] =	vst v63  }
0x17c: {  	_ = 	snop  }
0x17d: {  	[tilespmem:s19], [sflag:$0x3] =	stream.indirect.gather [spmem:s1], $0x10, s3, s16, $0xb8;
	[tilespmem:$0x1BEE0] =	vst v63  }
0x17e: {  	_ =	swait.ge [sflag:s15], $0x1900  }
0x17f: {  	[sflag:s15] =	ssyncset.done $0x0  }
0x180: {  	[sflag:s15] =	ssyncadd.s32 $0xFFFFE700  }
0x181: {  	[spmem:s2] =	stream.indirect.scatter.add.f32 [tilespmem:s19], [sflag:$0x2], $0x10, s16, s16, $0xb8;
	[tilespmem:$0x1BEE0] =	vst v63  }
0x182: {  	_ =	swait.ge [sflag:s25], $0x190  }
0x183: {  	[sflag:s25] =	ssyncset.done $0x0  }
0x184: {  	[sflag:s25] =	ssyncadd.s32 $0xFFFFFE70  }
0x185: {  	_ =	swait.ge [sflag:s25], $0x190  }
0x186: {  	[sflag:s25] =	ssyncset.done $0x0  }
0x187: {  	[sflag:s25] =	ssyncadd.s32 $0xFFFFFE70  }
0x188: {  	[tilespmem:s29], [sflag:$0x3] =	stream.indirect.gather [spmem:s1], $0x10, s17, s16, $0xb8;
	[tilespmem:$0x1BEE0] =	vst v63  }
0x189: {  	_ =	swait.ge [sflag:s15], $0x1900  }
0x18a: {  	[sflag:s15] =	ssyncset.done $0x0  }
0x18b: {  	[sflag:s15] =	ssyncadd.s32 $0xFFFFE700  }
0x18c: {  	_ =	swait.ge [sflag:s6], $0x1900  }
.Ltmp3:
0x18d: {  	[sflag:s6] =	ssyncset.done $0x0;
	(pc) =	sbr.rel @p1 .LBB2_8-.Ltmp3, $4  }
0x18e: {  	[sflag:s6] =	ssyncadd.s32 $0xFFFFE700  }
0x18f: {  	[spmem:s2] =	stream.indirect.scatter.add.f32 [tilespmem:s29], [sflag:$0x2], $0x10, s18, s16, $0xb8;
	[tilespmem:$0x1BEE0] =	vst v63  }
0x190: {  	_ =	swait.ge [sflag:s6], $0x1900  }
0x191: {  	s21 =	smov.u32 s11;
	[sflag:s6] =	ssyncset.done $0x0  }
0x192: {  	s11 =	sadd.s32 s10, s23;
	[sflag:s6] =	ssyncadd.s32 $0xFFFFE700  }
0x193: {  	[tilespmem:s3], [sflag:$0x3] =	stream.linear.gather [hbm4b:s11+s3], $0x190, $0x38;
	[tilespmem:$0x1BEE0] =	vst v63  }
0x194: {  	_ =	swait.ge [sflag:s15], $0x190  }
0x195: {  	[sflag:s15] =	ssyncset.done $0x0  }
0x196: {  	s24 =	sadd.s32 s10, s22;
	[sflag:s15] =	ssyncadd.s32 $0xFFFFFE70  }
0x197: {  	[tilespmem:s16], [sflag:$0x3] =	stream.linear.gather [hbm4b:s24+s3], $0x190, $0x38;
	[tilespmem:$0x1BEE0] =	vst v63  }
0x198: {  	_ =	swait.ge [sflag:s15], $0x190  }
0x199: {  	[sflag:s15] =	ssyncset.done $0x0  }
0x19a: {  	s11 =	sadd.s32 $0x32, s11;
	[sflag:s15] =	ssyncadd.s32 $0xFFFFFE70  }
0x19b: {  	[tilespmem:s17], [sflag:$0x1] =	stream.linear.gather [hbm4b:s11+s3], $0x190, $0x38;
	[tilespmem:$0x1BEE0] =	vst v63  }
0x19c: {  	s10 =	sadd.s32 $0x32, s24  }
0x19d: {  	[tilespmem:s18], [sflag:$0x1] =	stream.linear.gather [hbm4b:s10+s3], $0x190, $0x38;
	[tilespmem:$0x1BEE0] =	vst v63  }
0x19e: {  	_ = 	snop  }
0x19f: {  	[tilespmem:s19], [sflag:$0x3] =	stream.indirect.gather [spmem:s1], $0x10, s3, s16, $0xb8;
	[tilespmem:$0x1BEE0] =	vst v63  }
0x1a0: {  	_ =	swait.ge [sflag:s15], $0x1900  }
0x1a1: {  	[sflag:s15] =	ssyncset.done $0x0  }
0x1a2: {  	[sflag:s15] =	ssyncadd.s32 $0xFFFFE700  }
0x1a3: {  	[spmem:s2] =	stream.indirect.scatter.add.f32 [tilespmem:s19], [sflag:$0x2], $0x10, s16, s16, $0xb8;
	[tilespmem:$0x1BEE0] =	vst v63  }
0x1a4: {  	_ =	swait.ge [sflag:s25], $0x190  }
0x1a5: {  	[sflag:s25] =	ssyncset.done $0x0  }
0x1a6: {  	[sflag:s25] =	ssyncadd.s32 $0xFFFFFE70  }
0x1a7: {  	_ =	swait.ge [sflag:s25], $0x190  }
0x1a8: {  	[sflag:s25] =	ssyncset.done $0x0  }
0x1a9: {  	[sflag:s25] =	ssyncadd.s32 $0xFFFFFE70  }
0x1aa: {  	[tilespmem:s29], [sflag:$0x3] =	stream.indirect.gather [spmem:s1], $0x10, s17, s16, $0xb8;
	[tilespmem:$0x1BEE0] =	vst v63  }
0x1ab: {  	_ =	swait.ge [sflag:s15], $0x1900  }
0x1ac: {  	[sflag:s15] =	ssyncset.done $0x0  }
0x1ad: {  	[sflag:s15] =	ssyncadd.s32 $0xFFFFE700  }
0x1ae: {  	_ =	swait.ge [sflag:s6], $0x1900  }
0x1af: {  	[sflag:s6] =	ssyncset.done $0x0  }
0x1b0: {  	[sflag:s6] =	ssyncadd.s32 $0xFFFFE700  }
0x1b1: {  	[spmem:s2] =	stream.indirect.scatter.add.f32 [tilespmem:s29], [sflag:$0x2], $0x10, s18, s16, $0xb8;
	[tilespmem:$0x1BEE0] =	vst v63  }
0x1b2: {  	_ =	swait.ge [sflag:s6], $0x1900  }
0x1b3: {  	[sflag:s6] =	ssyncset.done $0x0  }
0x1b4: {  	[sflag:s6] =	ssyncadd.s32 $0xFFFFE700  }
0x1b5: {  	[tilespmem:s3], [sflag:$0x3] =	stream.linear.gather [hbm4b:s5+s3], $0x190, $0x38;
	[tilespmem:$0x1BEE0] =	vst v63  }
0x1b6: {  	_ =	swait.ge [sflag:s15], $0x190  }
0x1b7: {  	[sflag:s15] =	ssyncset.done $0x0  }
0x1b8: {  	s0 =	rddreg [dreg:$0x11];
	[sflag:s15] =	ssyncadd.s32 $0xFFFFFE70  }
0x1b9: {  	[tilespmem:s16], [sflag:$0x3] =	stream.linear.gather [hbm4b:s0+s3], $0x190, $0x38;
	[tilespmem:$0x1BEE0] =	vst v63  }
0x1ba: {  	_ =	swait.ge [sflag:s15], $0x190  }
0x1bb: {  	[sflag:s15] =	ssyncset.done $0x0  }
0x1bc: {  	[sflag:s15] =	ssyncadd.s32 $0xFFFFFE70  }
0x1bd: {  	[tilespmem:s19], [sflag:$0x3] =	stream.indirect.gather [spmem:s1], $0x10, s3, s16, $0xb8;
	[tilespmem:$0x1BEE0] =	vst v63  }
0x1be: {  	_ =	swait.ge [sflag:s15], $0x1900  }
0x1bf: {  	[sflag:s15] =	ssyncset.done $0x0  }
0x1c0: {  	[sflag:s15] =	ssyncadd.s32 $0xFFFFE700  }
0x1c1: {  	[spmem:s2] =	stream.indirect.scatter.add.f32 [tilespmem:s19], [sflag:$0x3], $0x10, s16, s16, $0xb8;
	[tilespmem:$0x1BEE0] =	vst v63  }
0x1c2: {  	_ =	swait.ge [sflag:s15], $0x1900  }
0x1c3: {  	[sflag:s15] =	ssyncset.done $0x0  }
0x1c4: {  	[sflag:s15] =	ssyncadd.s32 $0xFFFFE700  }
0x1c5: {  	s21 =	simm.s32 @p0 $0x2;
	s24 =	simm.s32 @p0 $0x1FC3;
	[bflag:$0x0] =	sbarrier.arrive $0xFFFF  }
0x1c6: {  	s11 =	simm.s32 @p0 $0x10;
	s10 =	simm.s32 @p0 $0x1;
	s0 =	rddreg [dreg:$0x10]  }
0x1c7: {  	[hbm:s0@s11], [sflag:s24] =	dma.strided @p0 [spmem:s12@s21], $0x1810, s10, $0x2   }
0x1c8: {  	s10 =	simm.s32 @p0 $0x3  }
0x1c9: {  	_ =	swait.ge @p0 [sflag:s10], $0x1810  }
0x1ca: {  	s11 =	simm.s32 @!p0 $0x10;
	s12 =	simm.s32 @!p0 $0x2;
	[sflag:s10] =	ssyncset.done @p0 $0x0  }
0x1cb: {  	s0 =	rddreg [dreg:$0xd];
	[sflag:s10] =	ssyncadd.s32 @p0 $0xFFFFE7F0;
	s10 =	simm.s32 @!p0 $0x1  }
0x1cc: {  	[hbm:s0@s11], [sflag:s9] =	dma.strided @!p0 [spmem:s20@s12], $0x1870, s10, $0x2   }
0x1cd: {  	s9 =	simm.s32 @!p0 $0x3  }
0x1ce: {  	_ =	swait.ge @!p0 [sflag:s9], $0x1870  }
0x1cf: {  	s8 =	sadd.s32 $0x1, s8;
	s26 =	rddreg [dreg:$0x13]  }
0x1d0: {  	p1 =	sne.s32 s8, s26  }
.Ltmp4:
0x1d1: {  	_ = 	snop;
	(pc) =	sbr.rel @p1 .LBB2_1-.Ltmp4, $3  }
0x1d2: {  	_ =	sdelay $0x1  }
0x1d3: {  	[sflag:s9] =	ssyncset.done @!p0 $0x0  }
0x1d4: {  	s4 =	smov.u32 s5;
	[sflag:s9] =	ssyncadd.s32 @!p0 $0xFFFFE790  }
0x1d5: {  	_ =	sfence.sel $0x180000  }
0x1d6: {  	[bflag:$0x0] =	sbarrier.arrive $0xFFFF  }
0x1d7: {  	_ =	strace $0x9000004D  }
0x1d8: {  	s0 =	stileid.u32;
	[bflag:$0x2] =	sbarrier.arrive $0xFFFF  }
0x1d9: {  	p0 =	sne.s32 s0, $0x0;
	s0 =	rddreg [dreg:$0x3]  }
0x1da: {  	s0 =	sadd.s32 @!p0 $0x100000, s0  }
0x1db: {  	[sflag:s0] =	ssyncadd.tile.s32 @!p0 $0x1;
	_ =	shalt  }
.Lfunc_end2:
_tile_overlayer_lowered:
.L_overlay_start_2:
0x1dc: {  	(tag) =	ssettag $0x2  }
0x1dd: {  	s0 =	rddreg [dreg:$0x0];
	s2 =	stileid.u32  }
0x1de: {  	s1 =	rddreg [dreg:$0x1];
	p0 =	sne.s32 s2, $0x0  }
0x1df: {  	s3 =	rddreg [dreg:$0x2];
	[bflag:$0x3] =	sbarrier.arrive $0xFFFF;
	s2 =	simm.s32 @!p0 $0x1C03  }
0x1e0: {  	[timem:s3], [sflag:s2] =	dma.local @!p0 [hbm:s0], s1  }
0x1e1: {  	s0 =	simm.s32 @!p0 $0x3  }
0x1e2: {  	_ =	swait.ge @!p0 [sflag:s0], s1  }
0x1e3: {  	s1 =	ssub.s32 @!p0 $0x0, s1;
	[sflag:s0] =	ssyncset.done @!p0 $0x0  }
0x1e4: {  	[sflag:s0] =	ssyncadd.s32 @!p0 s1  }
0x1e5: {  	[bflag:$0x3] =	sbarrier.arrive $0xFFFF  }
0x1e6: {  	_ =	shalt  }

// kernel: kernel.20.cloned.1.call-start
scs
__scs_entry_jumppad:
0x0: {  	(pc) =	sbr.rel $0x88, $3  }
0x1: {  	(tag) =	ssettag $0x0;
	lr =	simm.s32 $0x1  }
0x2: {  	[smem:$0x3F89] =	sst lr;
	_ =	strace $0xD0000000  }
0x3: {  	_ = 	snop  }
0x4: {  	_ = 	snop  }
0x5: {  	_ = 	snop  }
0x6: {  	_ = 	snop  }
0x7: {  	_ = 	snop  }
__scs_overlays_trampoline_lowered:
0x8: {  	[smem:$0x3F98] =	sst s0  }
0x9: {  	[smem:$0x3F99] =	sst s1  }
0xa: {  	[smem:$0x3F9A] =	sst s2  }
0xb: {  	[smem:$0x3F9B] =	sst s3  }
0xc: {  	[smem:$0x3F9C] =	sst s4  }
0xd: {  	[smem:$0x3F9D] =	sst s5  }
0xe: {  	[smem:$0x3F9E] =	sst s6  }
0xf: {  	[smem:$0x3F9F] =	sst s7  }
0x10: {  	[smem:$0x3FA0] =	sst s8  }
0x11: {  	[smem:$0x3FA1] =	sst s9;
	s0 =	simm.s32 @!p0 $0x0  }
0x12: {  	s1 =	sld [smem:$0x3F87];
	s0 =	simm.s32 @p0 $0x1  }
0x13: {  	[smem:$0x3FA2] =	sst s0;
	s0 =	simm.s32 @!p1 $0x0  }
0x14: {  	s2 =	sld [smem:$0x3F86];
	s0 =	simm.s32 @p1 $0x1  }
0x15: {  	[smem:$0x3FA3] =	sst s0;
	s0 =	simm.s32 @!p2 $0x0  }
0x16: {  	s3 =	sld [smem:$0x3FDB];
	s0 =	simm.s32 @p2 $0x1  }
0x17: {  	s4 =	simm.s32 $0x1BF5;
	[smem:$0x3FA5] =	sst s0  }
0x18: {  	s0 =	sld [smem:$0x3F88];
	_ =	swait.ge [sflag:s4], $0x0  }
0x19: {  	s7 =	sld [smem:$0x3F89]  }
0x1a: {  	s8 =	sadd.s32 $0xFFFFE003, lr  }
0x1b: {  	s9 =	sadd.s32 $0xFFFFFEF7, lr;
	s5 =	simm.s32 $0xFFFFFFFF;
	p2 =	slt.u32 s8, $0xFFFFF086  }
0x1c: {  	p1 =	slt.u32 s9, $0xF7A;
	s5 =	simm.s32 @!p2 $0x0  }
0x1d: {  	s5 =	simm.s32 @p1 $0x1;
	p0 =	seq.s32 s7, s2  }
0x1e: {  	s7 =	smul.u32 @!p0 $0xF7A, s2;
	p2 =	seq.s32 @!p0 s5, $0x0  }
0x1f: {  	s9 =	smul.u32 $0xF7A, s1;
	s8 =	simm.s32 @!p0 $0x1BF5;
	p2 =	por !p2, p0  }
0x20: {  	[sflag:s8] =	ssyncset.s32 @!p0 $0xFFFFF086;
	s6 =	sadd.s32 @!p0 s3, s7;
	s7 =	simm.s32 @!p0 $0x108  }
0x21: {  	s3 =	sadd.s32 s3, s9;
	s6 =	sadd.s32 @!p0 $0x88, s6;
	s7 =	simm.s32 @p2 $0x1082  }
0x22: {  	[simem:s7], [sflag:s8] =	dma.local @!p0 [hbm:s6], $0xF7A  }
0x23: {  	s9 =	sor.u32 $0xD0000000, s2;
	s6 =	simm.s32 $0x108;
	_ =	swait.ge @!p0 [sflag:s8], $0x0  }
0x24: {  	s3 =	sadd.s32 $0x88, s3;
	s6 =	simm.s32 @!p1 $0x1082;
	[sflag:s4] =	ssyncset.s32 $0xFFFFF086  }
0x25: {  	[simem:s6], [sflag:s4] =	dma.local [hbm:s3], $0xF7A  }
0x26: {  	[smem:$0x3F89] =	sst s1;
	(tag) =	ssettag s2;
	_ =	strace s9  }
0x27: {  	s1 =	sld [smem:$0x3F99]  }
0x28: {  	s2 =	sld [smem:$0x3F9A]  }
0x29: {  	s4 =	sld [smem:$0x3F9C]  }
0x2a: {  	p0 =	seq.s32 s5, $0x0;
	s5 =	sld [smem:$0x3F9D]  }
0x2b: {  	s6 =	sld [smem:$0x3F9E]  }
0x2c: {  	s7 =	sld [smem:$0x3F9F]  }
0x2d: {  	s3 =	simm.s32 $0x108;
	s8 =	sld [smem:$0x3FA0]  }
0x2e: {  	s3 =	simm.s32 @!p0 $0x1082;
	s9 =	sld [smem:$0x3FA1]  }
0x2f: {  	lr =	sadd.s32 s0, s3;
	s0 =	sld [smem:$0x3F98]  }
0x30: {  	s3 =	sld [smem:$0x3F9B]  }
0x31: {  	[smem:$0x3FA4] =	sst s10  }
0x32: {  	s10 =	sld [smem:$0x3FA2];
	_ =	sdelay $0x3  }
0x33: {  	p0 =	seq.s32 s10, $0x1;
	s10 =	sld [smem:$0x3FA4];
	_ =	sdelay $0x3  }
0x34: {  	[smem:$0x3FA4] =	sst s10  }
0x35: {  	s10 =	sld [smem:$0x3FA3];
	_ =	sdelay $0x3  }
0x36: {  	p1 =	seq.s32 s10, $0x1;
	s10 =	sld [smem:$0x3FA4];
	_ =	sdelay $0x3  }
0x37: {  	[smem:$0x3FA4] =	sst s10  }
0x38: {  	s10 =	sld [smem:$0x3FA5]  }
0x39: {  	_ = 	snop;
	(pc) =	sbr.ind lr, $3  }
0x3a: {  	_ = 	snop  }
0x3b: {  	_ = 	snop  }
0x3c: {  	p2 =	seq.s32 s10, $0x1;
	s10 =	sld [smem:$0x3FA4]  }
0x3d: {  	_ =	shalt  }
0x3e: {  	_ =	shalt  }
0x3f: {  	_ =	shalt  }
0x40: {  	_ =	shalt  }
0x41: {  	_ =	shalt  }
0x42: {  	_ =	shalt  }
0x43: {  	_ =	shalt  }
0x44: {  	_ =	shalt  }
0x45: {  	_ =	shalt  }
0x46: {  	_ =	shalt  }
0x47: {  	_ =	shalt  }
0x48: {  	_ =	shalt  }
0x49: {  	_ =	shalt  }
0x4a: {  	_ =	shalt  }
0x4b: {  	_ =	shalt  }
0x4c: {  	_ =	shalt  }
0x4d: {  	_ =	shalt  }
0x4e: {  	_ =	shalt  }
0x4f: {  	_ =	shalt  }
0x50: {  	_ =	shalt  }
0x51: {  	_ =	shalt  }
0x52: {  	_ =	shalt  }
0x53: {  	_ =	shalt  }
0x54: {  	_ =	shalt  }
0x55: {  	_ =	shalt  }
0x56: {  	_ =	shalt  }
0x57: {  	_ =	shalt  }
0x58: {  	_ =	shalt  }
0x59: {  	_ =	shalt  }
0x5a: {  	_ =	shalt  }
0x5b: {  	_ =	shalt  }
0x5c: {  	_ =	shalt  }
0x5d: {  	_ =	shalt  }
0x5e: {  	_ =	shalt  }
0x5f: {  	_ =	shalt  }
0x60: {  	_ =	shalt  }
0x61: {  	_ =	shalt  }
0x62: {  	_ =	shalt  }
0x63: {  	_ =	shalt  }
0x64: {  	_ =	shalt  }
0x65: {  	_ =	shalt  }
0x66: {  	_ =	shalt  }
0x67: {  	_ =	shalt  }
0x68: {  	_ =	shalt  }
0x69: {  	_ =	shalt  }
0x6a: {  	_ =	shalt  }
0x6b: {  	_ =	shalt  }
0x6c: {  	_ =	shalt  }
0x6d: {  	_ =	shalt  }
0x6e: {  	_ =	shalt  }
0x6f: {  	_ =	shalt  }
0x70: {  	_ =	shalt  }
0x71: {  	_ =	shalt  }
0x72: {  	_ =	shalt  }
0x73: {  	_ =	shalt  }
0x74: {  	_ =	shalt  }
0x75: {  	_ =	shalt  }
0x76: {  	_ =	shalt  }
0x77: {  	_ =	shalt  }
0x78: {  	_ =	shalt  }
0x79: {  	_ =	shalt  }
0x7a: {  	_ =	shalt  }
0x7b: {  	_ =	shalt  }
0x7c: {  	_ =	shalt  }
0x7d: {  	_ =	shalt  }
0x7e: {  	_ =	shalt  }
0x7f: {  	_ =	shalt  }
0x80: {  	_ =	shalt  }
0x81: {  	_ =	shalt  }
0x82: {  	_ =	shalt  }
0x83: {  	_ =	shalt  }
0x84: {  	_ =	shalt  }
0x85: {  	_ =	shalt  }
0x86: {  	_ =	shalt  }
0x87: {  	_ =	shalt  }
.Lfunc_end0:
.L_simem_size_0:
called_computation.3_lowered:
.L_overlay_start_0:
0x88: {  	s2 =	sld [smem:$0x3FD9]  }
0x89: {  	s3 =	sld [smem:$0x3FFE];
	_ =	sdelay $0x1  }
0x8a: {  	s1 =	srdreg.scid  }
0x8b: {  	s0 =	sand.u32 $0x1, s1  }
0x8c: {  	s17 =	sshll.u32 s0, $0xA;
	s2 =	sadd.s32 s3, s2  }
0x8d: {  	s2 =	sadd.s32 s2, s17  }
0x8e: {  	[smem:$0x3FB0] =	sst s2  }
0x8f: {  	_ = 	snop  }
0x90: {  	s2 =	sld [smem:$0x3FC7];
	(tm) =	ssettm $0x1  }
0x91: {  	s18 =	sld [smem:$0x3FFB];
	_ =	sdelay $0x3  }
0x92: {  	_ =	strace s18  }
0x93: {  	s3 =	sld [smem:$0x3FFC];
	_ =	sdelay $0x3  }
0x94: {  	_ =	strace s3  }
0x95: {  	s3 =	sld [smem:$0x3FFD];
	_ =	sdelay $0x3  }
0x96: {  	_ =	strace s3  }
0x97: {  	_ =	strace $0x8FFFFFFF  }
0x98: {  	s19 =	sld [smem:$0x3FDB];
	_ =	sdelay $0x1  }
0x99: {  	s4 =	simm.s32 $_scs_section_size  }
0x9a: {  	s5 =	simm.s32 $_size__tile_overlayer_lowered;
	s6 =	simm.s32 $_tile_overlayer_lowered  }
0x9b: {  	s22 =	simm.s32 $0x1BFF;
	s21 =	sshll.u32 s6, $0x1;
	s3 =	sadd.s32 s4, s19  }
0x9c: {  	s7 =	simm.s32 $0x0;
	s20 =	sshll.u32 s5, $0x1;
	s5 =	sadd.s32 s21, s3  }
0x9d: {  	[timem:s7], [sflag:s22] =	dma.local [hbm:s5], s20  }
0x9e: {  	_ =	swait.ge [sflag:s22], s20  }
0x9f: {  	s4 =	ssub.s32 $0x0, s20;
	[sflag:s22] =	ssyncset.done $0x0  }
0xa0: {  	[sflag:s22] =	ssyncadd.s32 s4;
	_ =	sdelay $0x1  }
0xa1: {  	s23 =	simm.s32 $0x1B8B  }
0xa2: {  	_ =	swait.ge [sflag:s23], $0x1  }
0xa3: {  	[sflag:s23] =	ssyncset.done $0x0  }
0xa4: {  	s25 =	simm.s32 $0x1B8E;
	s24 =	sld [smem:$0x3FFE];
	[sflag:s23] =	ssyncadd.s32 $0xFFFFFFFF  }
0xa5: {  	s26 =	simm.s32 $execute0_lowered;
	[smem:$0x3FD2] =	sst s25  }
0xa6: {  	s5 =	sshll.u32 s26, $0x1;
	_ =	strace $0x8000004F;
	[dreg:$0x1] =	wrdreg $0xFFFFFFFF  }
0xa7: {  	s28 =	simm.s32 $_size_execute0_lowered;
	s3 =	sadd.s32 s3, s5;
	[dreg:$0x0] =	wrdreg $0x0  }
0xa8: {  	s5 =	sshll.u32 s28, $0x1;
	[dreg:$0x2] =	wrdreg s3  }
0xa9: {  	[dreg:$0x3] =	wrdreg s5  }
0xaa: {  	[dreg:$0x4] =	wrdreg $0xC0  }
0xab: {  	_ =	task [dreg:s7], $0x5FFFF  }
0xac: {  	[dreg:$0x1] =	wrdreg $0xFFFFFFFF  }
0xad: {  	[dreg:$0x0] =	wrdreg $0x60  }
0xae: {  	[dreg:$0x2] =	wrdreg s24  }
0xaf: {  	[dreg:$0x3] =	wrdreg s2  }
0xb0: {  	[dreg:$0x4] =	wrdreg $0x97900  }
0xb1: {  	[dreg:$0x5] =	wrdreg $0xA7300  }
0xb2: {  	[dreg:$0x6] =	wrdreg $0x9  }
0xb3: {  	_ =	task.clear_ibuf [dreg:s7], $0x7FFFF;
	_ =	strace $0x9000004F  }
0xb4: {  	s29 =	simm.s32 $0x9;
	_ =	strace $0x80000051  }
0xb5: {  	_ =	swait.ge [sflag:s29], $0x1  }
0xb6: {  	[sflag:s29] =	ssyncadd.s32 $0xFFFFFFFF  }
0xb7: {  	_ =	strace $0x90000051  }
0xb8: {  	_ =	sfence  }
0xb9: {  	s30 =	sld [smem:$0x0];
	_ =	sdelay $0x2  }
0xba: {  	s31 =	sshll.u32 s1, $0xD;
	s1 =	sshrl.u32 s1, $0x2  }
0xbb: {  	s3 =	sand.u32 $0x4000, s31;
	s1 =	sadd.s32 s1, s30  }
0xbc: {  	s0 =	sor.u32 s3, s0;
	s1 =	sshll.u32 s1, $0x11  }
0xbd: {  	s0 =	sor.u32 s1, s0  }
0xbe: {  	s0 =	sadd.s32 $0x8F2B, s0  }
0xbf: {  	[sflag:s0] =	ssyncadd.remote.s32 $0x1  }
0xc0: {  	_ =	sfence.sel $0xFFFF  }
0xc1: {  	[dreg:$0x0] =	wrdreg $0xFFFFFFFF;
	(pc) =	sbr.abs _section_cstart, $3  }
0xc2: {  	[dreg:$0x1] =	wrdreg $0xFFFFFFFF  }
0xc3: {  	_ =	task.clear_ibuf [dreg:s7], $0x2FFFF;
	_ =	strace $0x9FFFFFFF  }
0xc4: {  	(tm) =	ssettm $0x7FFFFFFF  }
0xc5: {  	_ =	shalt  }
tec
execute0_lowered:
.L_overlay_start_1:
0x0: {  	(tag) =	ssettag $0x1  }
0x1: {  	s5 =	rddreg [dreg:$0x0]  }
0x2: {  	s18 =	rddreg [dreg:$0x1]  }
0x3: {  	s1 =	rddreg [dreg:$0x2]  }
0x4: {  	s2 =	rddreg [dreg:$0x3];
	s3 =	simm.s32 $0x0;
	s4 =	srdreg.scid  }
0x5: {  	s25 =	simm.s32 $0x1;
	s26 =	simm.s32 $0x0;
	[smem:$0x7FF] =	sst s3  }
0x6: {  	s6 =	sand.u32 $0x1, s4;
	s4 =	stileid.u32;
	s19 =	sadd.s32 $0x1BB200, s5  }
0x7: {  	_ =	strace $0x80000050;
	s7 =	smul.u32 $0x3E80, s6;
	s9 =	sshll.u32 s4, $0x1  }
0x8: {  	s8 =	ssub.s32 $0x2, s6;
	p0 =	seq.s32 s4, $0x1;
	s12 =	sor.u32 s6, s9  }
0x9: {  	s10 =	sshrl.u32 s8, $0x1;
	s6 =	sadd.s32 $0x3200, s2;
	s14 =	smul.u32 $0x32, s12  }
0xa: {  	p3 =	sne.s32 @!p0 s4, $0x0;
	s15 =	smul.u32 $0x1900, s12;
	s9 =	sor.u32 $0x20, s12  }
0xb: {  	s11 =	sadd.s32 s7, s5;
	s13 =	ssub.s32 s8, s10;
	s16 =	smul.u32 $0x32, s9  }
0xc: {  	s5 =	sadd.s32 $0x1900, s2;
	s20 =	sor.u32 $0x40, s12;
	s17 =	smul.u32 $0x1900, s9  }
0xd: {  	s7 =	sadd.s32 $0x6400, s1;
	s8 =	sadd.s32 $0xC800, s1;
	s21 =	smul.u32 $0x32, s20  }
0xe: {  	s22 =	sor.u32 $0x60, s12;
	p2 =	por p3, p0;
	s20 =	smul.u32 $0x1900, s20  }
0xf: {  	p1 =	por !p3, p0;
	s9 =	sadd.s32 $0x3600, s11;
	s23 =	smul.u32 $0x32, s22  }
0x10: {  	s10 =	sadd.s32 $0x3608, s11;
	s11 =	smax.u32 s13, $0x1;
	s24 =	smul.u32 $0x1900, s22  }
0x11: {  	s0 =	simm.s32 @!p1 $0x0;
	p4 =	sgt.u32 s22, $0x7C;
	s22 =	simm.s32 $0x80  }
0x12: {  	s12 =	sadd.s32 s18, s14;
	s13 =	sadd.s32 s19, s15;
	s0 =	simm.s32 @p1 $0x1  }
0x13: {  	p1 =	sne.s32 s4, $0x0;
	s14 =	sadd.s32 s18, s16;
	s15 =	sadd.s32 s19, s17  }
0x14: {  	s16 =	sadd.s32 s18, s21;
	s17 =	sadd.s32 s19, s20;
	s18 =	sadd.s32 s18, s23  }
0x15: {  	s19 =	sadd.s32 s19, s24;
	[smem:$0x7FC] =	sst s0;
	s0 =	simm.s32 @!p1 $0x0  }
0x16: {  	s20 =	simm.s32 $0x2;
	s21 =	simm.s32 $0x40;
	s0 =	simm.s32 @p1 $0x1  }
0x17: {  	v0 =	vimm.f32 $0.0e+00;
	v1 =	vimm.f32 $1.000000000e+00;
	s23 =	simm.s32 $0x190;
	s24 =	simm.s32 $0x6590;
	[smem:$0x7FD] =	sst s0  }
.LBB2_1:
0x18: {  	s28 =	simm.s32 $0x1B0  }
0x19: {  	[tilespmem:s28+$0xFFFFFFE0] =	vst v0  }
0x1a: {  	[tilespmem:s28+$0x10] =	vst v0  }
0x1b: {  	[tilespmem:s28+$0x0] =	vst v0  }
0x1c: {  	s29 =	simm.s32 $0x40;
	s30 =	simm.s32 $0x0;
	[tilespmem:s28+$0xFFFFFFF0] =	vst v0  }
.LBB2_2:
0x1d: {  	p6 =	sne.s32 s29, $0x63C0  }
0x1e: {  	[tilespmem:s30+$0x6590] =	vst v1;
	s28 =	sadd.s32 $0x40, s28;
	s31 =	smov.u32 s29;
	s29 =	sadd.s32 $0x40, s29  }
.Ltmp0:
0x1f: {  	[tilespmem:s30+$0x7E90] =	vst v0;
	(pc) =	sbr.rel @p6 .LBB2_2-.Ltmp0, $4  }
0x20: {  	[tilespmem:s28+$0xFFFFFFE0] =	vst v0  }
0x21: {  	[tilespmem:s28+$0x10] =	vst v0  }
0x22: {  	[tilespmem:s28+$0x0] =	vst v0  }
0x23: {  	s30 =	sshra.s32 s31, $0x2;
	[tilespmem:s28+$0xFFFFFFF0] =	vst v0  }
0x24: {  	[tilespmem:s30+$0x6590] =	vst v1  }
0x25: {  	[tilespmem:s30+$0x7E90] =	vst v0;
	s28 =	simm.s32 @p0 $0x7E90;
	s29 =	simm.s32 @p0 $0x1  }
0x26: {  	[spmem:s2] =	stream.linear.scatter @p0 [tilespmem:s28], [sflag:$0x1], $0x1900, $0x38;
	[tilespmem:$0xAB18] =	vst v63  }
0x27: {  	_ =	swait.ge @p0 [sflag:s29], $0x1900  }
0x28: {  	[sflag:s29] =	ssyncset.done @p0 $0x0  }
0x29: {  	[sflag:s29] =	ssyncadd.s32 @p0 $0xFFFFE700  }
0x2a: {  	[spmem:s5] =	stream.linear.scatter @p0 [tilespmem:s28], [sflag:$0x1], $0x1900, $0x38;
	[tilespmem:$0xAB18] =	vst v63  }
0x2b: {  	_ =	swait.ge @p0 [sflag:s29], $0x1900  }
0x2c: {  	[sflag:s29] =	ssyncset.done @p0 $0x0  }
0x2d: {  	[sflag:s29] =	ssyncadd.s32 @p0 $0xFFFFE700  }
0x2e: {  	[spmem:s6] =	stream.linear.scatter @p0 [tilespmem:s28], [sflag:$0x1], $0xC80, $0x38;
	[tilespmem:$0xAB18] =	vst v63  }
0x2f: {  	_ =	swait.ge @p0 [sflag:s29], $0xC80  }
0x30: {  	[sflag:s29] =	ssyncset.done @p0 $0x0  }
0x31: {  	s28 =	simm.s32 @!p2 $0x190;
	[sflag:s29] =	ssyncadd.s32 @p0 $0xFFFFF380;
	s29 =	simm.s32 @!p2 $0x1  }
0x32: {  	[spmem:s1] =	stream.linear.scatter @!p2 [tilespmem:s28], [sflag:$0x1], $0x6400, $0x38;
	[tilespmem:$0xAB18] =	vst v63  }
0x33: {  	_ =	swait.ge @!p2 [sflag:s29], $0x6400  }
0x34: {  	[sflag:s29] =	ssyncset.done @!p2 $0x0  }
0x35: {  	[sflag:s29] =	ssyncadd.s32 @!p2 $0xFFFF9C00  }
0x36: {  	[spmem:s7] =	stream.linear.scatter @!p2 [tilespmem:s28], [sflag:$0x1], $0x6400, $0x38;
	[tilespmem:$0xAB18] =	vst v63  }
0x37: {  	_ =	swait.ge @!p2 [sflag:s29], $0x6400  }
0x38: {  	[sflag:s29] =	ssyncset.done @!p2 $0x0  }
0x39: {  	[sflag:s29] =	ssyncadd.s32 @!p2 $0xFFFF9C00  }
0x3a: {  	[spmem:s8] =	stream.linear.scatter @!p2 [tilespmem:s28], [sflag:$0x1], $0x3200, $0x38;
	[tilespmem:$0xAB18] =	vst v63  }
0x3b: {  	_ =	swait.ge @!p2 [sflag:s29], $0x3200  }
0x3c: {  	[sflag:s29] =	ssyncset.done @!p2 $0x0  }
0x3d: {  	[sflag:s29] =	ssyncadd.s32 @!p2 $0xFFFFCE00  }
0x3e: {  	[bflag:$0x0] =	sbarrier.arrive $0xFFFF  }
0x3f: {  	[tilespmem:s3], [sflag:$0x2] =	stream.linear.gather [hbm4b:s12+s3], $0x190, $0x38;
	[tilespmem:$0xAB18] =	vst v63  }
0x40: {  	_ =	swait.ge [sflag:s20], $0x190  }
0x41: {  	[sflag:s20] =	ssyncset.done $0x0  }
0x42: {  	[sflag:s20] =	ssyncadd.s32 $0xFFFFFE70  }
0x43: {  	[tilespmem:s23], [sflag:$0x2] =	stream.strided.gather [hbm4b:s13+s21], $0x6400, s22, s21, $0x38;
	[tilespmem:$0xAB18] =	vst v63  }
0x44: {  	_ =	swait.ge [sflag:s20], $0x6400  }
0x45: {  	[sflag:s20] =	ssyncset.done $0x0  }
0x46: {  	[sflag:s20] =	ssyncadd.s32 $0xFFFF9C00  }
0x47: {  	[spmem:s1] =	stream.indirect.scatter.add.f32 [tilespmem:s23], [sflag:$0x2], $0x40, s3, s23, $0xb8;
	[tilespmem:$0xAB18] =	vst v63  }
0x48: {  	_ =	swait.ge [sflag:s20], $0x6400  }
0x49: {  	[sflag:s20] =	ssyncset.done $0x0  }
0x4a: {  	[sflag:s20] =	ssyncadd.s32 $0xFFFF9C00  }
0x4b: {  	[spmem:s2] =	stream.indirect.scatter.add.f32 [tilespmem:s24], [sflag:$0x1], $0x10, s3, s23, $0xb8;
	[tilespmem:$0xAB18] =	vst v63  }
0x4c: {  	_ =	swait.ge [sflag:s25], $0x1900  }
0x4d: {  	[sflag:s25] =	ssyncset.done $0x0  }
0x4e: {  	[sflag:s25] =	ssyncadd.s32 $0xFFFFE700  }
0x4f: {  	[tilespmem:s3], [sflag:$0x2] =	stream.linear.gather [hbm4b:s14+s3], $0x190, $0x38;
	[tilespmem:$0xAB18] =	vst v63  }
0x50: {  	_ =	swait.ge [sflag:s20], $0x190  }
0x51: {  	[sflag:s20] =	ssyncset.done $0x0  }
0x52: {  	[sflag:s20] =	ssyncadd.s32 $0xFFFFFE70  }
0x53: {  	[tilespmem:s23], [sflag:$0x2] =	stream.strided.gather [hbm4b:s15+s21], $0x6400, s22, s21, $0x38;
	[tilespmem:$0xAB18] =	vst v63  }
0x54: {  	_ =	swait.ge [sflag:s20], $0x6400  }
0x55: {  	[sflag:s20] =	ssyncset.done $0x0  }
0x56: {  	[sflag:s20] =	ssyncadd.s32 $0xFFFF9C00  }
0x57: {  	[spmem:s1] =	stream.indirect.scatter.add.f32 [tilespmem:s23], [sflag:$0x2], $0x40, s3, s23, $0xb8;
	[tilespmem:$0xAB18] =	vst v63  }
0x58: {  	_ =	swait.ge [sflag:s20], $0x6400  }
0x59: {  	[sflag:s20] =	ssyncset.done $0x0  }
0x5a: {  	[sflag:s20] =	ssyncadd.s32 $0xFFFF9C00  }
0x5b: {  	[spmem:s2] =	stream.indirect.scatter.add.f32 [tilespmem:s24], [sflag:$0x1], $0x10, s3, s23, $0xb8;
	[tilespmem:$0xAB18] =	vst v63  }
0x5c: {  	_ =	swait.ge [sflag:s25], $0x1900  }
0x5d: {  	[sflag:s25] =	ssyncset.done $0x0  }
0x5e: {  	[sflag:s25] =	ssyncadd.s32 $0xFFFFE700  }
0x5f: {  	[tilespmem:s3], [sflag:$0x2] =	stream.linear.gather [hbm4b:s16+s3], $0x190, $0x38;
	[tilespmem:$0xAB18] =	vst v63  }
0x60: {  	_ =	swait.ge [sflag:s20], $0x190  }
0x61: {  	[sflag:s20] =	ssyncset.done $0x0  }
0x62: {  	[sflag:s20] =	ssyncadd.s32 $0xFFFFFE70  }
0x63: {  	[tilespmem:s23], [sflag:$0x2] =	stream.strided.gather [hbm4b:s17+s21], $0x6400, s22, s21, $0x38;
	[tilespmem:$0xAB18] =	vst v63  }
0x64: {  	_ =	swait.ge [sflag:s20], $0x6400  }
0x65: {  	[sflag:s20] =	ssyncset.done $0x0  }
0x66: {  	[sflag:s20] =	ssyncadd.s32 $0xFFFF9C00  }
0x67: {  	[spmem:s1] =	stream.indirect.scatter.add.f32 [tilespmem:s23], [sflag:$0x2], $0x40, s3, s23, $0xb8;
	[tilespmem:$0xAB18] =	vst v63  }
0x68: {  	_ =	swait.ge [sflag:s20], $0x6400  }
0x69: {  	[sflag:s20] =	ssyncset.done $0x0  }
0x6a: {  	[sflag:s20] =	ssyncadd.s32 $0xFFFF9C00  }
0x6b: {  	[spmem:s2] =	stream.indirect.scatter.add.f32 [tilespmem:s24], [sflag:$0x1], $0x10, s3, s23, $0xb8;
	[tilespmem:$0xAB18] =	vst v63  }
0x6c: {  	_ =	swait.ge [sflag:s25], $0x1900  }
0x6d: {  	[sflag:s25] =	ssyncset.done $0x0  }
0x6e: {  	s28 =	simm.s32 @!p4 $0x0;
	s29 =	simm.s32 @!p4 $0x2;
	[sflag:s25] =	ssyncadd.s32 $0xFFFFE700  }
0x6f: {  	[tilespmem:s28], [sflag:$0x2] =	stream.linear.gather @!p4 [hbm4b:s18+s28], $0x190, $0x38;
	[tilespmem:$0xAB18] =	vst v63  }
0x70: {  	_ =	swait.ge @!p4 [sflag:s29], $0x190  }
0x71: {  	s30 =	simm.s32 @!p4 $0x40;
	[sflag:s29] =	ssyncset.done @!p4 $0x0  }
0x72: {  	s31 =	simm.s32 @!p4 $0x80;
	s0 =	simm.s32 @!p4 $0x190;
	[sflag:s29] =	ssyncadd.s32 @!p4 $0xFFFFFE70  }
0x73: {  	[tilespmem:s0], [sflag:$0x2] =	stream.strided.gather @!p4 [hbm4b:s19+s30], $0x6400, s31, s30, $0x38;
	[tilespmem:$0xAB18] =	vst v63  }
0x74: {  	_ =	swait.ge @!p4 [sflag:s29], $0x6400  }
0x75: {  	[sflag:s29] =	ssyncset.done @!p4 $0x0  }
0x76: {  	[sflag:s29] =	ssyncadd.s32 @!p4 $0xFFFF9C00  }
0x77: {  	[spmem:s1] =	stream.indirect.scatter.add.f32 @!p4 [tilespmem:s0], [sflag:$0x2], $0x40, s28, s0, $0xb8;
	[tilespmem:$0xAB18] =	vst v63  }
0x78: {  	_ =	swait.ge @!p4 [sflag:s29], $0x6400  }
0x79: {  	[sflag:s29] =	ssyncset.done @!p4 $0x0  }
0x7a: {  	[sflag:s29] =	ssyncadd.s32 @!p4 $0xFFFF9C00;
	s29 =	simm.s32 @!p4 $0x6590  }
0x7b: {  	[spmem:s2] =	stream.indirect.scatter.add.f32 @!p4 [tilespmem:s29], [sflag:$0x1], $0x10, s28, s0, $0xb8;
	[tilespmem:$0xAB18] =	vst v63  }
0x7c: {  	s0 =	simm.s32 @!p4 $0x1  }
0x7d: {  	_ =	swait.ge @!p4 [sflag:s0], $0x1900  }
0x7e: {  	[sflag:s0] =	ssyncset.done @!p4 $0x0  }
0x7f: {  	[sflag:s0] =	ssyncadd.s32 @!p4 $0xFFFFE700  }
0x80: {  	s30 =	sld [smem:$0x7FC];
	[bflag:$0x0] =	sbarrier.arrive $0xFFFF  }
0x81: {  	s31 =	sld [smem:$0x7FD]  }
0x82: {  	p1 =	por @!p2 $0x0, $0x0  }
0x83: {  	p6 =	por @p0 $0x1, $0x1;
	p3 =	por $0x0, $0x0;
	p5 =	seq.s32 s30, $0x1  }
0x84: {  	s26 =	sadd.s32 $0x1, s26;
	p1 =	por @!p5 p3, p3;
	p3 =	seq.s32 s31, $0x1  }
0x85: {  	p6 =	por @!p0 p1, p1;
	s0 =	sshrl.u32 @!p3 s1, $0x3;
	s28 =	simm.s32 @!p3 $0x1  }
0x86: {  	s29 =	simm.s32 @!p3 $0x10;
	s30 =	simm.s32 @!p3 $0x8;
	s31 =	simm.s32 @!p3 $0x1C01  }
0x87: {  	[hbm:s9@s29], [sflag:s31] =	dma.strided @!p3 [spmem:s0@s30], $0x1F40, s28, $0x8   }
0x88: {  	p1 =	sne.s32 s26, s11;
	s0 =	sshll.u32 @p6 s4, $0x6  }
0x89: {  	s29 =	simm.s32 @p6 $0x1;
	s30 =	simm.s32 @p6 $0x10;
	_ =	swait.ge @!p3 [sflag:s28], $0x1F40  }
0x8a: {  	s31 =	simm.s32 @p6 $0x2;
	s0 =	sor.u32 @p6 $0x1C01, s0;
	[sflag:s28] =	ssyncset.done @!p3 $0x0  }
.Ltmp1:
0x8b: {  	[sflag:s28] =	ssyncadd.s32 @!p3 $0xFFFFE0C0;
	s28 =	sshrl.u32 @p6 s2, $0x3;
	(pc) =	sbr.rel @p1 .LBB2_1-.Ltmp1, $4  }
0x8c: {  	[hbm:s10@s30], [sflag:s0] =	dma.strided @p6 [spmem:s28@s31], $0x7D0, s29, $0x2   }
0x8d: {  	_ =	swait.ge @p6 [sflag:s29], $0x7D0  }
0x8e: {  	[sflag:s29] =	ssyncset.done @p6 $0x0  }
0x8f: {  	[sflag:s29] =	ssyncadd.s32 @p6 $0xFFFFF830  }
0x90: {  	_ =	sfence.sel $0x180000  }
0x91: {  	[bflag:$0x0] =	sbarrier.arrive $0xFFFF  }
0x92: {  	_ =	strace $0x90000050  }
0x93: {  	[bflag:$0x2] =	sbarrier.arrive $0xFFFF  }
0x94: {  	s1 =	sld [smem:$0x7FD];
	_ =	sdelay $0x2  }
0x95: {  	s0 =	rddreg [dreg:$0x4];
	p0 =	seq.s32 s1, $0x1  }
0x96: {  	s0 =	sadd.s32 @!p0 $0x100000, s0  }
0x97: {  	[sflag:s0] =	ssyncadd.tile.s32 @!p0 $0x1;
	_ =	shalt  }
.Lfunc_end2:
_tile_overlayer_lowered:
.L_overlay_start_2:
0x98: {  	(tag) =	ssettag $0x2  }
0x99: {  	s0 =	rddreg [dreg:$0x0];
	s2 =	stileid.u32  }
0x9a: {  	s1 =	rddreg [dreg:$0x1];
	p0 =	sne.s32 s2, $0x0  }
0x9b: {  	s3 =	rddreg [dreg:$0x2];
	[bflag:$0x3] =	sbarrier.arrive $0xFFFF;
	s2 =	simm.s32 @!p0 $0x1C01  }
0x9c: {  	[timem:s3], [sflag:s2] =	dma.local @!p0 [hbm:s0], s1  }
0x9d: {  	s0 =	simm.s32 @!p0 $0x1  }
0x9e: {  	_ =	swait.ge @!p0 [sflag:s0], s1  }
0x9f: {  	s1 =	ssub.s32 @!p0 $0x0, s1;
	[sflag:s0] =	ssyncset.done @!p0 $0x0  }
0xa0: {  	[sflag:s0] =	ssyncadd.s32 @!p0 s1  }
0xa1: {  	[bflag:$0x3] =	sbarrier.arrive $0xFFFF  }
0xa2: {  	_ =	shalt  }

</sc_bundles>
